<compile_context>
chip_gen: v7x
topology: tpu7x:2x2x1
jax: 0.10.2.dev20260603
libtpu: 0.0.44.dev20260713+nightly
codegen_flags: <defaults>
</compile_context>

<pallas_src>
import functools
import math

import jax
import jax.numpy as jnp
from jax import lax
from jax.experimental import pallas as pl
from jax.experimental.pallas import tpu as pltpu
from jax.experimental.pallas import tpu_sc as plsc

_NC = 2
_NS = 16
_NW = _NC * _NS

_NBUF = 4
_U = 128


def _emb_kernel(units_per_w, n_jc, d, scale,
                idx_hbm, table_hbm, out_hbm, idx_all, bufs, tbufs, gsem, wsem):
    wid = lax.axis_index("s") * _NC + lax.axis_index("c")
    base_u = wid * units_per_w
    pltpu.sync_copy(idx_hbm.at[pl.ds(base_u * _U, units_per_w * _U)], idx_all)

    iota16 = lax.iota(jnp.int32, 16)

    def gather_start(uu, b):
        pltpu.async_copy(
            table_hbm.at[idx_all.at[pl.ds(uu * _U, _U)]], bufs[b], gsem[b])

    def gather_wait(b):
        pltpu.make_async_copy(
            table_hbm.at[idx_all.at[pl.ds(0, _U)]], bufs[b], gsem[b]).wait()

    def wb_start(uu, b):
        u = base_u + uu
        j = u >> 7
        c = u & 127
        for r in range(4):
            pltpu.async_copy(tbufs[b].at[pl.ds(r * 8, 8)],
                             out_hbm.at[j, r, c], wsem[b])

    def wb_wait(b):
        for r in range(4):
            pltpu.make_async_copy(tbufs[b].at[pl.ds(0, 8)],
                                  out_hbm.at[0, 0, 0], wsem[b]).wait()

    row_ids = [l0 + iota16 for l0 in range(0, _U, 16)]

    def transpose_scale(b):
        buf, tbuf = bufs[b], tbufs[b]

        @plsc.parallel_loop(0, d, 1, unroll=4)
        def _(e):
            col = jnp.full((16,), e, jnp.int32)
            for k, rid in enumerate(row_ids):
                v = plsc.load_gather(buf, [rid, col])
                tbuf[e, pl.ds(k * 16, 16)] = v * scale

    for b in range(_NBUF - 1):
        gather_start(b, b)

    def group(q, _):
        for b in range(_NBUF):
            uu = q * _NBUF + b
            gather_wait(b)
            transpose_scale(b)
            wb_start(uu, b)
            u2 = uu + _NBUF - 1
            pb = (b - 1) % _NBUF

            @pl.when(u2 < units_per_w)
            def _():
                if b == 0:
                    @pl.when(uu > 0)
                    def _():
                        wb_wait(pb)
                else:
                    wb_wait(pb)
                gather_start(u2, pb)
        return 0

    lax.fori_loop(0, units_per_w // _NBUF, group, 0)

    for b in range(_NBUF):
        wb_wait(b)


def _repack_tc_kernel(x_ref, s_ref, e_ref, o_ref):
    x = x_ref[...]
    acc = jnp.zeros(o_ref.shape, jnp.float32)
    for k in range(4):
        acc = acc + jnp.dot(
            jnp.dot(s_ref[k], x, preferred_element_type=jnp.float32),
            e_ref[k], preferred_element_type=jnp.float32)
    o_ref[...] = acc


def _depad_kernel(tok_t, out3, buf8, buf2, sem):
    wid = lax.axis_index("s") * _NC + lax.axis_index("c")
    g = wid // 2
    par = wid % 2
    a0 = par * 3

    def blk(i, _):
        a = a0 + i
        for cc in range(8):
            pltpu.async_copy(
                tok_t.at[pl.ds(a * 8, 8), pl.ds((g * 8 + cc) * 128, 128)],
                buf8.at[:, cc], sem)
        for cc in range(8):
            pltpu.make_async_copy(
                tok_t.at[pl.ds(0, 8), pl.ds(0, 128)], buf8.at[:, cc],
                sem).wait()
        pltpu.sync_copy(buf8, out3.at[pl.ds(a * 8, 8), pl.ds(g * 8, 8)])
        return 0

    lax.fori_loop(0, 3, blk, 0)

    @pl.when(par == 0)
    def _():
        for cc in range(8):
            pltpu.async_copy(
                tok_t.at[pl.ds(48, 2), pl.ds((g * 8 + cc) * 128, 128)],
                buf2.at[:, cc], sem)
        for cc in range(8):
            pltpu.make_async_copy(
                tok_t.at[pl.ds(0, 2), pl.ds(0, 128)], buf2.at[:, cc],
                sem).wait()
        pltpu.sync_copy(buf2, out3.at[pl.ds(48, 2), pl.ds(g * 8, 8)])




def kernel(tokens, table):
    s, t = tokens.shape
    v, d = table.shape
    b = s * t
    n_jc = (s // _U) * t
    assert s % _U == 0 and n_jc % (_NW * _NBUF) == 0 and d == 32
    units_per_w = n_jc // _NW
    scale = float(math.sqrt(d))

    mesh = plsc.VectorSubcoreMesh(core_axis_name="c", subcore_axis_name="s")

    depad = pl.kernel(
        _depad_kernel,
        mesh=mesh,
        out_type=jax.ShapeDtypeStruct((t, s // _U, _U), jnp.int32),
        scratch_types=[
            pltpu.VMEM((8, 8, _U), jnp.int32),
            pltpu.VMEM((2, 8, _U), jnp.int32),
            pltpu.SemaphoreType.DMA,
        ],
        compiler_params=pltpu.CompilerParams(use_tc_tiling_on_sc=True,
                                             needs_layout_passes=False),
    )
    idx = depad(tokens.T).reshape(b)

    rblk = 1024
    rgrid = -(-v // rblk)
    sel = (jnp.arange(rblk, dtype=jnp.int32)[None, None, :] ==
           (4 * jnp.arange(rblk // 4, dtype=jnp.int32)[None, :, None] +
            jnp.arange(4, dtype=jnp.int32)[:, None, None])
           ).astype(jnp.float32)
    emb = (jnp.arange(128, dtype=jnp.int32)[None, None, :] ==
           (32 * jnp.arange(4, dtype=jnp.int32)[:, None, None] +
            jnp.arange(d, dtype=jnp.int32)[None, :, None])
           ).astype(jnp.float32)
    tbl_rm = pl.pallas_call(
        _repack_tc_kernel,
        grid=(rgrid,),
        in_specs=[
            pl.BlockSpec((rblk, d), lambda g: (g, 0)),
            pl.BlockSpec((4, rblk // 4, rblk), lambda g: (0, 0, 0)),
            pl.BlockSpec((4, d, 128), lambda g: (0, 0, 0)),
        ],
        out_specs=pl.BlockSpec((rblk * d // 128, 128), lambda g: (g, 0)),
        out_shape=jax.ShapeDtypeStruct((v * d // 128, 128), jnp.float32),
    )(table, sel, emb)
    table_rm = tbl_rm.reshape(v, d)
    run = pl.kernel(
        functools.partial(_emb_kernel, units_per_w, n_jc, d, scale),
        mesh=mesh,
        out_type=jax.ShapeDtypeStruct((t, d // 8, s // _U, 8, _U),
                                      jnp.float32),
        scratch_types=[
            pltpu.VMEM((units_per_w * _U,), jnp.int32),
            [pltpu.VMEM((_U, d), jnp.float32) for _ in range(_NBUF)],
            [pltpu.VMEM((d, _U), jnp.float32) for _ in range(_NBUF)],
            [pltpu.SemaphoreType.DMA for _ in range(_NBUF)],
            [pltpu.SemaphoreType.DMA for _ in range(_NBUF)],
        ],
        compiler_params=pltpu.CompilerParams(use_tc_tiling_on_sc=False,
                                             needs_layout_passes=False),
    )
    out5 = run(idx, table_rm)
    return out5.transpose(2, 4, 0, 1, 3).reshape(s, t, d)

# --- scband reference (transcript-rebuilt; emitter-appended) ---
"""Pipeline reference for scband-token-embedding-18322330484773 (READ-ONLY COPY).

The authoritative reference and input builder live on the scoring server;
editing this copy changes nothing except your own understanding.
"""

import jax, jax.numpy as jnp
import numpy as np
import math

VOCAB = 1000000
EMB = 32

def setup_inputs(seed: int = 0) -> dict:
    key = jax.random.key(seed)
    k1, k2 = jax.random.split(key)
    tokens = jax.random.randint(k1, (16384, 50), 0, VOCAB, dtype=jnp.int64) if jax.config.jax_enable_x64 else jax.random.randint(k1, (16384, 50), 0, VOCAB, dtype=jnp.int32)
    table = jax.random.normal(k2, (VOCAB, EMB), dtype=jnp.float32)
    return {"tokens": tokens, "table": table}

def reference(tokens, table):
    # TokenEmbedding.forward: embedding lookup scaled by sqrt(embedding_size)
    emb = jnp.take(table, tokens, axis=0)
    return emb * math.sqrt(EMB)

if __name__ == "__main__":
    import jax
    _d = setup_inputs()
    print(jax.jit(kernel)(*tuple(_d.values())))

</pallas_src>

<mosaic_0001>
#map = affine_map<(d0, d1) -> (0, 0)>
#map1 = affine_map<(d0, d1) -> (0, 0, 0)>
module attributes {stable_mosaic.version = 14 : i64} {
  func.func @_depad_kernel(%arg0: i32, %arg1: i32, %arg2: memref<50x16384xi32, #tpu.memory_space<hbm>>, %arg3: memref<50x128x128xi32, #tpu.memory_space<hbm>>, %arg4: memref<8x8x128xi32, #tpu.memory_space<vmem>>, %arg5: memref<2x8x128xi32, #tpu.memory_space<vmem>>, %arg6: memref<!tpu.dma_semaphore, #tpu.memory_space<semaphore_mem>>) attributes {dimension_semantics = [#tpu.dimension_semantics<core_parallel>, #tpu.dimension_semantics<subcore_parallel>], iteration_bounds = array<i64: 2, 16>, scalar_prefetch = 0 : i64, scratch_operands = 3 : i64, tpu.core_type = #tpu.core_type<sc_vector_subcore>, window_params = [{transform_indices = #map}, {transform_indices = #map1}]} {
    %mul3A = arith.constant 2 : i32
    %mul3A_0 = arith.muli %arg1, %mul3A : i32
    %add3A = arith.addi %mul3A_0, %arg0 : i32
    %jit3A = arith.constant 2 : i32
    %div3A = arith.divsi %add3A, %jit3A : i32
    %sign3A = arith.constant 0 : i32
    %sign3A_1 = arith.cmpi sgt, %add3A, %sign3A : i32
    %sign3A_2 = arith.extui %sign3A_1 : i1 to i32
    %sign3A_3 = arith.constant 0 : i32
    %sign3A_4 = arith.cmpi slt, %add3A, %sign3A_3 : i32
    %sign3A_5 = arith.extui %sign3A_4 : i1 to i32
    %sign3A_6 = arith.subi %sign3A_2, %sign3A_5 : i32
    %sign3A_7 = arith.constant 0 : i32
    %sign3A_8 = arith.cmpi sgt, %jit3A, %sign3A_7 : i32
    %sign3A_9 = arith.extui %sign3A_8 : i1 to i32
    %sign3A_10 = arith.constant 0 : i32
    %sign3A_11 = arith.cmpi slt, %jit3A, %sign3A_10 : i32
    %sign3A_12 = arith.extui %sign3A_11 : i1 to i32
    %sign3A_13 = arith.subi %sign3A_9, %sign3A_12 : i32
    %ne3A = arith.cmpi ne, %sign3A_6, %sign3A_13 : i32
    %rem3A = arith.remsi %add3A, %jit3A : i32
    %ne3A_14 = arith.constant 0 : i32
    %ne3A_15 = arith.cmpi ne, %rem3A, %ne3A_14 : i32
    %and3A = arith.andi %ne3A, %ne3A_15 : i1
    %sub3A = arith.constant 1 : i32
    %sub3A_16 = arith.subi %div3A, %sub3A : i32
    %select_n3A = arith.select %and3A, %sub3A_16, %div3A : i32
    %jit3A_17 = arith.constant 2 : i32
    %eq3A = arith.constant 0 : i32
    %eq3A_18 = arith.cmpi eq, %jit3A_17, %eq3A : i32
    %jit3A_19 = arith.constant 1 : i32
    %select_n3A_20 = arith.select %eq3A_18, %jit3A_19, %jit3A_17 : i32
    %rem3A_21 = arith.remsi %add3A, %select_n3A_20 : i32
    %ne3A_22 = arith.constant 0 : i32
    %ne3A_23 = arith.cmpi ne, %rem3A_21, %ne3A_22 : i32
    %lt3A = arith.constant 0 : i32
    %lt3A_24 = arith.cmpi slt, %rem3A_21, %lt3A : i32
    %lt3A_25 = arith.constant 0 : i32
    %lt3A_26 = arith.cmpi slt, %select_n3A_20, %lt3A_25 : i32
    %ne3A_27 = arith.xori %lt3A_24, %lt3A_26 : i1
    %and3A_28 = arith.andi %ne3A_27, %ne3A_23 : i1
    %add3A_29 = arith.addi %rem3A_21, %select_n3A_20 : i32
    %select_n3A_30 = arith.select %and3A_28, %add3A_29, %rem3A_21 : i32
    %mul3A_31 = arith.constant 3 : i32
    %mul3A_32 = arith.muli %select_n3A_30, %mul3A_31 : i32
    %scan3A = arith.constant 0 : i32
    %scan3A_33 = arith.constant 0 : i32
    %scan3A_34 = arith.constant 3 : i32
    %scan3A_35 = arith.addi %scan3A_33, %scan3A_34 : i32
    %scan3A_36 = arith.constant 1 : i32
    %scan3A_37 = scf.for %scan3A_42 = %scan3A_33 to %scan3A_35 step %scan3A_36 iter_args(%scan3A_43 = %scan3A) -> (i32)  : i32 {
      %add3A_44 = arith.addi %mul3A_32, %scan3A_42 : i32
      %mul3A_45 = arith.constant 8 : i32
      %mul3A_46 = arith.muli %add3A_44, %mul3A_45 : i32
      %mul3A_47 = arith.constant 8 : i32
      %mul3A_48 = arith.muli %select_n3A, %mul3A_47 : i32
      %add3A_49 = arith.constant 0 : i32
      %add3A_50 = arith.addi %mul3A_48, %add3A_49 : i32
      %mul3A_51 = arith.constant 128 : i32
      %mul3A_52 = arith.muli %add3A_50, %mul3A_51 : i32
      %dma_start3A = arith.constant 0 : i32
      %dma_start3A_53 = arith.constant 0 : i32
      %dma_start3A_54 = arith.constant 0 : i32
      %dma_start3A_55 = tpu.memref_slice %arg4[%dma_start3A_53, %dma_start3A, %dma_start3A_54] : memref<8x8x128xi32, #tpu.memory_space<vmem>> -> memref<8x1x128xi32, #tpu.memory_space<vmem>>
      %dma_start3A_56 = tpu.memref_squeeze %dma_start3A_55 : memref<8x1x128xi32, #tpu.memory_space<vmem>> -> memref<8x128xi32, #tpu.memory_space<vmem>>
      %dma_start3A_57 = tpu.memref_slice %arg2[%mul3A_46, %mul3A_52] : memref<50x16384xi32, #tpu.memory_space<hbm>> -> memref<8x128xi32, #tpu.memory_space<hbm>>
      %dma_start3A_58 = arith.constant 0 : i32
      %dma_start3A_59 = arith.constant 0 : i32
      %dma_start3A_60 = tpu.memref_slice %arg4[%dma_start3A_58, %dma_start3A, %dma_start3A_59] : memref<8x8x128xi32, #tpu.memory_space<vmem>> -> memref<8x1x128xi32, #tpu.memory_space<vmem>>
      %dma_start3A_61 = tpu.memref_squeeze %dma_start3A_60 : memref<8x1x128xi32, #tpu.memory_space<vmem>> -> memref<8x128xi32, #tpu.memory_space<vmem>>
      %dma_start3A_62 = tpu.memref_slice %arg2[%mul3A_46, %mul3A_52] : memref<50x16384xi32, #tpu.memory_space<hbm>> -> memref<8x128xi32, #tpu.memory_space<hbm>>
      tpu.enqueue_dma source(%dma_start3A_62 : memref<8x128xi32, #tpu.memory_space<hbm>>) target(%dma_start3A_61 : memref<8x128xi32, #tpu.memory_space<vmem>>) target_semaphore(%arg6 : memref<!tpu.dma_semaphore, #tpu.memory_space<semaphore_mem>>)
      %mul3A_63 = arith.constant 8 : i32
      %mul3A_64 = arith.muli %add3A_44, %mul3A_63 : i32
      %mul3A_65 = arith.constant 8 : i32
      %mul3A_66 = arith.muli %select_n3A, %mul3A_65 : i32
      %add3A_67 = arith.constant 1 : i32
      %add3A_68 = arith.addi %mul3A_66, %add3A_67 : i32
      %mul3A_69 = arith.constant 128 : i32
      %mul3A_70 = arith.muli %add3A_68, %mul3A_69 : i32
      %dma_start3A_71 = arith.constant 1 : i32
      %dma_start3A_72 = arith.constant 0 : i32
      %dma_start3A_73 = arith.constant 0 : i32
      %dma_start3A_74 = tpu.memref_slice %arg4[%dma_start3A_72, %dma_start3A_71, %dma_start3A_73] : memref<8x8x128xi32, #tpu.memory_space<vmem>> -> memref<8x1x128xi32, #tpu.memory_space<vmem>>
      %dma_start3A_75 = tpu.memref_squeeze %dma_start3A_74 : memref<8x1x128xi32, #tpu.memory_space<vmem>> -> memref<8x128xi32, #tpu.memory_space<vmem>>
      %dma_start3A_76 = tpu.memref_slice %arg2[%mul3A_64, %mul3A_70] : memref<50x16384xi32, #tpu.memory_space<hbm>> -> memref<8x128xi32, #tpu.memory_space<hbm>>
      %dma_start3A_77 = arith.constant 0 : i32
      %dma_start3A_78 = arith.constant 0 : i32
      %dma_start3A_79 = tpu.memref_slice %arg4[%dma_start3A_77, %dma_start3A_71, %dma_start3A_78] : memref<8x8x128xi32, #tpu.memory_space<vmem>> -> memref<8x1x128xi32, #tpu.memory_space<vmem>>
      %dma_start3A_80 = tpu.memref_squeeze %dma_start3A_79 : memref<8x1x128xi32, #tpu.memory_space<vmem>> -> memref<8x128xi32, #tpu.memory_space<vmem>>
      %dma_start3A_81 = tpu.memref_slice %arg2[%mul3A_64, %mul3A_70] : memref<50x16384xi32, #tpu.memory_space<hbm>> -> memref<8x128xi32, #tpu.memory_space<hbm>>
      tpu.enqueue_dma source(%dma_start3A_81 : memref<8x128xi32, #tpu.memory_space<hbm>>) target(%dma_start3A_80 : memref<8x128xi32, #tpu.memory_space<vmem>>) target_semaphore(%arg6 : memref<!tpu.dma_semaphore, #tpu.memory_space<semaphore_mem>>)
      %mul3A_82 = arith.constant 8 : i32
      %mul3A_83 = arith.muli %add3A_44, %mul3A_82 : i32
      %mul3A_84 = arith.constant 8 : i32
      %mul3A_85 = arith.muli %select_n3A, %mul3A_84 : i32
      %add3A_86 = arith.constant 2 : i32
      %add3A_87 = arith.addi %mul3A_85, %add3A_86 : i32
      %mul3A_88 = arith.constant 128 : i32
      %mul3A_89 = arith.muli %add3A_87, %mul3A_88 : i32
      %dma_start3A_90 = arith.constant 2 : i32
      %dma_start3A_91 = arith.constant 0 : i32
      %dma_start3A_92 = arith.constant 0 : i32
      %dma_start3A_93 = tpu.memref_slice %arg4[%dma_start3A_91, %dma_start3A_90, %dma_start3A_92] : memref<8x8x128xi32, #tpu.memory_space<vmem>> -> memref<8x1x128xi32, #tpu.memory_space<vmem>>
      %dma_start3A_94 = tpu.memref_squeeze %dma_start3A_93 : memref<8x1x128xi32, #tpu.memory_space<vmem>> -> memref<8x128xi32, #tpu.memory_space<vmem>>
      %dma_start3A_95 = tpu.memref_slice %arg2[%mul3A_83, %mul3A_89] : memref<50x16384xi32, #tpu.memory_space<hbm>> -> memref<8x128xi32, #tpu.memory_space<hbm>>
      %dma_start3A_96 = arith.constant 0 : i32
      %dma_start3A_97 = arith.constant 0 : i32
      %dma_start3A_98 = tpu.memref_slice %arg4[%dma_start3A_96, %dma_start3A_90, %dma_start3A_97] : memref<8x8x128xi32, #tpu.memory_space<vmem>> -> memref<8x1x128xi32, #tpu.memory_space<vmem>>
      %dma_start3A_99 = tpu.memref_squeeze %dma_start3A_98 : memref<8x1x128xi32, #tpu.memory_space<vmem>> -> memref<8x128xi32, #tpu.memory_space<vmem>>
      %dma_start3A_100 = tpu.memref_slice %arg2[%mul3A_83, %mul3A_89] : memref<50x16384xi32, #tpu.memory_space<hbm>> -> memref<8x128xi32, #tpu.memory_space<hbm>>
      tpu.enqueue_dma source(%dma_start3A_100 : memref<8x128xi32, #tpu.memory_space<hbm>>) target(%dma_start3A_99 : memref<8x128xi32, #tpu.memory_space<vmem>>) target_semaphore(%arg6 : memref<!tpu.dma_semaphore, #tpu.memory_space<semaphore_mem>>)
      %mul3A_101 = arith.constant 8 : i32
      %mul3A_102 = arith.muli %add3A_44, %mul3A_101 : i32
      %mul3A_103 = arith.constant 8 : i32
      %mul3A_104 = arith.muli %select_n3A, %mul3A_103 : i32
      %add3A_105 = arith.constant 3 : i32
      %add3A_106 = arith.addi %mul3A_104, %add3A_105 : i32
      %mul3A_107 = arith.constant 128 : i32
      %mul3A_108 = arith.muli %add3A_106, %mul3A_107 : i32
      %dma_start3A_109 = arith.constant 3 : i32
      %dma_start3A_110 = arith.constant 0 : i32
      %dma_start3A_111 = arith.constant 0 : i32
      %dma_start3A_112 = tpu.memref_slice %arg4[%dma_start3A_110, %dma_start3A_109, %dma_start3A_111] : memref<8x8x128xi32, #tpu.memory_space<vmem>> -> memref<8x1x128xi32, #tpu.memory_space<vmem>>
      %dma_start3A_113 = tpu.memref_squeeze %dma_start3A_112 : memref<8x1x128xi32, #tpu.memory_space<vmem>> -> memref<8x128xi32, #tpu.memory_space<vmem>>
      %dma_start3A_114 = tpu.memref_slice %arg2[%mul3A_102, %mul3A_108] : memref<50x16384xi32, #tpu.memory_space<hbm>> -> memref<8x128xi32, #tpu.memory_space<hbm>>
      %dma_start3A_115 = arith.constant 0 : i32
      %dma_start3A_116 = arith.constant 0 : i32
      %dma_start3A_117 = tpu.memref_slice %arg4[%dma_start3A_115, %dma_start3A_109, %dma_start3A_116] : memref<8x8x128xi32, #tpu.memory_space<vmem>> -> memref<8x1x128xi32, #tpu.memory_space<vmem>>
      %dma_start3A_118 = tpu.memref_squeeze %dma_start3A_117 : memref<8x1x128xi32, #tpu.memory_space<vmem>> -> memref<8x128xi32, #tpu.memory_space<vmem>>
      %dma_start3A_119 = tpu.memref_slice %arg2[%mul3A_102, %mul3A_108] : memref<50x16384xi32, #tpu.memory_space<hbm>> -> memref<8x128xi32, #tpu.memory_space<hbm>>
      tpu.enqueue_dma source(%dma_start3A_119 : memref<8x128xi32, #tpu.memory_space<hbm>>) target(%dma_start3A_118 : memref<8x128xi32, #tpu.memory_space<vmem>>) target_semaphore(%arg6 : memref<!tpu.dma_semaphore, #tpu.memory_space<semaphore_mem>>)
      %mul3A_120 = arith.constant 8 : i32
      %mul3A_121 = arith.muli %add3A_44, %mul3A_120 : i32
      %mul3A_122 = arith.constant 8 : i32
      %mul3A_123 = arith.muli %select_n3A, %mul3A_122 : i32
      %add3A_124 = arith.constant 4 : i32
      %add3A_125 = arith.addi %mul3A_123, %add3A_124 : i32
      %mul3A_126 = arith.constant 128 : i32
      %mul3A_127 = arith.muli %add3A_125, %mul3A_126 : i32
      %dma_start3A_128 = arith.constant 4 : i32
      %dma_start3A_129 = arith.constant 0 : i32
      %dma_start3A_130 = arith.constant 0 : i32
      %dma_start3A_131 = tpu.memref_slice %arg4[%dma_start3A_129, %dma_start3A_128, %dma_start3A_130] : memref<8x8x128xi32, #tpu.memory_space<vmem>> -> memref<8x1x128xi32, #tpu.memory_space<vmem>>
      %dma_start3A_132 = tpu.memref_squeeze %dma_start3A_131 : memref<8x1x128xi32, #tpu.memory_space<vmem>> -> memref<8x128xi32, #tpu.memory_space<vmem>>
      %dma_start3A_133 = tpu.memref_slice %arg2[%mul3A_121, %mul3A_127] : memref<50x16384xi32, #tpu.memory_space<hbm>> -> memref<8x128xi32, #tpu.memory_space<hbm>>
      %dma_start3A_134 = arith.constant 0 : i32
      %dma_start3A_135 = arith.constant 0 : i32
      %dma_start3A_136 = tpu.memref_slice %arg4[%dma_start3A_134, %dma_start3A_128, %dma_start3A_135] : memref<8x8x128xi32, #tpu.memory_space<vmem>> -> memref<8x1x128xi32, #tpu.memory_space<vmem>>
      %dma_start3A_137 = tpu.memref_squeeze %dma_start3A_136 : memref<8x1x128xi32, #tpu.memory_space<vmem>> -> memref<8x128xi32, #tpu.memory_space<vmem>>
      %dma_start3A_138 = tpu.memref_slice %arg2[%mul3A_121, %mul3A_127] : memref<50x16384xi32, #tpu.memory_space<hbm>> -> memref<8x128xi32, #tpu.memory_space<hbm>>
      tpu.enqueue_dma source(%dma_start3A_138 : memref<8x128xi32, #tpu.memory_space<hbm>>) target(%dma_start3A_137 : memref<8x128xi32, #tpu.memory_space<vmem>>) target_semaphore(%arg6 : memref<!tpu.dma_semaphore, #tpu.memory_space<semaphore_mem>>)
      %mul3A_139 = arith.constant 8 : i32
      %mul3A_140 = arith.muli %add3A_44, %mul3A_139 : i32
      %mul3A_141 = arith.constant 8 : i32
      %mul3A_142 = arith.muli %select_n3A, %mul3A_141 : i32
      %add3A_143 = arith.constant 5 : i32
      %add3A_144 = arith.addi %mul3A_142, %add3A_143 : i32
      %mul3A_145 = arith.constant 128 : i32
      %mul3A_146 = arith.muli %add3A_144, %mul3A_145 : i32
      %dma_start3A_147 = arith.constant 5 : i32
      %dma_start3A_148 = arith.constant 0 : i32
      %dma_start3A_149 = arith.constant 0 : i32
      %dma_start3A_150 = tpu.memref_slice %arg4[%dma_start3A_148, %dma_start3A_147, %dma_start3A_149] : memref<8x8x128xi32, #tpu.memory_space<vmem>> -> memref<8x1x128xi32, #tpu.memory_space<vmem>>
      %dma_start3A_151 = tpu.memref_squeeze %dma_start3A_150 : memref<8x1x128xi32, #tpu.memory_space<vmem>> -> memref<8x128xi32, #tpu.memory_space<vmem>>
      %dma_start3A_152 = tpu.memref_slice %arg2[%mul3A_140, %mul3A_146] : memref<50x16384xi32, #tpu.memory_space<hbm>> -> memref<8x128xi32, #tpu.memory_space<hbm>>
      %dma_start3A_153 = arith.constant 0 : i32
      %dma_start3A_154 = arith.constant 0 : i32
      %dma_start3A_155 = tpu.memref_slice %arg4[%dma_start3A_153, %dma_start3A_147, %dma_start3A_154] : memref<8x8x128xi32, #tpu.memory_space<vmem>> -> memref<8x1x128xi32, #tpu.memory_space<vmem>>
      %dma_start3A_156 = tpu.memref_squeeze %dma_start3A_155 : memref<8x1x128xi32, #tpu.memory_space<vmem>> -> memref<8x128xi32, #tpu.memory_space<vmem>>
      %dma_start3A_157 = tpu.memref_slice %arg2[%mul3A_140, %mul3A_146] : memref<50x16384xi32, #tpu.memory_space<hbm>> -> memref<8x128xi32, #tpu.memory_space<hbm>>
      tpu.enqueue_dma source(%dma_start3A_157 : memref<8x128xi32, #tpu.memory_space<hbm>>) target(%dma_start3A_156 : memref<8x128xi32, #tpu.memory_space<vmem>>) target_semaphore(%arg6 : memref<!tpu.dma_semaphore, #tpu.memory_space<semaphore_mem>>)
      %mul3A_158 = arith.constant 8 : i32
      %mul3A_159 = arith.muli %add3A_44, %mul3A_158 : i32
      %mul3A_160 = arith.constant 8 : i32
      %mul3A_161 = arith.muli %select_n3A, %mul3A_160 : i32
      %add3A_162 = arith.constant 6 : i32
      %add3A_163 = arith.addi %mul3A_161, %add3A_162 : i32
      %mul3A_164 = arith.constant 128 : i32
      %mul3A_165 = arith.muli %add3A_163, %mul3A_164 : i32
      %dma_start3A_166 = arith.constant 6 : i32
      %dma_start3A_167 = arith.constant 0 : i32
      %dma_start3A_168 = arith.constant 0 : i32
      %dma_start3A_169 = tpu.memref_slice %arg4[%dma_start3A_167, %dma_start3A_166, %dma_start3A_168] : memref<8x8x128xi32, #tpu.memory_space<vmem>> -> memref<8x1x128xi32, #tpu.memory_space<vmem>>
      %dma_start3A_170 = tpu.memref_squeeze %dma_start3A_169 : memref<8x1x128xi32, #tpu.memory_space<vmem>> -> memref<8x128xi32, #tpu.memory_space<vmem>>
      %dma_start3A_171 = tpu.memref_slice %arg2[%mul3A_159, %mul3A_165] : memref<50x16384xi32, #tpu.memory_space<hbm>> -> memref<8x128xi32, #tpu.memory_space<hbm>>
      %dma_start3A_172 = arith.constant 0 : i32
      %dma_start3A_173 = arith.constant 0 : i32
      %dma_start3A_174 = tpu.memref_slice %arg4[%dma_start3A_172, %dma_start3A_166, %dma_start3A_173] : memref<8x8x128xi32, #tpu.memory_space<vmem>> -> memref<8x1x128xi32, #tpu.memory_space<vmem>>
      %dma_start3A_175 = tpu.memref_squeeze %dma_start3A_174 : memref<8x1x128xi32, #tpu.memory_space<vmem>> -> memref<8x128xi32, #tpu.memory_space<vmem>>
      %dma_start3A_176 = tpu.memref_slice %arg2[%mul3A_159, %mul3A_165] : memref<50x16384xi32, #tpu.memory_space<hbm>> -> memref<8x128xi32, #tpu.memory_space<hbm>>
      tpu.enqueue_dma source(%dma_start3A_176 : memref<8x128xi32, #tpu.memory_space<hbm>>) target(%dma_start3A_175 : memref<8x128xi32, #tpu.memory_space<vmem>>) target_semaphore(%arg6 : memref<!tpu.dma_semaphore, #tpu.memory_space<semaphore_mem>>)
      %mul3A_177 = arith.constant 8 : i32
      %mul3A_178 = arith.muli %add3A_44, %mul3A_177 : i32
      %mul3A_179 = arith.constant 8 : i32
      %mul3A_180 = arith.muli %select_n3A, %mul3A_179 : i32
      %add3A_181 = arith.constant 7 : i32
      %add3A_182 = arith.addi %mul3A_180, %add3A_181 : i32
      %mul3A_183 = arith.constant 128 : i32
      %mul3A_184 = arith.muli %add3A_182, %mul3A_183 : i32
      %dma_start3A_185 = arith.constant 7 : i32
      %dma_start3A_186 = arith.constant 0 : i32
      %dma_start3A_187 = arith.constant 0 : i32
      %dma_start3A_188 = tpu.memref_slice %arg4[%dma_start3A_186, %dma_start3A_185, %dma_start3A_187] : memref<8x8x128xi32, #tpu.memory_space<vmem>> -> memref<8x1x128xi32, #tpu.memory_space<vmem>>
      %dma_start3A_189 = tpu.memref_squeeze %dma_start3A_188 : memref<8x1x128xi32, #tpu.memory_space<vmem>> -> memref<8x128xi32, #tpu.memory_space<vmem>>
      %dma_start3A_190 = tpu.memref_slice %arg2[%mul3A_178, %mul3A_184] : memref<50x16384xi32, #tpu.memory_space<hbm>> -> memref<8x128xi32, #tpu.memory_space<hbm>>
      %dma_start3A_191 = arith.constant 0 : i32
      %dma_start3A_192 = arith.constant 0 : i32
      %dma_start3A_193 = tpu.memref_slice %arg4[%dma_start3A_191, %dma_start3A_185, %dma_start3A_192] : memref<8x8x128xi32, #tpu.memory_space<vmem>> -> memref<8x1x128xi32, #tpu.memory_space<vmem>>
      %dma_start3A_194 = tpu.memref_squeeze %dma_start3A_193 : memref<8x1x128xi32, #tpu.memory_space<vmem>> -> memref<8x128xi32, #tpu.memory_space<vmem>>
      %dma_start3A_195 = tpu.memref_slice %arg2[%mul3A_178, %mul3A_184] : memref<50x16384xi32, #tpu.memory_space<hbm>> -> memref<8x128xi32, #tpu.memory_space<hbm>>
      tpu.enqueue_dma source(%dma_start3A_195 : memref<8x128xi32, #tpu.memory_space<hbm>>) target(%dma_start3A_194 : memref<8x128xi32, #tpu.memory_space<vmem>>) target_semaphore(%arg6 : memref<!tpu.dma_semaphore, #tpu.memory_space<semaphore_mem>>)
      %dma_wait3A = arith.constant 0 : i32
      %dma_wait3A_196 = arith.constant 0 : i32
      %dma_wait3A_197 = arith.constant 0 : i32
      %dma_wait3A_198 = tpu.memref_slice %arg4[%dma_wait3A_196, %dma_wait3A, %dma_wait3A_197] : memref<8x8x128xi32, #tpu.memory_space<vmem>> -> memref<8x1x128xi32, #tpu.memory_space<vmem>>
      %dma_wait3A_199 = tpu.memref_squeeze %dma_wait3A_198 : memref<8x1x128xi32, #tpu.memory_space<vmem>> -> memref<8x128xi32, #tpu.memory_space<vmem>>
      %dma_wait3A_200 = arith.constant 0 : i32
      %dma_wait3A_201 = arith.constant 0 : i32
      %dma_wait3A_202 = tpu.memref_slice %arg2[%dma_wait3A_200, %dma_wait3A_201] : memref<50x16384xi32, #tpu.memory_space<hbm>> -> memref<8x128xi32, #tpu.memory_space<hbm>>
      %dma_wait3A_203 = arith.constant 0 : i32
      %dma_wait3A_204 = arith.constant 0 : i32
      %dma_wait3A_205 = tpu.memref_slice %arg4[%dma_wait3A_203, %dma_wait3A, %dma_wait3A_204] : memref<8x8x128xi32, #tpu.memory_space<vmem>> -> memref<8x1x128xi32, #tpu.memory_space<vmem>>
      %dma_wait3A_206 = tpu.memref_squeeze %dma_wait3A_205 : memref<8x1x128xi32, #tpu.memory_space<vmem>> -> memref<8x128xi32, #tpu.memory_space<vmem>>
      %dma_wait3A_207 = arith.constant 0 : i32
      %dma_wait3A_208 = arith.constant 0 : i32
      %dma_wait3A_209 = tpu.memref_slice %arg2[%dma_wait3A_207, %dma_wait3A_208] : memref<50x16384xi32, #tpu.memory_space<hbm>> -> memref<8x128xi32, #tpu.memory_space<hbm>>
      tpu.wait_dma2 semaphore(%arg6 : memref<!tpu.dma_semaphore, #tpu.memory_space<semaphore_mem>>) src(%dma_wait3A_209 : memref<8x128xi32, #tpu.memory_space<hbm>>) dst(%dma_wait3A_206 : memref<8x128xi32, #tpu.memory_space<vmem>>)
      %dma_wait3A_210 = arith.constant 1 : i32
      %dma_wait3A_211 = arith.constant 0 : i32
      %dma_wait3A_212 = arith.constant 0 : i32
      %dma_wait3A_213 = tpu.memref_slice %arg4[%dma_wait3A_211, %dma_wait3A_210, %dma_wait3A_212] : memref<8x8x128xi32, #tpu.memory_space<vmem>> -> memref<8x1x128xi32, #tpu.memory_space<vmem>>
      %dma_wait3A_214 = tpu.memref_squeeze %dma_wait3A_213 : memref<8x1x128xi32, #tpu.memory_space<vmem>> -> memref<8x128xi32, #tpu.memory_space<vmem>>
      %dma_wait3A_215 = arith.constant 0 : i32
      %dma_wait3A_216 = arith.constant 0 : i32
      %dma_wait3A_217 = tpu.memref_slice %arg2[%dma_wait3A_215, %dma_wait3A_216] : memref<50x16384xi32, #tpu.memory_space<hbm>> -> memref<8x128xi32, #tpu.memory_space<hbm>>
      %dma_wait3A_218 = arith.constant 0 : i32
      %dma_wait3A_219 = arith.constant 0 : i32
      %dma_wait3A_220 = tpu.memref_slice %arg4[%dma_wait3A_218, %dma_wait3A_210, %dma_wait3A_219] : memref<8x8x128xi32, #tpu.memory_space<vmem>> -> memref<8x1x128xi32, #tpu.memory_space<vmem>>
      %dma_wait3A_221 = tpu.memref_squeeze %dma_wait3A_220 : memref<8x1x128xi32, #tpu.memory_space<vmem>> -> memref<8x128xi32, #tpu.memory_space<vmem>>
      %dma_wait3A_222 = arith.constant 0 : i32
      %dma_wait3A_223 = arith.constant 0 : i32
      %dma_wait3A_224 = tpu.memref_slice %arg2[%dma_wait3A_222, %dma_wait3A_223] : memref<50x16384xi32, #tpu.memory_space<hbm>> -> memref<8x128xi32, #tpu.memory_space<hbm>>
      tpu.wait_dma2 semaphore(%arg6 : memref<!tpu.dma_semaphore, #tpu.memory_space<semaphore_mem>>) src(%dma_wait3A_224 : memref<8x128xi32, #tpu.memory_space<hbm>>) dst(%dma_wait3A_221 : memref<8x128xi32, #tpu.memory_space<vmem>>)
      %dma_wait3A_225 = arith.constant 2 : i32
      %dma_wait3A_226 = arith.constant 0 : i32
      %dma_wait3A_227 = arith.constant 0 : i32
      %dma_wait3A_228 = tpu.memref_slice %arg4[%dma_wait3A_226, %dma_wait3A_225, %dma_wait3A_227] : memref<8x8x128xi32, #tpu.memory_space<vmem>> -> memref<8x1x128xi32, #tpu.memory_space<vmem>>
      %dma_wait3A_229 = tpu.memref_squeeze %dma_wait3A_228 : memref<8x1x128xi32, #tpu.memory_space<vmem>> -> memref<8x128xi32, #tpu.memory_space<vmem>>
      %dma_wait3A_230 = arith.constant 0 : i32
      %dma_wait3A_231 = arith.constant 0 : i32
      %dma_wait3A_232 = tpu.memref_slice %arg2[%dma_wait3A_230, %dma_wait3A_231] : memref<50x16384xi32, #tpu.memory_space<hbm>> -> memref<8x128xi32, #tpu.memory_space<hbm>>
      %dma_wait3A_233 = arith.constant 0 : i32
      %dma_wait3A_234 = arith.constant 0 : i32
      %dma_wait3A_235 = tpu.memref_slice %arg4[%dma_wait3A_233, %dma_wait3A_225, %dma_wait3A_234] : memref<8x8x128xi32, #tpu.memory_space<vmem>> -> memref<8x1x128xi32, #tpu.memory_space<vmem>>
      %dma_wait3A_236 = tpu.memref_squeeze %dma_wait3A_235 : memref<8x1x128xi32, #tpu.memory_space<vmem>> -> memref<8x128xi32, #tpu.memory_space<vmem>>
      %dma_wait3A_237 = arith.constant 0 : i32
      %dma_wait3A_238 = arith.constant 0 : i32
      %dma_wait3A_239 = tpu.memref_slice %arg2[%dma_wait3A_237, %dma_wait3A_238] : memref<50x16384xi32, #tpu.memory_space<hbm>> -> memref<8x128xi32, #tpu.memory_space<hbm>>
      tpu.wait_dma2 semaphore(%arg6 : memref<!tpu.dma_semaphore, #tpu.memory_space<semaphore_mem>>) src(%dma_wait3A_239 : memref<8x128xi32, #tpu.memory_space<hbm>>) dst(%dma_wait3A_236 : memref<8x128xi32, #tpu.memory_space<vmem>>)
      %dma_wait3A_240 = arith.constant 3 : i32
      %dma_wait3A_241 = arith.constant 0 : i32
      %dma_wait3A_242 = arith.constant 0 : i32
      %dma_wait3A_243 = tpu.memref_slice %arg4[%dma_wait3A_241, %dma_wait3A_240, %dma_wait3A_242] : memref<8x8x128xi32, #tpu.memory_space<vmem>> -> memref<8x1x128xi32, #tpu.memory_space<vmem>>
      %dma_wait3A_244 = tpu.memref_squeeze %dma_wait3A_243 : memref<8x1x128xi32, #tpu.memory_space<vmem>> -> memref<8x128xi32, #tpu.memory_space<vmem>>
      %dma_wait3A_245 = arith.constant 0 : i32
      %dma_wait3A_246 = arith.constant 0 : i32
      %dma_wait3A_247 = tpu.memref_slice %arg2[%dma_wait3A_245, %dma_wait3A_246] : memref<50x16384xi32, #tpu.memory_space<hbm>> -> memref<8x128xi32, #tpu.memory_space<hbm>>
      %dma_wait3A_248 = arith.constant 0 : i32
      %dma_wait3A_249 = arith.constant 0 : i32
      %dma_wait3A_250 = tpu.memref_slice %arg4[%dma_wait3A_248, %dma_wait3A_240, %dma_wait3A_249] : memref<8x8x128xi32, #tpu.memory_space<vmem>> -> memref<8x1x128xi32, #tpu.memory_space<vmem>>
      %dma_wait3A_251 = tpu.memref_squeeze %dma_wait3A_250 : memref<8x1x128xi32, #tpu.memory_space<vmem>> -> memref<8x128xi32, #tpu.memory_space<vmem>>
      %dma_wait3A_252 = arith.constant 0 : i32
      %dma_wait3A_253 = arith.constant 0 : i32
      %dma_wait3A_254 = tpu.memref_slice %arg2[%dma_wait3A_252, %dma_wait3A_253] : memref<50x16384xi32, #tpu.memory_space<hbm>> -> memref<8x128xi32, #tpu.memory_space<hbm>>
      tpu.wait_dma2 semaphore(%arg6 : memref<!tpu.dma_semaphore, #tpu.memory_space<semaphore_mem>>) src(%dma_wait3A_254 : memref<8x128xi32, #tpu.memory_space<hbm>>) dst(%dma_wait3A_251 : memref<8x128xi32, #tpu.memory_space<vmem>>)
      %dma_wait3A_255 = arith.constant 4 : i32
      %dma_wait3A_256 = arith.constant 0 : i32
      %dma_wait3A_257 = arith.constant 0 : i32
      %dma_wait3A_258 = tpu.memref_slice %arg4[%dma_wait3A_256, %dma_wait3A_255, %dma_wait3A_257] : memref<8x8x128xi32, #tpu.memory_space<vmem>> -> memref<8x1x128xi32, #tpu.memory_space<vmem>>
      %dma_wait3A_259 = tpu.memref_squeeze %dma_wait3A_258 : memref<8x1x128xi32, #tpu.memory_space<vmem>> -> memref<8x128xi32, #tpu.memory_space<vmem>>
      %dma_wait3A_260 = arith.constant 0 : i32
      %dma_wait3A_261 = arith.constant 0 : i32
      %dma_wait3A_262 = tpu.memref_slice %arg2[%dma_wait3A_260, %dma_wait3A_261] : memref<50x16384xi32, #tpu.memory_space<hbm>> -> memref<8x128xi32, #tpu.memory_space<hbm>>
      %dma_wait3A_263 = arith.constant 0 : i32
      %dma_wait3A_264 = arith.constant 0 : i32
      %dma_wait3A_265 = tpu.memref_slice %arg4[%dma_wait3A_263, %dma_wait3A_255, %dma_wait3A_264] : memref<8x8x128xi32, #tpu.memory_space<vmem>> -> memref<8x1x128xi32, #tpu.memory_space<vmem>>
      %dma_wait3A_266 = tpu.memref_squeeze %dma_wait3A_265 : memref<8x1x128xi32, #tpu.memory_space<vmem>> -> memref<8x128xi32, #tpu.memory_space<vmem>>
      %dma_wait3A_267 = arith.constant 0 : i32
      %dma_wait3A_268 = arith.constant 0 : i32
      %dma_wait3A_269 = tpu.memref_slice %arg2[%dma_wait3A_267, %dma_wait3A_268] : memref<50x16384xi32, #tpu.memory_space<hbm>> -> memref<8x128xi32, #tpu.memory_space<hbm>>
      tpu.wait_dma2 semaphore(%arg6 : memref<!tpu.dma_semaphore, #tpu.memory_space<semaphore_mem>>) src(%dma_wait3A_269 : memref<8x128xi32, #tpu.memory_space<hbm>>) dst(%dma_wait3A_266 : memref<8x128xi32, #tpu.memory_space<vmem>>)
      %dma_wait3A_270 = arith.constant 5 : i32
      %dma_wait3A_271 = arith.constant 0 : i32
      %dma_wait3A_272 = arith.constant 0 : i32
      %dma_wait3A_273 = tpu.memref_slice %arg4[%dma_wait3A_271, %dma_wait3A_270, %dma_wait3A_272] : memref<8x8x128xi32, #tpu.memory_space<vmem>> -> memref<8x1x128xi32, #tpu.memory_space<vmem>>
      %dma_wait3A_274 = tpu.memref_squeeze %dma_wait3A_273 : memref<8x1x128xi32, #tpu.memory_space<vmem>> -> memref<8x128xi32, #tpu.memory_space<vmem>>
      %dma_wait3A_275 = arith.constant 0 : i32
      %dma_wait3A_276 = arith.constant 0 : i32
      %dma_wait3A_277 = tpu.memref_slice %arg2[%dma_wait3A_275, %dma_wait3A_276] : memref<50x16384xi32, #tpu.memory_space<hbm>> -> memref<8x128xi32, #tpu.memory_space<hbm>>
      %dma_wait3A_278 = arith.constant 0 : i32
      %dma_wait3A_279 = arith.constant 0 : i32
      %dma_wait3A_280 = tpu.memref_slice %arg4[%dma_wait3A_278, %dma_wait3A_270, %dma_wait3A_279] : memref<8x8x128xi32, #tpu.memory_space<vmem>> -> memref<8x1x128xi32, #tpu.memory_space<vmem>>
      %dma_wait3A_281 = tpu.memref_squeeze %dma_wait3A_280 : memref<8x1x128xi32, #tpu.memory_space<vmem>> -> memref<8x128xi32, #tpu.memory_space<vmem>>
      %dma_wait3A_282 = arith.constant 0 : i32
      %dma_wait3A_283 = arith.constant 0 : i32
      %dma_wait3A_284 = tpu.memref_slice %arg2[%dma_wait3A_282, %dma_wait3A_283] : memref<50x16384xi32, #tpu.memory_space<hbm>> -> memref<8x128xi32, #tpu.memory_space<hbm>>
      tpu.wait_dma2 semaphore(%arg6 : memref<!tpu.dma_semaphore, #tpu.memory_space<semaphore_mem>>) src(%dma_wait3A_284 : memref<8x128xi32, #tpu.memory_space<hbm>>) dst(%dma_wait3A_281 : memref<8x128xi32, #tpu.memory_space<vmem>>)
      %dma_wait3A_285 = arith.constant 6 : i32
      %dma_wait3A_286 = arith.constant 0 : i32
      %dma_wait3A_287 = arith.constant 0 : i32
      %dma_wait3A_288 = tpu.memref_slice %arg4[%dma_wait3A_286, %dma_wait3A_285, %dma_wait3A_287] : memref<8x8x128xi32, #tpu.memory_space<vmem>> -> memref<8x1x128xi32, #tpu.memory_space<vmem>>
      %dma_wait3A_289 = tpu.memref_squeeze %dma_wait3A_288 : memref<8x1x128xi32, #tpu.memory_space<vmem>> -> memref<8x128xi32, #tpu.memory_space<vmem>>
      %dma_wait3A_290 = arith.constant 0 : i32
      %dma_wait3A_291 = arith.constant 0 : i32
      %dma_wait3A_292 = tpu.memref_slice %arg2[%dma_wait3A_290, %dma_wait3A_291] : memref<50x16384xi32, #tpu.memory_space<hbm>> -> memref<8x128xi32, #tpu.memory_space<hbm>>
      %dma_wait3A_293 = arith.constant 0 : i32
      %dma_wait3A_294 = arith.constant 0 : i32
      %dma_wait3A_295 = tpu.memref_slice %arg4[%dma_wait3A_293, %dma_wait3A_285, %dma_wait3A_294] : memref<8x8x128xi32, #tpu.memory_space<vmem>> -> memref<8x1x128xi32, #tpu.memory_space<vmem>>
      %dma_wait3A_296 = tpu.memref_squeeze %dma_wait3A_295 : memref<8x1x128xi32, #tpu.memory_space<vmem>> -> memref<8x128xi32, #tpu.memory_space<vmem>>
      %dma_wait3A_297 = arith.constant 0 : i32
      %dma_wait3A_298 = arith.constant 0 : i32
      %dma_wait3A_299 = tpu.memref_slice %arg2[%dma_wait3A_297, %dma_wait3A_298] : memref<50x16384xi32, #tpu.memory_space<hbm>> -> memref<8x128xi32, #tpu.memory_space<hbm>>
      tpu.wait_dma2 semaphore(%arg6 : memref<!tpu.dma_semaphore, #tpu.memory_space<semaphore_mem>>) src(%dma_wait3A_299 : memref<8x128xi32, #tpu.memory_space<hbm>>) dst(%dma_wait3A_296 : memref<8x128xi32, #tpu.memory_space<vmem>>)
      %dma_wait3A_300 = arith.constant 7 : i32
      %dma_wait3A_301 = arith.constant 0 : i32
      %dma_wait3A_302 = arith.constant 0 : i32
      %dma_wait3A_303 = tpu.memref_slice %arg4[%dma_wait3A_301, %dma_wait3A_300, %dma_wait3A_302] : memref<8x8x128xi32, #tpu.memory_space<vmem>> -> memref<8x1x128xi32, #tpu.memory_space<vmem>>
      %dma_wait3A_304 = tpu.memref_squeeze %dma_wait3A_303 : memref<8x1x128xi32, #tpu.memory_space<vmem>> -> memref<8x128xi32, #tpu.memory_space<vmem>>
      %dma_wait3A_305 = arith.constant 0 : i32
      %dma_wait3A_306 = arith.constant 0 : i32
      %dma_wait3A_307 = tpu.memref_slice %arg2[%dma_wait3A_305, %dma_wait3A_306] : memref<50x16384xi32, #tpu.memory_space<hbm>> -> memref<8x128xi32, #tpu.memory_space<hbm>>
      %dma_wait3A_308 = arith.constant 0 : i32
      %dma_wait3A_309 = arith.constant 0 : i32
      %dma_wait3A_310 = tpu.memref_slice %arg4[%dma_wait3A_308, %dma_wait3A_300, %dma_wait3A_309] : memref<8x8x128xi32, #tpu.memory_space<vmem>> -> memref<8x1x128xi32, #tpu.memory_space<vmem>>
      %dma_wait3A_311 = tpu.memref_squeeze %dma_wait3A_310 : memref<8x1x128xi32, #tpu.memory_space<vmem>> -> memref<8x128xi32, #tpu.memory_space<vmem>>
      %dma_wait3A_312 = arith.constant 0 : i32
      %dma_wait3A_313 = arith.constant 0 : i32
      %dma_wait3A_314 = tpu.memref_slice %arg2[%dma_wait3A_312, %dma_wait3A_313] : memref<50x16384xi32, #tpu.memory_space<hbm>> -> memref<8x128xi32, #tpu.memory_space<hbm>>
      tpu.wait_dma2 semaphore(%arg6 : memref<!tpu.dma_semaphore, #tpu.memory_space<semaphore_mem>>) src(%dma_wait3A_314 : memref<8x128xi32, #tpu.memory_space<hbm>>) dst(%dma_wait3A_311 : memref<8x128xi32, #tpu.memory_space<vmem>>)
      %mul3A_315 = arith.constant 8 : i32
      %mul3A_316 = arith.muli %add3A_44, %mul3A_315 : i32
      %mul3A_317 = arith.constant 8 : i32
      %mul3A_318 = arith.muli %select_n3A, %mul3A_317 : i32
      "tpu.region"() ({
        %run_scoped3A = tpu.sem_alloc : memref<!tpu.dma_semaphore, #tpu.memory_space<semaphore_mem>>
        %dma_start3A_320 = arith.constant 0 : i32
        %dma_start3A_321 = tpu.memref_slice %arg3[%mul3A_316, %mul3A_318, %dma_start3A_320] : memref<50x128x128xi32, #tpu.memory_space<hbm>> -> memref<8x8x128xi32, #tpu.memory_space<hbm>>
        %dma_start3A_322 = arith.constant 0 : i32
        %dma_start3A_323 = tpu.memref_slice %arg3[%mul3A_316, %mul3A_318, %dma_start3A_322] : memref<50x128x128xi32, #tpu.memory_space<hbm>> -> memref<8x8x128xi32, #tpu.memory_space<hbm>>
        tpu.enqueue_dma source(%arg4 : memref<8x8x128xi32, #tpu.memory_space<vmem>>) target(%dma_start3A_323 : memref<8x8x128xi32, #tpu.memory_space<hbm>>) target_semaphore(%run_scoped3A : memref<!tpu.dma_semaphore, #tpu.memory_space<semaphore_mem>>)
        %dma_wait3A_324 = arith.constant 0 : i32
        %dma_wait3A_325 = tpu.memref_slice %arg3[%mul3A_316, %mul3A_318, %dma_wait3A_324] : memref<50x128x128xi32, #tpu.memory_space<hbm>> -> memref<8x8x128xi32, #tpu.memory_space<hbm>>
        %dma_wait3A_326 = arith.constant 0 : i32
        %dma_wait3A_327 = tpu.memref_slice %arg3[%mul3A_316, %mul3A_318, %dma_wait3A_326] : memref<50x128x128xi32, #tpu.memory_space<hbm>> -> memref<8x8x128xi32, #tpu.memory_space<hbm>>
        tpu.wait_dma2 semaphore(%run_scoped3A : memref<!tpu.dma_semaphore, #tpu.memory_space<semaphore_mem>>) src(%arg4 : memref<8x8x128xi32, #tpu.memory_space<vmem>>) dst(%dma_wait3A_327 : memref<8x8x128xi32, #tpu.memory_space<hbm>>)
        tpu.yield
      }) : () -> ()
      %scan3A_319 = arith.constant 0 : i32
      scf.yield %scan3A_319 : i32
    }
    %scan3A_38 = arith.constant 3 : i32
    %eq3A_39 = arith.constant 0 : i32
    %eq3A_40 = arith.cmpi eq, %select_n3A_30, %eq3A_39 : i32
    %convert_element_type3A = arith.extui %eq3A_40 : i1 to i32
    %cond3A = arith.constant 0 : i32
    %cond3A_41 = arith.cmpi ne, %convert_element_type3A, %cond3A : i32
    scf.if %cond3A_41 {
      %mul3A_42 = arith.constant 8 : i32
      %mul3A_43 = arith.muli %select_n3A, %mul3A_42 : i32
      %add3A_44 = arith.constant 0 : i32
      %add3A_45 = arith.addi %mul3A_43, %add3A_44 : i32
      %mul3A_46 = arith.constant 128 : i32
      %mul3A_47 = arith.muli %add3A_45, %mul3A_46 : i32
      %dma_start3A = arith.constant 0 : i32
      %dma_start3A_48 = arith.constant 0 : i32
      %dma_start3A_49 = arith.constant 0 : i32
      %dma_start3A_50 = tpu.memref_slice %arg5[%dma_start3A_48, %dma_start3A, %dma_start3A_49] : memref<2x8x128xi32, #tpu.memory_space<vmem>> -> memref<2x1x128xi32, #tpu.memory_space<vmem>>
      %dma_start3A_51 = tpu.memref_squeeze %dma_start3A_50 : memref<2x1x128xi32, #tpu.memory_space<vmem>> -> memref<2x128xi32, #tpu.memory_space<vmem>>
      %dma_start3A_52 = arith.constant 48 : i32
      %dma_start3A_53 = tpu.memref_slice %arg2[%dma_start3A_52, %mul3A_47] : memref<50x16384xi32, #tpu.memory_space<hbm>> -> memref<2x128xi32, #tpu.memory_space<hbm>>
      %dma_start3A_54 = arith.constant 0 : i32
      %dma_start3A_55 = arith.constant 0 : i32
      %dma_start3A_56 = tpu.memref_slice %arg5[%dma_start3A_54, %dma_start3A, %dma_start3A_55] : memref<2x8x128xi32, #tpu.memory_space<vmem>> -> memref<2x1x128xi32, #tpu.memory_space<vmem>>
      %dma_start3A_57 = tpu.memref_squeeze %dma_start3A_56 : memref<2x1x128xi32, #tpu.memory_space<vmem>> -> memref<2x128xi32, #tpu.memory_space<vmem>>
      %dma_start3A_58 = arith.constant 48 : i32
      %dma_start3A_59 = tpu.memref_slice %arg2[%dma_start3A_58, %mul3A_47] : memref<50x16384xi32, #tpu.memory_space<hbm>> -> memref<2x128xi32, #tpu.memory_space<hbm>>
      tpu.enqueue_dma source(%dma_start3A_59 : memref<2x128xi32, #tpu.memory_space<hbm>>) target(%dma_start3A_57 : memref<2x128xi32, #tpu.memory_space<vmem>>) target_semaphore(%arg6 : memref<!tpu.dma_semaphore, #tpu.memory_space<semaphore_mem>>)
      %mul3A_60 = arith.constant 8 : i32
      %mul3A_61 = arith.muli %select_n3A, %mul3A_60 : i32
      %add3A_62 = arith.constant 1 : i32
      %add3A_63 = arith.addi %mul3A_61, %add3A_62 : i32
      %mul3A_64 = arith.constant 128 : i32
      %mul3A_65 = arith.muli %add3A_63, %mul3A_64 : i32
      %dma_start3A_66 = arith.constant 1 : i32
      %dma_start3A_67 = arith.constant 0 : i32
      %dma_start3A_68 = arith.constant 0 : i32
      %dma_start3A_69 = tpu.memref_slice %arg5[%dma_start3A_67, %dma_start3A_66, %dma_start3A_68] : memref<2x8x128xi32, #tpu.memory_space<vmem>> -> memref<2x1x128xi32, #tpu.memory_space<vmem>>
      %dma_start3A_70 = tpu.memref_squeeze %dma_start3A_69 : memref<2x1x128xi32, #tpu.memory_space<vmem>> -> memref<2x128xi32, #tpu.memory_space<vmem>>
      %dma_start3A_71 = arith.constant 48 : i32
      %dma_start3A_72 = tpu.memref_slice %arg2[%dma_start3A_71, %mul3A_65] : memref<50x16384xi32, #tpu.memory_space<hbm>> -> memref<2x128xi32, #tpu.memory_space<hbm>>
      %dma_start3A_73 = arith.constant 0 : i32
      %dma_start3A_74 = arith.constant 0 : i32
      %dma_start3A_75 = tpu.memref_slice %arg5[%dma_start3A_73, %dma_start3A_66, %dma_start3A_74] : memref<2x8x128xi32, #tpu.memory_space<vmem>> -> memref<2x1x128xi32, #tpu.memory_space<vmem>>
      %dma_start3A_76 = tpu.memref_squeeze %dma_start3A_75 : memref<2x1x128xi32, #tpu.memory_space<vmem>> -> memref<2x128xi32, #tpu.memory_space<vmem>>
      %dma_start3A_77 = arith.constant 48 : i32
      %dma_start3A_78 = tpu.memref_slice %arg2[%dma_start3A_77, %mul3A_65] : memref<50x16384xi32, #tpu.memory_space<hbm>> -> memref<2x128xi32, #tpu.memory_space<hbm>>
      tpu.enqueue_dma source(%dma_start3A_78 : memref<2x128xi32, #tpu.memory_space<hbm>>) target(%dma_start3A_76 : memref<2x128xi32, #tpu.memory_space<vmem>>) target_semaphore(%arg6 : memref<!tpu.dma_semaphore, #tpu.memory_space<semaphore_mem>>)
      %mul3A_79 = arith.constant 8 : i32
      %mul3A_80 = arith.muli %select_n3A, %mul3A_79 : i32
      %add3A_81 = arith.constant 2 : i32
      %add3A_82 = arith.addi %mul3A_80, %add3A_81 : i32
      %mul3A_83 = arith.constant 128 : i32
      %mul3A_84 = arith.muli %add3A_82, %mul3A_83 : i32
      %dma_start3A_85 = arith.constant 2 : i32
      %dma_start3A_86 = arith.constant 0 : i32
      %dma_start3A_87 = arith.constant 0 : i32
      %dma_start3A_88 = tpu.memref_slice %arg5[%dma_start3A_86, %dma_start3A_85, %dma_start3A_87] : memref<2x8x128xi32, #tpu.memory_space<vmem>> -> memref<2x1x128xi32, #tpu.memory_space<vmem>>
      %dma_start3A_89 = tpu.memref_squeeze %dma_start3A_88 : memref<2x1x128xi32, #tpu.memory_space<vmem>> -> memref<2x128xi32, #tpu.memory_space<vmem>>
      %dma_start3A_90 = arith.constant 48 : i32
      %dma_start3A_91 = tpu.memref_slice %arg2[%dma_start3A_90, %mul3A_84] : memref<50x16384xi32, #tpu.memory_space<hbm>> -> memref<2x128xi32, #tpu.memory_space<hbm>>
      %dma_start3A_92 = arith.constant 0 : i32
      %dma_start3A_93 = arith.constant 0 : i32
      %dma_start3A_94 = tpu.memref_slice %arg5[%dma_start3A_92, %dma_start3A_85, %dma_start3A_93] : memref<2x8x128xi32, #tpu.memory_space<vmem>> -> memref<2x1x128xi32, #tpu.memory_space<vmem>>
      %dma_start3A_95 = tpu.memref_squeeze %dma_start3A_94 : memref<2x1x128xi32, #tpu.memory_space<vmem>> -> memref<2x128xi32, #tpu.memory_space<vmem>>
      %dma_start3A_96 = arith.constant 48 : i32
      %dma_start3A_97 = tpu.memref_slice %arg2[%dma_start3A_96, %mul3A_84] : memref<50x16384xi32, #tpu.memory_space<hbm>> -> memref<2x128xi32, #tpu.memory_space<hbm>>
      tpu.enqueue_dma source(%dma_start3A_97 : memref<2x128xi32, #tpu.memory_space<hbm>>) target(%dma_start3A_95 : memref<2x128xi32, #tpu.memory_space<vmem>>) target_semaphore(%arg6 : memref<!tpu.dma_semaphore, #tpu.memory_space<semaphore_mem>>)
      %mul3A_98 = arith.constant 8 : i32
      %mul3A_99 = arith.muli %select_n3A, %mul3A_98 : i32
      %add3A_100 = arith.constant 3 : i32
      %add3A_101 = arith.addi %mul3A_99, %add3A_100 : i32
      %mul3A_102 = arith.constant 128 : i32
      %mul3A_103 = arith.muli %add3A_101, %mul3A_102 : i32
      %dma_start3A_104 = arith.constant 3 : i32
      %dma_start3A_105 = arith.constant 0 : i32
      %dma_start3A_106 = arith.constant 0 : i32
      %dma_start3A_107 = tpu.memref_slice %arg5[%dma_start3A_105, %dma_start3A_104, %dma_start3A_106] : memref<2x8x128xi32, #tpu.memory_space<vmem>> -> memref<2x1x128xi32, #tpu.memory_space<vmem>>
      %dma_start3A_108 = tpu.memref_squeeze %dma_start3A_107 : memref<2x1x128xi32, #tpu.memory_space<vmem>> -> memref<2x128xi32, #tpu.memory_space<vmem>>
      %dma_start3A_109 = arith.constant 48 : i32
      %dma_start3A_110 = tpu.memref_slice %arg2[%dma_start3A_109, %mul3A_103] : memref<50x16384xi32, #tpu.memory_space<hbm>> -> memref<2x128xi32, #tpu.memory_space<hbm>>
      %dma_start3A_111 = arith.constant 0 : i32
      %dma_start3A_112 = arith.constant 0 : i32
      %dma_start3A_113 = tpu.memref_slice %arg5[%dma_start3A_111, %dma_start3A_104, %dma_start3A_112] : memref<2x8x128xi32, #tpu.memory_space<vmem>> -> memref<2x1x128xi32, #tpu.memory_space<vmem>>
      %dma_start3A_114 = tpu.memref_squeeze %dma_start3A_113 : memref<2x1x128xi32, #tpu.memory_space<vmem>> -> memref<2x128xi32, #tpu.memory_space<vmem>>
      %dma_start3A_115 = arith.constant 48 : i32
      %dma_start3A_116 = tpu.memref_slice %arg2[%dma_start3A_115, %mul3A_103] : memref<50x16384xi32, #tpu.memory_space<hbm>> -> memref<2x128xi32, #tpu.memory_space<hbm>>
      tpu.enqueue_dma source(%dma_start3A_116 : memref<2x128xi32, #tpu.memory_space<hbm>>) target(%dma_start3A_114 : memref<2x128xi32, #tpu.memory_space<vmem>>) target_semaphore(%arg6 : memref<!tpu.dma_semaphore, #tpu.memory_space<semaphore_mem>>)
      %mul3A_117 = arith.constant 8 : i32
      %mul3A_118 = arith.muli %select_n3A, %mul3A_117 : i32
      %add3A_119 = arith.constant 4 : i32
      %add3A_120 = arith.addi %mul3A_118, %add3A_119 : i32
      %mul3A_121 = arith.constant 128 : i32
      %mul3A_122 = arith.muli %add3A_120, %mul3A_121 : i32
      %dma_start3A_123 = arith.constant 4 : i32
      %dma_start3A_124 = arith.constant 0 : i32
      %dma_start3A_125 = arith.constant 0 : i32
      %dma_start3A_126 = tpu.memref_slice %arg5[%dma_start3A_124, %dma_start3A_123, %dma_start3A_125] : memref<2x8x128xi32, #tpu.memory_space<vmem>> -> memref<2x1x128xi32, #tpu.memory_space<vmem>>
      %dma_start3A_127 = tpu.memref_squeeze %dma_start3A_126 : memref<2x1x128xi32, #tpu.memory_space<vmem>> -> memref<2x128xi32, #tpu.memory_space<vmem>>
      %dma_start3A_128 = arith.constant 48 : i32
      %dma_start3A_129 = tpu.memref_slice %arg2[%dma_start3A_128, %mul3A_122] : memref<50x16384xi32, #tpu.memory_space<hbm>> -> memref<2x128xi32, #tpu.memory_space<hbm>>
      %dma_start3A_130 = arith.constant 0 : i32
      %dma_start3A_131 = arith.constant 0 : i32
      %dma_start3A_132 = tpu.memref_slice %arg5[%dma_start3A_130, %dma_start3A_123, %dma_start3A_131] : memref<2x8x128xi32, #tpu.memory_space<vmem>> -> memref<2x1x128xi32, #tpu.memory_space<vmem>>
      %dma_start3A_133 = tpu.memref_squeeze %dma_start3A_132 : memref<2x1x128xi32, #tpu.memory_space<vmem>> -> memref<2x128xi32, #tpu.memory_space<vmem>>
      %dma_start3A_134 = arith.constant 48 : i32
      %dma_start3A_135 = tpu.memref_slice %arg2[%dma_start3A_134, %mul3A_122] : memref<50x16384xi32, #tpu.memory_space<hbm>> -> memref<2x128xi32, #tpu.memory_space<hbm>>
      tpu.enqueue_dma source(%dma_start3A_135 : memref<2x128xi32, #tpu.memory_space<hbm>>) target(%dma_start3A_133 : memref<2x128xi32, #tpu.memory_space<vmem>>) target_semaphore(%arg6 : memref<!tpu.dma_semaphore, #tpu.memory_space<semaphore_mem>>)
      %mul3A_136 = arith.constant 8 : i32
      %mul3A_137 = arith.muli %select_n3A, %mul3A_136 : i32
      %add3A_138 = arith.constant 5 : i32
      %add3A_139 = arith.addi %mul3A_137, %add3A_138 : i32
      %mul3A_140 = arith.constant 128 : i32
      %mul3A_141 = arith.muli %add3A_139, %mul3A_140 : i32
      %dma_start3A_142 = arith.constant 5 : i32
      %dma_start3A_143 = arith.constant 0 : i32
      %dma_start3A_144 = arith.constant 0 : i32
      %dma_start3A_145 = tpu.memref_slice %arg5[%dma_start3A_143, %dma_start3A_142, %dma_start3A_144] : memref<2x8x128xi32, #tpu.memory_space<vmem>> -> memref<2x1x128xi32, #tpu.memory_space<vmem>>
      %dma_start3A_146 = tpu.memref_squeeze %dma_start3A_145 : memref<2x1x128xi32, #tpu.memory_space<vmem>> -> memref<2x128xi32, #tpu.memory_space<vmem>>
      %dma_start3A_147 = arith.constant 48 : i32
      %dma_start3A_148 = tpu.memref_slice %arg2[%dma_start3A_147, %mul3A_141] : memref<50x16384xi32, #tpu.memory_space<hbm>> -> memref<2x128xi32, #tpu.memory_space<hbm>>
      %dma_start3A_149 = arith.constant 0 : i32
      %dma_start3A_150 = arith.constant 0 : i32
      %dma_start3A_151 = tpu.memref_slice %arg5[%dma_start3A_149, %dma_start3A_142, %dma_start3A_150] : memref<2x8x128xi32, #tpu.memory_space<vmem>> -> memref<2x1x128xi32, #tpu.memory_space<vmem>>
      %dma_start3A_152 = tpu.memref_squeeze %dma_start3A_151 : memref<2x1x128xi32, #tpu.memory_space<vmem>> -> memref<2x128xi32, #tpu.memory_space<vmem>>
      %dma_start3A_153 = arith.constant 48 : i32
      %dma_start3A_154 = tpu.memref_slice %arg2[%dma_start3A_153, %mul3A_141] : memref<50x16384xi32, #tpu.memory_space<hbm>> -> memref<2x128xi32, #tpu.memory_space<hbm>>
      tpu.enqueue_dma source(%dma_start3A_154 : memref<2x128xi32, #tpu.memory_space<hbm>>) target(%dma_start3A_152 : memref<2x128xi32, #tpu.memory_space<vmem>>) target_semaphore(%arg6 : memref<!tpu.dma_semaphore, #tpu.memory_space<semaphore_mem>>)
      %mul3A_155 = arith.constant 8 : i32
      %mul3A_156 = arith.muli %select_n3A, %mul3A_155 : i32
      %add3A_157 = arith.constant 6 : i32
      %add3A_158 = arith.addi %mul3A_156, %add3A_157 : i32
      %mul3A_159 = arith.constant 128 : i32
      %mul3A_160 = arith.muli %add3A_158, %mul3A_159 : i32
      %dma_start3A_161 = arith.constant 6 : i32
      %dma_start3A_162 = arith.constant 0 : i32
      %dma_start3A_163 = arith.constant 0 : i32
      %dma_start3A_164 = tpu.memref_slice %arg5[%dma_start3A_162, %dma_start3A_161, %dma_start3A_163] : memref<2x8x128xi32, #tpu.memory_space<vmem>> -> memref<2x1x128xi32, #tpu.memory_space<vmem>>
      %dma_start3A_165 = tpu.memref_squeeze %dma_start3A_164 : memref<2x1x128xi32, #tpu.memory_space<vmem>> -> memref<2x128xi32, #tpu.memory_space<vmem>>
      %dma_start3A_166 = arith.constant 48 : i32
      %dma_start3A_167 = tpu.memref_slice %arg2[%dma_start3A_166, %mul3A_160] : memref<50x16384xi32, #tpu.memory_space<hbm>> -> memref<2x128xi32, #tpu.memory_space<hbm>>
      %dma_start3A_168 = arith.constant 0 : i32
      %dma_start3A_169 = arith.constant 0 : i32
      %dma_start3A_170 = tpu.memref_slice %arg5[%dma_start3A_168, %dma_start3A_161, %dma_start3A_169] : memref<2x8x128xi32, #tpu.memory_space<vmem>> -> memref<2x1x128xi32, #tpu.memory_space<vmem>>
      %dma_start3A_171 = tpu.memref_squeeze %dma_start3A_170 : memref<2x1x128xi32, #tpu.memory_space<vmem>> -> memref<2x128xi32, #tpu.memory_space<vmem>>
      %dma_start3A_172 = arith.constant 48 : i32
      %dma_start3A_173 = tpu.memref_slice %arg2[%dma_start3A_172, %mul3A_160] : memref<50x16384xi32, #tpu.memory_space<hbm>> -> memref<2x128xi32, #tpu.memory_space<hbm>>
      tpu.enqueue_dma source(%dma_start3A_173 : memref<2x128xi32, #tpu.memory_space<hbm>>) target(%dma_start3A_171 : memref<2x128xi32, #tpu.memory_space<vmem>>) target_semaphore(%arg6 : memref<!tpu.dma_semaphore, #tpu.memory_space<semaphore_mem>>)
      %mul3A_174 = arith.constant 8 : i32
      %mul3A_175 = arith.muli %select_n3A, %mul3A_174 : i32
      %add3A_176 = arith.constant 7 : i32
      %add3A_177 = arith.addi %mul3A_175, %add3A_176 : i32
      %mul3A_178 = arith.constant 128 : i32
      %mul3A_179 = arith.muli %add3A_177, %mul3A_178 : i32
      %dma_start3A_180 = arith.constant 7 : i32
      %dma_start3A_181 = arith.constant 0 : i32
      %dma_start3A_182 = arith.constant 0 : i32
      %dma_start3A_183 = tpu.memref_slice %arg5[%dma_start3A_181, %dma_start3A_180, %dma_start3A_182] : memref<2x8x128xi32, #tpu.memory_space<vmem>> -> memref<2x1x128xi32, #tpu.memory_space<vmem>>
      %dma_start3A_184 = tpu.memref_squeeze %dma_start3A_183 : memref<2x1x128xi32, #tpu.memory_space<vmem>> -> memref<2x128xi32, #tpu.memory_space<vmem>>
      %dma_start3A_185 = arith.constant 48 : i32
      %dma_start3A_186 = tpu.memref_slice %arg2[%dma_start3A_185, %mul3A_179] : memref<50x16384xi32, #tpu.memory_space<hbm>> -> memref<2x128xi32, #tpu.memory_space<hbm>>
      %dma_start3A_187 = arith.constant 0 : i32
      %dma_start3A_188 = arith.constant 0 : i32
      %dma_start3A_189 = tpu.memref_slice %arg5[%dma_start3A_187, %dma_start3A_180, %dma_start3A_188] : memref<2x8x128xi32, #tpu.memory_space<vmem>> -> memref<2x1x128xi32, #tpu.memory_space<vmem>>
      %dma_start3A_190 = tpu.memref_squeeze %dma_start3A_189 : memref<2x1x128xi32, #tpu.memory_space<vmem>> -> memref<2x128xi32, #tpu.memory_space<vmem>>
      %dma_start3A_191 = arith.constant 48 : i32
      %dma_start3A_192 = tpu.memref_slice %arg2[%dma_start3A_191, %mul3A_179] : memref<50x16384xi32, #tpu.memory_space<hbm>> -> memref<2x128xi32, #tpu.memory_space<hbm>>
      tpu.enqueue_dma source(%dma_start3A_192 : memref<2x128xi32, #tpu.memory_space<hbm>>) target(%dma_start3A_190 : memref<2x128xi32, #tpu.memory_space<vmem>>) target_semaphore(%arg6 : memref<!tpu.dma_semaphore, #tpu.memory_space<semaphore_mem>>)
      %dma_wait3A = arith.constant 0 : i32
      %dma_wait3A_193 = arith.constant 0 : i32
      %dma_wait3A_194 = arith.constant 0 : i32
      %dma_wait3A_195 = tpu.memref_slice %arg5[%dma_wait3A_193, %dma_wait3A, %dma_wait3A_194] : memref<2x8x128xi32, #tpu.memory_space<vmem>> -> memref<2x1x128xi32, #tpu.memory_space<vmem>>
      %dma_wait3A_196 = tpu.memref_squeeze %dma_wait3A_195 : memref<2x1x128xi32, #tpu.memory_space<vmem>> -> memref<2x128xi32, #tpu.memory_space<vmem>>
      %dma_wait3A_197 = arith.constant 0 : i32
      %dma_wait3A_198 = arith.constant 0 : i32
      %dma_wait3A_199 = tpu.memref_slice %arg2[%dma_wait3A_197, %dma_wait3A_198] : memref<50x16384xi32, #tpu.memory_space<hbm>> -> memref<2x128xi32, #tpu.memory_space<hbm>>
      %dma_wait3A_200 = arith.constant 0 : i32
      %dma_wait3A_201 = arith.constant 0 : i32
      %dma_wait3A_202 = tpu.memref_slice %arg5[%dma_wait3A_200, %dma_wait3A, %dma_wait3A_201] : memref<2x8x128xi32, #tpu.memory_space<vmem>> -> memref<2x1x128xi32, #tpu.memory_space<vmem>>
      %dma_wait3A_203 = tpu.memref_squeeze %dma_wait3A_202 : memref<2x1x128xi32, #tpu.memory_space<vmem>> -> memref<2x128xi32, #tpu.memory_space<vmem>>
      %dma_wait3A_204 = arith.constant 0 : i32
      %dma_wait3A_205 = arith.constant 0 : i32
      %dma_wait3A_206 = tpu.memref_slice %arg2[%dma_wait3A_204, %dma_wait3A_205] : memref<50x16384xi32, #tpu.memory_space<hbm>> -> memref<2x128xi32, #tpu.memory_space<hbm>>
      tpu.wait_dma2 semaphore(%arg6 : memref<!tpu.dma_semaphore, #tpu.memory_space<semaphore_mem>>) src(%dma_wait3A_206 : memref<2x128xi32, #tpu.memory_space<hbm>>) dst(%dma_wait3A_203 : memref<2x128xi32, #tpu.memory_space<vmem>>)
      %dma_wait3A_207 = arith.constant 1 : i32
      %dma_wait3A_208 = arith.constant 0 : i32
      %dma_wait3A_209 = arith.constant 0 : i32
      %dma_wait3A_210 = tpu.memref_slice %arg5[%dma_wait3A_208, %dma_wait3A_207, %dma_wait3A_209] : memref<2x8x128xi32, #tpu.memory_space<vmem>> -> memref<2x1x128xi32, #tpu.memory_space<vmem>>
      %dma_wait3A_211 = tpu.memref_squeeze %dma_wait3A_210 : memref<2x1x128xi32, #tpu.memory_space<vmem>> -> memref<2x128xi32, #tpu.memory_space<vmem>>
      %dma_wait3A_212 = arith.constant 0 : i32
      %dma_wait3A_213 = arith.constant 0 : i32
      %dma_wait3A_214 = tpu.memref_slice %arg2[%dma_wait3A_212, %dma_wait3A_213] : memref<50x16384xi32, #tpu.memory_space<hbm>> -> memref<2x128xi32, #tpu.memory_space<hbm>>
      %dma_wait3A_215 = arith.constant 0 : i32
      %dma_wait3A_216 = arith.constant 0 : i32
      %dma_wait3A_217 = tpu.memref_slice %arg5[%dma_wait3A_215, %dma_wait3A_207, %dma_wait3A_216] : memref<2x8x128xi32, #tpu.memory_space<vmem>> -> memref<2x1x128xi32, #tpu.memory_space<vmem>>
      %dma_wait3A_218 = tpu.memref_squeeze %dma_wait3A_217 : memref<2x1x128xi32, #tpu.memory_space<vmem>> -> memref<2x128xi32, #tpu.memory_space<vmem>>
      %dma_wait3A_219 = arith.constant 0 : i32
      %dma_wait3A_220 = arith.constant 0 : i32
      %dma_wait3A_221 = tpu.memref_slice %arg2[%dma_wait3A_219, %dma_wait3A_220] : memref<50x16384xi32, #tpu.memory_space<hbm>> -> memref<2x128xi32, #tpu.memory_space<hbm>>
      tpu.wait_dma2 semaphore(%arg6 : memref<!tpu.dma_semaphore, #tpu.memory_space<semaphore_mem>>) src(%dma_wait3A_221 : memref<2x128xi32, #tpu.memory_space<hbm>>) dst(%dma_wait3A_218 : memref<2x128xi32, #tpu.memory_space<vmem>>)
      %dma_wait3A_222 = arith.constant 2 : i32
      %dma_wait3A_223 = arith.constant 0 : i32
      %dma_wait3A_224 = arith.constant 0 : i32
      %dma_wait3A_225 = tpu.memref_slice %arg5[%dma_wait3A_223, %dma_wait3A_222, %dma_wait3A_224] : memref<2x8x128xi32, #tpu.memory_space<vmem>> -> memref<2x1x128xi32, #tpu.memory_space<vmem>>
      %dma_wait3A_226 = tpu.memref_squeeze %dma_wait3A_225 : memref<2x1x128xi32, #tpu.memory_space<vmem>> -> memref<2x128xi32, #tpu.memory_space<vmem>>
      %dma_wait3A_227 = arith.constant 0 : i32
      %dma_wait3A_228 = arith.constant 0 : i32
      %dma_wait3A_229 = tpu.memref_slice %arg2[%dma_wait3A_227, %dma_wait3A_228] : memref<50x16384xi32, #tpu.memory_space<hbm>> -> memref<2x128xi32, #tpu.memory_space<hbm>>
      %dma_wait3A_230 = arith.constant 0 : i32
      %dma_wait3A_231 = arith.constant 0 : i32
      %dma_wait3A_232 = tpu.memref_slice %arg5[%dma_wait3A_230, %dma_wait3A_222, %dma_wait3A_231] : memref<2x8x128xi32, #tpu.memory_space<vmem>> -> memref<2x1x128xi32, #tpu.memory_space<vmem>>
      %dma_wait3A_233 = tpu.memref_squeeze %dma_wait3A_232 : memref<2x1x128xi32, #tpu.memory_space<vmem>> -> memref<2x128xi32, #tpu.memory_space<vmem>>
      %dma_wait3A_234 = arith.constant 0 : i32
      %dma_wait3A_235 = arith.constant 0 : i32
      %dma_wait3A_236 = tpu.memref_slice %arg2[%dma_wait3A_234, %dma_wait3A_235] : memref<50x16384xi32, #tpu.memory_space<hbm>> -> memref<2x128xi32, #tpu.memory_space<hbm>>
      tpu.wait_dma2 semaphore(%arg6 : memref<!tpu.dma_semaphore, #tpu.memory_space<semaphore_mem>>) src(%dma_wait3A_236 : memref<2x128xi32, #tpu.memory_space<hbm>>) dst(%dma_wait3A_233 : memref<2x128xi32, #tpu.memory_space<vmem>>)
      %dma_wait3A_237 = arith.constant 3 : i32
      %dma_wait3A_238 = arith.constant 0 : i32
      %dma_wait3A_239 = arith.constant 0 : i32
      %dma_wait3A_240 = tpu.memref_slice %arg5[%dma_wait3A_238, %dma_wait3A_237, %dma_wait3A_239] : memref<2x8x128xi32, #tpu.memory_space<vmem>> -> memref<2x1x128xi32, #tpu.memory_space<vmem>>
      %dma_wait3A_241 = tpu.memref_squeeze %dma_wait3A_240 : memref<2x1x128xi32, #tpu.memory_space<vmem>> -> memref<2x128xi32, #tpu.memory_space<vmem>>
      %dma_wait3A_242 = arith.constant 0 : i32
      %dma_wait3A_243 = arith.constant 0 : i32
      %dma_wait3A_244 = tpu.memref_slice %arg2[%dma_wait3A_242, %dma_wait3A_243] : memref<50x16384xi32, #tpu.memory_space<hbm>> -> memref<2x128xi32, #tpu.memory_space<hbm>>
      %dma_wait3A_245 = arith.constant 0 : i32
      %dma_wait3A_246 = arith.constant 0 : i32
      %dma_wait3A_247 = tpu.memref_slice %arg5[%dma_wait3A_245, %dma_wait3A_237, %dma_wait3A_246] : memref<2x8x128xi32, #tpu.memory_space<vmem>> -> memref<2x1x128xi32, #tpu.memory_space<vmem>>
      %dma_wait3A_248 = tpu.memref_squeeze %dma_wait3A_247 : memref<2x1x128xi32, #tpu.memory_space<vmem>> -> memref<2x128xi32, #tpu.memory_space<vmem>>
      %dma_wait3A_249 = arith.constant 0 : i32
      %dma_wait3A_250 = arith.constant 0 : i32
      %dma_wait3A_251 = tpu.memref_slice %arg2[%dma_wait3A_249, %dma_wait3A_250] : memref<50x16384xi32, #tpu.memory_space<hbm>> -> memref<2x128xi32, #tpu.memory_space<hbm>>
      tpu.wait_dma2 semaphore(%arg6 : memref<!tpu.dma_semaphore, #tpu.memory_space<semaphore_mem>>) src(%dma_wait3A_251 : memref<2x128xi32, #tpu.memory_space<hbm>>) dst(%dma_wait3A_248 : memref<2x128xi32, #tpu.memory_space<vmem>>)
      %dma_wait3A_252 = arith.constant 4 : i32
      %dma_wait3A_253 = arith.constant 0 : i32
      %dma_wait3A_254 = arith.constant 0 : i32
      %dma_wait3A_255 = tpu.memref_slice %arg5[%dma_wait3A_253, %dma_wait3A_252, %dma_wait3A_254] : memref<2x8x128xi32, #tpu.memory_space<vmem>> -> memref<2x1x128xi32, #tpu.memory_space<vmem>>
      %dma_wait3A_256 = tpu.memref_squeeze %dma_wait3A_255 : memref<2x1x128xi32, #tpu.memory_space<vmem>> -> memref<2x128xi32, #tpu.memory_space<vmem>>
      %dma_wait3A_257 = arith.constant 0 : i32
      %dma_wait3A_258 = arith.constant 0 : i32
      %dma_wait3A_259 = tpu.memref_slice %arg2[%dma_wait3A_257, %dma_wait3A_258] : memref<50x16384xi32, #tpu.memory_space<hbm>> -> memref<2x128xi32, #tpu.memory_space<hbm>>
      %dma_wait3A_260 = arith.constant 0 : i32
      %dma_wait3A_261 = arith.constant 0 : i32
      %dma_wait3A_262 = tpu.memref_slice %arg5[%dma_wait3A_260, %dma_wait3A_252, %dma_wait3A_261] : memref<2x8x128xi32, #tpu.memory_space<vmem>> -> memref<2x1x128xi32, #tpu.memory_space<vmem>>
      %dma_wait3A_263 = tpu.memref_squeeze %dma_wait3A_262 : memref<2x1x128xi32, #tpu.memory_space<vmem>> -> memref<2x128xi32, #tpu.memory_space<vmem>>
      %dma_wait3A_264 = arith.constant 0 : i32
      %dma_wait3A_265 = arith.constant 0 : i32
      %dma_wait3A_266 = tpu.memref_slice %arg2[%dma_wait3A_264, %dma_wait3A_265] : memref<50x16384xi32, #tpu.memory_space<hbm>> -> memref<2x128xi32, #tpu.memory_space<hbm>>
      tpu.wait_dma2 semaphore(%arg6 : memref<!tpu.dma_semaphore, #tpu.memory_space<semaphore_mem>>) src(%dma_wait3A_266 : memref<2x128xi32, #tpu.memory_space<hbm>>) dst(%dma_wait3A_263 : memref<2x128xi32, #tpu.memory_space<vmem>>)
      %dma_wait3A_267 = arith.constant 5 : i32
      %dma_wait3A_268 = arith.constant 0 : i32
      %dma_wait3A_269 = arith.constant 0 : i32
      %dma_wait3A_270 = tpu.memref_slice %arg5[%dma_wait3A_268, %dma_wait3A_267, %dma_wait3A_269] : memref<2x8x128xi32, #tpu.memory_space<vmem>> -> memref<2x1x128xi32, #tpu.memory_space<vmem>>
      %dma_wait3A_271 = tpu.memref_squeeze %dma_wait3A_270 : memref<2x1x128xi32, #tpu.memory_space<vmem>> -> memref<2x128xi32, #tpu.memory_space<vmem>>
      %dma_wait3A_272 = arith.constant 0 : i32
      %dma_wait3A_273 = arith.constant 0 : i32
      %dma_wait3A_274 = tpu.memref_slice %arg2[%dma_wait3A_272, %dma_wait3A_273] : memref<50x16384xi32, #tpu.memory_space<hbm>> -> memref<2x128xi32, #tpu.memory_space<hbm>>
      %dma_wait3A_275 = arith.constant 0 : i32
      %dma_wait3A_276 = arith.constant 0 : i32
      %dma_wait3A_277 = tpu.memref_slice %arg5[%dma_wait3A_275, %dma_wait3A_267, %dma_wait3A_276] : memref<2x8x128xi32, #tpu.memory_space<vmem>> -> memref<2x1x128xi32, #tpu.memory_space<vmem>>
      %dma_wait3A_278 = tpu.memref_squeeze %dma_wait3A_277 : memref<2x1x128xi32, #tpu.memory_space<vmem>> -> memref<2x128xi32, #tpu.memory_space<vmem>>
      %dma_wait3A_279 = arith.constant 0 : i32
      %dma_wait3A_280 = arith.constant 0 : i32
      %dma_wait3A_281 = tpu.memref_slice %arg2[%dma_wait3A_279, %dma_wait3A_280] : memref<50x16384xi32, #tpu.memory_space<hbm>> -> memref<2x128xi32, #tpu.memory_space<hbm>>
      tpu.wait_dma2 semaphore(%arg6 : memref<!tpu.dma_semaphore, #tpu.memory_space<semaphore_mem>>) src(%dma_wait3A_281 : memref<2x128xi32, #tpu.memory_space<hbm>>) dst(%dma_wait3A_278 : memref<2x128xi32, #tpu.memory_space<vmem>>)
      %dma_wait3A_282 = arith.constant 6 : i32
      %dma_wait3A_283 = arith.constant 0 : i32
      %dma_wait3A_284 = arith.constant 0 : i32
      %dma_wait3A_285 = tpu.memref_slice %arg5[%dma_wait3A_283, %dma_wait3A_282, %dma_wait3A_284] : memref<2x8x128xi32, #tpu.memory_space<vmem>> -> memref<2x1x128xi32, #tpu.memory_space<vmem>>
      %dma_wait3A_286 = tpu.memref_squeeze %dma_wait3A_285 : memref<2x1x128xi32, #tpu.memory_space<vmem>> -> memref<2x128xi32, #tpu.memory_space<vmem>>
      %dma_wait3A_287 = arith.constant 0 : i32
      %dma_wait3A_288 = arith.constant 0 : i32
      %dma_wait3A_289 = tpu.memref_slice %arg2[%dma_wait3A_287, %dma_wait3A_288] : memref<50x16384xi32, #tpu.memory_space<hbm>> -> memref<2x128xi32, #tpu.memory_space<hbm>>
      %dma_wait3A_290 = arith.constant 0 : i32
      %dma_wait3A_291 = arith.constant 0 : i32
      %dma_wait3A_292 = tpu.memref_slice %arg5[%dma_wait3A_290, %dma_wait3A_282, %dma_wait3A_291] : memref<2x8x128xi32, #tpu.memory_space<vmem>> -> memref<2x1x128xi32, #tpu.memory_space<vmem>>
      %dma_wait3A_293 = tpu.memref_squeeze %dma_wait3A_292 : memref<2x1x128xi32, #tpu.memory_space<vmem>> -> memref<2x128xi32, #tpu.memory_space<vmem>>
      %dma_wait3A_294 = arith.constant 0 : i32
      %dma_wait3A_295 = arith.constant 0 : i32
      %dma_wait3A_296 = tpu.memref_slice %arg2[%dma_wait3A_294, %dma_wait3A_295] : memref<50x16384xi32, #tpu.memory_space<hbm>> -> memref<2x128xi32, #tpu.memory_space<hbm>>
      tpu.wait_dma2 semaphore(%arg6 : memref<!tpu.dma_semaphore, #tpu.memory_space<semaphore_mem>>) src(%dma_wait3A_296 : memref<2x128xi32, #tpu.memory_space<hbm>>) dst(%dma_wait3A_293 : memref<2x128xi32, #tpu.memory_space<vmem>>)
      %dma_wait3A_297 = arith.constant 7 : i32
      %dma_wait3A_298 = arith.constant 0 : i32
      %dma_wait3A_299 = arith.constant 0 : i32
      %dma_wait3A_300 = tpu.memref_slice %arg5[%dma_wait3A_298, %dma_wait3A_297, %dma_wait3A_299] : memref<2x8x128xi32, #tpu.memory_space<vmem>> -> memref<2x1x128xi32, #tpu.memory_space<vmem>>
      %dma_wait3A_301 = tpu.memref_squeeze %dma_wait3A_300 : memref<2x1x128xi32, #tpu.memory_space<vmem>> -> memref<2x128xi32, #tpu.memory_space<vmem>>
      %dma_wait3A_302 = arith.constant 0 : i32
      %dma_wait3A_303 = arith.constant 0 : i32
      %dma_wait3A_304 = tpu.memref_slice %arg2[%dma_wait3A_302, %dma_wait3A_303] : memref<50x16384xi32, #tpu.memory_space<hbm>> -> memref<2x128xi32, #tpu.memory_space<hbm>>
      %dma_wait3A_305 = arith.constant 0 : i32
      %dma_wait3A_306 = arith.constant 0 : i32
      %dma_wait3A_307 = tpu.memref_slice %arg5[%dma_wait3A_305, %dma_wait3A_297, %dma_wait3A_306] : memref<2x8x128xi32, #tpu.memory_space<vmem>> -> memref<2x1x128xi32, #tpu.memory_space<vmem>>
      %dma_wait3A_308 = tpu.memref_squeeze %dma_wait3A_307 : memref<2x1x128xi32, #tpu.memory_space<vmem>> -> memref<2x128xi32, #tpu.memory_space<vmem>>
      %dma_wait3A_309 = arith.constant 0 : i32
      %dma_wait3A_310 = arith.constant 0 : i32
      %dma_wait3A_311 = tpu.memref_slice %arg2[%dma_wait3A_309, %dma_wait3A_310] : memref<50x16384xi32, #tpu.memory_space<hbm>> -> memref<2x128xi32, #tpu.memory_space<hbm>>
      tpu.wait_dma2 semaphore(%arg6 : memref<!tpu.dma_semaphore, #tpu.memory_space<semaphore_mem>>) src(%dma_wait3A_311 : memref<2x128xi32, #tpu.memory_space<hbm>>) dst(%dma_wait3A_308 : memref<2x128xi32, #tpu.memory_space<vmem>>)
      %mul3A_312 = arith.constant 8 : i32
      %mul3A_313 = arith.muli %select_n3A, %mul3A_312 : i32
      "tpu.region"() ({
        %run_scoped3A = tpu.sem_alloc : memref<!tpu.dma_semaphore, #tpu.memory_space<semaphore_mem>>
        %dma_start3A_314 = arith.constant 48 : i32
        %dma_start3A_315 = arith.constant 0 : i32
        %dma_start3A_316 = tpu.memref_slice %arg3[%dma_start3A_314, %mul3A_313, %dma_start3A_315] : memref<50x128x128xi32, #tpu.memory_space<hbm>> -> memref<2x8x128xi32, #tpu.memory_space<hbm>>
        %dma_start3A_317 = arith.constant 48 : i32
        %dma_start3A_318 = arith.constant 0 : i32
        %dma_start3A_319 = tpu.memref_slice %arg3[%dma_start3A_317, %mul3A_313, %dma_start3A_318] : memref<50x128x128xi32, #tpu.memory_space<hbm>> -> memref<2x8x128xi32, #tpu.memory_space<hbm>>
        tpu.enqueue_dma source(%arg5 : memref<2x8x128xi32, #tpu.memory_space<vmem>>) target(%dma_start3A_319 : memref<2x8x128xi32, #tpu.memory_space<hbm>>) target_semaphore(%run_scoped3A : memref<!tpu.dma_semaphore, #tpu.memory_space<semaphore_mem>>)
        %dma_wait3A_320 = arith.constant 48 : i32
        %dma_wait3A_321 = arith.constant 0 : i32
        %dma_wait3A_322 = tpu.memref_slice %arg3[%dma_wait3A_320, %mul3A_313, %dma_wait3A_321] : memref<50x128x128xi32, #tpu.memory_space<hbm>> -> memref<2x8x128xi32, #tpu.memory_space<hbm>>
        %dma_wait3A_323 = arith.constant 48 : i32
        %dma_wait3A_324 = arith.constant 0 : i32
        %dma_wait3A_325 = tpu.memref_slice %arg3[%dma_wait3A_323, %mul3A_313, %dma_wait3A_324] : memref<50x128x128xi32, #tpu.memory_space<hbm>> -> memref<2x8x128xi32, #tpu.memory_space<hbm>>
        tpu.wait_dma2 semaphore(%run_scoped3A : memref<!tpu.dma_semaphore, #tpu.memory_space<semaphore_mem>>) src(%arg5 : memref<2x8x128xi32, #tpu.memory_space<vmem>>) dst(%dma_wait3A_325 : memref<2x8x128xi32, #tpu.memory_space<hbm>>)
        tpu.yield
      }) : () -> ()
    } else {
    }
    return
  }
}

#map = affine_map<(d0, d1) -> (0)>
#map1 = affine_map<(d0, d1) -> (0, 0)>
#map2 = affine_map<(d0, d1) -> (0, 0, 0, 0, 0)>
module attributes {stable_mosaic.version = 14 : i64} {
  func.func @_emb_kernel(%arg0: i32, %arg1: i32, %arg2: memref<819200xi32, #tpu.memory_space<hbm>>, %arg3: memref<1000000x32xf32, #tpu.memory_space<hbm>>, %arg4: memref<50x4x128x8x128xf32, #tpu.memory_space<hbm>>, %arg5: memref<25600xi32, #tpu.memory_space<vmem>>, %arg6: memref<128x32xf32, #tpu.memory_space<vmem>>, %arg7: memref<128x32xf32, #tpu.memory_space<vmem>>, %arg8: memref<128x32xf32, #tpu.memory_space<vmem>>, %arg9: memref<128x32xf32, #tpu.memory_space<vmem>>, %arg10: memref<32x128xf32, #tpu.memory_space<vmem>>, %arg11: memref<32x128xf32, #tpu.memory_space<vmem>>, %arg12: memref<32x128xf32, #tpu.memory_space<vmem>>, %arg13: memref<32x128xf32, #tpu.memory_space<vmem>>, %arg14: memref<!tpu.dma_semaphore, #tpu.memory_space<semaphore_mem>>, %arg15: memref<!tpu.dma_semaphore, #tpu.memory_space<semaphore_mem>>, %arg16: memref<!tpu.dma_semaphore, #tpu.memory_space<semaphore_mem>>, %arg17: memref<!tpu.dma_semaphore, #tpu.memory_space<semaphore_mem>>, %arg18: memref<!tpu.dma_semaphore, #tpu.memory_space<semaphore_mem>>, %arg19: memref<!tpu.dma_semaphore, #tpu.memory_space<semaphore_mem>>, %arg20: memref<!tpu.dma_semaphore, #tpu.memory_space<semaphore_mem>>, %arg21: memref<!tpu.dma_semaphore, #tpu.memory_space<semaphore_mem>>) attributes {dimension_semantics = [#tpu.dimension_semantics<core_parallel>, #tpu.dimension_semantics<subcore_parallel>], iteration_bounds = array<i64: 2, 16>, scalar_prefetch = 0 : i64, scratch_operands = 17 : i64, tpu.core_type = #tpu.core_type<sc_vector_subcore>, window_params = [{transform_indices = #map}, {transform_indices = #map1}, {transform_indices = #map2}]} {
    %mul3A = arith.constant 2 : i32
    %mul3A_0 = arith.muli %arg1, %mul3A : i32
    %add3A = arith.addi %mul3A_0, %arg0 : i32
    %mul3A_1 = arith.constant 200 : i32
    %mul3A_2 = arith.muli %add3A, %mul3A_1 : i32
    %mul3A_3 = arith.constant 128 : i32
    %mul3A_4 = arith.muli %mul3A_2, %mul3A_3 : i32
    "tpu.region"() ({
      %run_scoped3A = tpu.sem_alloc : memref<!tpu.dma_semaphore, #tpu.memory_space<semaphore_mem>>
      %dma_start3A_320 = tpu.memref_slice %arg2[%mul3A_4] : memref<819200xi32, #tpu.memory_space<hbm>> -> memref<25600xi32, #tpu.memory_space<hbm>>
      %dma_start3A_321 = tpu.memref_slice %arg2[%mul3A_4] : memref<819200xi32, #tpu.memory_space<hbm>> -> memref<25600xi32, #tpu.memory_space<hbm>>
      tpu.enqueue_dma source(%dma_start3A_321 : memref<25600xi32, #tpu.memory_space<hbm>>) target(%arg5 : memref<25600xi32, #tpu.memory_space<vmem>>) target_semaphore(%run_scoped3A : memref<!tpu.dma_semaphore, #tpu.memory_space<semaphore_mem>>)
      %dma_wait3A_322 = tpu.memref_slice %arg2[%mul3A_4] : memref<819200xi32, #tpu.memory_space<hbm>> -> memref<25600xi32, #tpu.memory_space<hbm>>
      %dma_wait3A_323 = tpu.memref_slice %arg2[%mul3A_4] : memref<819200xi32, #tpu.memory_space<hbm>> -> memref<25600xi32, #tpu.memory_space<hbm>>
      tpu.wait_dma2 semaphore(%run_scoped3A : memref<!tpu.dma_semaphore, #tpu.memory_space<semaphore_mem>>) src(%dma_wait3A_323 : memref<25600xi32, #tpu.memory_space<hbm>>) dst(%arg5 : memref<25600xi32, #tpu.memory_space<vmem>>)
      tpu.yield
    }) : () -> ()
    %iota3A = tpu.iota {dimensions = array<i32: 0>} : vector<16xi32>
    %add3A_5 = arith.constant 0 : i32
    %add3A_6 = vector.broadcast %add3A_5 : i32 to vector<16xi32>
    %add3A_7 = arith.addi %add3A_6, %iota3A : vector<16xi32>
    %add3A_8 = arith.constant 16 : i32
    %add3A_9 = vector.broadcast %add3A_8 : i32 to vector<16xi32>
    %add3A_10 = arith.addi %add3A_9, %iota3A : vector<16xi32>
    %add3A_11 = arith.constant 32 : i32
    %add3A_12 = vector.broadcast %add3A_11 : i32 to vector<16xi32>
    %add3A_13 = arith.addi %add3A_12, %iota3A : vector<16xi32>
    %add3A_14 = arith.constant 48 : i32
    %add3A_15 = vector.broadcast %add3A_14 : i32 to vector<16xi32>
    %add3A_16 = arith.addi %add3A_15, %iota3A : vector<16xi32>
    %add3A_17 = arith.constant 64 : i32
    %add3A_18 = vector.broadcast %add3A_17 : i32 to vector<16xi32>
    %add3A_19 = arith.addi %add3A_18, %iota3A : vector<16xi32>
    %add3A_20 = arith.constant 80 : i32
    %add3A_21 = vector.broadcast %add3A_20 : i32 to vector<16xi32>
    %add3A_22 = arith.addi %add3A_21, %iota3A : vector<16xi32>
    %add3A_23 = arith.constant 96 : i32
    %add3A_24 = vector.broadcast %add3A_23 : i32 to vector<16xi32>
    %add3A_25 = arith.addi %add3A_24, %iota3A : vector<16xi32>
    %add3A_26 = arith.constant 112 : i32
    %add3A_27 = vector.broadcast %add3A_26 : i32 to vector<16xi32>
    %add3A_28 = arith.addi %add3A_27, %iota3A : vector<16xi32>
    %dma_start3A = arith.constant 0 : i32
    %dma_start3A_29 = tpu.memref_slice %arg5[%dma_start3A] : memref<25600xi32, #tpu.memory_space<vmem>> -> memref<128xi32, #tpu.memory_space<vmem>>
    %dma_start3A_30 = arith.constant 0 : i32
    %dma_start3A_31 = arith.constant 0 : i32
    %dma_start3A_32 = tpu.memref_slice %arg3[%dma_start3A_30, %dma_start3A_31] : memref<1000000x32xf32, #tpu.memory_space<hbm>> -> memref<1000000x32xf32, #tpu.memory_space<hbm>>
    tpu.enqueue_indirect_dma source(%dma_start3A_32 : memref<1000000x32xf32, #tpu.memory_space<hbm>>) target(%arg6 : memref<128x32xf32, #tpu.memory_space<vmem>>) offsets(%dma_start3A_29 : memref<128xi32, #tpu.memory_space<vmem>>) semaphore(%arg14 : memref<!tpu.dma_semaphore, #tpu.memory_space<semaphore_mem>>)
    %dma_start3A_33 = arith.constant 128 : i32
    %dma_start3A_34 = tpu.memref_slice %arg5[%dma_start3A_33] : memref<25600xi32, #tpu.memory_space<vmem>> -> memref<128xi32, #tpu.memory_space<vmem>>
    %dma_start3A_35 = arith.constant 0 : i32
    %dma_start3A_36 = arith.constant 0 : i32
    %dma_start3A_37 = tpu.memref_slice %arg3[%dma_start3A_35, %dma_start3A_36] : memref<1000000x32xf32, #tpu.memory_space<hbm>> -> memref<1000000x32xf32, #tpu.memory_space<hbm>>
    tpu.enqueue_indirect_dma source(%dma_start3A_37 : memref<1000000x32xf32, #tpu.memory_space<hbm>>) target(%arg7 : memref<128x32xf32, #tpu.memory_space<vmem>>) offsets(%dma_start3A_34 : memref<128xi32, #tpu.memory_space<vmem>>) semaphore(%arg15 : memref<!tpu.dma_semaphore, #tpu.memory_space<semaphore_mem>>)
    %dma_start3A_38 = arith.constant 256 : i32
    %dma_start3A_39 = tpu.memref_slice %arg5[%dma_start3A_38] : memref<25600xi32, #tpu.memory_space<vmem>> -> memref<128xi32, #tpu.memory_space<vmem>>
    %dma_start3A_40 = arith.constant 0 : i32
    %dma_start3A_41 = arith.constant 0 : i32
    %dma_start3A_42 = tpu.memref_slice %arg3[%dma_start3A_40, %dma_start3A_41] : memref<1000000x32xf32, #tpu.memory_space<hbm>> -> memref<1000000x32xf32, #tpu.memory_space<hbm>>
    tpu.enqueue_indirect_dma source(%dma_start3A_42 : memref<1000000x32xf32, #tpu.memory_space<hbm>>) target(%arg8 : memref<128x32xf32, #tpu.memory_space<vmem>>) offsets(%dma_start3A_39 : memref<128xi32, #tpu.memory_space<vmem>>) semaphore(%arg16 : memref<!tpu.dma_semaphore, #tpu.memory_space<semaphore_mem>>)
    %scan3A = arith.constant 0 : i32
    %scan3A_43 = arith.constant 0 : i32
    %scan3A_44 = arith.constant 50 : i32
    %scan3A_45 = arith.addi %scan3A_43, %scan3A_44 : i32
    %scan3A_46 = arith.constant 1 : i32
    %scan3A_47 = scf.for %scan3A_320 = %scan3A_43 to %scan3A_45 step %scan3A_46 iter_args(%scan3A_321 = %scan3A) -> (i32)  : i32 {
      %mul3A_322 = arith.constant 4 : i32
      %mul3A_323 = arith.muli %scan3A_320, %mul3A_322 : i32
      %add3A_324 = arith.constant 0 : i32
      %add3A_325 = arith.addi %mul3A_323, %add3A_324 : i32
      %dma_wait3A_326 = arith.constant 0 : i32
      %dma_wait3A_327 = tpu.memref_slice %arg5[%dma_wait3A_326] : memref<25600xi32, #tpu.memory_space<vmem>> -> memref<128xi32, #tpu.memory_space<vmem>>
      %dma_wait3A_328 = arith.constant 0 : i32
      %dma_wait3A_329 = arith.constant 0 : i32
      %dma_wait3A_330 = tpu.memref_slice %arg3[%dma_wait3A_328, %dma_wait3A_329] : memref<1000000x32xf32, #tpu.memory_space<hbm>> -> memref<1000000x32xf32, #tpu.memory_space<hbm>>
      tpu.wait_indirect_dma semaphore(%arg14 : memref<!tpu.dma_semaphore, #tpu.memory_space<semaphore_mem>>) src(%dma_wait3A_330 : memref<1000000x32xf32, #tpu.memory_space<hbm>>) dst(%arg6 : memref<128x32xf32, #tpu.memory_space<vmem>>)
      %parallel_loop3A = arith.constant 0 : i32
      %parallel_loop3A_331 = arith.constant 32 : i32
      %parallel_loop3A_332 = arith.constant 1 : i32
      scf.for %parallel_loop3A_660 = %parallel_loop3A to %parallel_loop3A_331 step %parallel_loop3A_332  : i32 {
        %parallel_loop3A_661 = vector.broadcast %parallel_loop3A_660 : i32 to vector<16xi32>
        %parallel_loop3A_662 = tpu.vector_load_idx %arg6[%add3A_7, %parallel_loop3A_661] : memref<128x32xf32, #tpu.memory_space<vmem>>[vector<16xi32>, vector<16xi32>], vector<16xf32>,
        %parallel_loop3A_663 = arith.constant 5.65685415 : f32
        %parallel_loop3A_664 = vector.broadcast %parallel_loop3A_663 : f32 to vector<16xf32>
        %parallel_loop3A_665 = arith.mulf %parallel_loop3A_662, %parallel_loop3A_664 : vector<16xf32>
        %parallel_loop3A_666 = arith.index_cast %parallel_loop3A_660 : i32 to index
        %parallel_loop3A_667 = arith.constant 0 : index
        %parallel_loop3A_668 = tpu.vector_load %arg10[%parallel_loop3A_666, %parallel_loop3A_667] {strides = array<i32>} : memref<32x128xf32, #tpu.memory_space<vmem>>, vector<16xf32>,
        tpu.vector_store %arg10[%parallel_loop3A_666, %parallel_loop3A_667], %parallel_loop3A_665 {strides = array<i32>} : memref<32x128xf32, #tpu.memory_space<vmem>>, vector<16xf32>,
        %parallel_loop3A_669 = tpu.vector_load_idx %arg6[%add3A_10, %parallel_loop3A_661] : memref<128x32xf32, #tpu.memory_space<vmem>>[vector<16xi32>, vector<16xi32>], vector<16xf32>,
        %parallel_loop3A_670 = arith.constant 5.65685415 : f32
        %parallel_loop3A_671 = vector.broadcast %parallel_loop3A_670 : f32 to vector<16xf32>
        %parallel_loop3A_672 = arith.mulf %parallel_loop3A_669, %parallel_loop3A_671 : vector<16xf32>
        %parallel_loop3A_673 = arith.index_cast %parallel_loop3A_660 : i32 to index
        %parallel_loop3A_674 = arith.constant 16 : index
        %parallel_loop3A_675 = tpu.vector_load %arg10[%parallel_loop3A_673, %parallel_loop3A_674] {strides = array<i32>} : memref<32x128xf32, #tpu.memory_space<vmem>>, vector<16xf32>,
        tpu.vector_store %arg10[%parallel_loop3A_673, %parallel_loop3A_674], %parallel_loop3A_672 {strides = array<i32>} : memref<32x128xf32, #tpu.memory_space<vmem>>, vector<16xf32>,
        %parallel_loop3A_676 = tpu.vector_load_idx %arg6[%add3A_13, %parallel_loop3A_661] : memref<128x32xf32, #tpu.memory_space<vmem>>[vector<16xi32>, vector<16xi32>], vector<16xf32>,
        %parallel_loop3A_677 = arith.constant 5.65685415 : f32
        %parallel_loop3A_678 = vector.broadcast %parallel_loop3A_677 : f32 to vector<16xf32>
        %parallel_loop3A_679 = arith.mulf %parallel_loop3A_676, %parallel_loop3A_678 : vector<16xf32>
        %parallel_loop3A_680 = arith.index_cast %parallel_loop3A_660 : i32 to index
        %parallel_loop3A_681 = arith.constant 32 : index
        %parallel_loop3A_682 = tpu.vector_load %arg10[%parallel_loop3A_680, %parallel_loop3A_681] {strides = array<i32>} : memref<32x128xf32, #tpu.memory_space<vmem>>, vector<16xf32>,
        tpu.vector_store %arg10[%parallel_loop3A_680, %parallel_loop3A_681], %parallel_loop3A_679 {strides = array<i32>} : memref<32x128xf32, #tpu.memory_space<vmem>>, vector<16xf32>,
        %parallel_loop3A_683 = tpu.vector_load_idx %arg6[%add3A_16, %parallel_loop3A_661] : memref<128x32xf32, #tpu.memory_space<vmem>>[vector<16xi32>, vector<16xi32>], vector<16xf32>,
        %parallel_loop3A_684 = arith.constant 5.65685415 : f32
        %parallel_loop3A_685 = vector.broadcast %parallel_loop3A_684 : f32 to vector<16xf32>
        %parallel_loop3A_686 = arith.mulf %parallel_loop3A_683, %parallel_loop3A_685 : vector<16xf32>
        %parallel_loop3A_687 = arith.index_cast %parallel_loop3A_660 : i32 to index
        %parallel_loop3A_688 = arith.constant 48 : index
        %parallel_loop3A_689 = tpu.vector_load %arg10[%parallel_loop3A_687, %parallel_loop3A_688] {strides = array<i32>} : memref<32x128xf32, #tpu.memory_space<vmem>>, vector<16xf32>,
        tpu.vector_store %arg10[%parallel_loop3A_687, %parallel_loop3A_688], %parallel_loop3A_686 {strides = array<i32>} : memref<32x128xf32, #tpu.memory_space<vmem>>, vector<16xf32>,
        %parallel_loop3A_690 = tpu.vector_load_idx %arg6[%add3A_19, %parallel_loop3A_661] : memref<128x32xf32, #tpu.memory_space<vmem>>[vector<16xi32>, vector<16xi32>], vector<16xf32>,
        %parallel_loop3A_691 = arith.constant 5.65685415 : f32
        %parallel_loop3A_692 = vector.broadcast %parallel_loop3A_691 : f32 to vector<16xf32>
        %parallel_loop3A_693 = arith.mulf %parallel_loop3A_690, %parallel_loop3A_692 : vector<16xf32>
        %parallel_loop3A_694 = arith.index_cast %parallel_loop3A_660 : i32 to index
        %parallel_loop3A_695 = arith.constant 64 : index
        %parallel_loop3A_696 = tpu.vector_load %arg10[%parallel_loop3A_694, %parallel_loop3A_695] {strides = array<i32>} : memref<32x128xf32, #tpu.memory_space<vmem>>, vector<16xf32>,
        tpu.vector_store %arg10[%parallel_loop3A_694, %parallel_loop3A_695], %parallel_loop3A_693 {strides = array<i32>} : memref<32x128xf32, #tpu.memory_space<vmem>>, vector<16xf32>,
        %parallel_loop3A_697 = tpu.vector_load_idx %arg6[%add3A_22, %parallel_loop3A_661] : memref<128x32xf32, #tpu.memory_space<vmem>>[vector<16xi32>, vector<16xi32>], vector<16xf32>,
        %parallel_loop3A_698 = arith.constant 5.65685415 : f32
        %parallel_loop3A_699 = vector.broadcast %parallel_loop3A_698 : f32 to vector<16xf32>
        %parallel_loop3A_700 = arith.mulf %parallel_loop3A_697, %parallel_loop3A_699 : vector<16xf32>
        %parallel_loop3A_701 = arith.index_cast %parallel_loop3A_660 : i32 to index
        %parallel_loop3A_702 = arith.constant 80 : index
        %parallel_loop3A_703 = tpu.vector_load %arg10[%parallel_loop3A_701, %parallel_loop3A_702] {strides = array<i32>} : memref<32x128xf32, #tpu.memory_space<vmem>>, vector<16xf32>,
        tpu.vector_store %arg10[%parallel_loop3A_701, %parallel_loop3A_702], %parallel_loop3A_700 {strides = array<i32>} : memref<32x128xf32, #tpu.memory_space<vmem>>, vector<16xf32>,
        %parallel_loop3A_704 = tpu.vector_load_idx %arg6[%add3A_25, %parallel_loop3A_661] : memref<128x32xf32, #tpu.memory_space<vmem>>[vector<16xi32>, vector<16xi32>], vector<16xf32>,
        %parallel_loop3A_705 = arith.constant 5.65685415 : f32
        %parallel_loop3A_706 = vector.broadcast %parallel_loop3A_705 : f32 to vector<16xf32>
        %parallel_loop3A_707 = arith.mulf %parallel_loop3A_704, %parallel_loop3A_706 : vector<16xf32>
        %parallel_loop3A_708 = arith.index_cast %parallel_loop3A_660 : i32 to index
        %parallel_loop3A_709 = arith.constant 96 : index
        %parallel_loop3A_710 = tpu.vector_load %arg10[%parallel_loop3A_708, %parallel_loop3A_709] {strides = array<i32>} : memref<32x128xf32, #tpu.memory_space<vmem>>, vector<16xf32>,
        tpu.vector_store %arg10[%parallel_loop3A_708, %parallel_loop3A_709], %parallel_loop3A_707 {strides = array<i32>} : memref<32x128xf32, #tpu.memory_space<vmem>>, vector<16xf32>,
        %parallel_loop3A_711 = tpu.vector_load_idx %arg6[%add3A_28, %parallel_loop3A_661] : memref<128x32xf32, #tpu.memory_space<vmem>>[vector<16xi32>, vector<16xi32>], vector<16xf32>,
        %parallel_loop3A_712 = arith.constant 5.65685415 : f32
        %parallel_loop3A_713 = vector.broadcast %parallel_loop3A_712 : f32 to vector<16xf32>
        %parallel_loop3A_714 = arith.mulf %parallel_loop3A_711, %parallel_loop3A_713 : vector<16xf32>
        %parallel_loop3A_715 = arith.index_cast %parallel_loop3A_660 : i32 to index
        %parallel_loop3A_716 = arith.constant 112 : index
        %parallel_loop3A_717 = tpu.vector_load %arg10[%parallel_loop3A_715, %parallel_loop3A_716] {strides = array<i32>} : memref<32x128xf32, #tpu.memory_space<vmem>>, vector<16xf32>,
        tpu.vector_store %arg10[%parallel_loop3A_715, %parallel_loop3A_716], %parallel_loop3A_714 {strides = array<i32>} : memref<32x128xf32, #tpu.memory_space<vmem>>, vector<16xf32>,
      } {sc.loop_unroll_factor = 4 : i64, sc.parallel_access}
      %add3A_333 = arith.addi %mul3A_2, %add3A_325 : i32
      %shift_right_arithmetic3A = arith.constant 7 : i32
      %shift_right_arithmetic3A_334 = arith.shrsi %add3A_333, %shift_right_arithmetic3A : i32
      %and3A = arith.constant 127 : i32
      %and3A_335 = arith.andi %add3A_333, %and3A : i32
      %dma_start3A_336 = arith.constant 0 : i32
      %dma_start3A_337 = arith.constant 0 : i32
      %dma_start3A_338 = arith.constant 0 : i32
      %dma_start3A_339 = tpu.memref_slice %arg10[%dma_start3A_337, %dma_start3A_338] : memref<32x128xf32, #tpu.memory_space<vmem>> -> memref<8x128xf32, #tpu.memory_space<vmem>>
      %dma_start3A_340 = arith.constant 0 : i32
      %dma_start3A_341 = arith.constant 0 : i32
      %dma_start3A_342 = tpu.memref_slice %arg4[%shift_right_arithmetic3A_334, %dma_start3A_336, %and3A_335, %dma_start3A_340, %dma_start3A_341] : memref<50x4x128x8x128xf32, #tpu.memory_space<hbm>> -> memref<1x1x1x8x128xf32, #tpu.memory_space<hbm>>
      %dma_start3A_343 = tpu.memref_squeeze %dma_start3A_342 : memref<1x1x1x8x128xf32, #tpu.memory_space<hbm>> -> memref<8x128xf32, #tpu.memory_space<hbm>>
      %dma_start3A_344 = arith.constant 0 : i32
      %dma_start3A_345 = arith.constant 0 : i32
      %dma_start3A_346 = tpu.memref_slice %arg4[%shift_right_arithmetic3A_334, %dma_start3A_336, %and3A_335, %dma_start3A_344, %dma_start3A_345] : memref<50x4x128x8x128xf32, #tpu.memory_space<hbm>> -> memref<1x1x1x8x128xf32, #tpu.memory_space<hbm>>
      %dma_start3A_347 = tpu.memref_squeeze %dma_start3A_346 : memref<1x1x1x8x128xf32, #tpu.memory_space<hbm>> -> memref<8x128xf32, #tpu.memory_space<hbm>>
      %dma_start3A_348 = arith.constant 0 : i32
      %dma_start3A_349 = arith.constant 0 : i32
      %dma_start3A_350 = tpu.memref_slice %arg10[%dma_start3A_348, %dma_start3A_349] : memref<32x128xf32, #tpu.memory_space<vmem>> -> memref<8x128xf32, #tpu.memory_space<vmem>>
      tpu.enqueue_dma source(%dma_start3A_350 : memref<8x128xf32, #tpu.memory_space<vmem>>) target(%dma_start3A_347 : memref<8x128xf32, #tpu.memory_space<hbm>>) target_semaphore(%arg18 : memref<!tpu.dma_semaphore, #tpu.memory_space<semaphore_mem>>)
      %dma_start3A_351 = arith.constant 1 : i32
      %dma_start3A_352 = arith.constant 8 : i32
      %dma_start3A_353 = arith.constant 0 : i32
      %dma_start3A_354 = tpu.memref_slice %arg10[%dma_start3A_352, %dma_start3A_353] : memref<32x128xf32, #tpu.memory_space<vmem>> -> memref<8x128xf32, #tpu.memory_space<vmem>>
      %dma_start3A_355 = arith.constant 0 : i32
      %dma_start3A_356 = arith.constant 0 : i32
      %dma_start3A_357 = tpu.memref_slice %arg4[%shift_right_arithmetic3A_334, %dma_start3A_351, %and3A_335, %dma_start3A_355, %dma_start3A_356] : memref<50x4x128x8x128xf32, #tpu.memory_space<hbm>> -> memref<1x1x1x8x128xf32, #tpu.memory_space<hbm>>
      %dma_start3A_358 = tpu.memref_squeeze %dma_start3A_357 : memref<1x1x1x8x128xf32, #tpu.memory_space<hbm>> -> memref<8x128xf32, #tpu.memory_space<hbm>>
      %dma_start3A_359 = arith.constant 0 : i32
      %dma_start3A_360 = arith.constant 0 : i32
      %dma_start3A_361 = tpu.memref_slice %arg4[%shift_right_arithmetic3A_334, %dma_start3A_351, %and3A_335, %dma_start3A_359, %dma_start3A_360] : memref<50x4x128x8x128xf32, #tpu.memory_space<hbm>> -> memref<1x1x1x8x128xf32, #tpu.memory_space<hbm>>
      %dma_start3A_362 = tpu.memref_squeeze %dma_start3A_361 : memref<1x1x1x8x128xf32, #tpu.memory_space<hbm>> -> memref<8x128xf32, #tpu.memory_space<hbm>>
      %dma_start3A_363 = arith.constant 8 : i32
      %dma_start3A_364 = arith.constant 0 : i32
      %dma_start3A_365 = tpu.memref_slice %arg10[%dma_start3A_363, %dma_start3A_364] : memref<32x128xf32, #tpu.memory_space<vmem>> -> memref<8x128xf32, #tpu.memory_space<vmem>>
      tpu.enqueue_dma source(%dma_start3A_365 : memref<8x128xf32, #tpu.memory_space<vmem>>) target(%dma_start3A_362 : memref<8x128xf32, #tpu.memory_space<hbm>>) target_semaphore(%arg18 : memref<!tpu.dma_semaphore, #tpu.memory_space<semaphore_mem>>)
      %dma_start3A_366 = arith.constant 2 : i32
      %dma_start3A_367 = arith.constant 16 : i32
      %dma_start3A_368 = arith.constant 0 : i32
      %dma_start3A_369 = tpu.memref_slice %arg10[%dma_start3A_367, %dma_start3A_368] : memref<32x128xf32, #tpu.memory_space<vmem>> -> memref<8x128xf32, #tpu.memory_space<vmem>>
      %dma_start3A_370 = arith.constant 0 : i32
      %dma_start3A_371 = arith.constant 0 : i32
      %dma_start3A_372 = tpu.memref_slice %arg4[%shift_right_arithmetic3A_334, %dma_start3A_366, %and3A_335, %dma_start3A_370, %dma_start3A_371] : memref<50x4x128x8x128xf32, #tpu.memory_space<hbm>> -> memref<1x1x1x8x128xf32, #tpu.memory_space<hbm>>
      %dma_start3A_373 = tpu.memref_squeeze %dma_start3A_372 : memref<1x1x1x8x128xf32, #tpu.memory_space<hbm>> -> memref<8x128xf32, #tpu.memory_space<hbm>>
      %dma_start3A_374 = arith.constant 0 : i32
      %dma_start3A_375 = arith.constant 0 : i32
      %dma_start3A_376 = tpu.memref_slice %arg4[%shift_right_arithmetic3A_334, %dma_start3A_366, %and3A_335, %dma_start3A_374, %dma_start3A_375] : memref<50x4x128x8x128xf32, #tpu.memory_space<hbm>> -> memref<1x1x1x8x128xf32, #tpu.memory_space<hbm>>
      %dma_start3A_377 = tpu.memref_squeeze %dma_start3A_376 : memref<1x1x1x8x128xf32, #tpu.memory_space<hbm>> -> memref<8x128xf32, #tpu.memory_space<hbm>>
      %dma_start3A_378 = arith.constant 16 : i32
      %dma_start3A_379 = arith.constant 0 : i32
      %dma_start3A_380 = tpu.memref_slice %arg10[%dma_start3A_378, %dma_start3A_379] : memref<32x128xf32, #tpu.memory_space<vmem>> -> memref<8x128xf32, #tpu.memory_space<vmem>>
      tpu.enqueue_dma source(%dma_start3A_380 : memref<8x128xf32, #tpu.memory_space<vmem>>) target(%dma_start3A_377 : memref<8x128xf32, #tpu.memory_space<hbm>>) target_semaphore(%arg18 : memref<!tpu.dma_semaphore, #tpu.memory_space<semaphore_mem>>)
      %dma_start3A_381 = arith.constant 3 : i32
      %dma_start3A_382 = arith.constant 24 : i32
      %dma_start3A_383 = arith.constant 0 : i32
      %dma_start3A_384 = tpu.memref_slice %arg10[%dma_start3A_382, %dma_start3A_383] : memref<32x128xf32, #tpu.memory_space<vmem>> -> memref<8x128xf32, #tpu.memory_space<vmem>>
      %dma_start3A_385 = arith.constant 0 : i32
      %dma_start3A_386 = arith.constant 0 : i32
      %dma_start3A_387 = tpu.memref_slice %arg4[%shift_right_arithmetic3A_334, %dma_start3A_381, %and3A_335, %dma_start3A_385, %dma_start3A_386] : memref<50x4x128x8x128xf32, #tpu.memory_space<hbm>> -> memref<1x1x1x8x128xf32, #tpu.memory_space<hbm>>
      %dma_start3A_388 = tpu.memref_squeeze %dma_start3A_387 : memref<1x1x1x8x128xf32, #tpu.memory_space<hbm>> -> memref<8x128xf32, #tpu.memory_space<hbm>>
      %dma_start3A_389 = arith.constant 0 : i32
      %dma_start3A_390 = arith.constant 0 : i32
      %dma_start3A_391 = tpu.memref_slice %arg4[%shift_right_arithmetic3A_334, %dma_start3A_381, %and3A_335, %dma_start3A_389, %dma_start3A_390] : memref<50x4x128x8x128xf32, #tpu.memory_space<hbm>> -> memref<1x1x1x8x128xf32, #tpu.memory_space<hbm>>
      %dma_start3A_392 = tpu.memref_squeeze %dma_start3A_391 : memref<1x1x1x8x128xf32, #tpu.memory_space<hbm>> -> memref<8x128xf32, #tpu.memory_space<hbm>>
      %dma_start3A_393 = arith.constant 24 : i32
      %dma_start3A_394 = arith.constant 0 : i32
      %dma_start3A_395 = tpu.memref_slice %arg10[%dma_start3A_393, %dma_start3A_394] : memref<32x128xf32, #tpu.memory_space<vmem>> -> memref<8x128xf32, #tpu.memory_space<vmem>>
      tpu.enqueue_dma source(%dma_start3A_395 : memref<8x128xf32, #tpu.memory_space<vmem>>) target(%dma_start3A_392 : memref<8x128xf32, #tpu.memory_space<hbm>>) target_semaphore(%arg18 : memref<!tpu.dma_semaphore, #tpu.memory_space<semaphore_mem>>)
      %add3A_396 = arith.constant 4 : i32
      %add3A_397 = arith.addi %add3A_325, %add3A_396 : i32
      %sub3A = arith.constant 1 : i32
      %sub3A_398 = arith.subi %add3A_397, %sub3A : i32
      %lt3A = arith.constant 200 : i32
      %lt3A_399 = arith.cmpi slt, %sub3A_398, %lt3A : i32
      %convert_element_type3A = arith.extui %lt3A_399 : i1 to i32
      %cond3A = arith.constant 0 : i32
      %cond3A_400 = arith.cmpi ne, %convert_element_type3A, %cond3A : i32
      scf.if %cond3A_400 {
        %gt3A = arith.constant 0 : i32
        %gt3A_660 = arith.cmpi sgt, %add3A_325, %gt3A : i32
        %convert_element_type3A_661 = arith.extui %gt3A_660 : i1 to i32
        %cond3A_662 = arith.constant 0 : i32
        %cond3A_663 = arith.cmpi ne, %convert_element_type3A_661, %cond3A_662 : i32
        scf.if %cond3A_663 {
          %dma_wait3A_670 = arith.constant 0 : i32
          %dma_wait3A_671 = arith.constant 0 : i32
          %dma_wait3A_672 = arith.constant 0 : i32
          %dma_wait3A_673 = arith.constant 0 : i32
          %dma_wait3A_674 = arith.constant 0 : i32
          %dma_wait3A_675 = tpu.memref_slice %arg13[%dma_wait3A_673, %dma_wait3A_674] : memref<32x128xf32, #tpu.memory_space<vmem>> -> memref<8x128xf32, #tpu.memory_space<vmem>>
          %dma_wait3A_676 = arith.constant 0 : i32
          %dma_wait3A_677 = arith.constant 0 : i32
          %dma_wait3A_678 = tpu.memref_slice %arg4[%dma_wait3A_670, %dma_wait3A_671, %dma_wait3A_672, %dma_wait3A_676, %dma_wait3A_677] : memref<50x4x128x8x128xf32, #tpu.memory_space<hbm>> -> memref<1x1x1x8x128xf32, #tpu.memory_space<hbm>>
          %dma_wait3A_679 = tpu.memref_squeeze %dma_wait3A_678 : memref<1x1x1x8x128xf32, #tpu.memory_space<hbm>> -> memref<8x128xf32, #tpu.memory_space<hbm>>
          %dma_wait3A_680 = arith.constant 0 : i32
          %dma_wait3A_681 = arith.constant 0 : i32
          %dma_wait3A_682 = tpu.memref_slice %arg4[%dma_wait3A_670, %dma_wait3A_671, %dma_wait3A_672, %dma_wait3A_680, %dma_wait3A_681] : memref<50x4x128x8x128xf32, #tpu.memory_space<hbm>> -> memref<1x1x1x8x128xf32, #tpu.memory_space<hbm>>
          %dma_wait3A_683 = tpu.memref_squeeze %dma_wait3A_682 : memref<1x1x1x8x128xf32, #tpu.memory_space<hbm>> -> memref<8x128xf32, #tpu.memory_space<hbm>>
          %dma_wait3A_684 = arith.constant 0 : i32
          %dma_wait3A_685 = arith.constant 0 : i32
          %dma_wait3A_686 = tpu.memref_slice %arg13[%dma_wait3A_684, %dma_wait3A_685] : memref<32x128xf32, #tpu.memory_space<vmem>> -> memref<8x128xf32, #tpu.memory_space<vmem>>
          tpu.wait_dma2 semaphore(%arg21 : memref<!tpu.dma_semaphore, #tpu.memory_space<semaphore_mem>>) src(%dma_wait3A_686 : memref<8x128xf32, #tpu.memory_space<vmem>>) dst(%dma_wait3A_683 : memref<8x128xf32, #tpu.memory_space<hbm>>)
          %dma_wait3A_687 = arith.constant 0 : i32
          %dma_wait3A_688 = arith.constant 0 : i32
          %dma_wait3A_689 = arith.constant 0 : i32
          %dma_wait3A_690 = arith.constant 0 : i32
          %dma_wait3A_691 = arith.constant 0 : i32
          %dma_wait3A_692 = tpu.memref_slice %arg13[%dma_wait3A_690, %dma_wait3A_691] : memref<32x128xf32, #tpu.memory_space<vmem>> -> memref<8x128xf32, #tpu.memory_space<vmem>>
          %dma_wait3A_693 = arith.constant 0 : i32
          %dma_wait3A_694 = arith.constant 0 : i32
          %dma_wait3A_695 = tpu.memref_slice %arg4[%dma_wait3A_687, %dma_wait3A_688, %dma_wait3A_689, %dma_wait3A_693, %dma_wait3A_694] : memref<50x4x128x8x128xf32, #tpu.memory_space<hbm>> -> memref<1x1x1x8x128xf32, #tpu.memory_space<hbm>>
          %dma_wait3A_696 = tpu.memref_squeeze %dma_wait3A_695 : memref<1x1x1x8x128xf32, #tpu.memory_space<hbm>> -> memref<8x128xf32, #tpu.memory_space<hbm>>
          %dma_wait3A_697 = arith.constant 0 : i32
          %dma_wait3A_698 = arith.constant 0 : i32
          %dma_wait3A_699 = tpu.memref_slice %arg4[%dma_wait3A_687, %dma_wait3A_688, %dma_wait3A_689, %dma_wait3A_697, %dma_wait3A_698] : memref<50x4x128x8x128xf32, #tpu.memory_space<hbm>> -> memref<1x1x1x8x128xf32, #tpu.memory_space<hbm>>
          %dma_wait3A_700 = tpu.memref_squeeze %dma_wait3A_699 : memref<1x1x1x8x128xf32, #tpu.memory_space<hbm>> -> memref<8x128xf32, #tpu.memory_space<hbm>>
          %dma_wait3A_701 = arith.constant 0 : i32
          %dma_wait3A_702 = arith.constant 0 : i32
          %dma_wait3A_703 = tpu.memref_slice %arg13[%dma_wait3A_701, %dma_wait3A_702] : memref<32x128xf32, #tpu.memory_space<vmem>> -> memref<8x128xf32, #tpu.memory_space<vmem>>
          tpu.wait_dma2 semaphore(%arg21 : memref<!tpu.dma_semaphore, #tpu.memory_space<semaphore_mem>>) src(%dma_wait3A_703 : memref<8x128xf32, #tpu.memory_space<vmem>>) dst(%dma_wait3A_700 : memref<8x128xf32, #tpu.memory_space<hbm>>)
          %dma_wait3A_704 = arith.constant 0 : i32
          %dma_wait3A_705 = arith.constant 0 : i32
          %dma_wait3A_706 = arith.constant 0 : i32
          %dma_wait3A_707 = arith.constant 0 : i32
          %dma_wait3A_708 = arith.constant 0 : i32
          %dma_wait3A_709 = tpu.memref_slice %arg13[%dma_wait3A_707, %dma_wait3A_708] : memref<32x128xf32, #tpu.memory_space<vmem>> -> memref<8x128xf32, #tpu.memory_space<vmem>>
          %dma_wait3A_710 = arith.constant 0 : i32
          %dma_wait3A_711 = arith.constant 0 : i32
          %dma_wait3A_712 = tpu.memref_slice %arg4[%dma_wait3A_704, %dma_wait3A_705, %dma_wait3A_706, %dma_wait3A_710, %dma_wait3A_711] : memref<50x4x128x8x128xf32, #tpu.memory_space<hbm>> -> memref<1x1x1x8x128xf32, #tpu.memory_space<hbm>>
          %dma_wait3A_713 = tpu.memref_squeeze %dma_wait3A_712 : memref<1x1x1x8x128xf32, #tpu.memory_space<hbm>> -> memref<8x128xf32, #tpu.memory_space<hbm>>
          %dma_wait3A_714 = arith.constant 0 : i32
          %dma_wait3A_715 = arith.constant 0 : i32
          %dma_wait3A_716 = tpu.memref_slice %arg4[%dma_wait3A_704, %dma_wait3A_705, %dma_wait3A_706, %dma_wait3A_714, %dma_wait3A_715] : memref<50x4x128x8x128xf32, #tpu.memory_space<hbm>> -> memref<1x1x1x8x128xf32, #tpu.memory_space<hbm>>
          %dma_wait3A_717 = tpu.memref_squeeze %dma_wait3A_716 : memref<1x1x1x8x128xf32, #tpu.memory_space<hbm>> -> memref<8x128xf32, #tpu.memory_space<hbm>>
          %dma_wait3A_718 = arith.constant 0 : i32
          %dma_wait3A_719 = arith.constant 0 : i32
          %dma_wait3A_720 = tpu.memref_slice %arg13[%dma_wait3A_718, %dma_wait3A_719] : memref<32x128xf32, #tpu.memory_space<vmem>> -> memref<8x128xf32, #tpu.memory_space<vmem>>
          tpu.wait_dma2 semaphore(%arg21 : memref<!tpu.dma_semaphore, #tpu.memory_space<semaphore_mem>>) src(%dma_wait3A_720 : memref<8x128xf32, #tpu.memory_space<vmem>>) dst(%dma_wait3A_717 : memref<8x128xf32, #tpu.memory_space<hbm>>)
          %dma_wait3A_721 = arith.constant 0 : i32
          %dma_wait3A_722 = arith.constant 0 : i32
          %dma_wait3A_723 = arith.constant 0 : i32
          %dma_wait3A_724 = arith.constant 0 : i32
          %dma_wait3A_725 = arith.constant 0 : i32
          %dma_wait3A_726 = tpu.memref_slice %arg13[%dma_wait3A_724, %dma_wait3A_725] : memref<32x128xf32, #tpu.memory_space<vmem>> -> memref<8x128xf32, #tpu.memory_space<vmem>>
          %dma_wait3A_727 = arith.constant 0 : i32
          %dma_wait3A_728 = arith.constant 0 : i32
          %dma_wait3A_729 = tpu.memref_slice %arg4[%dma_wait3A_721, %dma_wait3A_722, %dma_wait3A_723, %dma_wait3A_727, %dma_wait3A_728] : memref<50x4x128x8x128xf32, #tpu.memory_space<hbm>> -> memref<1x1x1x8x128xf32, #tpu.memory_space<hbm>>
          %dma_wait3A_730 = tpu.memref_squeeze %dma_wait3A_729 : memref<1x1x1x8x128xf32, #tpu.memory_space<hbm>> -> memref<8x128xf32, #tpu.memory_space<hbm>>
          %dma_wait3A_731 = arith.constant 0 : i32
          %dma_wait3A_732 = arith.constant 0 : i32
          %dma_wait3A_733 = tpu.memref_slice %arg4[%dma_wait3A_721, %dma_wait3A_722, %dma_wait3A_723, %dma_wait3A_731, %dma_wait3A_732] : memref<50x4x128x8x128xf32, #tpu.memory_space<hbm>> -> memref<1x1x1x8x128xf32, #tpu.memory_space<hbm>>
          %dma_wait3A_734 = tpu.memref_squeeze %dma_wait3A_733 : memref<1x1x1x8x128xf32, #tpu.memory_space<hbm>> -> memref<8x128xf32, #tpu.memory_space<hbm>>
          %dma_wait3A_735 = arith.constant 0 : i32
          %dma_wait3A_736 = arith.constant 0 : i32
          %dma_wait3A_737 = tpu.memref_slice %arg13[%dma_wait3A_735, %dma_wait3A_736] : memref<32x128xf32, #tpu.memory_space<vmem>> -> memref<8x128xf32, #tpu.memory_space<vmem>>
          tpu.wait_dma2 semaphore(%arg21 : memref<!tpu.dma_semaphore, #tpu.memory_space<semaphore_mem>>) src(%dma_wait3A_737 : memref<8x128xf32, #tpu.memory_space<vmem>>) dst(%dma_wait3A_734 : memref<8x128xf32, #tpu.memory_space<hbm>>)
        } else {
        }
        %mul3A_664 = arith.constant 128 : i32
        %mul3A_665 = arith.muli %sub3A_398, %mul3A_664 : i32
        %dma_start3A_666 = tpu.memref_slice %arg5[%mul3A_665] : memref<25600xi32, #tpu.memory_space<vmem>> -> memref<128xi32, #tpu.memory_space<vmem>>
        %dma_start3A_667 = arith.constant 0 : i32
        %dma_start3A_668 = arith.constant 0 : i32
        %dma_start3A_669 = tpu.memref_slice %arg3[%dma_start3A_667, %dma_start3A_668] : memref<1000000x32xf32, #tpu.memory_space<hbm>> -> memref<1000000x32xf32, #tpu.memory_space<hbm>>
        tpu.enqueue_indirect_dma source(%dma_start3A_669 : memref<1000000x32xf32, #tpu.memory_space<hbm>>) target(%arg9 : memref<128x32xf32, #tpu.memory_space<vmem>>) offsets(%dma_start3A_666 : memref<128xi32, #tpu.memory_space<vmem>>) semaphore(%arg17 : memref<!tpu.dma_semaphore, #tpu.memory_space<semaphore_mem>>)
      } else {
      }
      %mul3A_401 = arith.constant 4 : i32
      %mul3A_402 = arith.muli %scan3A_320, %mul3A_401 : i32
      %add3A_403 = arith.constant 1 : i32
      %add3A_404 = arith.addi %mul3A_402, %add3A_403 : i32
      %dma_wait3A_405 = arith.constant 0 : i32
      %dma_wait3A_406 = tpu.memref_slice %arg5[%dma_wait3A_405] : memref<25600xi32, #tpu.memory_space<vmem>> -> memref<128xi32, #tpu.memory_space<vmem>>
      %dma_wait3A_407 = arith.constant 0 : i32
      %dma_wait3A_408 = arith.constant 0 : i32
      %dma_wait3A_409 = tpu.memref_slice %arg3[%dma_wait3A_407, %dma_wait3A_408] : memref<1000000x32xf32, #tpu.memory_space<hbm>> -> memref<1000000x32xf32, #tpu.memory_space<hbm>>
      tpu.wait_indirect_dma semaphore(%arg15 : memref<!tpu.dma_semaphore, #tpu.memory_space<semaphore_mem>>) src(%dma_wait3A_409 : memref<1000000x32xf32, #tpu.memory_space<hbm>>) dst(%arg7 : memref<128x32xf32, #tpu.memory_space<vmem>>)
      %parallel_loop3A_410 = arith.constant 0 : i32
      %parallel_loop3A_411 = arith.constant 32 : i32
      %parallel_loop3A_412 = arith.constant 1 : i32
      scf.for %parallel_loop3A_660 = %parallel_loop3A_410 to %parallel_loop3A_411 step %parallel_loop3A_412  : i32 {
        %parallel_loop3A_661 = vector.broadcast %parallel_loop3A_660 : i32 to vector<16xi32>
        %parallel_loop3A_662 = tpu.vector_load_idx %arg7[%add3A_7, %parallel_loop3A_661] : memref<128x32xf32, #tpu.memory_space<vmem>>[vector<16xi32>, vector<16xi32>], vector<16xf32>,
        %parallel_loop3A_663 = arith.constant 5.65685415 : f32
        %parallel_loop3A_664 = vector.broadcast %parallel_loop3A_663 : f32 to vector<16xf32>
        %parallel_loop3A_665 = arith.mulf %parallel_loop3A_662, %parallel_loop3A_664 : vector<16xf32>
        %parallel_loop3A_666 = arith.index_cast %parallel_loop3A_660 : i32 to index
        %parallel_loop3A_667 = arith.constant 0 : index
        %parallel_loop3A_668 = tpu.vector_load %arg11[%parallel_loop3A_666, %parallel_loop3A_667] {strides = array<i32>} : memref<32x128xf32, #tpu.memory_space<vmem>>, vector<16xf32>,
        tpu.vector_store %arg11[%parallel_loop3A_666, %parallel_loop3A_667], %parallel_loop3A_665 {strides = array<i32>} : memref<32x128xf32, #tpu.memory_space<vmem>>, vector<16xf32>,
        %parallel_loop3A_669 = tpu.vector_load_idx %arg7[%add3A_10, %parallel_loop3A_661] : memref<128x32xf32, #tpu.memory_space<vmem>>[vector<16xi32>, vector<16xi32>], vector<16xf32>,
        %parallel_loop3A_670 = arith.constant 5.65685415 : f32
        %parallel_loop3A_671 = vector.broadcast %parallel_loop3A_670 : f32 to vector<16xf32>
        %parallel_loop3A_672 = arith.mulf %parallel_loop3A_669, %parallel_loop3A_671 : vector<16xf32>
        %parallel_loop3A_673 = arith.index_cast %parallel_loop3A_660 : i32 to index
        %parallel_loop3A_674 = arith.constant 16 : index
        %parallel_loop3A_675 = tpu.vector_load %arg11[%parallel_loop3A_673, %parallel_loop3A_674] {strides = array<i32>} : memref<32x128xf32, #tpu.memory_space<vmem>>, vector<16xf32>,
        tpu.vector_store %arg11[%parallel_loop3A_673, %parallel_loop3A_674], %parallel_loop3A_672 {strides = array<i32>} : memref<32x128xf32, #tpu.memory_space<vmem>>, vector<16xf32>,
        %parallel_loop3A_676 = tpu.vector_load_idx %arg7[%add3A_13, %parallel_loop3A_661] : memref<128x32xf32, #tpu.memory_space<vmem>>[vector<16xi32>, vector<16xi32>], vector<16xf32>,
        %parallel_loop3A_677 = arith.constant 5.65685415 : f32
        %parallel_loop3A_678 = vector.broadcast %parallel_loop3A_677 : f32 to vector<16xf32>
        %parallel_loop3A_679 = arith.mulf %parallel_loop3A_676, %parallel_loop3A_678 : vector<16xf32>
        %parallel_loop3A_680 = arith.index_cast %parallel_loop3A_660 : i32 to index
        %parallel_loop3A_681 = arith.constant 32 : index
        %parallel_loop3A_682 = tpu.vector_load %arg11[%parallel_loop3A_680, %parallel_loop3A_681] {strides = array<i32>} : memref<32x128xf32, #tpu.memory_space<vmem>>, vector<16xf32>,
        tpu.vector_store %arg11[%parallel_loop3A_680, %parallel_loop3A_681], %parallel_loop3A_679 {strides = array<i32>} : memref<32x128xf32, #tpu.memory_space<vmem>>, vector<16xf32>,
        %parallel_loop3A_683 = tpu.vector_load_idx %arg7[%add3A_16, %parallel_loop3A_661] : memref<128x32xf32, #tpu.memory_space<vmem>>[vector<16xi32>, vector<16xi32>], vector<16xf32>,
        %parallel_loop3A_684 = arith.constant 5.65685415 : f32
        %parallel_loop3A_685 = vector.broadcast %parallel_loop3A_684 : f32 to vector<16xf32>
        %parallel_loop3A_686 = arith.mulf %parallel_loop3A_683, %parallel_loop3A_685 : vector<16xf32>
        %parallel_loop3A_687 = arith.index_cast %parallel_loop3A_660 : i32 to index
        %parallel_loop3A_688 = arith.constant 48 : index
        %parallel_loop3A_689 = tpu.vector_load %arg11[%parallel_loop3A_687, %parallel_loop3A_688] {strides = array<i32>} : memref<32x128xf32, #tpu.memory_space<vmem>>, vector<16xf32>,
        tpu.vector_store %arg11[%parallel_loop3A_687, %parallel_loop3A_688], %parallel_loop3A_686 {strides = array<i32>} : memref<32x128xf32, #tpu.memory_space<vmem>>, vector<16xf32>,
        %parallel_loop3A_690 = tpu.vector_load_idx %arg7[%add3A_19, %parallel_loop3A_661] : memref<128x32xf32, #tpu.memory_space<vmem>>[vector<16xi32>, vector<16xi32>], vector<16xf32>,
        %parallel_loop3A_691 = arith.constant 5.65685415 : f32
        %parallel_loop3A_692 = vector.broadcast %parallel_loop3A_691 : f32 to vector<16xf32>
        %parallel_loop3A_693 = arith.mulf %parallel_loop3A_690, %parallel_loop3A_692 : vector<16xf32>
        %parallel_loop3A_694 = arith.index_cast %parallel_loop3A_660 : i32 to index
        %parallel_loop3A_695 = arith.constant 64 : index
        %parallel_loop3A_696 = tpu.vector_load %arg11[%parallel_loop3A_694, %parallel_loop3A_695] {strides = array<i32>} : memref<32x128xf32, #tpu.memory_space<vmem>>, vector<16xf32>,
        tpu.vector_store %arg11[%parallel_loop3A_694, %parallel_loop3A_695], %parallel_loop3A_693 {strides = array<i32>} : memref<32x128xf32, #tpu.memory_space<vmem>>, vector<16xf32>,
        %parallel_loop3A_697 = tpu.vector_load_idx %arg7[%add3A_22, %parallel_loop3A_661] : memref<128x32xf32, #tpu.memory_space<vmem>>[vector<16xi32>, vector<16xi32>], vector<16xf32>,
        %parallel_loop3A_698 = arith.constant 5.65685415 : f32
        %parallel_loop3A_699 = vector.broadcast %parallel_loop3A_698 : f32 to vector<16xf32>
        %parallel_loop3A_700 = arith.mulf %parallel_loop3A_697, %parallel_loop3A_699 : vector<16xf32>
        %parallel_loop3A_701 = arith.index_cast %parallel_loop3A_660 : i32 to index
        %parallel_loop3A_702 = arith.constant 80 : index
        %parallel_loop3A_703 = tpu.vector_load %arg11[%parallel_loop3A_701, %parallel_loop3A_702] {strides = array<i32>} : memref<32x128xf32, #tpu.memory_space<vmem>>, vector<16xf32>,
        tpu.vector_store %arg11[%parallel_loop3A_701, %parallel_loop3A_702], %parallel_loop3A_700 {strides = array<i32>} : memref<32x128xf32, #tpu.memory_space<vmem>>, vector<16xf32>,
        %parallel_loop3A_704 = tpu.vector_load_idx %arg7[%add3A_25, %parallel_loop3A_661] : memref<128x32xf32, #tpu.memory_space<vmem>>[vector<16xi32>, vector<16xi32>], vector<16xf32>,
        %parallel_loop3A_705 = arith.constant 5.65685415 : f32
        %parallel_loop3A_706 = vector.broadcast %parallel_loop3A_705 : f32 to vector<16xf32>
        %parallel_loop3A_707 = arith.mulf %parallel_loop3A_704, %parallel_loop3A_706 : vector<16xf32>
        %parallel_loop3A_708 = arith.index_cast %parallel_loop3A_660 : i32 to index
        %parallel_loop3A_709 = arith.constant 96 : index
        %parallel_loop3A_710 = tpu.vector_load %arg11[%parallel_loop3A_708, %parallel_loop3A_709] {strides = array<i32>} : memref<32x128xf32, #tpu.memory_space<vmem>>, vector<16xf32>,
        tpu.vector_store %arg11[%parallel_loop3A_708, %parallel_loop3A_709], %parallel_loop3A_707 {strides = array<i32>} : memref<32x128xf32, #tpu.memory_space<vmem>>, vector<16xf32>,
        %parallel_loop3A_711 = tpu.vector_load_idx %arg7[%add3A_28, %parallel_loop3A_661] : memref<128x32xf32, #tpu.memory_space<vmem>>[vector<16xi32>, vector<16xi32>], vector<16xf32>,
        %parallel_loop3A_712 = arith.constant 5.65685415 : f32
        %parallel_loop3A_713 = vector.broadcast %parallel_loop3A_712 : f32 to vector<16xf32>
        %parallel_loop3A_714 = arith.mulf %parallel_loop3A_711, %parallel_loop3A_713 : vector<16xf32>
        %parallel_loop3A_715 = arith.index_cast %parallel_loop3A_660 : i32 to index
        %parallel_loop3A_716 = arith.constant 112 : index
        %parallel_loop3A_717 = tpu.vector_load %arg11[%parallel_loop3A_715, %parallel_loop3A_716] {strides = array<i32>} : memref<32x128xf32, #tpu.memory_space<vmem>>, vector<16xf32>,
        tpu.vector_store %arg11[%parallel_loop3A_715, %parallel_loop3A_716], %parallel_loop3A_714 {strides = array<i32>} : memref<32x128xf32, #tpu.memory_space<vmem>>, vector<16xf32>,
      } {sc.loop_unroll_factor = 4 : i64, sc.parallel_access}
      %add3A_413 = arith.addi %mul3A_2, %add3A_404 : i32
      %shift_right_arithmetic3A_414 = arith.constant 7 : i32
      %shift_right_arithmetic3A_415 = arith.shrsi %add3A_413, %shift_right_arithmetic3A_414 : i32
      %and3A_416 = arith.constant 127 : i32
      %and3A_417 = arith.andi %add3A_413, %and3A_416 : i32
      %dma_start3A_418 = arith.constant 0 : i32
      %dma_start3A_419 = arith.constant 0 : i32
      %dma_start3A_420 = arith.constant 0 : i32
      %dma_start3A_421 = tpu.memref_slice %arg11[%dma_start3A_419, %dma_start3A_420] : memref<32x128xf32, #tpu.memory_space<vmem>> -> memref<8x128xf32, #tpu.memory_space<vmem>>
      %dma_start3A_422 = arith.constant 0 : i32
      %dma_start3A_423 = arith.constant 0 : i32
      %dma_start3A_424 = tpu.memref_slice %arg4[%shift_right_arithmetic3A_415, %dma_start3A_418, %and3A_417, %dma_start3A_422, %dma_start3A_423] : memref<50x4x128x8x128xf32, #tpu.memory_space<hbm>> -> memref<1x1x1x8x128xf32, #tpu.memory_space<hbm>>
      %dma_start3A_425 = tpu.memref_squeeze %dma_start3A_424 : memref<1x1x1x8x128xf32, #tpu.memory_space<hbm>> -> memref<8x128xf32, #tpu.memory_space<hbm>>
      %dma_start3A_426 = arith.constant 0 : i32
      %dma_start3A_427 = arith.constant 0 : i32
      %dma_start3A_428 = tpu.memref_slice %arg4[%shift_right_arithmetic3A_415, %dma_start3A_418, %and3A_417, %dma_start3A_426, %dma_start3A_427] : memref<50x4x128x8x128xf32, #tpu.memory_space<hbm>> -> memref<1x1x1x8x128xf32, #tpu.memory_space<hbm>>
      %dma_start3A_429 = tpu.memref_squeeze %dma_start3A_428 : memref<1x1x1x8x128xf32, #tpu.memory_space<hbm>> -> memref<8x128xf32, #tpu.memory_space<hbm>>
      %dma_start3A_430 = arith.constant 0 : i32
      %dma_start3A_431 = arith.constant 0 : i32
      %dma_start3A_432 = tpu.memref_slice %arg11[%dma_start3A_430, %dma_start3A_431] : memref<32x128xf32, #tpu.memory_space<vmem>> -> memref<8x128xf32, #tpu.memory_space<vmem>>
      tpu.enqueue_dma source(%dma_start3A_432 : memref<8x128xf32, #tpu.memory_space<vmem>>) target(%dma_start3A_429 : memref<8x128xf32, #tpu.memory_space<hbm>>) target_semaphore(%arg19 : memref<!tpu.dma_semaphore, #tpu.memory_space<semaphore_mem>>)
      %dma_start3A_433 = arith.constant 1 : i32
      %dma_start3A_434 = arith.constant 8 : i32
      %dma_start3A_435 = arith.constant 0 : i32
      %dma_start3A_436 = tpu.memref_slice %arg11[%dma_start3A_434, %dma_start3A_435] : memref<32x128xf32, #tpu.memory_space<vmem>> -> memref<8x128xf32, #tpu.memory_space<vmem>>
      %dma_start3A_437 = arith.constant 0 : i32
      %dma_start3A_438 = arith.constant 0 : i32
      %dma_start3A_439 = tpu.memref_slice %arg4[%shift_right_arithmetic3A_415, %dma_start3A_433, %and3A_417, %dma_start3A_437, %dma_start3A_438] : memref<50x4x128x8x128xf32, #tpu.memory_space<hbm>> -> memref<1x1x1x8x128xf32, #tpu.memory_space<hbm>>
      %dma_start3A_440 = tpu.memref_squeeze %dma_start3A_439 : memref<1x1x1x8x128xf32, #tpu.memory_space<hbm>> -> memref<8x128xf32, #tpu.memory_space<hbm>>
      %dma_start3A_441 = arith.constant 0 : i32
      %dma_start3A_442 = arith.constant 0 : i32
      %dma_start3A_443 = tpu.memref_slice %arg4[%shift_right_arithmetic3A_415, %dma_start3A_433, %and3A_417, %dma_start3A_441, %dma_start3A_442] : memref<50x4x128x8x128xf32, #tpu.memory_space<hbm>> -> memref<1x1x1x8x128xf32, #tpu.memory_space<hbm>>
      %dma_start3A_444 = tpu.memref_squeeze %dma_start3A_443 : memref<1x1x1x8x128xf32, #tpu.memory_space<hbm>> -> memref<8x128xf32, #tpu.memory_space<hbm>>
      %dma_start3A_445 = arith.constant 8 : i32
      %dma_start3A_446 = arith.constant 0 : i32
      %dma_start3A_447 = tpu.memref_slice %arg11[%dma_start3A_445, %dma_start3A_446] : memref<32x128xf32, #tpu.memory_space<vmem>> -> memref<8x128xf32, #tpu.memory_space<vmem>>
      tpu.enqueue_dma source(%dma_start3A_447 : memref<8x128xf32, #tpu.memory_space<vmem>>) target(%dma_start3A_444 : memref<8x128xf32, #tpu.memory_space<hbm>>) target_semaphore(%arg19 : memref<!tpu.dma_semaphore, #tpu.memory_space<semaphore_mem>>)
      %dma_start3A_448 = arith.constant 2 : i32
      %dma_start3A_449 = arith.constant 16 : i32
      %dma_start3A_450 = arith.constant 0 : i32
      %dma_start3A_451 = tpu.memref_slice %arg11[%dma_start3A_449, %dma_start3A_450] : memref<32x128xf32, #tpu.memory_space<vmem>> -> memref<8x128xf32, #tpu.memory_space<vmem>>
      %dma_start3A_452 = arith.constant 0 : i32
      %dma_start3A_453 = arith.constant 0 : i32
      %dma_start3A_454 = tpu.memref_slice %arg4[%shift_right_arithmetic3A_415, %dma_start3A_448, %and3A_417, %dma_start3A_452, %dma_start3A_453] : memref<50x4x128x8x128xf32, #tpu.memory_space<hbm>> -> memref<1x1x1x8x128xf32, #tpu.memory_space<hbm>>
      %dma_start3A_455 = tpu.memref_squeeze %dma_start3A_454 : memref<1x1x1x8x128xf32, #tpu.memory_space<hbm>> -> memref<8x128xf32, #tpu.memory_space<hbm>>
      %dma_start3A_456 = arith.constant 0 : i32
      %dma_start3A_457 = arith.constant 0 : i32
      %dma_start3A_458 = tpu.memref_slice %arg4[%shift_right_arithmetic3A_415, %dma_start3A_448, %and3A_417, %dma_start3A_456, %dma_start3A_457] : memref<50x4x128x8x128xf32, #tpu.memory_space<hbm>> -> memref<1x1x1x8x128xf32, #tpu.memory_space<hbm>>
      %dma_start3A_459 = tpu.memref_squeeze %dma_start3A_458 : memref<1x1x1x8x128xf32, #tpu.memory_space<hbm>> -> memref<8x128xf32, #tpu.memory_space<hbm>>
      %dma_start3A_460 = arith.constant 16 : i32
      %dma_start3A_461 = arith.constant 0 : i32
      %dma_start3A_462 = tpu.memref_slice %arg11[%dma_start3A_460, %dma_start3A_461] : memref<32x128xf32, #tpu.memory_space<vmem>> -> memref<8x128xf32, #tpu.memory_space<vmem>>
      tpu.enqueue_dma source(%dma_start3A_462 : memref<8x128xf32, #tpu.memory_space<vmem>>) target(%dma_start3A_459 : memref<8x128xf32, #tpu.memory_space<hbm>>) target_semaphore(%arg19 : memref<!tpu.dma_semaphore, #tpu.memory_space<semaphore_mem>>)
      %dma_start3A_463 = arith.constant 3 : i32
      %dma_start3A_464 = arith.constant 24 : i32
      %dma_start3A_465 = arith.constant 0 : i32
      %dma_start3A_466 = tpu.memref_slice %arg11[%dma_start3A_464, %dma_start3A_465] : memref<32x128xf32, #tpu.memory_space<vmem>> -> memref<8x128xf32, #tpu.memory_space<vmem>>
      %dma_start3A_467 = arith.constant 0 : i32
      %dma_start3A_468 = arith.constant 0 : i32
      %dma_start3A_469 = tpu.memref_slice %arg4[%shift_right_arithmetic3A_415, %dma_start3A_463, %and3A_417, %dma_start3A_467, %dma_start3A_468] : memref<50x4x128x8x128xf32, #tpu.memory_space<hbm>> -> memref<1x1x1x8x128xf32, #tpu.memory_space<hbm>>
      %dma_start3A_470 = tpu.memref_squeeze %dma_start3A_469 : memref<1x1x1x8x128xf32, #tpu.memory_space<hbm>> -> memref<8x128xf32, #tpu.memory_space<hbm>>
      %dma_start3A_471 = arith.constant 0 : i32
      %dma_start3A_472 = arith.constant 0 : i32
      %dma_start3A_473 = tpu.memref_slice %arg4[%shift_right_arithmetic3A_415, %dma_start3A_463, %and3A_417, %dma_start3A_471, %dma_start3A_472] : memref<50x4x128x8x128xf32, #tpu.memory_space<hbm>> -> memref<1x1x1x8x128xf32, #tpu.memory_space<hbm>>
      %dma_start3A_474 = tpu.memref_squeeze %dma_start3A_473 : memref<1x1x1x8x128xf32, #tpu.memory_space<hbm>> -> memref<8x128xf32, #tpu.memory_space<hbm>>
      %dma_start3A_475 = arith.constant 24 : i32
      %dma_start3A_476 = arith.constant 0 : i32
      %dma_start3A_477 = tpu.memref_slice %arg11[%dma_start3A_475, %dma_start3A_476] : memref<32x128xf32, #tpu.memory_space<vmem>> -> memref<8x128xf32, #tpu.memory_space<vmem>>
      tpu.enqueue_dma source(%dma_start3A_477 : memref<8x128xf32, #tpu.memory_space<vmem>>) target(%dma_start3A_474 : memref<8x128xf32, #tpu.memory_space<hbm>>) target_semaphore(%arg19 : memref<!tpu.dma_semaphore, #tpu.memory_space<semaphore_mem>>)
      %add3A_478 = arith.constant 4 : i32
      %add3A_479 = arith.addi %add3A_404, %add3A_478 : i32
      %sub3A_480 = arith.constant 1 : i32
      %sub3A_481 = arith.subi %add3A_479, %sub3A_480 : i32
      %lt3A_482 = arith.constant 200 : i32
      %lt3A_483 = arith.cmpi slt, %sub3A_481, %lt3A_482 : i32
      %convert_element_type3A_484 = arith.extui %lt3A_483 : i1 to i32
      %cond3A_485 = arith.constant 0 : i32
      %cond3A_486 = arith.cmpi ne, %convert_element_type3A_484, %cond3A_485 : i32
      scf.if %cond3A_486 {
        %dma_wait3A_660 = arith.constant 0 : i32
        %dma_wait3A_661 = arith.constant 0 : i32
        %dma_wait3A_662 = arith.constant 0 : i32
        %dma_wait3A_663 = arith.constant 0 : i32
        %dma_wait3A_664 = arith.constant 0 : i32
        %dma_wait3A_665 = tpu.memref_slice %arg10[%dma_wait3A_663, %dma_wait3A_664] : memref<32x128xf32, #tpu.memory_space<vmem>> -> memref<8x128xf32, #tpu.memory_space<vmem>>
        %dma_wait3A_666 = arith.constant 0 : i32
        %dma_wait3A_667 = arith.constant 0 : i32
        %dma_wait3A_668 = tpu.memref_slice %arg4[%dma_wait3A_660, %dma_wait3A_661, %dma_wait3A_662, %dma_wait3A_666, %dma_wait3A_667] : memref<50x4x128x8x128xf32, #tpu.memory_space<hbm>> -> memref<1x1x1x8x128xf32, #tpu.memory_space<hbm>>
        %dma_wait3A_669 = tpu.memref_squeeze %dma_wait3A_668 : memref<1x1x1x8x128xf32, #tpu.memory_space<hbm>> -> memref<8x128xf32, #tpu.memory_space<hbm>>
        %dma_wait3A_670 = arith.constant 0 : i32
        %dma_wait3A_671 = arith.constant 0 : i32
        %dma_wait3A_672 = tpu.memref_slice %arg4[%dma_wait3A_660, %dma_wait3A_661, %dma_wait3A_662, %dma_wait3A_670, %dma_wait3A_671] : memref<50x4x128x8x128xf32, #tpu.memory_space<hbm>> -> memref<1x1x1x8x128xf32, #tpu.memory_space<hbm>>
        %dma_wait3A_673 = tpu.memref_squeeze %dma_wait3A_672 : memref<1x1x1x8x128xf32, #tpu.memory_space<hbm>> -> memref<8x128xf32, #tpu.memory_space<hbm>>
        %dma_wait3A_674 = arith.constant 0 : i32
        %dma_wait3A_675 = arith.constant 0 : i32
        %dma_wait3A_676 = tpu.memref_slice %arg10[%dma_wait3A_674, %dma_wait3A_675] : memref<32x128xf32, #tpu.memory_space<vmem>> -> memref<8x128xf32, #tpu.memory_space<vmem>>
        tpu.wait_dma2 semaphore(%arg18 : memref<!tpu.dma_semaphore, #tpu.memory_space<semaphore_mem>>) src(%dma_wait3A_676 : memref<8x128xf32, #tpu.memory_space<vmem>>) dst(%dma_wait3A_673 : memref<8x128xf32, #tpu.memory_space<hbm>>)
        %dma_wait3A_677 = arith.constant 0 : i32
        %dma_wait3A_678 = arith.constant 0 : i32
        %dma_wait3A_679 = arith.constant 0 : i32
        %dma_wait3A_680 = arith.constant 0 : i32
        %dma_wait3A_681 = arith.constant 0 : i32
        %dma_wait3A_682 = tpu.memref_slice %arg10[%dma_wait3A_680, %dma_wait3A_681] : memref<32x128xf32, #tpu.memory_space<vmem>> -> memref<8x128xf32, #tpu.memory_space<vmem>>
        %dma_wait3A_683 = arith.constant 0 : i32
        %dma_wait3A_684 = arith.constant 0 : i32
        %dma_wait3A_685 = tpu.memref_slice %arg4[%dma_wait3A_677, %dma_wait3A_678, %dma_wait3A_679, %dma_wait3A_683, %dma_wait3A_684] : memref<50x4x128x8x128xf32, #tpu.memory_space<hbm>> -> memref<1x1x1x8x128xf32, #tpu.memory_space<hbm>>
        %dma_wait3A_686 = tpu.memref_squeeze %dma_wait3A_685 : memref<1x1x1x8x128xf32, #tpu.memory_space<hbm>> -> memref<8x128xf32, #tpu.memory_space<hbm>>
        %dma_wait3A_687 = arith.constant 0 : i32
        %dma_wait3A_688 = arith.constant 0 : i32
        %dma_wait3A_689 = tpu.memref_slice %arg4[%dma_wait3A_677, %dma_wait3A_678, %dma_wait3A_679, %dma_wait3A_687, %dma_wait3A_688] : memref<50x4x128x8x128xf32, #tpu.memory_space<hbm>> -> memref<1x1x1x8x128xf32, #tpu.memory_space<hbm>>
        %dma_wait3A_690 = tpu.memref_squeeze %dma_wait3A_689 : memref<1x1x1x8x128xf32, #tpu.memory_space<hbm>> -> memref<8x128xf32, #tpu.memory_space<hbm>>
        %dma_wait3A_691 = arith.constant 0 : i32
        %dma_wait3A_692 = arith.constant 0 : i32
        %dma_wait3A_693 = tpu.memref_slice %arg10[%dma_wait3A_691, %dma_wait3A_692] : memref<32x128xf32, #tpu.memory_space<vmem>> -> memref<8x128xf32, #tpu.memory_space<vmem>>
        tpu.wait_dma2 semaphore(%arg18 : memref<!tpu.dma_semaphore, #tpu.memory_space<semaphore_mem>>) src(%dma_wait3A_693 : memref<8x128xf32, #tpu.memory_space<vmem>>) dst(%dma_wait3A_690 : memref<8x128xf32, #tpu.memory_space<hbm>>)
        %dma_wait3A_694 = arith.constant 0 : i32
        %dma_wait3A_695 = arith.constant 0 : i32
        %dma_wait3A_696 = arith.constant 0 : i32
        %dma_wait3A_697 = arith.constant 0 : i32
        %dma_wait3A_698 = arith.constant 0 : i32
        %dma_wait3A_699 = tpu.memref_slice %arg10[%dma_wait3A_697, %dma_wait3A_698] : memref<32x128xf32, #tpu.memory_space<vmem>> -> memref<8x128xf32, #tpu.memory_space<vmem>>
        %dma_wait3A_700 = arith.constant 0 : i32
        %dma_wait3A_701 = arith.constant 0 : i32
        %dma_wait3A_702 = tpu.memref_slice %arg4[%dma_wait3A_694, %dma_wait3A_695, %dma_wait3A_696, %dma_wait3A_700, %dma_wait3A_701] : memref<50x4x128x8x128xf32, #tpu.memory_space<hbm>> -> memref<1x1x1x8x128xf32, #tpu.memory_space<hbm>>
        %dma_wait3A_703 = tpu.memref_squeeze %dma_wait3A_702 : memref<1x1x1x8x128xf32, #tpu.memory_space<hbm>> -> memref<8x128xf32, #tpu.memory_space<hbm>>
        %dma_wait3A_704 = arith.constant 0 : i32
        %dma_wait3A_705 = arith.constant 0 : i32
        %dma_wait3A_706 = tpu.memref_slice %arg4[%dma_wait3A_694, %dma_wait3A_695, %dma_wait3A_696, %dma_wait3A_704, %dma_wait3A_705] : memref<50x4x128x8x128xf32, #tpu.memory_space<hbm>> -> memref<1x1x1x8x128xf32, #tpu.memory_space<hbm>>
        %dma_wait3A_707 = tpu.memref_squeeze %dma_wait3A_706 : memref<1x1x1x8x128xf32, #tpu.memory_space<hbm>> -> memref<8x128xf32, #tpu.memory_space<hbm>>
        %dma_wait3A_708 = arith.constant 0 : i32
        %dma_wait3A_709 = arith.constant 0 : i32
        %dma_wait3A_710 = tpu.memref_slice %arg10[%dma_wait3A_708, %dma_wait3A_709] : memref<32x128xf32, #tpu.memory_space<vmem>> -> memref<8x128xf32, #tpu.memory_space<vmem>>
        tpu.wait_dma2 semaphore(%arg18 : memref<!tpu.dma_semaphore, #tpu.memory_space<semaphore_mem>>) src(%dma_wait3A_710 : memref<8x128xf32, #tpu.memory_space<vmem>>) dst(%dma_wait3A_707 : memref<8x128xf32, #tpu.memory_space<hbm>>)
        %dma_wait3A_711 = arith.constant 0 : i32
        %dma_wait3A_712 = arith.constant 0 : i32
        %dma_wait3A_713 = arith.constant 0 : i32
        %dma_wait3A_714 = arith.constant 0 : i32
        %dma_wait3A_715 = arith.constant 0 : i32
        %dma_wait3A_716 = tpu.memref_slice %arg10[%dma_wait3A_714, %dma_wait3A_715] : memref<32x128xf32, #tpu.memory_space<vmem>> -> memref<8x128xf32, #tpu.memory_space<vmem>>
        %dma_wait3A_717 = arith.constant 0 : i32
        %dma_wait3A_718 = arith.constant 0 : i32
        %dma_wait3A_719 = tpu.memref_slice %arg4[%dma_wait3A_711, %dma_wait3A_712, %dma_wait3A_713, %dma_wait3A_717, %dma_wait3A_718] : memref<50x4x128x8x128xf32, #tpu.memory_space<hbm>> -> memref<1x1x1x8x128xf32, #tpu.memory_space<hbm>>
        %dma_wait3A_720 = tpu.memref_squeeze %dma_wait3A_719 : memref<1x1x1x8x128xf32, #tpu.memory_space<hbm>> -> memref<8x128xf32, #tpu.memory_space<hbm>>
        %dma_wait3A_721 = arith.constant 0 : i32
        %dma_wait3A_722 = arith.constant 0 : i32
        %dma_wait3A_723 = tpu.memref_slice %arg4[%dma_wait3A_711, %dma_wait3A_712, %dma_wait3A_713, %dma_wait3A_721, %dma_wait3A_722] : memref<50x4x128x8x128xf32, #tpu.memory_space<hbm>> -> memref<1x1x1x8x128xf32, #tpu.memory_space<hbm>>
        %dma_wait3A_724 = tpu.memref_squeeze %dma_wait3A_723 : memref<1x1x1x8x128xf32, #tpu.memory_space<hbm>> -> memref<8x128xf32, #tpu.memory_space<hbm>>
        %dma_wait3A_725 = arith.constant 0 : i32
        %dma_wait3A_726 = arith.constant 0 : i32
        %dma_wait3A_727 = tpu.memref_slice %arg10[%dma_wait3A_725, %dma_wait3A_726] : memref<32x128xf32, #tpu.memory_space<vmem>> -> memref<8x128xf32, #tpu.memory_space<vmem>>
        tpu.wait_dma2 semaphore(%arg18 : memref<!tpu.dma_semaphore, #tpu.memory_space<semaphore_mem>>) src(%dma_wait3A_727 : memref<8x128xf32, #tpu.memory_space<vmem>>) dst(%dma_wait3A_724 : memref<8x128xf32, #tpu.memory_space<hbm>>)
        %mul3A_728 = arith.constant 128 : i32
        %mul3A_729 = arith.muli %sub3A_481, %mul3A_728 : i32
        %dma_start3A_730 = tpu.memref_slice %arg5[%mul3A_729] : memref<25600xi32, #tpu.memory_space<vmem>> -> memref<128xi32, #tpu.memory_space<vmem>>
        %dma_start3A_731 = arith.constant 0 : i32
        %dma_start3A_732 = arith.constant 0 : i32
        %dma_start3A_733 = tpu.memref_slice %arg3[%dma_start3A_731, %dma_start3A_732] : memref<1000000x32xf32, #tpu.memory_space<hbm>> -> memref<1000000x32xf32, #tpu.memory_space<hbm>>
        tpu.enqueue_indirect_dma source(%dma_start3A_733 : memref<1000000x32xf32, #tpu.memory_space<hbm>>) target(%arg6 : memref<128x32xf32, #tpu.memory_space<vmem>>) offsets(%dma_start3A_730 : memref<128xi32, #tpu.memory_space<vmem>>) semaphore(%arg14 : memref<!tpu.dma_semaphore, #tpu.memory_space<semaphore_mem>>)
      } else {
      }
      %mul3A_487 = arith.constant 4 : i32
      %mul3A_488 = arith.muli %scan3A_320, %mul3A_487 : i32
      %add3A_489 = arith.constant 2 : i32
      %add3A_490 = arith.addi %mul3A_488, %add3A_489 : i32
      %dma_wait3A_491 = arith.constant 0 : i32
      %dma_wait3A_492 = tpu.memref_slice %arg5[%dma_wait3A_491] : memref<25600xi32, #tpu.memory_space<vmem>> -> memref<128xi32, #tpu.memory_space<vmem>>
      %dma_wait3A_493 = arith.constant 0 : i32
      %dma_wait3A_494 = arith.constant 0 : i32
      %dma_wait3A_495 = tpu.memref_slice %arg3[%dma_wait3A_493, %dma_wait3A_494] : memref<1000000x32xf32, #tpu.memory_space<hbm>> -> memref<1000000x32xf32, #tpu.memory_space<hbm>>
      tpu.wait_indirect_dma semaphore(%arg16 : memref<!tpu.dma_semaphore, #tpu.memory_space<semaphore_mem>>) src(%dma_wait3A_495 : memref<1000000x32xf32, #tpu.memory_space<hbm>>) dst(%arg8 : memref<128x32xf32, #tpu.memory_space<vmem>>)
      %parallel_loop3A_496 = arith.constant 0 : i32
      %parallel_loop3A_497 = arith.constant 32 : i32
      %parallel_loop3A_498 = arith.constant 1 : i32
      scf.for %parallel_loop3A_660 = %parallel_loop3A_496 to %parallel_loop3A_497 step %parallel_loop3A_498  : i32 {
        %parallel_loop3A_661 = vector.broadcast %parallel_loop3A_660 : i32 to vector<16xi32>
        %parallel_loop3A_662 = tpu.vector_load_idx %arg8[%add3A_7, %parallel_loop3A_661] : memref<128x32xf32, #tpu.memory_space<vmem>>[vector<16xi32>, vector<16xi32>], vector<16xf32>,
        %parallel_loop3A_663 = arith.constant 5.65685415 : f32
        %parallel_loop3A_664 = vector.broadcast %parallel_loop3A_663 : f32 to vector<16xf32>
        %parallel_loop3A_665 = arith.mulf %parallel_loop3A_662, %parallel_loop3A_664 : vector<16xf32>
        %parallel_loop3A_666 = arith.index_cast %parallel_loop3A_660 : i32 to index
        %parallel_loop3A_667 = arith.constant 0 : index
        %parallel_loop3A_668 = tpu.vector_load %arg12[%parallel_loop3A_666, %parallel_loop3A_667] {strides = array<i32>} : memref<32x128xf32, #tpu.memory_space<vmem>>, vector<16xf32>,
        tpu.vector_store %arg12[%parallel_loop3A_666, %parallel_loop3A_667], %parallel_loop3A_665 {strides = array<i32>} : memref<32x128xf32, #tpu.memory_space<vmem>>, vector<16xf32>,
        %parallel_loop3A_669 = tpu.vector_load_idx %arg8[%add3A_10, %parallel_loop3A_661] : memref<128x32xf32, #tpu.memory_space<vmem>>[vector<16xi32>, vector<16xi32>], vector<16xf32>,
        %parallel_loop3A_670 = arith.constant 5.65685415 : f32
        %parallel_loop3A_671 = vector.broadcast %parallel_loop3A_670 : f32 to vector<16xf32>
        %parallel_loop3A_672 = arith.mulf %parallel_loop3A_669, %parallel_loop3A_671 : vector<16xf32>
        %parallel_loop3A_673 = arith.index_cast %parallel_loop3A_660 : i32 to index
        %parallel_loop3A_674 = arith.constant 16 : index
        %parallel_loop3A_675 = tpu.vector_load %arg12[%parallel_loop3A_673, %parallel_loop3A_674] {strides = array<i32>} : memref<32x128xf32, #tpu.memory_space<vmem>>, vector<16xf32>,
        tpu.vector_store %arg12[%parallel_loop3A_673, %parallel_loop3A_674], %parallel_loop3A_672 {strides = array<i32>} : memref<32x128xf32, #tpu.memory_space<vmem>>, vector<16xf32>,
        %parallel_loop3A_676 = tpu.vector_load_idx %arg8[%add3A_13, %parallel_loop3A_661] : memref<128x32xf32, #tpu.memory_space<vmem>>[vector<16xi32>, vector<16xi32>], vector<16xf32>,
        %parallel_loop3A_677 = arith.constant 5.65685415 : f32
        %parallel_loop3A_678 = vector.broadcast %parallel_loop3A_677 : f32 to vector<16xf32>
        %parallel_loop3A_679 = arith.mulf %parallel_loop3A_676, %parallel_loop3A_678 : vector<16xf32>
        %parallel_loop3A_680 = arith.index_cast %parallel_loop3A_660 : i32 to index
        %parallel_loop3A_681 = arith.constant 32 : index
        %parallel_loop3A_682 = tpu.vector_load %arg12[%parallel_loop3A_680, %parallel_loop3A_681] {strides = array<i32>} : memref<32x128xf32, #tpu.memory_space<vmem>>, vector<16xf32>,
        tpu.vector_store %arg12[%parallel_loop3A_680, %parallel_loop3A_681], %parallel_loop3A_679 {strides = array<i32>} : memref<32x128xf32, #tpu.memory_space<vmem>>, vector<16xf32>,
        %parallel_loop3A_683 = tpu.vector_load_idx %arg8[%add3A_16, %parallel_loop3A_661] : memref<128x32xf32, #tpu.memory_space<vmem>>[vector<16xi32>, vector<16xi32>], vector<16xf32>,
        %parallel_loop3A_684 = arith.constant 5.65685415 : f32
        %parallel_loop3A_685 = vector.broadcast %parallel_loop3A_684 : f32 to vector<16xf32>
        %parallel_loop3A_686 = arith.mulf %parallel_loop3A_683, %parallel_loop3A_685 : vector<16xf32>
        %parallel_loop3A_687 = arith.index_cast %parallel_loop3A_660 : i32 to index
        %parallel_loop3A_688 = arith.constant 48 : index
        %parallel_loop3A_689 = tpu.vector_load %arg12[%parallel_loop3A_687, %parallel_loop3A_688] {strides = array<i32>} : memref<32x128xf32, #tpu.memory_space<vmem>>, vector<16xf32>,
        tpu.vector_store %arg12[%parallel_loop3A_687, %parallel_loop3A_688], %parallel_loop3A_686 {strides = array<i32>} : memref<32x128xf32, #tpu.memory_space<vmem>>, vector<16xf32>,
        %parallel_loop3A_690 = tpu.vector_load_idx %arg8[%add3A_19, %parallel_loop3A_661] : memref<128x32xf32, #tpu.memory_space<vmem>>[vector<16xi32>, vector<16xi32>], vector<16xf32>,
        %parallel_loop3A_691 = arith.constant 5.65685415 : f32
        %parallel_loop3A_692 = vector.broadcast %parallel_loop3A_691 : f32 to vector<16xf32>
        %parallel_loop3A_693 = arith.mulf %parallel_loop3A_690, %parallel_loop3A_692 : vector<16xf32>
        %parallel_loop3A_694 = arith.index_cast %parallel_loop3A_660 : i32 to index
        %parallel_loop3A_695 = arith.constant 64 : index
        %parallel_loop3A_696 = tpu.vector_load %arg12[%parallel_loop3A_694, %parallel_loop3A_695] {strides = array<i32>} : memref<32x128xf32, #tpu.memory_space<vmem>>, vector<16xf32>,
        tpu.vector_store %arg12[%parallel_loop3A_694, %parallel_loop3A_695], %parallel_loop3A_693 {strides = array<i32>} : memref<32x128xf32, #tpu.memory_space<vmem>>, vector<16xf32>,
        %parallel_loop3A_697 = tpu.vector_load_idx %arg8[%add3A_22, %parallel_loop3A_661] : memref<128x32xf32, #tpu.memory_space<vmem>>[vector<16xi32>, vector<16xi32>], vector<16xf32>,
        %parallel_loop3A_698 = arith.constant 5.65685415 : f32
        %parallel_loop3A_699 = vector.broadcast %parallel_loop3A_698 : f32 to vector<16xf32>
        %parallel_loop3A_700 = arith.mulf %parallel_loop3A_697, %parallel_loop3A_699 : vector<16xf32>
        %parallel_loop3A_701 = arith.index_cast %parallel_loop3A_660 : i32 to index
        %parallel_loop3A_702 = arith.constant 80 : index
        %parallel_loop3A_703 = tpu.vector_load %arg12[%parallel_loop3A_701, %parallel_loop3A_702] {strides = array<i32>} : memref<32x128xf32, #tpu.memory_space<vmem>>, vector<16xf32>,
        tpu.vector_store %arg12[%parallel_loop3A_701, %parallel_loop3A_702], %parallel_loop3A_700 {strides = array<i32>} : memref<32x128xf32, #tpu.memory_space<vmem>>, vector<16xf32>,
        %parallel_loop3A_704 = tpu.vector_load_idx %arg8[%add3A_25, %parallel_loop3A_661] : memref<128x32xf32, #tpu.memory_space<vmem>>[vector<16xi32>, vector<16xi32>], vector<16xf32>,
        %parallel_loop3A_705 = arith.constant 5.65685415 : f32
        %parallel_loop3A_706 = vector.broadcast %parallel_loop3A_705 : f32 to vector<16xf32>
        %parallel_loop3A_707 = arith.mulf %parallel_loop3A_704, %parallel_loop3A_706 : vector<16xf32>
        %parallel_loop3A_708 = arith.index_cast %parallel_loop3A_660 : i32 to index
        %parallel_loop3A_709 = arith.constant 96 : index
        %parallel_loop3A_710 = tpu.vector_load %arg12[%parallel_loop3A_708, %parallel_loop3A_709] {strides = array<i32>} : memref<32x128xf32, #tpu.memory_space<vmem>>, vector<16xf32>,
        tpu.vector_store %arg12[%parallel_loop3A_708, %parallel_loop3A_709], %parallel_loop3A_707 {strides = array<i32>} : memref<32x128xf32, #tpu.memory_space<vmem>>, vector<16xf32>,
        %parallel_loop3A_711 = tpu.vector_load_idx %arg8[%add3A_28, %parallel_loop3A_661] : memref<128x32xf32, #tpu.memory_space<vmem>>[vector<16xi32>, vector<16xi32>], vector<16xf32>,
        %parallel_loop3A_712 = arith.constant 5.65685415 : f32
        %parallel_loop3A_713 = vector.broadcast %parallel_loop3A_712 : f32 to vector<16xf32>
        %parallel_loop3A_714 = arith.mulf %parallel_loop3A_711, %parallel_loop3A_713 : vector<16xf32>
        %parallel_loop3A_715 = arith.index_cast %parallel_loop3A_660 : i32 to index
        %parallel_loop3A_716 = arith.constant 112 : index
        %parallel_loop3A_717 = tpu.vector_load %arg12[%parallel_loop3A_715, %parallel_loop3A_716] {strides = array<i32>} : memref<32x128xf32, #tpu.memory_space<vmem>>, vector<16xf32>,
        tpu.vector_store %arg12[%parallel_loop3A_715, %parallel_loop3A_716], %parallel_loop3A_714 {strides = array<i32>} : memref<32x128xf32, #tpu.memory_space<vmem>>, vector<16xf32>,
      } {sc.loop_unroll_factor = 4 : i64, sc.parallel_access}
      %add3A_499 = arith.addi %mul3A_2, %add3A_490 : i32
      %shift_right_arithmetic3A_500 = arith.constant 7 : i32
      %shift_right_arithmetic3A_501 = arith.shrsi %add3A_499, %shift_right_arithmetic3A_500 : i32
      %and3A_502 = arith.constant 127 : i32
      %and3A_503 = arith.andi %add3A_499, %and3A_502 : i32
      %dma_start3A_504 = arith.constant 0 : i32
      %dma_start3A_505 = arith.constant 0 : i32
      %dma_start3A_506 = arith.constant 0 : i32
      %dma_start3A_507 = tpu.memref_slice %arg12[%dma_start3A_505, %dma_start3A_506] : memref<32x128xf32, #tpu.memory_space<vmem>> -> memref<8x128xf32, #tpu.memory_space<vmem>>
      %dma_start3A_508 = arith.constant 0 : i32
      %dma_start3A_509 = arith.constant 0 : i32
      %dma_start3A_510 = tpu.memref_slice %arg4[%shift_right_arithmetic3A_501, %dma_start3A_504, %and3A_503, %dma_start3A_508, %dma_start3A_509] : memref<50x4x128x8x128xf32, #tpu.memory_space<hbm>> -> memref<1x1x1x8x128xf32, #tpu.memory_space<hbm>>
      %dma_start3A_511 = tpu.memref_squeeze %dma_start3A_510 : memref<1x1x1x8x128xf32, #tpu.memory_space<hbm>> -> memref<8x128xf32, #tpu.memory_space<hbm>>
      %dma_start3A_512 = arith.constant 0 : i32
      %dma_start3A_513 = arith.constant 0 : i32
      %dma_start3A_514 = tpu.memref_slice %arg4[%shift_right_arithmetic3A_501, %dma_start3A_504, %and3A_503, %dma_start3A_512, %dma_start3A_513] : memref<50x4x128x8x128xf32, #tpu.memory_space<hbm>> -> memref<1x1x1x8x128xf32, #tpu.memory_space<hbm>>
      %dma_start3A_515 = tpu.memref_squeeze %dma_start3A_514 : memref<1x1x1x8x128xf32, #tpu.memory_space<hbm>> -> memref<8x128xf32, #tpu.memory_space<hbm>>
      %dma_start3A_516 = arith.constant 0 : i32
      %dma_start3A_517 = arith.constant 0 : i32
      %dma_start3A_518 = tpu.memref_slice %arg12[%dma_start3A_516, %dma_start3A_517] : memref<32x128xf32, #tpu.memory_space<vmem>> -> memref<8x128xf32, #tpu.memory_space<vmem>>
      tpu.enqueue_dma source(%dma_start3A_518 : memref<8x128xf32, #tpu.memory_space<vmem>>) target(%dma_start3A_515 : memref<8x128xf32, #tpu.memory_space<hbm>>) target_semaphore(%arg20 : memref<!tpu.dma_semaphore, #tpu.memory_space<semaphore_mem>>)
      %dma_start3A_519 = arith.constant 1 : i32
      %dma_start3A_520 = arith.constant 8 : i32
      %dma_start3A_521 = arith.constant 0 : i32
      %dma_start3A_522 = tpu.memref_slice %arg12[%dma_start3A_520, %dma_start3A_521] : memref<32x128xf32, #tpu.memory_space<vmem>> -> memref<8x128xf32, #tpu.memory_space<vmem>>
      %dma_start3A_523 = arith.constant 0 : i32
      %dma_start3A_524 = arith.constant 0 : i32
      %dma_start3A_525 = tpu.memref_slice %arg4[%shift_right_arithmetic3A_501, %dma_start3A_519, %and3A_503, %dma_start3A_523, %dma_start3A_524] : memref<50x4x128x8x128xf32, #tpu.memory_space<hbm>> -> memref<1x1x1x8x128xf32, #tpu.memory_space<hbm>>
      %dma_start3A_526 = tpu.memref_squeeze %dma_start3A_525 : memref<1x1x1x8x128xf32, #tpu.memory_space<hbm>> -> memref<8x128xf32, #tpu.memory_space<hbm>>
      %dma_start3A_527 = arith.constant 0 : i32
      %dma_start3A_528 = arith.constant 0 : i32
      %dma_start3A_529 = tpu.memref_slice %arg4[%shift_right_arithmetic3A_501, %dma_start3A_519, %and3A_503, %dma_start3A_527, %dma_start3A_528] : memref<50x4x128x8x128xf32, #tpu.memory_space<hbm>> -> memref<1x1x1x8x128xf32, #tpu.memory_space<hbm>>
      %dma_start3A_530 = tpu.memref_squeeze %dma_start3A_529 : memref<1x1x1x8x128xf32, #tpu.memory_space<hbm>> -> memref<8x128xf32, #tpu.memory_space<hbm>>
      %dma_start3A_531 = arith.constant 8 : i32
      %dma_start3A_532 = arith.constant 0 : i32
      %dma_start3A_533 = tpu.memref_slice %arg12[%dma_start3A_531, %dma_start3A_532] : memref<32x128xf32, #tpu.memory_space<vmem>> -> memref<8x128xf32, #tpu.memory_space<vmem>>
      tpu.enqueue_dma source(%dma_start3A_533 : memref<8x128xf32, #tpu.memory_space<vmem>>) target(%dma_start3A_530 : memref<8x128xf32, #tpu.memory_space<hbm>>) target_semaphore(%arg20 : memref<!tpu.dma_semaphore, #tpu.memory_space<semaphore_mem>>)
      %dma_start3A_534 = arith.constant 2 : i32
      %dma_start3A_535 = arith.constant 16 : i32
      %dma_start3A_536 = arith.constant 0 : i32
      %dma_start3A_537 = tpu.memref_slice %arg12[%dma_start3A_535, %dma_start3A_536] : memref<32x128xf32, #tpu.memory_space<vmem>> -> memref<8x128xf32, #tpu.memory_space<vmem>>
      %dma_start3A_538 = arith.constant 0 : i32
      %dma_start3A_539 = arith.constant 0 : i32
      %dma_start3A_540 = tpu.memref_slice %arg4[%shift_right_arithmetic3A_501, %dma_start3A_534, %and3A_503, %dma_start3A_538, %dma_start3A_539] : memref<50x4x128x8x128xf32, #tpu.memory_space<hbm>> -> memref<1x1x1x8x128xf32, #tpu.memory_space<hbm>>
      %dma_start3A_541 = tpu.memref_squeeze %dma_start3A_540 : memref<1x1x1x8x128xf32, #tpu.memory_space<hbm>> -> memref<8x128xf32, #tpu.memory_space<hbm>>
      %dma_start3A_542 = arith.constant 0 : i32
      %dma_start3A_543 = arith.constant 0 : i32
      %dma_start3A_544 = tpu.memref_slice %arg4[%shift_right_arithmetic3A_501, %dma_start3A_534, %and3A_503, %dma_start3A_542, %dma_start3A_543] : memref<50x4x128x8x128xf32, #tpu.memory_space<hbm>> -> memref<1x1x1x8x128xf32, #tpu.memory_space<hbm>>
      %dma_start3A_545 = tpu.memref_squeeze %dma_start3A_544 : memref<1x1x1x8x128xf32, #tpu.memory_space<hbm>> -> memref<8x128xf32, #tpu.memory_space<hbm>>
      %dma_start3A_546 = arith.constant 16 : i32
      %dma_start3A_547 = arith.constant 0 : i32
      %dma_start3A_548 = tpu.memref_slice %arg12[%dma_start3A_546, %dma_start3A_547] : memref<32x128xf32, #tpu.memory_space<vmem>> -> memref<8x128xf32, #tpu.memory_space<vmem>>
      tpu.enqueue_dma source(%dma_start3A_548 : memref<8x128xf32, #tpu.memory_space<vmem>>) target(%dma_start3A_545 : memref<8x128xf32, #tpu.memory_space<hbm>>) target_semaphore(%arg20 : memref<!tpu.dma_semaphore, #tpu.memory_space<semaphore_mem>>)
      %dma_start3A_549 = arith.constant 3 : i32
      %dma_start3A_550 = arith.constant 24 : i32
      %dma_start3A_551 = arith.constant 0 : i32
      %dma_start3A_552 = tpu.memref_slice %arg12[%dma_start3A_550, %dma_start3A_551] : memref<32x128xf32, #tpu.memory_space<vmem>> -> memref<8x128xf32, #tpu.memory_space<vmem>>
      %dma_start3A_553 = arith.constant 0 : i32
      %dma_start3A_554 = arith.constant 0 : i32
      %dma_start3A_555 = tpu.memref_slice %arg4[%shift_right_arithmetic3A_501, %dma_start3A_549, %and3A_503, %dma_start3A_553, %dma_start3A_554] : memref<50x4x128x8x128xf32, #tpu.memory_space<hbm>> -> memref<1x1x1x8x128xf32, #tpu.memory_space<hbm>>
      %dma_start3A_556 = tpu.memref_squeeze %dma_start3A_555 : memref<1x1x1x8x128xf32, #tpu.memory_space<hbm>> -> memref<8x128xf32, #tpu.memory_space<hbm>>
      %dma_start3A_557 = arith.constant 0 : i32
      %dma_start3A_558 = arith.constant 0 : i32
      %dma_start3A_559 = tpu.memref_slice %arg4[%shift_right_arithmetic3A_501, %dma_start3A_549, %and3A_503, %dma_start3A_557, %dma_start3A_558] : memref<50x4x128x8x128xf32, #tpu.memory_space<hbm>> -> memref<1x1x1x8x128xf32, #tpu.memory_space<hbm>>
      %dma_start3A_560 = tpu.memref_squeeze %dma_start3A_559 : memref<1x1x1x8x128xf32, #tpu.memory_space<hbm>> -> memref<8x128xf32, #tpu.memory_space<hbm>>
      %dma_start3A_561 = arith.constant 24 : i32
      %dma_start3A_562 = arith.constant 0 : i32
      %dma_start3A_563 = tpu.memref_slice %arg12[%dma_start3A_561, %dma_start3A_562] : memref<32x128xf32, #tpu.memory_space<vmem>> -> memref<8x128xf32, #tpu.memory_space<vmem>>
      tpu.enqueue_dma source(%dma_start3A_563 : memref<8x128xf32, #tpu.memory_space<vmem>>) target(%dma_start3A_560 : memref<8x128xf32, #tpu.memory_space<hbm>>) target_semaphore(%arg20 : memref<!tpu.dma_semaphore, #tpu.memory_space<semaphore_mem>>)
      %add3A_564 = arith.constant 4 : i32
      %add3A_565 = arith.addi %add3A_490, %add3A_564 : i32
      %sub3A_566 = arith.constant 1 : i32
      %sub3A_567 = arith.subi %add3A_565, %sub3A_566 : i32
      %lt3A_568 = arith.constant 200 : i32
      %lt3A_569 = arith.cmpi slt, %sub3A_567, %lt3A_568 : i32
      %convert_element_type3A_570 = arith.extui %lt3A_569 : i1 to i32
      %cond3A_571 = arith.constant 0 : i32
      %cond3A_572 = arith.cmpi ne, %convert_element_type3A_570, %cond3A_571 : i32
      scf.if %cond3A_572 {
        %dma_wait3A_660 = arith.constant 0 : i32
        %dma_wait3A_661 = arith.constant 0 : i32
        %dma_wait3A_662 = arith.constant 0 : i32
        %dma_wait3A_663 = arith.constant 0 : i32
        %dma_wait3A_664 = arith.constant 0 : i32
        %dma_wait3A_665 = tpu.memref_slice %arg11[%dma_wait3A_663, %dma_wait3A_664] : memref<32x128xf32, #tpu.memory_space<vmem>> -> memref<8x128xf32, #tpu.memory_space<vmem>>
        %dma_wait3A_666 = arith.constant 0 : i32
        %dma_wait3A_667 = arith.constant 0 : i32
        %dma_wait3A_668 = tpu.memref_slice %arg4[%dma_wait3A_660, %dma_wait3A_661, %dma_wait3A_662, %dma_wait3A_666, %dma_wait3A_667] : memref<50x4x128x8x128xf32, #tpu.memory_space<hbm>> -> memref<1x1x1x8x128xf32, #tpu.memory_space<hbm>>
        %dma_wait3A_669 = tpu.memref_squeeze %dma_wait3A_668 : memref<1x1x1x8x128xf32, #tpu.memory_space<hbm>> -> memref<8x128xf32, #tpu.memory_space<hbm>>
        %dma_wait3A_670 = arith.constant 0 : i32
        %dma_wait3A_671 = arith.constant 0 : i32
        %dma_wait3A_672 = tpu.memref_slice %arg4[%dma_wait3A_660, %dma_wait3A_661, %dma_wait3A_662, %dma_wait3A_670, %dma_wait3A_671] : memref<50x4x128x8x128xf32, #tpu.memory_space<hbm>> -> memref<1x1x1x8x128xf32, #tpu.memory_space<hbm>>
        %dma_wait3A_673 = tpu.memref_squeeze %dma_wait3A_672 : memref<1x1x1x8x128xf32, #tpu.memory_space<hbm>> -> memref<8x128xf32, #tpu.memory_space<hbm>>
        %dma_wait3A_674 = arith.constant 0 : i32
        %dma_wait3A_675 = arith.constant 0 : i32
        %dma_wait3A_676 = tpu.memref_slice %arg11[%dma_wait3A_674, %dma_wait3A_675] : memref<32x128xf32, #tpu.memory_space<vmem>> -> memref<8x128xf32, #tpu.memory_space<vmem>>
        tpu.wait_dma2 semaphore(%arg19 : memref<!tpu.dma_semaphore, #tpu.memory_space<semaphore_mem>>) src(%dma_wait3A_676 : memref<8x128xf32, #tpu.memory_space<vmem>>) dst(%dma_wait3A_673 : memref<8x128xf32, #tpu.memory_space<hbm>>)
        %dma_wait3A_677 = arith.constant 0 : i32
        %dma_wait3A_678 = arith.constant 0 : i32
        %dma_wait3A_679 = arith.constant 0 : i32
        %dma_wait3A_680 = arith.constant 0 : i32
        %dma_wait3A_681 = arith.constant 0 : i32
        %dma_wait3A_682 = tpu.memref_slice %arg11[%dma_wait3A_680, %dma_wait3A_681] : memref<32x128xf32, #tpu.memory_space<vmem>> -> memref<8x128xf32, #tpu.memory_space<vmem>>
        %dma_wait3A_683 = arith.constant 0 : i32
        %dma_wait3A_684 = arith.constant 0 : i32
        %dma_wait3A_685 = tpu.memref_slice %arg4[%dma_wait3A_677, %dma_wait3A_678, %dma_wait3A_679, %dma_wait3A_683, %dma_wait3A_684] : memref<50x4x128x8x128xf32, #tpu.memory_space<hbm>> -> memref<1x1x1x8x128xf32, #tpu.memory_space<hbm>>
        %dma_wait3A_686 = tpu.memref_squeeze %dma_wait3A_685 : memref<1x1x1x8x128xf32, #tpu.memory_space<hbm>> -> memref<8x128xf32, #tpu.memory_space<hbm>>
        %dma_wait3A_687 = arith.constant 0 : i32
        %dma_wait3A_688 = arith.constant 0 : i32
        %dma_wait3A_689 = tpu.memref_slice %arg4[%dma_wait3A_677, %dma_wait3A_678, %dma_wait3A_679, %dma_wait3A_687, %dma_wait3A_688] : memref<50x4x128x8x128xf32, #tpu.memory_space<hbm>> -> memref<1x1x1x8x128xf32, #tpu.memory_space<hbm>>
        %dma_wait3A_690 = tpu.memref_squeeze %dma_wait3A_689 : memref<1x1x1x8x128xf32, #tpu.memory_space<hbm>> -> memref<8x128xf32, #tpu.memory_space<hbm>>
        %dma_wait3A_691 = arith.constant 0 : i32
        %dma_wait3A_692 = arith.constant 0 : i32
        %dma_wait3A_693 = tpu.memref_slice %arg11[%dma_wait3A_691, %dma_wait3A_692] : memref<32x128xf32, #tpu.memory_space<vmem>> -> memref<8x128xf32, #tpu.memory_space<vmem>>
        tpu.wait_dma2 semaphore(%arg19 : memref<!tpu.dma_semaphore, #tpu.memory_space<semaphore_mem>>) src(%dma_wait3A_693 : memref<8x128xf32, #tpu.memory_space<vmem>>) dst(%dma_wait3A_690 : memref<8x128xf32, #tpu.memory_space<hbm>>)
        %dma_wait3A_694 = arith.constant 0 : i32
        %dma_wait3A_695 = arith.constant 0 : i32
        %dma_wait3A_696 = arith.constant 0 : i32
        %dma_wait3A_697 = arith.constant 0 : i32
        %dma_wait3A_698 = arith.constant 0 : i32
        %dma_wait3A_699 = tpu.memref_slice %arg11[%dma_wait3A_697, %dma_wait3A_698] : memref<32x128xf32, #tpu.memory_space<vmem>> -> memref<8x128xf32, #tpu.memory_space<vmem>>
        %dma_wait3A_700 = arith.constant 0 : i32
        %dma_wait3A_701 = arith.constant 0 : i32
        %dma_wait3A_702 = tpu.memref_slice %arg4[%dma_wait3A_694, %dma_wait3A_695, %dma_wait3A_696, %dma_wait3A_700, %dma_wait3A_701] : memref<50x4x128x8x128xf32, #tpu.memory_space<hbm>> -> memref<1x1x1x8x128xf32, #tpu.memory_space<hbm>>
        %dma_wait3A_703 = tpu.memref_squeeze %dma_wait3A_702 : memref<1x1x1x8x128xf32, #tpu.memory_space<hbm>> -> memref<8x128xf32, #tpu.memory_space<hbm>>
        %dma_wait3A_704 = arith.constant 0 : i32
        %dma_wait3A_705 = arith.constant 0 : i32
        %dma_wait3A_706 = tpu.memref_slice %arg4[%dma_wait3A_694, %dma_wait3A_695, %dma_wait3A_696, %dma_wait3A_704, %dma_wait3A_705] : memref<50x4x128x8x128xf32, #tpu.memory_space<hbm>> -> memref<1x1x1x8x128xf32, #tpu.memory_space<hbm>>
        %dma_wait3A_707 = tpu.memref_squeeze %dma_wait3A_706 : memref<1x1x1x8x128xf32, #tpu.memory_space<hbm>> -> memref<8x128xf32, #tpu.memory_space<hbm>>
        %dma_wait3A_708 = arith.constant 0 : i32
        %dma_wait3A_709 = arith.constant 0 : i32
        %dma_wait3A_710 = tpu.memref_slice %arg11[%dma_wait3A_708, %dma_wait3A_709] : memref<32x128xf32, #tpu.memory_space<vmem>> -> memref<8x128xf32, #tpu.memory_space<vmem>>
        tpu.wait_dma2 semaphore(%arg19 : memref<!tpu.dma_semaphore, #tpu.memory_space<semaphore_mem>>) src(%dma_wait3A_710 : memref<8x128xf32, #tpu.memory_space<vmem>>) dst(%dma_wait3A_707 : memref<8x128xf32, #tpu.memory_space<hbm>>)
        %dma_wait3A_711 = arith.constant 0 : i32
        %dma_wait3A_712 = arith.constant 0 : i32
        %dma_wait3A_713 = arith.constant 0 : i32
        %dma_wait3A_714 = arith.constant 0 : i32
        %dma_wait3A_715 = arith.constant 0 : i32
        %dma_wait3A_716 = tpu.memref_slice %arg11[%dma_wait3A_714, %dma_wait3A_715] : memref<32x128xf32, #tpu.memory_space<vmem>> -> memref<8x128xf32, #tpu.memory_space<vmem>>
        %dma_wait3A_717 = arith.constant 0 : i32
        %dma_wait3A_718 = arith.constant 0 : i32
        %dma_wait3A_719 = tpu.memref_slice %arg4[%dma_wait3A_711, %dma_wait3A_712, %dma_wait3A_713, %dma_wait3A_717, %dma_wait3A_718] : memref<50x4x128x8x128xf32, #tpu.memory_space<hbm>> -> memref<1x1x1x8x128xf32, #tpu.memory_space<hbm>>
        %dma_wait3A_720 = tpu.memref_squeeze %dma_wait3A_719 : memref<1x1x1x8x128xf32, #tpu.memory_space<hbm>> -> memref<8x128xf32, #tpu.memory_space<hbm>>
        %dma_wait3A_721 = arith.constant 0 : i32
        %dma_wait3A_722 = arith.constant 0 : i32
        %dma_wait3A_723 = tpu.memref_slice %arg4[%dma_wait3A_711, %dma_wait3A_712, %dma_wait3A_713, %dma_wait3A_721, %dma_wait3A_722] : memref<50x4x128x8x128xf32, #tpu.memory_space<hbm>> -> memref<1x1x1x8x128xf32, #tpu.memory_space<hbm>>
        %dma_wait3A_724 = tpu.memref_squeeze %dma_wait3A_723 : memref<1x1x1x8x128xf32, #tpu.memory_space<hbm>> -> memref<8x128xf32, #tpu.memory_space<hbm>>
        %dma_wait3A_725 = arith.constant 0 : i32
        %dma_wait3A_726 = arith.constant 0 : i32
        %dma_wait3A_727 = tpu.memref_slice %arg11[%dma_wait3A_725, %dma_wait3A_726] : memref<32x128xf32, #tpu.memory_space<vmem>> -> memref<8x128xf32, #tpu.memory_space<vmem>>
        tpu.wait_dma2 semaphore(%arg19 : memref<!tpu.dma_semaphore, #tpu.memory_space<semaphore_mem>>) src(%dma_wait3A_727 : memref<8x128xf32, #tpu.memory_space<vmem>>) dst(%dma_wait3A_724 : memref<8x128xf32, #tpu.memory_space<hbm>>)
        %mul3A_728 = arith.constant 128 : i32
        %mul3A_729 = arith.muli %sub3A_567, %mul3A_728 : i32
        %dma_start3A_730 = tpu.memref_slice %arg5[%mul3A_729] : memref<25600xi32, #tpu.memory_space<vmem>> -> memref<128xi32, #tpu.memory_space<vmem>>
        %dma_start3A_731 = arith.constant 0 : i32
        %dma_start3A_732 = arith.constant 0 : i32
        %dma_start3A_733 = tpu.memref_slice %arg3[%dma_start3A_731, %dma_start3A_732] : memref<1000000x32xf32, #tpu.memory_space<hbm>> -> memref<1000000x32xf32, #tpu.memory_space<hbm>>
        tpu.enqueue_indirect_dma source(%dma_start3A_733 : memref<1000000x32xf32, #tpu.memory_space<hbm>>) target(%arg7 : memref<128x32xf32, #tpu.memory_space<vmem>>) offsets(%dma_start3A_730 : memref<128xi32, #tpu.memory_space<vmem>>) semaphore(%arg15 : memref<!tpu.dma_semaphore, #tpu.memory_space<semaphore_mem>>)
      } else {
      }
      %mul3A_573 = arith.constant 4 : i32
      %mul3A_574 = arith.muli %scan3A_320, %mul3A_573 : i32
      %add3A_575 = arith.constant 3 : i32
      %add3A_576 = arith.addi %mul3A_574, %add3A_575 : i32
      %dma_wait3A_577 = arith.constant 0 : i32
      %dma_wait3A_578 = tpu.memref_slice %arg5[%dma_wait3A_577] : memref<25600xi32, #tpu.memory_space<vmem>> -> memref<128xi32, #tpu.memory_space<vmem>>
      %dma_wait3A_579 = arith.constant 0 : i32
      %dma_wait3A_580 = arith.constant 0 : i32
      %dma_wait3A_581 = tpu.memref_slice %arg3[%dma_wait3A_579, %dma_wait3A_580] : memref<1000000x32xf32, #tpu.memory_space<hbm>> -> memref<1000000x32xf32, #tpu.memory_space<hbm>>
      tpu.wait_indirect_dma semaphore(%arg17 : memref<!tpu.dma_semaphore, #tpu.memory_space<semaphore_mem>>) src(%dma_wait3A_581 : memref<1000000x32xf32, #tpu.memory_space<hbm>>) dst(%arg9 : memref<128x32xf32, #tpu.memory_space<vmem>>)
      %parallel_loop3A_582 = arith.constant 0 : i32
      %parallel_loop3A_583 = arith.constant 32 : i32
      %parallel_loop3A_584 = arith.constant 1 : i32
      scf.for %parallel_loop3A_660 = %parallel_loop3A_582 to %parallel_loop3A_583 step %parallel_loop3A_584  : i32 {
        %parallel_loop3A_661 = vector.broadcast %parallel_loop3A_660 : i32 to vector<16xi32>
        %parallel_loop3A_662 = tpu.vector_load_idx %arg9[%add3A_7, %parallel_loop3A_661] : memref<128x32xf32, #tpu.memory_space<vmem>>[vector<16xi32>, vector<16xi32>], vector<16xf32>,
        %parallel_loop3A_663 = arith.constant 5.65685415 : f32
        %parallel_loop3A_664 = vector.broadcast %parallel_loop3A_663 : f32 to vector<16xf32>
        %parallel_loop3A_665 = arith.mulf %parallel_loop3A_662, %parallel_loop3A_664 : vector<16xf32>
        %parallel_loop3A_666 = arith.index_cast %parallel_loop3A_660 : i32 to index
        %parallel_loop3A_667 = arith.constant 0 : index
        %parallel_loop3A_668 = tpu.vector_load %arg13[%parallel_loop3A_666, %parallel_loop3A_667] {strides = array<i32>} : memref<32x128xf32, #tpu.memory_space<vmem>>, vector<16xf32>,
        tpu.vector_store %arg13[%parallel_loop3A_666, %parallel_loop3A_667], %parallel_loop3A_665 {strides = array<i32>} : memref<32x128xf32, #tpu.memory_space<vmem>>, vector<16xf32>,
        %parallel_loop3A_669 = tpu.vector_load_idx %arg9[%add3A_10, %parallel_loop3A_661] : memref<128x32xf32, #tpu.memory_space<vmem>>[vector<16xi32>, vector<16xi32>], vector<16xf32>,
        %parallel_loop3A_670 = arith.constant 5.65685415 : f32
        %parallel_loop3A_671 = vector.broadcast %parallel_loop3A_670 : f32 to vector<16xf32>
        %parallel_loop3A_672 = arith.mulf %parallel_loop3A_669, %parallel_loop3A_671 : vector<16xf32>
        %parallel_loop3A_673 = arith.index_cast %parallel_loop3A_660 : i32 to index
        %parallel_loop3A_674 = arith.constant 16 : index
        %parallel_loop3A_675 = tpu.vector_load %arg13[%parallel_loop3A_673, %parallel_loop3A_674] {strides = array<i32>} : memref<32x128xf32, #tpu.memory_space<vmem>>, vector<16xf32>,
        tpu.vector_store %arg13[%parallel_loop3A_673, %parallel_loop3A_674], %parallel_loop3A_672 {strides = array<i32>} : memref<32x128xf32, #tpu.memory_space<vmem>>, vector<16xf32>,
        %parallel_loop3A_676 = tpu.vector_load_idx %arg9[%add3A_13, %parallel_loop3A_661] : memref<128x32xf32, #tpu.memory_space<vmem>>[vector<16xi32>, vector<16xi32>], vector<16xf32>,
        %parallel_loop3A_677 = arith.constant 5.65685415 : f32
        %parallel_loop3A_678 = vector.broadcast %parallel_loop3A_677 : f32 to vector<16xf32>
        %parallel_loop3A_679 = arith.mulf %parallel_loop3A_676, %parallel_loop3A_678 : vector<16xf32>
        %parallel_loop3A_680 = arith.index_cast %parallel_loop3A_660 : i32 to index
        %parallel_loop3A_681 = arith.constant 32 : index
        %parallel_loop3A_682 = tpu.vector_load %arg13[%parallel_loop3A_680, %parallel_loop3A_681] {strides = array<i32>} : memref<32x128xf32, #tpu.memory_space<vmem>>, vector<16xf32>,
        tpu.vector_store %arg13[%parallel_loop3A_680, %parallel_loop3A_681], %parallel_loop3A_679 {strides = array<i32>} : memref<32x128xf32, #tpu.memory_space<vmem>>, vector<16xf32>,
        %parallel_loop3A_683 = tpu.vector_load_idx %arg9[%add3A_16, %parallel_loop3A_661] : memref<128x32xf32, #tpu.memory_space<vmem>>[vector<16xi32>, vector<16xi32>], vector<16xf32>,
        %parallel_loop3A_684 = arith.constant 5.65685415 : f32
        %parallel_loop3A_685 = vector.broadcast %parallel_loop3A_684 : f32 to vector<16xf32>
        %parallel_loop3A_686 = arith.mulf %parallel_loop3A_683, %parallel_loop3A_685 : vector<16xf32>
        %parallel_loop3A_687 = arith.index_cast %parallel_loop3A_660 : i32 to index
        %parallel_loop3A_688 = arith.constant 48 : index
        %parallel_loop3A_689 = tpu.vector_load %arg13[%parallel_loop3A_687, %parallel_loop3A_688] {strides = array<i32>} : memref<32x128xf32, #tpu.memory_space<vmem>>, vector<16xf32>,
        tpu.vector_store %arg13[%parallel_loop3A_687, %parallel_loop3A_688], %parallel_loop3A_686 {strides = array<i32>} : memref<32x128xf32, #tpu.memory_space<vmem>>, vector<16xf32>,
        %parallel_loop3A_690 = tpu.vector_load_idx %arg9[%add3A_19, %parallel_loop3A_661] : memref<128x32xf32, #tpu.memory_space<vmem>>[vector<16xi32>, vector<16xi32>], vector<16xf32>,
        %parallel_loop3A_691 = arith.constant 5.65685415 : f32
        %parallel_loop3A_692 = vector.broadcast %parallel_loop3A_691 : f32 to vector<16xf32>
        %parallel_loop3A_693 = arith.mulf %parallel_loop3A_690, %parallel_loop3A_692 : vector<16xf32>
        %parallel_loop3A_694 = arith.index_cast %parallel_loop3A_660 : i32 to index
        %parallel_loop3A_695 = arith.constant 64 : index
        %parallel_loop3A_696 = tpu.vector_load %arg13[%parallel_loop3A_694, %parallel_loop3A_695] {strides = array<i32>} : memref<32x128xf32, #tpu.memory_space<vmem>>, vector<16xf32>,
        tpu.vector_store %arg13[%parallel_loop3A_694, %parallel_loop3A_695], %parallel_loop3A_693 {strides = array<i32>} : memref<32x128xf32, #tpu.memory_space<vmem>>, vector<16xf32>,
        %parallel_loop3A_697 = tpu.vector_load_idx %arg9[%add3A_22, %parallel_loop3A_661] : memref<128x32xf32, #tpu.memory_space<vmem>>[vector<16xi32>, vector<16xi32>], vector<16xf32>,
        %parallel_loop3A_698 = arith.constant 5.65685415 : f32
        %parallel_loop3A_699 = vector.broadcast %parallel_loop3A_698 : f32 to vector<16xf32>
        %parallel_loop3A_700 = arith.mulf %parallel_loop3A_697, %parallel_loop3A_699 : vector<16xf32>
        %parallel_loop3A_701 = arith.index_cast %parallel_loop3A_660 : i32 to index
        %parallel_loop3A_702 = arith.constant 80 : index
        %parallel_loop3A_703 = tpu.vector_load %arg13[%parallel_loop3A_701, %parallel_loop3A_702] {strides = array<i32>} : memref<32x128xf32, #tpu.memory_space<vmem>>, vector<16xf32>,
        tpu.vector_store %arg13[%parallel_loop3A_701, %parallel_loop3A_702], %parallel_loop3A_700 {strides = array<i32>} : memref<32x128xf32, #tpu.memory_space<vmem>>, vector<16xf32>,
        %parallel_loop3A_704 = tpu.vector_load_idx %arg9[%add3A_25, %parallel_loop3A_661] : memref<128x32xf32, #tpu.memory_space<vmem>>[vector<16xi32>, vector<16xi32>], vector<16xf32>,
        %parallel_loop3A_705 = arith.constant 5.65685415 : f32
        %parallel_loop3A_706 = vector.broadcast %parallel_loop3A_705 : f32 to vector<16xf32>
        %parallel_loop3A_707 = arith.mulf %parallel_loop3A_704, %parallel_loop3A_706 : vector<16xf32>
        %parallel_loop3A_708 = arith.index_cast %parallel_loop3A_660 : i32 to index
        %parallel_loop3A_709 = arith.constant 96 : index
        %parallel_loop3A_710 = tpu.vector_load %arg13[%parallel_loop3A_708, %parallel_loop3A_709] {strides = array<i32>} : memref<32x128xf32, #tpu.memory_space<vmem>>, vector<16xf32>,
        tpu.vector_store %arg13[%parallel_loop3A_708, %parallel_loop3A_709], %parallel_loop3A_707 {strides = array<i32>} : memref<32x128xf32, #tpu.memory_space<vmem>>, vector<16xf32>,
        %parallel_loop3A_711 = tpu.vector_load_idx %arg9[%add3A_28, %parallel_loop3A_661] : memref<128x32xf32, #tpu.memory_space<vmem>>[vector<16xi32>, vector<16xi32>], vector<16xf32>,
        %parallel_loop3A_712 = arith.constant 5.65685415 : f32
        %parallel_loop3A_713 = vector.broadcast %parallel_loop3A_712 : f32 to vector<16xf32>
        %parallel_loop3A_714 = arith.mulf %parallel_loop3A_711, %parallel_loop3A_713 : vector<16xf32>
        %parallel_loop3A_715 = arith.index_cast %parallel_loop3A_660 : i32 to index
        %parallel_loop3A_716 = arith.constant 112 : index
        %parallel_loop3A_717 = tpu.vector_load %arg13[%parallel_loop3A_715, %parallel_loop3A_716] {strides = array<i32>} : memref<32x128xf32, #tpu.memory_space<vmem>>, vector<16xf32>,
        tpu.vector_store %arg13[%parallel_loop3A_715, %parallel_loop3A_716], %parallel_loop3A_714 {strides = array<i32>} : memref<32x128xf32, #tpu.memory_space<vmem>>, vector<16xf32>,
      } {sc.loop_unroll_factor = 4 : i64, sc.parallel_access}
      %add3A_585 = arith.addi %mul3A_2, %add3A_576 : i32
      %shift_right_arithmetic3A_586 = arith.constant 7 : i32
      %shift_right_arithmetic3A_587 = arith.shrsi %add3A_585, %shift_right_arithmetic3A_586 : i32
      %and3A_588 = arith.constant 127 : i32
      %and3A_589 = arith.andi %add3A_585, %and3A_588 : i32
      %dma_start3A_590 = arith.constant 0 : i32
      %dma_start3A_591 = arith.constant 0 : i32
      %dma_start3A_592 = arith.constant 0 : i32
      %dma_start3A_593 = tpu.memref_slice %arg13[%dma_start3A_591, %dma_start3A_592] : memref<32x128xf32, #tpu.memory_space<vmem>> -> memref<8x128xf32, #tpu.memory_space<vmem>>
      %dma_start3A_594 = arith.constant 0 : i32
      %dma_start3A_595 = arith.constant 0 : i32
      %dma_start3A_596 = tpu.memref_slice %arg4[%shift_right_arithmetic3A_587, %dma_start3A_590, %and3A_589, %dma_start3A_594, %dma_start3A_595] : memref<50x4x128x8x128xf32, #tpu.memory_space<hbm>> -> memref<1x1x1x8x128xf32, #tpu.memory_space<hbm>>
      %dma_start3A_597 = tpu.memref_squeeze %dma_start3A_596 : memref<1x1x1x8x128xf32, #tpu.memory_space<hbm>> -> memref<8x128xf32, #tpu.memory_space<hbm>>
      %dma_start3A_598 = arith.constant 0 : i32
      %dma_start3A_599 = arith.constant 0 : i32
      %dma_start3A_600 = tpu.memref_slice %arg4[%shift_right_arithmetic3A_587, %dma_start3A_590, %and3A_589, %dma_start3A_598, %dma_start3A_599] : memref<50x4x128x8x128xf32, #tpu.memory_space<hbm>> -> memref<1x1x1x8x128xf32, #tpu.memory_space<hbm>>
      %dma_start3A_601 = tpu.memref_squeeze %dma_start3A_600 : memref<1x1x1x8x128xf32, #tpu.memory_space<hbm>> -> memref<8x128xf32, #tpu.memory_space<hbm>>
      %dma_start3A_602 = arith.constant 0 : i32
      %dma_start3A_603 = arith.constant 0 : i32
      %dma_start3A_604 = tpu.memref_slice %arg13[%dma_start3A_602, %dma_start3A_603] : memref<32x128xf32, #tpu.memory_space<vmem>> -> memref<8x128xf32, #tpu.memory_space<vmem>>
      tpu.enqueue_dma source(%dma_start3A_604 : memref<8x128xf32, #tpu.memory_space<vmem>>) target(%dma_start3A_601 : memref<8x128xf32, #tpu.memory_space<hbm>>) target_semaphore(%arg21 : memref<!tpu.dma_semaphore, #tpu.memory_space<semaphore_mem>>)
      %dma_start3A_605 = arith.constant 1 : i32
      %dma_start3A_606 = arith.constant 8 : i32
      %dma_start3A_607 = arith.constant 0 : i32
      %dma_start3A_608 = tpu.memref_slice %arg13[%dma_start3A_606, %dma_start3A_607] : memref<32x128xf32, #tpu.memory_space<vmem>> -> memref<8x128xf32, #tpu.memory_space<vmem>>
      %dma_start3A_609 = arith.constant 0 : i32
      %dma_start3A_610 = arith.constant 0 : i32
      %dma_start3A_611 = tpu.memref_slice %arg4[%shift_right_arithmetic3A_587, %dma_start3A_605, %and3A_589, %dma_start3A_609, %dma_start3A_610] : memref<50x4x128x8x128xf32, #tpu.memory_space<hbm>> -> memref<1x1x1x8x128xf32, #tpu.memory_space<hbm>>
      %dma_start3A_612 = tpu.memref_squeeze %dma_start3A_611 : memref<1x1x1x8x128xf32, #tpu.memory_space<hbm>> -> memref<8x128xf32, #tpu.memory_space<hbm>>
      %dma_start3A_613 = arith.constant 0 : i32
      %dma_start3A_614 = arith.constant 0 : i32
      %dma_start3A_615 = tpu.memref_slice %arg4[%shift_right_arithmetic3A_587, %dma_start3A_605, %and3A_589, %dma_start3A_613, %dma_start3A_614] : memref<50x4x128x8x128xf32, #tpu.memory_space<hbm>> -> memref<1x1x1x8x128xf32, #tpu.memory_space<hbm>>
      %dma_start3A_616 = tpu.memref_squeeze %dma_start3A_615 : memref<1x1x1x8x128xf32, #tpu.memory_space<hbm>> -> memref<8x128xf32, #tpu.memory_space<hbm>>
      %dma_start3A_617 = arith.constant 8 : i32
      %dma_start3A_618 = arith.constant 0 : i32
      %dma_start3A_619 = tpu.memref_slice %arg13[%dma_start3A_617, %dma_start3A_618] : memref<32x128xf32, #tpu.memory_space<vmem>> -> memref<8x128xf32, #tpu.memory_space<vmem>>
      tpu.enqueue_dma source(%dma_start3A_619 : memref<8x128xf32, #tpu.memory_space<vmem>>) target(%dma_start3A_616 : memref<8x128xf32, #tpu.memory_space<hbm>>) target_semaphore(%arg21 : memref<!tpu.dma_semaphore, #tpu.memory_space<semaphore_mem>>)
      %dma_start3A_620 = arith.constant 2 : i32
      %dma_start3A_621 = arith.constant 16 : i32
      %dma_start3A_622 = arith.constant 0 : i32
      %dma_start3A_623 = tpu.memref_slice %arg13[%dma_start3A_621, %dma_start3A_622] : memref<32x128xf32, #tpu.memory_space<vmem>> -> memref<8x128xf32, #tpu.memory_space<vmem>>
      %dma_start3A_624 = arith.constant 0 : i32
      %dma_start3A_625 = arith.constant 0 : i32
      %dma_start3A_626 = tpu.memref_slice %arg4[%shift_right_arithmetic3A_587, %dma_start3A_620, %and3A_589, %dma_start3A_624, %dma_start3A_625] : memref<50x4x128x8x128xf32, #tpu.memory_space<hbm>> -> memref<1x1x1x8x128xf32, #tpu.memory_space<hbm>>
      %dma_start3A_627 = tpu.memref_squeeze %dma_start3A_626 : memref<1x1x1x8x128xf32, #tpu.memory_space<hbm>> -> memref<8x128xf32, #tpu.memory_space<hbm>>
      %dma_start3A_628 = arith.constant 0 : i32
      %dma_start3A_629 = arith.constant 0 : i32
      %dma_start3A_630 = tpu.memref_slice %arg4[%shift_right_arithmetic3A_587, %dma_start3A_620, %and3A_589, %dma_start3A_628, %dma_start3A_629] : memref<50x4x128x8x128xf32, #tpu.memory_space<hbm>> -> memref<1x1x1x8x128xf32, #tpu.memory_space<hbm>>
      %dma_start3A_631 = tpu.memref_squeeze %dma_start3A_630 : memref<1x1x1x8x128xf32, #tpu.memory_space<hbm>> -> memref<8x128xf32, #tpu.memory_space<hbm>>
      %dma_start3A_632 = arith.constant 16 : i32
      %dma_start3A_633 = arith.constant 0 : i32
      %dma_start3A_634 = tpu.memref_slice %arg13[%dma_start3A_632, %dma_start3A_633] : memref<32x128xf32, #tpu.memory_space<vmem>> -> memref<8x128xf32, #tpu.memory_space<vmem>>
      tpu.enqueue_dma source(%dma_start3A_634 : memref<8x128xf32, #tpu.memory_space<vmem>>) target(%dma_start3A_631 : memref<8x128xf32, #tpu.memory_space<hbm>>) target_semaphore(%arg21 : memref<!tpu.dma_semaphore, #tpu.memory_space<semaphore_mem>>)
      %dma_start3A_635 = arith.constant 3 : i32
      %dma_start3A_636 = arith.constant 24 : i32
      %dma_start3A_637 = arith.constant 0 : i32
      %dma_start3A_638 = tpu.memref_slice %arg13[%dma_start3A_636, %dma_start3A_637] : memref<32x128xf32, #tpu.memory_space<vmem>> -> memref<8x128xf32, #tpu.memory_space<vmem>>
      %dma_start3A_639 = arith.constant 0 : i32
      %dma_start3A_640 = arith.constant 0 : i32
      %dma_start3A_641 = tpu.memref_slice %arg4[%shift_right_arithmetic3A_587, %dma_start3A_635, %and3A_589, %dma_start3A_639, %dma_start3A_640] : memref<50x4x128x8x128xf32, #tpu.memory_space<hbm>> -> memref<1x1x1x8x128xf32, #tpu.memory_space<hbm>>
      %dma_start3A_642 = tpu.memref_squeeze %dma_start3A_641 : memref<1x1x1x8x128xf32, #tpu.memory_space<hbm>> -> memref<8x128xf32, #tpu.memory_space<hbm>>
      %dma_start3A_643 = arith.constant 0 : i32
      %dma_start3A_644 = arith.constant 0 : i32
      %dma_start3A_645 = tpu.memref_slice %arg4[%shift_right_arithmetic3A_587, %dma_start3A_635, %and3A_589, %dma_start3A_643, %dma_start3A_644] : memref<50x4x128x8x128xf32, #tpu.memory_space<hbm>> -> memref<1x1x1x8x128xf32, #tpu.memory_space<hbm>>
      %dma_start3A_646 = tpu.memref_squeeze %dma_start3A_645 : memref<1x1x1x8x128xf32, #tpu.memory_space<hbm>> -> memref<8x128xf32, #tpu.memory_space<hbm>>
      %dma_start3A_647 = arith.constant 24 : i32
      %dma_start3A_648 = arith.constant 0 : i32
      %dma_start3A_649 = tpu.memref_slice %arg13[%dma_start3A_647, %dma_start3A_648] : memref<32x128xf32, #tpu.memory_space<vmem>> -> memref<8x128xf32, #tpu.memory_space<vmem>>
      tpu.enqueue_dma source(%dma_start3A_649 : memref<8x128xf32, #tpu.memory_space<vmem>>) target(%dma_start3A_646 : memref<8x128xf32, #tpu.memory_space<hbm>>) target_semaphore(%arg21 : memref<!tpu.dma_semaphore, #tpu.memory_space<semaphore_mem>>)
      %add3A_650 = arith.constant 4 : i32
      %add3A_651 = arith.addi %add3A_576, %add3A_650 : i32
      %sub3A_652 = arith.constant 1 : i32
      %sub3A_653 = arith.subi %add3A_651, %sub3A_652 : i32
      %lt3A_654 = arith.constant 200 : i32
      %lt3A_655 = arith.cmpi slt, %sub3A_653, %lt3A_654 : i32
      %convert_element_type3A_656 = arith.extui %lt3A_655 : i1 to i32
      %cond3A_657 = arith.constant 0 : i32
      %cond3A_658 = arith.cmpi ne, %convert_element_type3A_656, %cond3A_657 : i32
      scf.if %cond3A_658 {
        %dma_wait3A_660 = arith.constant 0 : i32
        %dma_wait3A_661 = arith.constant 0 : i32
        %dma_wait3A_662 = arith.constant 0 : i32
        %dma_wait3A_663 = arith.constant 0 : i32
        %dma_wait3A_664 = arith.constant 0 : i32
        %dma_wait3A_665 = tpu.memref_slice %arg12[%dma_wait3A_663, %dma_wait3A_664] : memref<32x128xf32, #tpu.memory_space<vmem>> -> memref<8x128xf32, #tpu.memory_space<vmem>>
        %dma_wait3A_666 = arith.constant 0 : i32
        %dma_wait3A_667 = arith.constant 0 : i32
        %dma_wait3A_668 = tpu.memref_slice %arg4[%dma_wait3A_660, %dma_wait3A_661, %dma_wait3A_662, %dma_wait3A_666, %dma_wait3A_667] : memref<50x4x128x8x128xf32, #tpu.memory_space<hbm>> -> memref<1x1x1x8x128xf32, #tpu.memory_space<hbm>>
        %dma_wait3A_669 = tpu.memref_squeeze %dma_wait3A_668 : memref<1x1x1x8x128xf32, #tpu.memory_space<hbm>> -> memref<8x128xf32, #tpu.memory_space<hbm>>
        %dma_wait3A_670 = arith.constant 0 : i32
        %dma_wait3A_671 = arith.constant 0 : i32
        %dma_wait3A_672 = tpu.memref_slice %arg4[%dma_wait3A_660, %dma_wait3A_661, %dma_wait3A_662, %dma_wait3A_670, %dma_wait3A_671] : memref<50x4x128x8x128xf32, #tpu.memory_space<hbm>> -> memref<1x1x1x8x128xf32, #tpu.memory_space<hbm>>
        %dma_wait3A_673 = tpu.memref_squeeze %dma_wait3A_672 : memref<1x1x1x8x128xf32, #tpu.memory_space<hbm>> -> memref<8x128xf32, #tpu.memory_space<hbm>>
        %dma_wait3A_674 = arith.constant 0 : i32
        %dma_wait3A_675 = arith.constant 0 : i32
        %dma_wait3A_676 = tpu.memref_slice %arg12[%dma_wait3A_674, %dma_wait3A_675] : memref<32x128xf32, #tpu.memory_space<vmem>> -> memref<8x128xf32, #tpu.memory_space<vmem>>
        tpu.wait_dma2 semaphore(%arg20 : memref<!tpu.dma_semaphore, #tpu.memory_space<semaphore_mem>>) src(%dma_wait3A_676 : memref<8x128xf32, #tpu.memory_space<vmem>>) dst(%dma_wait3A_673 : memref<8x128xf32, #tpu.memory_space<hbm>>)
        %dma_wait3A_677 = arith.constant 0 : i32
        %dma_wait3A_678 = arith.constant 0 : i32
        %dma_wait3A_679 = arith.constant 0 : i32
        %dma_wait3A_680 = arith.constant 0 : i32
        %dma_wait3A_681 = arith.constant 0 : i32
        %dma_wait3A_682 = tpu.memref_slice %arg12[%dma_wait3A_680, %dma_wait3A_681] : memref<32x128xf32, #tpu.memory_space<vmem>> -> memref<8x128xf32, #tpu.memory_space<vmem>>
        %dma_wait3A_683 = arith.constant 0 : i32
        %dma_wait3A_684 = arith.constant 0 : i32
        %dma_wait3A_685 = tpu.memref_slice %arg4[%dma_wait3A_677, %dma_wait3A_678, %dma_wait3A_679, %dma_wait3A_683, %dma_wait3A_684] : memref<50x4x128x8x128xf32, #tpu.memory_space<hbm>> -> memref<1x1x1x8x128xf32, #tpu.memory_space<hbm>>
        %dma_wait3A_686 = tpu.memref_squeeze %dma_wait3A_685 : memref<1x1x1x8x128xf32, #tpu.memory_space<hbm>> -> memref<8x128xf32, #tpu.memory_space<hbm>>
        %dma_wait3A_687 = arith.constant 0 : i32
        %dma_wait3A_688 = arith.constant 0 : i32
        %dma_wait3A_689 = tpu.memref_slice %arg4[%dma_wait3A_677, %dma_wait3A_678, %dma_wait3A_679, %dma_wait3A_687, %dma_wait3A_688] : memref<50x4x128x8x128xf32, #tpu.memory_space<hbm>> -> memref<1x1x1x8x128xf32, #tpu.memory_space<hbm>>
        %dma_wait3A_690 = tpu.memref_squeeze %dma_wait3A_689 : memref<1x1x1x8x128xf32, #tpu.memory_space<hbm>> -> memref<8x128xf32, #tpu.memory_space<hbm>>
        %dma_wait3A_691 = arith.constant 0 : i32
        %dma_wait3A_692 = arith.constant 0 : i32
        %dma_wait3A_693 = tpu.memref_slice %arg12[%dma_wait3A_691, %dma_wait3A_692] : memref<32x128xf32, #tpu.memory_space<vmem>> -> memref<8x128xf32, #tpu.memory_space<vmem>>
        tpu.wait_dma2 semaphore(%arg20 : memref<!tpu.dma_semaphore, #tpu.memory_space<semaphore_mem>>) src(%dma_wait3A_693 : memref<8x128xf32, #tpu.memory_space<vmem>>) dst(%dma_wait3A_690 : memref<8x128xf32, #tpu.memory_space<hbm>>)
        %dma_wait3A_694 = arith.constant 0 : i32
        %dma_wait3A_695 = arith.constant 0 : i32
        %dma_wait3A_696 = arith.constant 0 : i32
        %dma_wait3A_697 = arith.constant 0 : i32
        %dma_wait3A_698 = arith.constant 0 : i32
        %dma_wait3A_699 = tpu.memref_slice %arg12[%dma_wait3A_697, %dma_wait3A_698] : memref<32x128xf32, #tpu.memory_space<vmem>> -> memref<8x128xf32, #tpu.memory_space<vmem>>
        %dma_wait3A_700 = arith.constant 0 : i32
        %dma_wait3A_701 = arith.constant 0 : i32
        %dma_wait3A_702 = tpu.memref_slice %arg4[%dma_wait3A_694, %dma_wait3A_695, %dma_wait3A_696, %dma_wait3A_700, %dma_wait3A_701] : memref<50x4x128x8x128xf32, #tpu.memory_space<hbm>> -> memref<1x1x1x8x128xf32, #tpu.memory_space<hbm>>
        %dma_wait3A_703 = tpu.memref_squeeze %dma_wait3A_702 : memref<1x1x1x8x128xf32, #tpu.memory_space<hbm>> -> memref<8x128xf32, #tpu.memory_space<hbm>>
        %dma_wait3A_704 = arith.constant 0 : i32
        %dma_wait3A_705 = arith.constant 0 : i32
        %dma_wait3A_706 = tpu.memref_slice %arg4[%dma_wait3A_694, %dma_wait3A_695, %dma_wait3A_696, %dma_wait3A_704, %dma_wait3A_705] : memref<50x4x128x8x128xf32, #tpu.memory_space<hbm>> -> memref<1x1x1x8x128xf32, #tpu.memory_space<hbm>>
        %dma_wait3A_707 = tpu.memref_squeeze %dma_wait3A_706 : memref<1x1x1x8x128xf32, #tpu.memory_space<hbm>> -> memref<8x128xf32, #tpu.memory_space<hbm>>
        %dma_wait3A_708 = arith.constant 0 : i32
        %dma_wait3A_709 = arith.constant 0 : i32
        %dma_wait3A_710 = tpu.memref_slice %arg12[%dma_wait3A_708, %dma_wait3A_709] : memref<32x128xf32, #tpu.memory_space<vmem>> -> memref<8x128xf32, #tpu.memory_space<vmem>>
        tpu.wait_dma2 semaphore(%arg20 : memref<!tpu.dma_semaphore, #tpu.memory_space<semaphore_mem>>) src(%dma_wait3A_710 : memref<8x128xf32, #tpu.memory_space<vmem>>) dst(%dma_wait3A_707 : memref<8x128xf32, #tpu.memory_space<hbm>>)
        %dma_wait3A_711 = arith.constant 0 : i32
        %dma_wait3A_712 = arith.constant 0 : i32
        %dma_wait3A_713 = arith.constant 0 : i32
        %dma_wait3A_714 = arith.constant 0 : i32
        %dma_wait3A_715 = arith.constant 0 : i32
        %dma_wait3A_716 = tpu.memref_slice %arg12[%dma_wait3A_714, %dma_wait3A_715] : memref<32x128xf32, #tpu.memory_space<vmem>> -> memref<8x128xf32, #tpu.memory_space<vmem>>
        %dma_wait3A_717 = arith.constant 0 : i32
        %dma_wait3A_718 = arith.constant 0 : i32
        %dma_wait3A_719 = tpu.memref_slice %arg4[%dma_wait3A_711, %dma_wait3A_712, %dma_wait3A_713, %dma_wait3A_717, %dma_wait3A_718] : memref<50x4x128x8x128xf32, #tpu.memory_space<hbm>> -> memref<1x1x1x8x128xf32, #tpu.memory_space<hbm>>
        %dma_wait3A_720 = tpu.memref_squeeze %dma_wait3A_719 : memref<1x1x1x8x128xf32, #tpu.memory_space<hbm>> -> memref<8x128xf32, #tpu.memory_space<hbm>>
        %dma_wait3A_721 = arith.constant 0 : i32
        %dma_wait3A_722 = arith.constant 0 : i32
        %dma_wait3A_723 = tpu.memref_slice %arg4[%dma_wait3A_711, %dma_wait3A_712, %dma_wait3A_713, %dma_wait3A_721, %dma_wait3A_722] : memref<50x4x128x8x128xf32, #tpu.memory_space<hbm>> -> memref<1x1x1x8x128xf32, #tpu.memory_space<hbm>>
        %dma_wait3A_724 = tpu.memref_squeeze %dma_wait3A_723 : memref<1x1x1x8x128xf32, #tpu.memory_space<hbm>> -> memref<8x128xf32, #tpu.memory_space<hbm>>
        %dma_wait3A_725 = arith.constant 0 : i32
        %dma_wait3A_726 = arith.constant 0 : i32
        %dma_wait3A_727 = tpu.memref_slice %arg12[%dma_wait3A_725, %dma_wait3A_726] : memref<32x128xf32, #tpu.memory_space<vmem>> -> memref<8x128xf32, #tpu.memory_space<vmem>>
        tpu.wait_dma2 semaphore(%arg20 : memref<!tpu.dma_semaphore, #tpu.memory_space<semaphore_mem>>) src(%dma_wait3A_727 : memref<8x128xf32, #tpu.memory_space<vmem>>) dst(%dma_wait3A_724 : memref<8x128xf32, #tpu.memory_space<hbm>>)
        %mul3A_728 = arith.constant 128 : i32
        %mul3A_729 = arith.muli %sub3A_653, %mul3A_728 : i32
        %dma_start3A_730 = tpu.memref_slice %arg5[%mul3A_729] : memref<25600xi32, #tpu.memory_space<vmem>> -> memref<128xi32, #tpu.memory_space<vmem>>
        %dma_start3A_731 = arith.constant 0 : i32
        %dma_start3A_732 = arith.constant 0 : i32
        %dma_start3A_733 = tpu.memref_slice %arg3[%dma_start3A_731, %dma_start3A_732] : memref<1000000x32xf32, #tpu.memory_space<hbm>> -> memref<1000000x32xf32, #tpu.memory_space<hbm>>
        tpu.enqueue_indirect_dma source(%dma_start3A_733 : memref<1000000x32xf32, #tpu.memory_space<hbm>>) target(%arg8 : memref<128x32xf32, #tpu.memory_space<vmem>>) offsets(%dma_start3A_730 : memref<128xi32, #tpu.memory_space<vmem>>) semaphore(%arg16 : memref<!tpu.dma_semaphore, #tpu.memory_space<semaphore_mem>>)
      } else {
      }
      %scan3A_659 = arith.constant 0 : i32
      scf.yield %scan3A_659 : i32
    }
    %scan3A_48 = arith.constant 50 : i32
    %dma_wait3A = arith.constant 0 : i32
    %dma_wait3A_49 = arith.constant 0 : i32
    %dma_wait3A_50 = arith.constant 0 : i32
    %dma_wait3A_51 = arith.constant 0 : i32
    %dma_wait3A_52 = arith.constant 0 : i32
    %dma_wait3A_53 = tpu.memref_slice %arg10[%dma_wait3A_51, %dma_wait3A_52] : memref<32x128xf32, #tpu.memory_space<vmem>> -> memref<8x128xf32, #tpu.memory_space<vmem>>
    %dma_wait3A_54 = arith.constant 0 : i32
    %dma_wait3A_55 = arith.constant 0 : i32
    %dma_wait3A_56 = tpu.memref_slice %arg4[%dma_wait3A, %dma_wait3A_49, %dma_wait3A_50, %dma_wait3A_54, %dma_wait3A_55] : memref<50x4x128x8x128xf32, #tpu.memory_space<hbm>> -> memref<1x1x1x8x128xf32, #tpu.memory_space<hbm>>
    %dma_wait3A_57 = tpu.memref_squeeze %dma_wait3A_56 : memref<1x1x1x8x128xf32, #tpu.memory_space<hbm>> -> memref<8x128xf32, #tpu.memory_space<hbm>>
    %dma_wait3A_58 = arith.constant 0 : i32
    %dma_wait3A_59 = arith.constant 0 : i32
    %dma_wait3A_60 = tpu.memref_slice %arg4[%dma_wait3A, %dma_wait3A_49, %dma_wait3A_50, %dma_wait3A_58, %dma_wait3A_59] : memref<50x4x128x8x128xf32, #tpu.memory_space<hbm>> -> memref<1x1x1x8x128xf32, #tpu.memory_space<hbm>>
    %dma_wait3A_61 = tpu.memref_squeeze %dma_wait3A_60 : memref<1x1x1x8x128xf32, #tpu.memory_space<hbm>> -> memref<8x128xf32, #tpu.memory_space<hbm>>
    %dma_wait3A_62 = arith.constant 0 : i32
    %dma_wait3A_63 = arith.constant 0 : i32
    %dma_wait3A_64 = tpu.memref_slice %arg10[%dma_wait3A_62, %dma_wait3A_63] : memref<32x128xf32, #tpu.memory_space<vmem>> -> memref<8x128xf32, #tpu.memory_space<vmem>>
    tpu.wait_dma2 semaphore(%arg18 : memref<!tpu.dma_semaphore, #tpu.memory_space<semaphore_mem>>) src(%dma_wait3A_64 : memref<8x128xf32, #tpu.memory_space<vmem>>) dst(%dma_wait3A_61 : memref<8x128xf32, #tpu.memory_space<hbm>>)
    %dma_wait3A_65 = arith.constant 0 : i32
    %dma_wait3A_66 = arith.constant 0 : i32
    %dma_wait3A_67 = arith.constant 0 : i32
    %dma_wait3A_68 = arith.constant 0 : i32
    %dma_wait3A_69 = arith.constant 0 : i32
    %dma_wait3A_70 = tpu.memref_slice %arg10[%dma_wait3A_68, %dma_wait3A_69] : memref<32x128xf32, #tpu.memory_space<vmem>> -> memref<8x128xf32, #tpu.memory_space<vmem>>
    %dma_wait3A_71 = arith.constant 0 : i32
    %dma_wait3A_72 = arith.constant 0 : i32
    %dma_wait3A_73 = tpu.memref_slice %arg4[%dma_wait3A_65, %dma_wait3A_66, %dma_wait3A_67, %dma_wait3A_71, %dma_wait3A_72] : memref<50x4x128x8x128xf32, #tpu.memory_space<hbm>> -> memref<1x1x1x8x128xf32, #tpu.memory_space<hbm>>
    %dma_wait3A_74 = tpu.memref_squeeze %dma_wait3A_73 : memref<1x1x1x8x128xf32, #tpu.memory_space<hbm>> -> memref<8x128xf32, #tpu.memory_space<hbm>>
    %dma_wait3A_75 = arith.constant 0 : i32
    %dma_wait3A_76 = arith.constant 0 : i32
    %dma_wait3A_77 = tpu.memref_slice %arg4[%dma_wait3A_65, %dma_wait3A_66, %dma_wait3A_67, %dma_wait3A_75, %dma_wait3A_76] : memref<50x4x128x8x128xf32, #tpu.memory_space<hbm>> -> memref<1x1x1x8x128xf32, #tpu.memory_space<hbm>>
    %dma_wait3A_78 = tpu.memref_squeeze %dma_wait3A_77 : memref<1x1x1x8x128xf32, #tpu.memory_space<hbm>> -> memref<8x128xf32, #tpu.memory_space<hbm>>
    %dma_wait3A_79 = arith.constant 0 : i32
    %dma_wait3A_80 = arith.constant 0 : i32
    %dma_wait3A_81 = tpu.memref_slice %arg10[%dma_wait3A_79, %dma_wait3A_80] : memref<32x128xf32, #tpu.memory_space<vmem>> -> memref<8x128xf32, #tpu.memory_space<vmem>>
    tpu.wait_dma2 semaphore(%arg18 : memref<!tpu.dma_semaphore, #tpu.memory_space<semaphore_mem>>) src(%dma_wait3A_81 : memref<8x128xf32, #tpu.memory_space<vmem>>) dst(%dma_wait3A_78 : memref<8x128xf32, #tpu.memory_space<hbm>>)
    %dma_wait3A_82 = arith.constant 0 : i32
    %dma_wait3A_83 = arith.constant 0 : i32
    %dma_wait3A_84 = arith.constant 0 : i32
    %dma_wait3A_85 = arith.constant 0 : i32
    %dma_wait3A_86 = arith.constant 0 : i32
    %dma_wait3A_87 = tpu.memref_slice %arg10[%dma_wait3A_85, %dma_wait3A_86] : memref<32x128xf32, #tpu.memory_space<vmem>> -> memref<8x128xf32, #tpu.memory_space<vmem>>
    %dma_wait3A_88 = arith.constant 0 : i32
    %dma_wait3A_89 = arith.constant 0 : i32
    %dma_wait3A_90 = tpu.memref_slice %arg4[%dma_wait3A_82, %dma_wait3A_83, %dma_wait3A_84, %dma_wait3A_88, %dma_wait3A_89] : memref<50x4x128x8x128xf32, #tpu.memory_space<hbm>> -> memref<1x1x1x8x128xf32, #tpu.memory_space<hbm>>
    %dma_wait3A_91 = tpu.memref_squeeze %dma_wait3A_90 : memref<1x1x1x8x128xf32, #tpu.memory_space<hbm>> -> memref<8x128xf32, #tpu.memory_space<hbm>>
    %dma_wait3A_92 = arith.constant 0 : i32
    %dma_wait3A_93 = arith.constant 0 : i32
    %dma_wait3A_94 = tpu.memref_slice %arg4[%dma_wait3A_82, %dma_wait3A_83, %dma_wait3A_84, %dma_wait3A_92, %dma_wait3A_93] : memref<50x4x128x8x128xf32, #tpu.memory_space<hbm>> -> memref<1x1x1x8x128xf32, #tpu.memory_space<hbm>>
    %dma_wait3A_95 = tpu.memref_squeeze %dma_wait3A_94 : memref<1x1x1x8x128xf32, #tpu.memory_space<hbm>> -> memref<8x128xf32, #tpu.memory_space<hbm>>
    %dma_wait3A_96 = arith.constant 0 : i32
    %dma_wait3A_97 = arith.constant 0 : i32
    %dma_wait3A_98 = tpu.memref_slice %arg10[%dma_wait3A_96, %dma_wait3A_97] : memref<32x128xf32, #tpu.memory_space<vmem>> -> memref<8x128xf32, #tpu.memory_space<vmem>>
    tpu.wait_dma2 semaphore(%arg18 : memref<!tpu.dma_semaphore, #tpu.memory_space<semaphore_mem>>) src(%dma_wait3A_98 : memref<8x128xf32, #tpu.memory_space<vmem>>) dst(%dma_wait3A_95 : memref<8x128xf32, #tpu.memory_space<hbm>>)
    %dma_wait3A_99 = arith.constant 0 : i32
    %dma_wait3A_100 = arith.constant 0 : i32
    %dma_wait3A_101 = arith.constant 0 : i32
    %dma_wait3A_102 = arith.constant 0 : i32
    %dma_wait3A_103 = arith.constant 0 : i32
    %dma_wait3A_104 = tpu.memref_slice %arg10[%dma_wait3A_102, %dma_wait3A_103] : memref<32x128xf32, #tpu.memory_space<vmem>> -> memref<8x128xf32, #tpu.memory_space<vmem>>
    %dma_wait3A_105 = arith.constant 0 : i32
    %dma_wait3A_106 = arith.constant 0 : i32
    %dma_wait3A_107 = tpu.memref_slice %arg4[%dma_wait3A_99, %dma_wait3A_100, %dma_wait3A_101, %dma_wait3A_105, %dma_wait3A_106] : memref<50x4x128x8x128xf32, #tpu.memory_space<hbm>> -> memref<1x1x1x8x128xf32, #tpu.memory_space<hbm>>
    %dma_wait3A_108 = tpu.memref_squeeze %dma_wait3A_107 : memref<1x1x1x8x128xf32, #tpu.memory_space<hbm>> -> memref<8x128xf32, #tpu.memory_space<hbm>>
    %dma_wait3A_109 = arith.constant 0 : i32
    %dma_wait3A_110 = arith.constant 0 : i32
    %dma_wait3A_111 = tpu.memref_slice %arg4[%dma_wait3A_99, %dma_wait3A_100, %dma_wait3A_101, %dma_wait3A_109, %dma_wait3A_110] : memref<50x4x128x8x128xf32, #tpu.memory_space<hbm>> -> memref<1x1x1x8x128xf32, #tpu.memory_space<hbm>>
    %dma_wait3A_112 = tpu.memref_squeeze %dma_wait3A_111 : memref<1x1x1x8x128xf32, #tpu.memory_space<hbm>> -> memref<8x128xf32, #tpu.memory_space<hbm>>
    %dma_wait3A_113 = arith.constant 0 : i32
    %dma_wait3A_114 = arith.constant 0 : i32
    %dma_wait3A_115 = tpu.memref_slice %arg10[%dma_wait3A_113, %dma_wait3A_114] : memref<32x128xf32, #tpu.memory_space<vmem>> -> memref<8x128xf32, #tpu.memory_space<vmem>>
    tpu.wait_dma2 semaphore(%arg18 : memref<!tpu.dma_semaphore, #tpu.memory_space<semaphore_mem>>) src(%dma_wait3A_115 : memref<8x128xf32, #tpu.memory_space<vmem>>) dst(%dma_wait3A_112 : memref<8x128xf32, #tpu.memory_space<hbm>>)
    %dma_wait3A_116 = arith.constant 0 : i32
    %dma_wait3A_117 = arith.constant 0 : i32
    %dma_wait3A_118 = arith.constant 0 : i32
    %dma_wait3A_119 = arith.constant 0 : i32
    %dma_wait3A_120 = arith.constant 0 : i32
    %dma_wait3A_121 = tpu.memref_slice %arg11[%dma_wait3A_119, %dma_wait3A_120] : memref<32x128xf32, #tpu.memory_space<vmem>> -> memref<8x128xf32, #tpu.memory_space<vmem>>
    %dma_wait3A_122 = arith.constant 0 : i32
    %dma_wait3A_123 = arith.constant 0 : i32
    %dma_wait3A_124 = tpu.memref_slice %arg4[%dma_wait3A_116, %dma_wait3A_117, %dma_wait3A_118, %dma_wait3A_122, %dma_wait3A_123] : memref<50x4x128x8x128xf32, #tpu.memory_space<hbm>> -> memref<1x1x1x8x128xf32, #tpu.memory_space<hbm>>
    %dma_wait3A_125 = tpu.memref_squeeze %dma_wait3A_124 : memref<1x1x1x8x128xf32, #tpu.memory_space<hbm>> -> memref<8x128xf32, #tpu.memory_space<hbm>>
    %dma_wait3A_126 = arith.constant 0 : i32
    %dma_wait3A_127 = arith.constant 0 : i32
    %dma_wait3A_128 = tpu.memref_slice %arg4[%dma_wait3A_116, %dma_wait3A_117, %dma_wait3A_118, %dma_wait3A_126, %dma_wait3A_127] : memref<50x4x128x8x128xf32, #tpu.memory_space<hbm>> -> memref<1x1x1x8x128xf32, #tpu.memory_space<hbm>>
    %dma_wait3A_129 = tpu.memref_squeeze %dma_wait3A_128 : memref<1x1x1x8x128xf32, #tpu.memory_space<hbm>> -> memref<8x128xf32, #tpu.memory_space<hbm>>
    %dma_wait3A_130 = arith.constant 0 : i32
    %dma_wait3A_131 = arith.constant 0 : i32
    %dma_wait3A_132 = tpu.memref_slice %arg11[%dma_wait3A_130, %dma_wait3A_131] : memref<32x128xf32, #tpu.memory_space<vmem>> -> memref<8x128xf32, #tpu.memory_space<vmem>>
    tpu.wait_dma2 semaphore(%arg19 : memref<!tpu.dma_semaphore, #tpu.memory_space<semaphore_mem>>) src(%dma_wait3A_132 : memref<8x128xf32, #tpu.memory_space<vmem>>) dst(%dma_wait3A_129 : memref<8x128xf32, #tpu.memory_space<hbm>>)
    %dma_wait3A_133 = arith.constant 0 : i32
    %dma_wait3A_134 = arith.constant 0 : i32
    %dma_wait3A_135 = arith.constant 0 : i32
    %dma_wait3A_136 = arith.constant 0 : i32
    %dma_wait3A_137 = arith.constant 0 : i32
    %dma_wait3A_138 = tpu.memref_slice %arg11[%dma_wait3A_136, %dma_wait3A_137] : memref<32x128xf32, #tpu.memory_space<vmem>> -> memref<8x128xf32, #tpu.memory_space<vmem>>
    %dma_wait3A_139 = arith.constant 0 : i32
    %dma_wait3A_140 = arith.constant 0 : i32
    %dma_wait3A_141 = tpu.memref_slice %arg4[%dma_wait3A_133, %dma_wait3A_134, %dma_wait3A_135, %dma_wait3A_139, %dma_wait3A_140] : memref<50x4x128x8x128xf32, #tpu.memory_space<hbm>> -> memref<1x1x1x8x128xf32, #tpu.memory_space<hbm>>
    %dma_wait3A_142 = tpu.memref_squeeze %dma_wait3A_141 : memref<1x1x1x8x128xf32, #tpu.memory_space<hbm>> -> memref<8x128xf32, #tpu.memory_space<hbm>>
    %dma_wait3A_143 = arith.constant 0 : i32
    %dma_wait3A_144 = arith.constant 0 : i32
    %dma_wait3A_145 = tpu.memref_slice %arg4[%dma_wait3A_133, %dma_wait3A_134, %dma_wait3A_135, %dma_wait3A_143, %dma_wait3A_144] : memref<50x4x128x8x128xf32, #tpu.memory_space<hbm>> -> memref<1x1x1x8x128xf32, #tpu.memory_space<hbm>>
    %dma_wait3A_146 = tpu.memref_squeeze %dma_wait3A_145 : memref<1x1x1x8x128xf32, #tpu.memory_space<hbm>> -> memref<8x128xf32, #tpu.memory_space<hbm>>
    %dma_wait3A_147 = arith.constant 0 : i32
    %dma_wait3A_148 = arith.constant 0 : i32
    %dma_wait3A_149 = tpu.memref_slice %arg11[%dma_wait3A_147, %dma_wait3A_148] : memref<32x128xf32, #tpu.memory_space<vmem>> -> memref<8x128xf32, #tpu.memory_space<vmem>>
    tpu.wait_dma2 semaphore(%arg19 : memref<!tpu.dma_semaphore, #tpu.memory_space<semaphore_mem>>) src(%dma_wait3A_149 : memref<8x128xf32, #tpu.memory_space<vmem>>) dst(%dma_wait3A_146 : memref<8x128xf32, #tpu.memory_space<hbm>>)
    %dma_wait3A_150 = arith.constant 0 : i32
    %dma_wait3A_151 = arith.constant 0 : i32
    %dma_wait3A_152 = arith.constant 0 : i32
    %dma_wait3A_153 = arith.constant 0 : i32
    %dma_wait3A_154 = arith.constant 0 : i32
    %dma_wait3A_155 = tpu.memref_slice %arg11[%dma_wait3A_153, %dma_wait3A_154] : memref<32x128xf32, #tpu.memory_space<vmem>> -> memref<8x128xf32, #tpu.memory_space<vmem>>
    %dma_wait3A_156 = arith.constant 0 : i32
    %dma_wait3A_157 = arith.constant 0 : i32
    %dma_wait3A_158 = tpu.memref_slice %arg4[%dma_wait3A_150, %dma_wait3A_151, %dma_wait3A_152, %dma_wait3A_156, %dma_wait3A_157] : memref<50x4x128x8x128xf32, #tpu.memory_space<hbm>> -> memref<1x1x1x8x128xf32, #tpu.memory_space<hbm>>
    %dma_wait3A_159 = tpu.memref_squeeze %dma_wait3A_158 : memref<1x1x1x8x128xf32, #tpu.memory_space<hbm>> -> memref<8x128xf32, #tpu.memory_space<hbm>>
    %dma_wait3A_160 = arith.constant 0 : i32
    %dma_wait3A_161 = arith.constant 0 : i32
    %dma_wait3A_162 = tpu.memref_slice %arg4[%dma_wait3A_150, %dma_wait3A_151, %dma_wait3A_152, %dma_wait3A_160, %dma_wait3A_161] : memref<50x4x128x8x128xf32, #tpu.memory_space<hbm>> -> memref<1x1x1x8x128xf32, #tpu.memory_space<hbm>>
    %dma_wait3A_163 = tpu.memref_squeeze %dma_wait3A_162 : memref<1x1x1x8x128xf32, #tpu.memory_space<hbm>> -> memref<8x128xf32, #tpu.memory_space<hbm>>
    %dma_wait3A_164 = arith.constant 0 : i32
    %dma_wait3A_165 = arith.constant 0 : i32
    %dma_wait3A_166 = tpu.memref_slice %arg11[%dma_wait3A_164, %dma_wait3A_165] : memref<32x128xf32, #tpu.memory_space<vmem>> -> memref<8x128xf32, #tpu.memory_space<vmem>>
    tpu.wait_dma2 semaphore(%arg19 : memref<!tpu.dma_semaphore, #tpu.memory_space<semaphore_mem>>) src(%dma_wait3A_166 : memref<8x128xf32, #tpu.memory_space<vmem>>) dst(%dma_wait3A_163 : memref<8x128xf32, #tpu.memory_space<hbm>>)
    %dma_wait3A_167 = arith.constant 0 : i32
    %dma_wait3A_168 = arith.constant 0 : i32
    %dma_wait3A_169 = arith.constant 0 : i32
    %dma_wait3A_170 = arith.constant 0 : i32
    %dma_wait3A_171 = arith.constant 0 : i32
    %dma_wait3A_172 = tpu.memref_slice %arg11[%dma_wait3A_170, %dma_wait3A_171] : memref<32x128xf32, #tpu.memory_space<vmem>> -> memref<8x128xf32, #tpu.memory_space<vmem>>
    %dma_wait3A_173 = arith.constant 0 : i32
    %dma_wait3A_174 = arith.constant 0 : i32
    %dma_wait3A_175 = tpu.memref_slice %arg4[%dma_wait3A_167, %dma_wait3A_168, %dma_wait3A_169, %dma_wait3A_173, %dma_wait3A_174] : memref<50x4x128x8x128xf32, #tpu.memory_space<hbm>> -> memref<1x1x1x8x128xf32, #tpu.memory_space<hbm>>
    %dma_wait3A_176 = tpu.memref_squeeze %dma_wait3A_175 : memref<1x1x1x8x128xf32, #tpu.memory_space<hbm>> -> memref<8x128xf32, #tpu.memory_space<hbm>>
    %dma_wait3A_177 = arith.constant 0 : i32
    %dma_wait3A_178 = arith.constant 0 : i32
    %dma_wait3A_179 = tpu.memref_slice %arg4[%dma_wait3A_167, %dma_wait3A_168, %dma_wait3A_169, %dma_wait3A_177, %dma_wait3A_178] : memref<50x4x128x8x128xf32, #tpu.memory_space<hbm>> -> memref<1x1x1x8x128xf32, #tpu.memory_space<hbm>>
    %dma_wait3A_180 = tpu.memref_squeeze %dma_wait3A_179 : memref<1x1x1x8x128xf32, #tpu.memory_space<hbm>> -> memref<8x128xf32, #tpu.memory_space<hbm>>
    %dma_wait3A_181 = arith.constant 0 : i32
    %dma_wait3A_182 = arith.constant 0 : i32
    %dma_wait3A_183 = tpu.memref_slice %arg11[%dma_wait3A_181, %dma_wait3A_182] : memref<32x128xf32, #tpu.memory_space<vmem>> -> memref<8x128xf32, #tpu.memory_space<vmem>>
    tpu.wait_dma2 semaphore(%arg19 : memref<!tpu.dma_semaphore, #tpu.memory_space<semaphore_mem>>) src(%dma_wait3A_183 : memref<8x128xf32, #tpu.memory_space<vmem>>) dst(%dma_wait3A_180 : memref<8x128xf32, #tpu.memory_space<hbm>>)
    %dma_wait3A_184 = arith.constant 0 : i32
    %dma_wait3A_185 = arith.constant 0 : i32
    %dma_wait3A_186 = arith.constant 0 : i32
    %dma_wait3A_187 = arith.constant 0 : i32
    %dma_wait3A_188 = arith.constant 0 : i32
    %dma_wait3A_189 = tpu.memref_slice %arg12[%dma_wait3A_187, %dma_wait3A_188] : memref<32x128xf32, #tpu.memory_space<vmem>> -> memref<8x128xf32, #tpu.memory_space<vmem>>
    %dma_wait3A_190 = arith.constant 0 : i32
    %dma_wait3A_191 = arith.constant 0 : i32
    %dma_wait3A_192 = tpu.memref_slice %arg4[%dma_wait3A_184, %dma_wait3A_185, %dma_wait3A_186, %dma_wait3A_190, %dma_wait3A_191] : memref<50x4x128x8x128xf32, #tpu.memory_space<hbm>> -> memref<1x1x1x8x128xf32, #tpu.memory_space<hbm>>
    %dma_wait3A_193 = tpu.memref_squeeze %dma_wait3A_192 : memref<1x1x1x8x128xf32, #tpu.memory_space<hbm>> -> memref<8x128xf32, #tpu.memory_space<hbm>>
    %dma_wait3A_194 = arith.constant 0 : i32
    %dma_wait3A_195 = arith.constant 0 : i32
    %dma_wait3A_196 = tpu.memref_slice %arg4[%dma_wait3A_184, %dma_wait3A_185, %dma_wait3A_186, %dma_wait3A_194, %dma_wait3A_195] : memref<50x4x128x8x128xf32, #tpu.memory_space<hbm>> -> memref<1x1x1x8x128xf32, #tpu.memory_space<hbm>>
    %dma_wait3A_197 = tpu.memref_squeeze %dma_wait3A_196 : memref<1x1x1x8x128xf32, #tpu.memory_space<hbm>> -> memref<8x128xf32, #tpu.memory_space<hbm>>
    %dma_wait3A_198 = arith.constant 0 : i32
    %dma_wait3A_199 = arith.constant 0 : i32
    %dma_wait3A_200 = tpu.memref_slice %arg12[%dma_wait3A_198, %dma_wait3A_199] : memref<32x128xf32, #tpu.memory_space<vmem>> -> memref<8x128xf32, #tpu.memory_space<vmem>>
    tpu.wait_dma2 semaphore(%arg20 : memref<!tpu.dma_semaphore, #tpu.memory_space<semaphore_mem>>) src(%dma_wait3A_200 : memref<8x128xf32, #tpu.memory_space<vmem>>) dst(%dma_wait3A_197 : memref<8x128xf32, #tpu.memory_space<hbm>>)
    %dma_wait3A_201 = arith.constant 0 : i32
    %dma_wait3A_202 = arith.constant 0 : i32
    %dma_wait3A_203 = arith.constant 0 : i32
    %dma_wait3A_204 = arith.constant 0 : i32
    %dma_wait3A_205 = arith.constant 0 : i32
    %dma_wait3A_206 = tpu.memref_slice %arg12[%dma_wait3A_204, %dma_wait3A_205] : memref<32x128xf32, #tpu.memory_space<vmem>> -> memref<8x128xf32, #tpu.memory_space<vmem>>
    %dma_wait3A_207 = arith.constant 0 : i32
    %dma_wait3A_208 = arith.constant 0 : i32
    %dma_wait3A_209 = tpu.memref_slice %arg4[%dma_wait3A_201, %dma_wait3A_202, %dma_wait3A_203, %dma_wait3A_207, %dma_wait3A_208] : memref<50x4x128x8x128xf32, #tpu.memory_space<hbm>> -> memref<1x1x1x8x128xf32, #tpu.memory_space<hbm>>
    %dma_wait3A_210 = tpu.memref_squeeze %dma_wait3A_209 : memref<1x1x1x8x128xf32, #tpu.memory_space<hbm>> -> memref<8x128xf32, #tpu.memory_space<hbm>>
    %dma_wait3A_211 = arith.constant 0 : i32
    %dma_wait3A_212 = arith.constant 0 : i32
    %dma_wait3A_213 = tpu.memref_slice %arg4[%dma_wait3A_201, %dma_wait3A_202, %dma_wait3A_203, %dma_wait3A_211, %dma_wait3A_212] : memref<50x4x128x8x128xf32, #tpu.memory_space<hbm>> -> memref<1x1x1x8x128xf32, #tpu.memory_space<hbm>>
    %dma_wait3A_214 = tpu.memref_squeeze %dma_wait3A_213 : memref<1x1x1x8x128xf32, #tpu.memory_space<hbm>> -> memref<8x128xf32, #tpu.memory_space<hbm>>
    %dma_wait3A_215 = arith.constant 0 : i32
    %dma_wait3A_216 = arith.constant 0 : i32
    %dma_wait3A_217 = tpu.memref_slice %arg12[%dma_wait3A_215, %dma_wait3A_216] : memref<32x128xf32, #tpu.memory_space<vmem>> -> memref<8x128xf32, #tpu.memory_space<vmem>>
    tpu.wait_dma2 semaphore(%arg20 : memref<!tpu.dma_semaphore, #tpu.memory_space<semaphore_mem>>) src(%dma_wait3A_217 : memref<8x128xf32, #tpu.memory_space<vmem>>) dst(%dma_wait3A_214 : memref<8x128xf32, #tpu.memory_space<hbm>>)
    %dma_wait3A_218 = arith.constant 0 : i32
    %dma_wait3A_219 = arith.constant 0 : i32
    %dma_wait3A_220 = arith.constant 0 : i32
    %dma_wait3A_221 = arith.constant 0 : i32
    %dma_wait3A_222 = arith.constant 0 : i32
    %dma_wait3A_223 = tpu.memref_slice %arg12[%dma_wait3A_221, %dma_wait3A_222] : memref<32x128xf32, #tpu.memory_space<vmem>> -> memref<8x128xf32, #tpu.memory_space<vmem>>
    %dma_wait3A_224 = arith.constant 0 : i32
    %dma_wait3A_225 = arith.constant 0 : i32
    %dma_wait3A_226 = tpu.memref_slice %arg4[%dma_wait3A_218, %dma_wait3A_219, %dma_wait3A_220, %dma_wait3A_224, %dma_wait3A_225] : memref<50x4x128x8x128xf32, #tpu.memory_space<hbm>> -> memref<1x1x1x8x128xf32, #tpu.memory_space<hbm>>
    %dma_wait3A_227 = tpu.memref_squeeze %dma_wait3A_226 : memref<1x1x1x8x128xf32, #tpu.memory_space<hbm>> -> memref<8x128xf32, #tpu.memory_space<hbm>>
    %dma_wait3A_228 = arith.constant 0 : i32
    %dma_wait3A_229 = arith.constant 0 : i32
    %dma_wait3A_230 = tpu.memref_slice %arg4[%dma_wait3A_218, %dma_wait3A_219, %dma_wait3A_220, %dma_wait3A_228, %dma_wait3A_229] : memref<50x4x128x8x128xf32, #tpu.memory_space<hbm>> -> memref<1x1x1x8x128xf32, #tpu.memory_space<hbm>>
    %dma_wait3A_231 = tpu.memref_squeeze %dma_wait3A_230 : memref<1x1x1x8x128xf32, #tpu.memory_space<hbm>> -> memref<8x128xf32, #tpu.memory_space<hbm>>
    %dma_wait3A_232 = arith.constant 0 : i32
    %dma_wait3A_233 = arith.constant 0 : i32
    %dma_wait3A_234 = tpu.memref_slice %arg12[%dma_wait3A_232, %dma_wait3A_233] : memref<32x128xf32, #tpu.memory_space<vmem>> -> memref<8x128xf32, #tpu.memory_space<vmem>>
    tpu.wait_dma2 semaphore(%arg20 : memref<!tpu.dma_semaphore, #tpu.memory_space<semaphore_mem>>) src(%dma_wait3A_234 : memref<8x128xf32, #tpu.memory_space<vmem>>) dst(%dma_wait3A_231 : memref<8x128xf32, #tpu.memory_space<hbm>>)
    %dma_wait3A_235 = arith.constant 0 : i32
    %dma_wait3A_236 = arith.constant 0 : i32
    %dma_wait3A_237 = arith.constant 0 : i32
    %dma_wait3A_238 = arith.constant 0 : i32
    %dma_wait3A_239 = arith.constant 0 : i32
    %dma_wait3A_240 = tpu.memref_slice %arg12[%dma_wait3A_238, %dma_wait3A_239] : memref<32x128xf32, #tpu.memory_space<vmem>> -> memref<8x128xf32, #tpu.memory_space<vmem>>
    %dma_wait3A_241 = arith.constant 0 : i32
    %dma_wait3A_242 = arith.constant 0 : i32
    %dma_wait3A_243 = tpu.memref_slice %arg4[%dma_wait3A_235, %dma_wait3A_236, %dma_wait3A_237, %dma_wait3A_241, %dma_wait3A_242] : memref<50x4x128x8x128xf32, #tpu.memory_space<hbm>> -> memref<1x1x1x8x128xf32, #tpu.memory_space<hbm>>
    %dma_wait3A_244 = tpu.memref_squeeze %dma_wait3A_243 : memref<1x1x1x8x128xf32, #tpu.memory_space<hbm>> -> memref<8x128xf32, #tpu.memory_space<hbm>>
    %dma_wait3A_245 = arith.constant 0 : i32
    %dma_wait3A_246 = arith.constant 0 : i32
    %dma_wait3A_247 = tpu.memref_slice %arg4[%dma_wait3A_235, %dma_wait3A_236, %dma_wait3A_237, %dma_wait3A_245, %dma_wait3A_246] : memref<50x4x128x8x128xf32, #tpu.memory_space<hbm>> -> memref<1x1x1x8x128xf32, #tpu.memory_space<hbm>>
    %dma_wait3A_248 = tpu.memref_squeeze %dma_wait3A_247 : memref<1x1x1x8x128xf32, #tpu.memory_space<hbm>> -> memref<8x128xf32, #tpu.memory_space<hbm>>
    %dma_wait3A_249 = arith.constant 0 : i32
    %dma_wait3A_250 = arith.constant 0 : i32
    %dma_wait3A_251 = tpu.memref_slice %arg12[%dma_wait3A_249, %dma_wait3A_250] : memref<32x128xf32, #tpu.memory_space<vmem>> -> memref<8x128xf32, #tpu.memory_space<vmem>>
    tpu.wait_dma2 semaphore(%arg20 : memref<!tpu.dma_semaphore, #tpu.memory_space<semaphore_mem>>) src(%dma_wait3A_251 : memref<8x128xf32, #tpu.memory_space<vmem>>) dst(%dma_wait3A_248 : memref<8x128xf32, #tpu.memory_space<hbm>>)
    %dma_wait3A_252 = arith.constant 0 : i32
    %dma_wait3A_253 = arith.constant 0 : i32
    %dma_wait3A_254 = arith.constant 0 : i32
    %dma_wait3A_255 = arith.constant 0 : i32
    %dma_wait3A_256 = arith.constant 0 : i32
    %dma_wait3A_257 = tpu.memref_slice %arg13[%dma_wait3A_255, %dma_wait3A_256] : memref<32x128xf32, #tpu.memory_space<vmem>> -> memref<8x128xf32, #tpu.memory_space<vmem>>
    %dma_wait3A_258 = arith.constant 0 : i32
    %dma_wait3A_259 = arith.constant 0 : i32
    %dma_wait3A_260 = tpu.memref_slice %arg4[%dma_wait3A_252, %dma_wait3A_253, %dma_wait3A_254, %dma_wait3A_258, %dma_wait3A_259] : memref<50x4x128x8x128xf32, #tpu.memory_space<hbm>> -> memref<1x1x1x8x128xf32, #tpu.memory_space<hbm>>
    %dma_wait3A_261 = tpu.memref_squeeze %dma_wait3A_260 : memref<1x1x1x8x128xf32, #tpu.memory_space<hbm>> -> memref<8x128xf32, #tpu.memory_space<hbm>>
    %dma_wait3A_262 = arith.constant 0 : i32
    %dma_wait3A_263 = arith.constant 0 : i32
    %dma_wait3A_264 = tpu.memref_slice %arg4[%dma_wait3A_252, %dma_wait3A_253, %dma_wait3A_254, %dma_wait3A_262, %dma_wait3A_263] : memref<50x4x128x8x128xf32, #tpu.memory_space<hbm>> -> memref<1x1x1x8x128xf32, #tpu.memory_space<hbm>>
    %dma_wait3A_265 = tpu.memref_squeeze %dma_wait3A_264 : memref<1x1x1x8x128xf32, #tpu.memory_space<hbm>> -> memref<8x128xf32, #tpu.memory_space<hbm>>
    %dma_wait3A_266 = arith.constant 0 : i32
    %dma_wait3A_267 = arith.constant 0 : i32
    %dma_wait3A_268 = tpu.memref_slice %arg13[%dma_wait3A_266, %dma_wait3A_267] : memref<32x128xf32, #tpu.memory_space<vmem>> -> memref<8x128xf32, #tpu.memory_space<vmem>>
    tpu.wait_dma2 semaphore(%arg21 : memref<!tpu.dma_semaphore, #tpu.memory_space<semaphore_mem>>) src(%dma_wait3A_268 : memref<8x128xf32, #tpu.memory_space<vmem>>) dst(%dma_wait3A_265 : memref<8x128xf32, #tpu.memory_space<hbm>>)
    %dma_wait3A_269 = arith.constant 0 : i32
    %dma_wait3A_270 = arith.constant 0 : i32
    %dma_wait3A_271 = arith.constant 0 : i32
    %dma_wait3A_272 = arith.constant 0 : i32
    %dma_wait3A_273 = arith.constant 0 : i32
    %dma_wait3A_274 = tpu.memref_slice %arg13[%dma_wait3A_272, %dma_wait3A_273] : memref<32x128xf32, #tpu.memory_space<vmem>> -> memref<8x128xf32, #tpu.memory_space<vmem>>
    %dma_wait3A_275 = arith.constant 0 : i32
    %dma_wait3A_276 = arith.constant 0 : i32
    %dma_wait3A_277 = tpu.memref_slice %arg4[%dma_wait3A_269, %dma_wait3A_270, %dma_wait3A_271, %dma_wait3A_275, %dma_wait3A_276] : memref<50x4x128x8x128xf32, #tpu.memory_space<hbm>> -> memref<1x1x1x8x128xf32, #tpu.memory_space<hbm>>
    %dma_wait3A_278 = tpu.memref_squeeze %dma_wait3A_277 : memref<1x1x1x8x128xf32, #tpu.memory_space<hbm>> -> memref<8x128xf32, #tpu.memory_space<hbm>>
    %dma_wait3A_279 = arith.constant 0 : i32
    %dma_wait3A_280 = arith.constant 0 : i32
    %dma_wait3A_281 = tpu.memref_slice %arg4[%dma_wait3A_269, %dma_wait3A_270, %dma_wait3A_271, %dma_wait3A_279, %dma_wait3A_280] : memref<50x4x128x8x128xf32, #tpu.memory_space<hbm>> -> memref<1x1x1x8x128xf32, #tpu.memory_space<hbm>>
    %dma_wait3A_282 = tpu.memref_squeeze %dma_wait3A_281 : memref<1x1x1x8x128xf32, #tpu.memory_space<hbm>> -> memref<8x128xf32, #tpu.memory_space<hbm>>
    %dma_wait3A_283 = arith.constant 0 : i32
    %dma_wait3A_284 = arith.constant 0 : i32
    %dma_wait3A_285 = tpu.memref_slice %arg13[%dma_wait3A_283, %dma_wait3A_284] : memref<32x128xf32, #tpu.memory_space<vmem>> -> memref<8x128xf32, #tpu.memory_space<vmem>>
    tpu.wait_dma2 semaphore(%arg21 : memref<!tpu.dma_semaphore, #tpu.memory_space<semaphore_mem>>) src(%dma_wait3A_285 : memref<8x128xf32, #tpu.memory_space<vmem>>) dst(%dma_wait3A_282 : memref<8x128xf32, #tpu.memory_space<hbm>>)
    %dma_wait3A_286 = arith.constant 0 : i32
    %dma_wait3A_287 = arith.constant 0 : i32
    %dma_wait3A_288 = arith.constant 0 : i32
    %dma_wait3A_289 = arith.constant 0 : i32
    %dma_wait3A_290 = arith.constant 0 : i32
    %dma_wait3A_291 = tpu.memref_slice %arg13[%dma_wait3A_289, %dma_wait3A_290] : memref<32x128xf32, #tpu.memory_space<vmem>> -> memref<8x128xf32, #tpu.memory_space<vmem>>
    %dma_wait3A_292 = arith.constant 0 : i32
    %dma_wait3A_293 = arith.constant 0 : i32
    %dma_wait3A_294 = tpu.memref_slice %arg4[%dma_wait3A_286, %dma_wait3A_287, %dma_wait3A_288, %dma_wait3A_292, %dma_wait3A_293] : memref<50x4x128x8x128xf32, #tpu.memory_space<hbm>> -> memref<1x1x1x8x128xf32, #tpu.memory_space<hbm>>
    %dma_wait3A_295 = tpu.memref_squeeze %dma_wait3A_294 : memref<1x1x1x8x128xf32, #tpu.memory_space<hbm>> -> memref<8x128xf32, #tpu.memory_space<hbm>>
    %dma_wait3A_296 = arith.constant 0 : i32
    %dma_wait3A_297 = arith.constant 0 : i32
    %dma_wait3A_298 = tpu.memref_slice %arg4[%dma_wait3A_286, %dma_wait3A_287, %dma_wait3A_288, %dma_wait3A_296, %dma_wait3A_297] : memref<50x4x128x8x128xf32, #tpu.memory_space<hbm>> -> memref<1x1x1x8x128xf32, #tpu.memory_space<hbm>>
    %dma_wait3A_299 = tpu.memref_squeeze %dma_wait3A_298 : memref<1x1x1x8x128xf32, #tpu.memory_space<hbm>> -> memref<8x128xf32, #tpu.memory_space<hbm>>
    %dma_wait3A_300 = arith.constant 0 : i32
    %dma_wait3A_301 = arith.constant 0 : i32
    %dma_wait3A_302 = tpu.memref_slice %arg13[%dma_wait3A_300, %dma_wait3A_301] : memref<32x128xf32, #tpu.memory_space<vmem>> -> memref<8x128xf32, #tpu.memory_space<vmem>>
    tpu.wait_dma2 semaphore(%arg21 : memref<!tpu.dma_semaphore, #tpu.memory_space<semaphore_mem>>) src(%dma_wait3A_302 : memref<8x128xf32, #tpu.memory_space<vmem>>) dst(%dma_wait3A_299 : memref<8x128xf32, #tpu.memory_space<hbm>>)
    %dma_wait3A_303 = arith.constant 0 : i32
    %dma_wait3A_304 = arith.constant 0 : i32
    %dma_wait3A_305 = arith.constant 0 : i32
    %dma_wait3A_306 = arith.constant 0 : i32
    %dma_wait3A_307 = arith.constant 0 : i32
    %dma_wait3A_308 = tpu.memref_slice %arg13[%dma_wait3A_306, %dma_wait3A_307] : memref<32x128xf32, #tpu.memory_space<vmem>> -> memref<8x128xf32, #tpu.memory_space<vmem>>
    %dma_wait3A_309 = arith.constant 0 : i32
    %dma_wait3A_310 = arith.constant 0 : i32
    %dma_wait3A_311 = tpu.memref_slice %arg4[%dma_wait3A_303, %dma_wait3A_304, %dma_wait3A_305, %dma_wait3A_309, %dma_wait3A_310] : memref<50x4x128x8x128xf32, #tpu.memory_space<hbm>> -> memref<1x1x1x8x128xf32, #tpu.memory_space<hbm>>
    %dma_wait3A_312 = tpu.memref_squeeze %dma_wait3A_311 : memref<1x1x1x8x128xf32, #tpu.memory_space<hbm>> -> memref<8x128xf32, #tpu.memory_space<hbm>>
    %dma_wait3A_313 = arith.constant 0 : i32
    %dma_wait3A_314 = arith.constant 0 : i32
    %dma_wait3A_315 = tpu.memref_slice %arg4[%dma_wait3A_303, %dma_wait3A_304, %dma_wait3A_305, %dma_wait3A_313, %dma_wait3A_314] : memref<50x4x128x8x128xf32, #tpu.memory_space<hbm>> -> memref<1x1x1x8x128xf32, #tpu.memory_space<hbm>>
    %dma_wait3A_316 = tpu.memref_squeeze %dma_wait3A_315 : memref<1x1x1x8x128xf32, #tpu.memory_space<hbm>> -> memref<8x128xf32, #tpu.memory_space<hbm>>
    %dma_wait3A_317 = arith.constant 0 : i32
    %dma_wait3A_318 = arith.constant 0 : i32
    %dma_wait3A_319 = tpu.memref_slice %arg13[%dma_wait3A_317, %dma_wait3A_318] : memref<32x128xf32, #tpu.memory_space<vmem>> -> memref<8x128xf32, #tpu.memory_space<vmem>>
    tpu.wait_dma2 semaphore(%arg21 : memref<!tpu.dma_semaphore, #tpu.memory_space<semaphore_mem>>) src(%dma_wait3A_319 : memref<8x128xf32, #tpu.memory_space<vmem>>) dst(%dma_wait3A_316 : memref<8x128xf32, #tpu.memory_space<hbm>>)
    return
  }
}

module attributes {stable_mosaic.version = 14 : i64} {
  func.func @_repack_tc_kernel(%arg0: i32, %arg1: memref<1024x32xf32, #tpu.memory_space<vmem>>, %arg2: memref<4x256x1024xf32, #tpu.memory_space<vmem>>, %arg3: memref<4x32x128xf32, #tpu.memory_space<vmem>>, %arg4: memref<256x128xf32, #tpu.memory_space<vmem>>) attributes {dimension_semantics = [#tpu.dimension_semantics<arbitrary>], iteration_bounds = array<i64: 977>, scalar_prefetch = 0 : i64, scratch_operands = 0 : i64, tpu.core_type = #tpu.core_type<tc>, window_params = [{transform_indices = @transform_0, window_bounds = array<i64: 1024, 32>}, {pipeline_mode = #tpu.pipeline_mode<synchronous>, transform_indices = @transform_1, window_bounds = array<i64: 4, 256, 1024>}, {pipeline_mode = #tpu.pipeline_mode<synchronous>, transform_indices = @transform_2, window_bounds = array<i64: 4, 32, 128>}, {transform_indices = @transform_3, window_bounds = array<i64: 256, 128>}]} {
    %get3A = arith.constant 0 : index
    %get3A_0 = arith.constant 0 : index
    %get3A_1 = vector.load %arg1[%get3A, %get3A_0] : memref<1024x32xf32, #tpu.memory_space<vmem>>, vector<1024x32xf32>
    %broadcast_in_dim3A = arith.constant 0.000000e+00 : f32
    %broadcast_in_dim3A_2 = vector.broadcast %broadcast_in_dim3A : f32 to vector<256x128xf32>
    %get3A_3 = arith.constant 0 : index
    %get3A_4 = arith.constant 0 : index
    %get3A_5 = arith.constant 0 : index
    %get3A_6 = vector.load %arg2[%get3A_3, %get3A_4, %get3A_5] : memref<4x256x1024xf32, #tpu.memory_space<vmem>>, vector<1x256x1024xf32>
    %get3A_7 = vector.shape_cast %get3A_6 : vector<1x256x1024xf32> to vector<256x1024xf32>
    %dot_general3A = arith.constant dense<0.000000e+00> : vector<256x32xf32>
    %dot_general3A_8 = tpu.matmul %get3A_7, %get3A_1, %dot_general3A {dimension_numbers = #tpu.dot_dimension_numbers<[1], [0], [0], [1], [0, 0, 1, 1], [], []>, transpose_lhs_hint = false} : vector<256x1024xf32>, vector<1024x32xf32>, vector<256x32xf32> -> vector<256x32xf32>
    %get3A_9 = arith.constant 0 : index
    %get3A_10 = arith.constant 0 : index
    %get3A_11 = arith.constant 0 : index
    %get3A_12 = vector.load %arg3[%get3A_9, %get3A_10, %get3A_11] : memref<4x32x128xf32, #tpu.memory_space<vmem>>, vector<1x32x128xf32>
    %get3A_13 = vector.shape_cast %get3A_12 : vector<1x32x128xf32> to vector<32x128xf32>
    %dot_general3A_14 = arith.constant dense<0.000000e+00> : vector<256x128xf32>
    %dot_general3A_15 = tpu.matmul %dot_general3A_8, %get3A_13, %dot_general3A_14 {dimension_numbers = #tpu.dot_dimension_numbers<[1], [0], [0], [1], [0, 0, 1, 1], [], []>, transpose_lhs_hint = false} : vector<256x32xf32>, vector<32x128xf32>, vector<256x128xf32> -> vector<256x128xf32>
    %add3A = arith.addf %broadcast_in_dim3A_2, %dot_general3A_15 : vector<256x128xf32>
    %get3A_16 = arith.constant 1 : index
    %get3A_17 = arith.constant 0 : index
    %get3A_18 = arith.constant 0 : index
    %get3A_19 = vector.load %arg2[%get3A_16, %get3A_17, %get3A_18] : memref<4x256x1024xf32, #tpu.memory_space<vmem>>, vector<1x256x1024xf32>
    %get3A_20 = vector.shape_cast %get3A_19 : vector<1x256x1024xf32> to vector<256x1024xf32>
    %dot_general3A_21 = arith.constant dense<0.000000e+00> : vector<256x32xf32>
    %dot_general3A_22 = tpu.matmul %get3A_20, %get3A_1, %dot_general3A_21 {dimension_numbers = #tpu.dot_dimension_numbers<[1], [0], [0], [1], [0, 0, 1, 1], [], []>, transpose_lhs_hint = false} : vector<256x1024xf32>, vector<1024x32xf32>, vector<256x32xf32> -> vector<256x32xf32>
    %get3A_23 = arith.constant 1 : index
    %get3A_24 = arith.constant 0 : index
    %get3A_25 = arith.constant 0 : index
    %get3A_26 = vector.load %arg3[%get3A_23, %get3A_24, %get3A_25] : memref<4x32x128xf32, #tpu.memory_space<vmem>>, vector<1x32x128xf32>
    %get3A_27 = vector.shape_cast %get3A_26 : vector<1x32x128xf32> to vector<32x128xf32>
    %dot_general3A_28 = arith.constant dense<0.000000e+00> : vector<256x128xf32>
    %dot_general3A_29 = tpu.matmul %dot_general3A_22, %get3A_27, %dot_general3A_28 {dimension_numbers = #tpu.dot_dimension_numbers<[1], [0], [0], [1], [0, 0, 1, 1], [], []>, transpose_lhs_hint = false} : vector<256x32xf32>, vector<32x128xf32>, vector<256x128xf32> -> vector<256x128xf32>
    %add3A_30 = arith.addf %add3A, %dot_general3A_29 : vector<256x128xf32>
    %get3A_31 = arith.constant 2 : index
    %get3A_32 = arith.constant 0 : index
    %get3A_33 = arith.constant 0 : index
    %get3A_34 = vector.load %arg2[%get3A_31, %get3A_32, %get3A_33] : memref<4x256x1024xf32, #tpu.memory_space<vmem>>, vector<1x256x1024xf32>
    %get3A_35 = vector.shape_cast %get3A_34 : vector<1x256x1024xf32> to vector<256x1024xf32>
    %dot_general3A_36 = arith.constant dense<0.000000e+00> : vector<256x32xf32>
    %dot_general3A_37 = tpu.matmul %get3A_35, %get3A_1, %dot_general3A_36 {dimension_numbers = #tpu.dot_dimension_numbers<[1], [0], [0], [1], [0, 0, 1, 1], [], []>, transpose_lhs_hint = false} : vector<256x1024xf32>, vector<1024x32xf32>, vector<256x32xf32> -> vector<256x32xf32>
    %get3A_38 = arith.constant 2 : index
    %get3A_39 = arith.constant 0 : index
    %get3A_40 = arith.constant 0 : index
    %get3A_41 = vector.load %arg3[%get3A_38, %get3A_39, %get3A_40] : memref<4x32x128xf32, #tpu.memory_space<vmem>>, vector<1x32x128xf32>
    %get3A_42 = vector.shape_cast %get3A_41 : vector<1x32x128xf32> to vector<32x128xf32>
    %dot_general3A_43 = arith.constant dense<0.000000e+00> : vector<256x128xf32>
    %dot_general3A_44 = tpu.matmul %dot_general3A_37, %get3A_42, %dot_general3A_43 {dimension_numbers = #tpu.dot_dimension_numbers<[1], [0], [0], [1], [0, 0, 1, 1], [], []>, transpose_lhs_hint = false} : vector<256x32xf32>, vector<32x128xf32>, vector<256x128xf32> -> vector<256x128xf32>
    %add3A_45 = arith.addf %add3A_30, %dot_general3A_44 : vector<256x128xf32>
    %get3A_46 = arith.constant 3 : index
    %get3A_47 = arith.constant 0 : index
    %get3A_48 = arith.constant 0 : index
    %get3A_49 = vector.load %arg2[%get3A_46, %get3A_47, %get3A_48] : memref<4x256x1024xf32, #tpu.memory_space<vmem>>, vector<1x256x1024xf32>
    %get3A_50 = vector.shape_cast %get3A_49 : vector<1x256x1024xf32> to vector<256x1024xf32>
    %dot_general3A_51 = arith.constant dense<0.000000e+00> : vector<256x32xf32>
    %dot_general3A_52 = tpu.matmul %get3A_50, %get3A_1, %dot_general3A_51 {dimension_numbers = #tpu.dot_dimension_numbers<[1], [0], [0], [1], [0, 0, 1, 1], [], []>, transpose_lhs_hint = false} : vector<256x1024xf32>, vector<1024x32xf32>, vector<256x32xf32> -> vector<256x32xf32>
    %get3A_53 = arith.constant 3 : index
    %get3A_54 = arith.constant 0 : index
    %get3A_55 = arith.constant 0 : index
    %get3A_56 = vector.load %arg3[%get3A_53, %get3A_54, %get3A_55] : memref<4x32x128xf32, #tpu.memory_space<vmem>>, vector<1x32x128xf32>
    %get3A_57 = vector.shape_cast %get3A_56 : vector<1x32x128xf32> to vector<32x128xf32>
    %dot_general3A_58 = arith.constant dense<0.000000e+00> : vector<256x128xf32>
    %dot_general3A_59 = tpu.matmul %dot_general3A_52, %get3A_57, %dot_general3A_58 {dimension_numbers = #tpu.dot_dimension_numbers<[1], [0], [0], [1], [0, 0, 1, 1], [], []>, transpose_lhs_hint = false} : vector<256x32xf32>, vector<32x128xf32>, vector<256x128xf32> -> vector<256x128xf32>
    %add3A_60 = arith.addf %add3A_45, %dot_general3A_59 : vector<256x128xf32>
    %swap3A = arith.constant 0 : index
    %swap3A_61 = arith.constant 0 : index
    %swap3A_62 = vector.load %arg4[%swap3A, %swap3A_61] : memref<256x128xf32, #tpu.memory_space<vmem>>, vector<256x128xf32>
    tpu.vector_store %arg4[%swap3A, %swap3A_61], %add3A_60 {strides = array<i32>} : memref<256x128xf32, #tpu.memory_space<vmem>>, vector<256x128xf32>,
    return
  }
  func.func @transform_0(%arg0: i32) -> (i32, i32) {
    %c0_i32 = arith.constant 0 : i32
    %c0_i32_0 = arith.constant 0 : i32
    return %arg0, %c0_i32 : i32, i32
  }
  func.func @transform_1(%arg0: i32) -> (i32, i32, i32) {
    %c0_i32 = arith.constant 0 : i32
    %c0_i32_0 = arith.constant 0 : i32
    %c0_i32_1 = arith.constant 0 : i32
    %c0_i32_2 = arith.constant 0 : i32
    return %c0_i32, %c0_i32_0, %c0_i32_1 : i32, i32, i32
  }
  func.func @transform_2(%arg0: i32) -> (i32, i32, i32) {
    %c0_i32 = arith.constant 0 : i32
    %c0_i32_0 = arith.constant 0 : i32
    %c0_i32_1 = arith.constant 0 : i32
    %c0_i32_2 = arith.constant 0 : i32
    return %c0_i32, %c0_i32_0, %c0_i32_1 : i32, i32, i32
  }
  func.func @transform_3(%arg0: i32) -> (i32, i32) {
    %c0_i32 = arith.constant 0 : i32
    %c0_i32_0 = arith.constant 0 : i32
    return %arg0, %c0_i32 : i32, i32
  }
}

</mosaic_0001>

<sc_bundles>
// kernel: kernel.5.cloned.1.call-start
scs
__scs_entry_jumppad:
0x0: {  	(pc) =	sbr.rel $0x88, $3  }
0x1: {  	(tag) =	ssettag $0x0;
	lr =	simm.s32 $0x1  }
0x2: {  	[smem:$0x3F9F] =	sst lr;
	_ =	strace $0xD0000000  }
0x3: {  	_ = 	snop  }
0x4: {  	_ = 	snop  }
0x5: {  	_ = 	snop  }
0x6: {  	_ = 	snop  }
0x7: {  	_ = 	snop  }
__scs_overlays_trampoline_lowered:
0x8: {  	[smem:$0x3FAE] =	sst s0  }
0x9: {  	[smem:$0x3FAF] =	sst s1  }
0xa: {  	[smem:$0x3FB0] =	sst s2  }
0xb: {  	[smem:$0x3FB1] =	sst s3  }
0xc: {  	[smem:$0x3FB2] =	sst s4  }
0xd: {  	[smem:$0x3FB3] =	sst s5  }
0xe: {  	[smem:$0x3FB4] =	sst s6  }
0xf: {  	[smem:$0x3FB5] =	sst s7  }
0x10: {  	[smem:$0x3FB6] =	sst s8  }
0x11: {  	[smem:$0x3FB7] =	sst s9;
	s0 =	simm.s32 @!p0 $0x0  }
0x12: {  	s1 =	sld [smem:$0x3F9D];
	s0 =	simm.s32 @p0 $0x1  }
0x13: {  	[smem:$0x3FB8] =	sst s0;
	s0 =	simm.s32 @!p1 $0x0  }
0x14: {  	s2 =	sld [smem:$0x3F9C];
	s0 =	simm.s32 @p1 $0x1  }
0x15: {  	[smem:$0x3FB9] =	sst s0;
	s0 =	simm.s32 @!p2 $0x0  }
0x16: {  	s3 =	sld [smem:$0x3FDB];
	s0 =	simm.s32 @p2 $0x1  }
0x17: {  	s4 =	simm.s32 $0x1BF5;
	[smem:$0x3FBB] =	sst s0  }
0x18: {  	s0 =	sld [smem:$0x3F9E];
	_ =	swait.ge [sflag:s4], $0x0  }
0x19: {  	s7 =	sld [smem:$0x3F9F]  }
0x1a: {  	s8 =	sadd.s32 $0xFFFFE003, lr  }
0x1b: {  	s9 =	sadd.s32 $0xFFFFFEF7, lr;
	s5 =	simm.s32 $0xFFFFFFFF;
	p2 =	slt.u32 s8, $0xFFFFF086  }
0x1c: {  	p1 =	slt.u32 s9, $0xF7A;
	s5 =	simm.s32 @!p2 $0x0  }
0x1d: {  	s5 =	simm.s32 @p1 $0x1;
	p0 =	seq.s32 s7, s2  }
0x1e: {  	s7 =	smul.u32 @!p0 $0xF7A, s2;
	p2 =	seq.s32 @!p0 s5, $0x0  }
0x1f: {  	s9 =	smul.u32 $0xF7A, s1;
	s8 =	simm.s32 @!p0 $0x1BF5;
	p2 =	por !p2, p0  }
0x20: {  	[sflag:s8] =	ssyncset.s32 @!p0 $0xFFFFF086;
	s6 =	sadd.s32 @!p0 s3, s7;
	s7 =	simm.s32 @!p0 $0x108  }
0x21: {  	s3 =	sadd.s32 s3, s9;
	s6 =	sadd.s32 @!p0 $0x88, s6;
	s7 =	simm.s32 @p2 $0x1082  }
0x22: {  	[simem:s7], [sflag:s8] =	dma.local @!p0 [hbm:s6], $0xF7A  }
0x23: {  	s9 =	sor.u32 $0xD0000000, s2;
	s6 =	simm.s32 $0x108;
	_ =	swait.ge @!p0 [sflag:s8], $0x0  }
0x24: {  	s3 =	sadd.s32 $0x88, s3;
	s6 =	simm.s32 @!p1 $0x1082;
	[sflag:s4] =	ssyncset.s32 $0xFFFFF086  }
0x25: {  	[simem:s6], [sflag:s4] =	dma.local [hbm:s3], $0xF7A  }
0x26: {  	[smem:$0x3F9F] =	sst s1;
	(tag) =	ssettag s2;
	_ =	strace s9  }
0x27: {  	s1 =	sld [smem:$0x3FAF]  }
0x28: {  	s2 =	sld [smem:$0x3FB0]  }
0x29: {  	s4 =	sld [smem:$0x3FB2]  }
0x2a: {  	p0 =	seq.s32 s5, $0x0;
	s5 =	sld [smem:$0x3FB3]  }
0x2b: {  	s6 =	sld [smem:$0x3FB4]  }
0x2c: {  	s7 =	sld [smem:$0x3FB5]  }
0x2d: {  	s3 =	simm.s32 $0x108;
	s8 =	sld [smem:$0x3FB6]  }
0x2e: {  	s3 =	simm.s32 @!p0 $0x1082;
	s9 =	sld [smem:$0x3FB7]  }
0x2f: {  	lr =	sadd.s32 s0, s3;
	s0 =	sld [smem:$0x3FAE]  }
0x30: {  	s3 =	sld [smem:$0x3FB1]  }
0x31: {  	[smem:$0x3FBA] =	sst s10  }
0x32: {  	s10 =	sld [smem:$0x3FB8];
	_ =	sdelay $0x3  }
0x33: {  	p0 =	seq.s32 s10, $0x1;
	s10 =	sld [smem:$0x3FBA];
	_ =	sdelay $0x3  }
0x34: {  	[smem:$0x3FBA] =	sst s10  }
0x35: {  	s10 =	sld [smem:$0x3FB9];
	_ =	sdelay $0x3  }
0x36: {  	p1 =	seq.s32 s10, $0x1;
	s10 =	sld [smem:$0x3FBA];
	_ =	sdelay $0x3  }
0x37: {  	[smem:$0x3FBA] =	sst s10  }
0x38: {  	s10 =	sld [smem:$0x3FBB]  }
0x39: {  	_ = 	snop;
	(pc) =	sbr.ind lr, $3  }
0x3a: {  	_ = 	snop  }
0x3b: {  	_ = 	snop  }
0x3c: {  	p2 =	seq.s32 s10, $0x1;
	s10 =	sld [smem:$0x3FBA]  }
0x3d: {  	_ =	shalt  }
0x3e: {  	_ =	shalt  }
0x3f: {  	_ =	shalt  }
0x40: {  	_ =	shalt  }
0x41: {  	_ =	shalt  }
0x42: {  	_ =	shalt  }
0x43: {  	_ =	shalt  }
0x44: {  	_ =	shalt  }
0x45: {  	_ =	shalt  }
0x46: {  	_ =	shalt  }
0x47: {  	_ =	shalt  }
0x48: {  	_ =	shalt  }
0x49: {  	_ =	shalt  }
0x4a: {  	_ =	shalt  }
0x4b: {  	_ =	shalt  }
0x4c: {  	_ =	shalt  }
0x4d: {  	_ =	shalt  }
0x4e: {  	_ =	shalt  }
0x4f: {  	_ =	shalt  }
0x50: {  	_ =	shalt  }
0x51: {  	_ =	shalt  }
0x52: {  	_ =	shalt  }
0x53: {  	_ =	shalt  }
0x54: {  	_ =	shalt  }
0x55: {  	_ =	shalt  }
0x56: {  	_ =	shalt  }
0x57: {  	_ =	shalt  }
0x58: {  	_ =	shalt  }
0x59: {  	_ =	shalt  }
0x5a: {  	_ =	shalt  }
0x5b: {  	_ =	shalt  }
0x5c: {  	_ =	shalt  }
0x5d: {  	_ =	shalt  }
0x5e: {  	_ =	shalt  }
0x5f: {  	_ =	shalt  }
0x60: {  	_ =	shalt  }
0x61: {  	_ =	shalt  }
0x62: {  	_ =	shalt  }
0x63: {  	_ =	shalt  }
0x64: {  	_ =	shalt  }
0x65: {  	_ =	shalt  }
0x66: {  	_ =	shalt  }
0x67: {  	_ =	shalt  }
0x68: {  	_ =	shalt  }
0x69: {  	_ =	shalt  }
0x6a: {  	_ =	shalt  }
0x6b: {  	_ =	shalt  }
0x6c: {  	_ =	shalt  }
0x6d: {  	_ =	shalt  }
0x6e: {  	_ =	shalt  }
0x6f: {  	_ =	shalt  }
0x70: {  	_ =	shalt  }
0x71: {  	_ =	shalt  }
0x72: {  	_ =	shalt  }
0x73: {  	_ =	shalt  }
0x74: {  	_ =	shalt  }
0x75: {  	_ =	shalt  }
0x76: {  	_ =	shalt  }
0x77: {  	_ =	shalt  }
0x78: {  	_ =	shalt  }
0x79: {  	_ =	shalt  }
0x7a: {  	_ =	shalt  }
0x7b: {  	_ =	shalt  }
0x7c: {  	_ =	shalt  }
0x7d: {  	_ =	shalt  }
0x7e: {  	_ =	shalt  }
0x7f: {  	_ =	shalt  }
0x80: {  	_ =	shalt  }
0x81: {  	_ =	shalt  }
0x82: {  	_ =	shalt  }
0x83: {  	_ =	shalt  }
0x84: {  	_ =	shalt  }
0x85: {  	_ =	shalt  }
0x86: {  	_ =	shalt  }
0x87: {  	_ =	shalt  }
.Lfunc_end0:
.L_simem_size_0:
called_computation_lowered:
.L_overlay_start_0:
0x88: {  	s2 =	sld [smem:$0x3FD9]  }
0x89: {  	s3 =	sld [smem:$0x3FFE];
	_ =	sdelay $0x1  }
0x8a: {  	s1 =	srdreg.scid  }
0x8b: {  	s0 =	sand.u32 $0x1, s1  }
0x8c: {  	s17 =	sshll.u32 s0, $0xA;
	s2 =	sadd.s32 s3, s2  }
0x8d: {  	s2 =	sadd.s32 s2, s17  }
0x8e: {  	[smem:$0x3FC6] =	sst s2  }
0x8f: {  	_ = 	snop  }
0x90: {  	s2 =	sld [smem:$0x3FC9];
	(tm) =	ssettm $0x1  }
0x91: {  	s18 =	sld [smem:$0x3FFB];
	_ =	sdelay $0x3  }
0x92: {  	_ =	strace s18  }
0x93: {  	s3 =	sld [smem:$0x3FFC];
	_ =	sdelay $0x3  }
0x94: {  	_ =	strace s3  }
0x95: {  	s3 =	sld [smem:$0x3FFD];
	_ =	sdelay $0x3  }
0x96: {  	_ =	strace s3  }
0x97: {  	_ =	strace $0x8FFFFFFF  }
0x98: {  	s19 =	sld [smem:$0x3FDB];
	_ =	sdelay $0x1  }
0x99: {  	s4 =	simm.s32 $_scs_section_size  }
0x9a: {  	s5 =	simm.s32 $_size__tile_overlayer_lowered;
	s6 =	simm.s32 $_tile_overlayer_lowered  }
0x9b: {  	s22 =	simm.s32 $0x1BFF;
	s21 =	sshll.u32 s6, $0x1;
	s3 =	sadd.s32 s4, s19  }
0x9c: {  	s7 =	simm.s32 $0x0;
	s20 =	sshll.u32 s5, $0x1;
	s5 =	sadd.s32 s21, s3  }
0x9d: {  	[timem:s7], [sflag:s22] =	dma.local [hbm:s5], s20  }
0x9e: {  	_ =	swait.ge [sflag:s22], s20  }
0x9f: {  	s4 =	ssub.s32 $0x0, s20;
	[sflag:s22] =	ssyncset.done $0x0  }
0xa0: {  	[sflag:s22] =	ssyncadd.s32 s4;
	_ =	sdelay $0x1  }
0xa1: {  	s23 =	simm.s32 $0x1B8B  }
0xa2: {  	_ =	swait.ge [sflag:s23], $0x1  }
0xa3: {  	[sflag:s23] =	ssyncset.done $0x0  }
0xa4: {  	s25 =	simm.s32 $0x1B8E;
	s24 =	sld [smem:$0x3FFE];
	[sflag:s23] =	ssyncadd.s32 $0xFFFFFFFF  }
0xa5: {  	s26 =	simm.s32 $execute0_lowered;
	[smem:$0x3FD2] =	sst s25  }
0xa6: {  	s5 =	sshll.u32 s26, $0x1;
	_ =	strace $0x80000046;
	[dreg:$0x1] =	wrdreg $0xFFFFFFFF  }
0xa7: {  	s28 =	simm.s32 $_size_execute0_lowered;
	s3 =	sadd.s32 s3, s5;
	[dreg:$0x0] =	wrdreg $0x0  }
0xa8: {  	s5 =	sshll.u32 s28, $0x1;
	[dreg:$0x2] =	wrdreg s3  }
0xa9: {  	[dreg:$0x3] =	wrdreg s5  }
0xaa: {  	[dreg:$0x4] =	wrdreg $0xC0  }
0xab: {  	_ =	task [dreg:s7], $0x5FFFF  }
0xac: {  	[dreg:$0x1] =	wrdreg $0xFFFFFFFF  }
0xad: {  	[dreg:$0x0] =	wrdreg $0x60  }
0xae: {  	[dreg:$0x2] =	wrdreg s2  }
0xaf: {  	[dreg:$0x3] =	wrdreg s24  }
0xb0: {  	[dreg:$0x4] =	wrdreg $0x9  }
0xb1: {  	_ =	task.clear_ibuf [dreg:s7], $0x5FFFF;
	_ =	strace $0x90000046  }
0xb2: {  	s29 =	simm.s32 $0x9;
	_ =	strace $0x80000048  }
0xb3: {  	_ =	swait.ge [sflag:s29], $0x1  }
0xb4: {  	[sflag:s29] =	ssyncadd.s32 $0xFFFFFFFF  }
0xb5: {  	_ =	strace $0x90000048  }
0xb6: {  	_ =	sfence  }
0xb7: {  	s30 =	sld [smem:$0x0];
	_ =	sdelay $0x2  }
0xb8: {  	s31 =	sshll.u32 s1, $0xD;
	s1 =	sshrl.u32 s1, $0x2  }
0xb9: {  	s3 =	sand.u32 $0x4000, s31;
	s1 =	sadd.s32 s1, s30  }
0xba: {  	s0 =	sor.u32 s3, s0;
	s1 =	sshll.u32 s1, $0x11  }
0xbb: {  	s0 =	sor.u32 s1, s0  }
0xbc: {  	s0 =	sadd.s32 $0x8F2B, s0  }
0xbd: {  	[sflag:s0] =	ssyncadd.remote.s32 $0x1  }
0xbe: {  	_ =	sfence.sel $0xFFFF  }
0xbf: {  	[dreg:$0x0] =	wrdreg $0xFFFFFFFF;
	(pc) =	sbr.abs _section_cstart, $3  }
0xc0: {  	[dreg:$0x1] =	wrdreg $0xFFFFFFFF  }
0xc1: {  	_ =	task.clear_ibuf [dreg:s7], $0x2FFFF;
	_ =	strace $0x9FFFFFFF  }
0xc2: {  	(tm) =	ssettm $0x7FFFFFFF  }
0xc3: {  	_ =	shalt  }
tec
execute0_lowered:
.L_overlay_start_1:
0x0: {  	(tag) =	ssettag $0x1  }
0x1: {  	s2 =	rddreg [dreg:$0x0]  }
0x2: {  	s4 =	rddreg [dreg:$0x1];
	s3 =	simm.s32 $0x0  }
0x3: {  	s20 =	simm.s32 $0x800;
	[smem:$0x7FF] =	sst s3  }
0x4: {  	s21 =	simm.s32 $0xC00;
	_ =	strace $0x80000047;
	[dreg:$0x5] =	wrdreg s20  }
0x5: {  	s22 =	simm.s32 $0x1000;
	[dreg:$0x6] =	wrdreg s21  }
0x6: {  	s23 =	simm.s32 $0x1400;
	[dreg:$0x7] =	wrdreg s22  }
0x7: {  	s24 =	simm.s32 $0x1800;
	[dreg:$0x8] =	wrdreg s23  }
0x8: {  	s25 =	simm.s32 $0x1C00;
	[dreg:$0x9] =	wrdreg s24  }
0x9: {  	s26 =	simm.s32 $0x80;
	[dreg:$0xa] =	wrdreg s25  }
0xa: {  	s28 =	simm.s32 $0x480;
	[dreg:$0xb] =	wrdreg s26  }
0xb: {  	s29 =	simm.s32 $0x880;
	[dreg:$0xc] =	wrdreg s28  }
0xc: {  	s30 =	simm.s32 $0xC80;
	[dreg:$0xd] =	wrdreg s29  }
0xd: {  	s31 =	simm.s32 $0x1080;
	[dreg:$0xe] =	wrdreg s30  }
0xe: {  	s9 =	simm.s32 $0x100;
	[dreg:$0xf] =	wrdreg s31  }
0xf: {  	s10 =	simm.s32 $0x500;
	[dreg:$0x13] =	wrdreg s9  }
0x10: {  	s11 =	simm.s32 $0x900;
	[dreg:$0x14] =	wrdreg s10  }
0x11: {  	s12 =	simm.s32 $0xD00;
	[dreg:$0x15] =	wrdreg s11  }
0x12: {  	s13 =	simm.s32 $0x1100;
	[dreg:$0x16] =	wrdreg s12  }
0x13: {  	s14 =	simm.s32 $0x1500;
	[dreg:$0x17] =	wrdreg s13  }
0x14: {  	s15 =	simm.s32 $0x1900;
	[dreg:$0x18] =	wrdreg s14  }
0x15: {  	s17 =	simm.s32 $0x1D00;
	[dreg:$0x19] =	wrdreg s15  }
0x16: {  	s18 =	simm.s32 $0x180;
	[dreg:$0x1a] =	wrdreg s17  }
0x17: {  	[dreg:$0x1b] =	wrdreg s18;
	s20 =	simm.s32 $0x980  }
0x18: {  	s21 =	simm.s32 $0xD80;
	[dreg:$0x1d] =	wrdreg s20  }
0x19: {  	s22 =	simm.s32 $0x1180;
	[dreg:$0x1e] =	wrdreg s21  }
0x1a: {  	s23 =	simm.s32 $0x1580;
	[dreg:$0x1f] =	wrdreg s22  }
0x1b: {  	s24 =	simm.s32 $0x1980;
	[smem:$0x7DB] =	sst s23  }
0x1c: {  	s25 =	simm.s32 $0x1D80;
	[smem:$0x7DC] =	sst s24  }
0x1d: {  	s26 =	simm.s32 $0x200;
	[smem:$0x7DD] =	sst s25  }
0x1e: {  	s28 =	simm.s32 $0x600;
	[smem:$0x7DE] =	sst s26  }
0x1f: {  	s29 =	simm.s32 $0xA00;
	[smem:$0x7DF] =	sst s28  }
0x20: {  	s30 =	simm.s32 $0xE00;
	[smem:$0x7E0] =	sst s29  }
0x21: {  	s31 =	simm.s32 $0x1200;
	[smem:$0x7E1] =	sst s30  }
0x22: {  	s9 =	simm.s32 $0x280;
	[smem:$0x7E2] =	sst s31  }
0x23: {  	s10 =	simm.s32 $0x680;
	[smem:$0x7E6] =	sst s9  }
0x24: {  	s11 =	simm.s32 $0xA80;
	[smem:$0x7E7] =	sst s10  }
0x25: {  	s12 =	simm.s32 $0xE80;
	[smem:$0x7E8] =	sst s11  }
0x26: {  	s13 =	simm.s32 $0x1280;
	[smem:$0x7E9] =	sst s12  }
0x27: {  	s0 =	srdreg.scid;
	s14 =	simm.s32 $0x1680;
	[smem:$0x7EA] =	sst s13  }
0x28: {  	s16 =	stileid.u32;
	s17 =	simm.s32 $0x1A80;
	[smem:$0x7EB] =	sst s14  }
0x29: {  	s5 =	simm.s32 $0xFFFFFFFF;
	[smem:$0x7EC] =	sst s17;
	s20 =	simm.s32 $0x300  }
0x2a: {  	s6 =	simm.s32 $0x1;
	s21 =	simm.s32 $0x700;
	[smem:$0x7EE] =	sst s20  }
0x2b: {  	s0 =	sand.u32 $0x1, s0;
	s22 =	simm.s32 $0xB00;
	[smem:$0x7EF] =	sst s21  }
0x2c: {  	s4 =	sadd.s32 $0x800, s4;
	s23 =	simm.s32 $0xF00;
	[smem:$0x7F0] =	sst s22  }
0x2d: {  	s1 =	sor.u32 s0, s16;
	s9 =	simm.s32 $0x1300;
	[smem:$0x7F1] =	sst s23  }
0x2e: {  	p1 =	seq.s32 s0, $0x1;
	s10 =	simm.s32 $0x1700;
	[smem:$0x7F2] =	sst s9  }
0x2f: {  	s7 =	smul.u32 $0x60000, s0;
	s11 =	simm.s32 $0x1B00;
	[smem:$0x7F3] =	sst s10  }
0x30: {  	s15 =	ssub.s32 $0x2, s0;
	s12 =	simm.s32 $0x1F00;
	[smem:$0x7F4] =	sst s11  }
0x31: {  	p0 =	seq.s32 s1, $0x0;
	s13 =	simm.s32 $0x380;
	[smem:$0x7F5] =	sst s12  }
0x32: {  	s1 =	sshll.u32 s16, $0xA;
	s14 =	simm.s32 $0x780;
	[smem:$0x7F6] =	sst s13  }
0x33: {  	s18 =	sshrl.u32 s15, $0x1;
	s24 =	simm.s32 $0xB80;
	[smem:$0x7F7] =	sst s14  }
0x34: {  	s25 =	sshll.u32 s16, $0x7;
	s26 =	simm.s32 $0xF80;
	[smem:$0x7F8] =	sst s24  }
0x35: {  	s28 =	simm.s32 $0x1380;
	s29 =	simm.s32 $0x1780;
	[smem:$0x7F9] =	sst s26  }
0x36: {  	s30 =	simm.s32 $0x1B80;
	s31 =	simm.s32 $0x1F80;
	[smem:$0x7FA] =	sst s28  }
0x37: {  	s17 =	simm.s32 $0x4000;
	p0 =	por !p0, !p1;
	[smem:$0x7FB] =	sst s29  }
0x38: {  	s8 =	sor.u32 s1, s7;
	s15 =	ssub.s32 s15, s18;
	[smem:$0x7FC] =	sst s30  }
0x39: {  	s1 =	sadd.s32 s1, s2;
	s14 =	sadd.s32 s25, s4;
	[smem:$0x7FD] =	sst s31  }
0x3a: {  	s18 =	simm.s32 $0x2;
	s22 =	simm.s32 $0x0;
	p0 =	por !p0, !p0  }
0x3b: {  	s9 =	sadd.s32 $0x18180, s1;
	s10 =	sadd.s32 $0x18200, s1;
	s5 =	simm.s32 @!p0 $0x0  }
0x3c: {  	s11 =	sadd.s32 $0x18280, s1;
	s6 =	simm.s32 @!p0 $0x0;
	s5 =	sshll.u32 s5, $0xA  }
0x3d: {  	s12 =	sadd.s32 $0x18300, s1;
	s6 =	ssub.s32 s16, s6;
	s5 =	sadd.s32 s5, s8  }
0x3e: {  	s6 =	sshll.u32 s6, $0xD;
	s8 =	simm.s32 $0x1C80;
	[dreg:$0x3] =	wrdreg s5  }
0x3f: {  	s13 =	sadd.s32 $0x18380, s1;
	s19 =	sadd.s32 s6, s7;
	[dreg:$0x12] =	wrdreg s8  }
0x40: {  	s14 =	sadd.s32 $0x18000, s14;
	s6 =	simm.s32 $0x1480;
	[dreg:$0x4] =	wrdreg s19  }
0x41: {  	s15 =	smax.u32 s15, $0x1;
	s7 =	simm.s32 $0x1880;
	[dreg:$0x10] =	wrdreg s6  }
0x42: {  	p0 =	sne.s32 s0, $0x0;
	s8 =	simm.s32 $0x1E00;
	[dreg:$0x11] =	wrdreg s7  }
.Ltmp0:
0x43: {  	s19 =	simm.s32 $0x580;
	[smem:$0x7E5] =	sst s8;
	(pc) =	sbr.rel .LBB2_1-.Ltmp0, $4  }
0x44: {  	s16 =	simm.s32 $0x400;
	s6 =	simm.s32 $0x1600;
	[dreg:$0x1c] =	wrdreg s19  }
0x45: {  	s5 =	simm.s32 $0x1;
	s7 =	simm.s32 $0x1A00;
	[smem:$0x7E3] =	sst s6  }
0x46: {  	s8 =	sadd.s32 $0x18100, s1;
	[smem:$0x7E4] =	sst s7;
	s19 =	simm.s32 $0x1E80  }
0x47: {  	s6 =	sadd.s32 $0x18000, s1;
	s7 =	sadd.s32 $0x18080, s1;
	[smem:$0x7ED] =	sst s19  }
.LBB2_5:
0x48: {  	s22 =	sadd.s32 $0x1, s22  }
0x49: {  	p1 =	sne.s32 s22, s15  }
.Ltmp1:
0x4a: {  	_ = 	snop;
	(pc) =	sbr.rel @!p1 .LBB2_6-.Ltmp1, $1  }
0x4b: {  	_ =	sdelay $0x3  }
.LBB2_1:
0x4c: {  	s23 =	rddreg [dreg:$0x4]  }
0x4d: {  	s23 =	sadd.s32 $0x0, s23  }
0x4e: {  	s24 =	sshrl.u32 s23, $0x3  }
0x4f: {  	s24 =	sadd.s32 s2, s24  }
0x50: {  	[tilespmem:s3], [sflag:$0x1] =	stream.linear.gather [hbm4b:s24+s3], $0x80, $0x38;
	[tilespmem:$0x2800] =	vst v63  }
0x51: {  	s26 =	rddreg [dreg:$0x5];
	s25 =	sadd.s32 $0x10, s24  }
0x52: {  	[tilespmem:s16], [sflag:$0x1] =	stream.linear.gather [hbm4b:s25+s3], $0x80, $0x38;
	[tilespmem:$0x2800] =	vst v63  }
0x53: {  	s28 =	rddreg [dreg:$0x6];
	s21 =	sadd.s32 $0x20, s24  }
0x54: {  	[tilespmem:s26], [sflag:$0x1] =	stream.linear.gather [hbm4b:s21+s3], $0x80, $0x38;
	[tilespmem:$0x2800] =	vst v63  }
0x55: {  	s30 =	rddreg [dreg:$0x7];
	s29 =	sadd.s32 $0x30, s24  }
0x56: {  	[tilespmem:s28], [sflag:$0x1] =	stream.linear.gather [hbm4b:s29+s3], $0x80, $0x38;
	[tilespmem:$0x2800] =	vst v63  }
0x57: {  	s0 =	rddreg [dreg:$0x8];
	s31 =	sadd.s32 $0x40, s24  }
0x58: {  	[tilespmem:s30], [sflag:$0x1] =	stream.linear.gather [hbm4b:s31+s3], $0x80, $0x38;
	[tilespmem:$0x2800] =	vst v63  }
0x59: {  	s19 =	rddreg [dreg:$0x9];
	s20 =	sadd.s32 $0x400, s23;
	s1 =	sadd.s32 $0x50, s24  }
0x5a: {  	[tilespmem:s0], [sflag:$0x1] =	stream.linear.gather [hbm4b:s1+s3], $0x80, $0x38;
	[tilespmem:$0x2800] =	vst v63  }
0x5b: {  	s25 =	sshrl.u32 s20, $0x3;
	s20 =	rddreg [dreg:$0xe];
	s21 =	sadd.s32 $0x60, s24  }
0x5c: {  	[tilespmem:s19], [sflag:$0x1] =	stream.linear.gather [hbm4b:s21+s3], $0x80, $0x38;
	[tilespmem:$0x2800] =	vst v63  }
0x5d: {  	s24 =	sadd.s32 $0x70, s24;
	s29 =	rddreg [dreg:$0xa]  }
0x5e: {  	[tilespmem:s29], [sflag:$0x1] =	stream.linear.gather [hbm4b:s24+s3], $0x80, $0x38;
	[tilespmem:$0x2800] =	vst v63  }
0x5f: {  	s30 =	rddreg [dreg:$0xb];
	s24 =	sadd.s32 s2, s25  }
0x60: {  	[tilespmem:s30], [sflag:$0x1] =	stream.linear.gather [hbm4b:s24+s3], $0x80, $0x38;
	[tilespmem:$0x2800] =	vst v63  }
0x61: {  	s31 =	rddreg [dreg:$0xc];
	s0 =	sadd.s32 $0x10, s24  }
0x62: {  	[tilespmem:s31], [sflag:$0x1] =	stream.linear.gather [hbm4b:s0+s3], $0x80, $0x38;
	[tilespmem:$0x2800] =	vst v63  }
0x63: {  	s1 =	rddreg [dreg:$0xd];
	s19 =	sadd.s32 $0x20, s24  }
0x64: {  	[tilespmem:s1], [sflag:$0x1] =	stream.linear.gather [hbm4b:s19+s3], $0x80, $0x38;
	[tilespmem:$0x2800] =	vst v63  }
0x65: {  	s29 =	rddreg [dreg:$0xf];
	s21 =	sadd.s32 $0x30, s24  }
0x66: {  	[tilespmem:s20], [sflag:$0x1] =	stream.linear.gather [hbm4b:s21+s3], $0x80, $0x38;
	[tilespmem:$0x2800] =	vst v63  }
0x67: {  	s30 =	sadd.s32 $0x40, s24;
	s31 =	rddreg [dreg:$0x10]  }
0x68: {  	[tilespmem:s29], [sflag:$0x1] =	stream.linear.gather [hbm4b:s30+s3], $0x80, $0x38;
	[tilespmem:$0x2800] =	vst v63  }
0x69: {  	s0 =	sadd.s32 $0x50, s24;
	s1 =	rddreg [dreg:$0x11]  }
0x6a: {  	[tilespmem:s31], [sflag:$0x1] =	stream.linear.gather [hbm4b:s0+s3], $0x80, $0x38;
	[tilespmem:$0x2800] =	vst v63  }
0x6b: {  	s19 =	sadd.s32 $0x800, s23;
	s20 =	sadd.s32 $0x60, s24;
	s21 =	rddreg [dreg:$0x12]  }
0x6c: {  	[tilespmem:s1], [sflag:$0x1] =	stream.linear.gather [hbm4b:s20+s3], $0x80, $0x38;
	[tilespmem:$0x2800] =	vst v63  }
0x6d: {  	s25 =	sshrl.u32 s19, $0x3;
	s24 =	sadd.s32 $0x70, s24;
	s30 =	rddreg [dreg:$0x13]  }
0x6e: {  	[tilespmem:s21], [sflag:$0x1] =	stream.linear.gather [hbm4b:s24+s3], $0x80, $0x38;
	[tilespmem:$0x2800] =	vst v63  }
0x6f: {  	s29 =	rddreg [dreg:$0x17];
	s24 =	sadd.s32 s2, s25  }
0x70: {  	[tilespmem:s30], [sflag:$0x1] =	stream.linear.gather [hbm4b:s24+s3], $0x80, $0x38;
	[tilespmem:$0x2800] =	vst v63  }
0x71: {  	s31 =	rddreg [dreg:$0x14];
	s0 =	sadd.s32 $0x10, s24  }
0x72: {  	[tilespmem:s31], [sflag:$0x1] =	stream.linear.gather [hbm4b:s0+s3], $0x80, $0x38;
	[tilespmem:$0x2800] =	vst v63  }
0x73: {  	s1 =	rddreg [dreg:$0x15];
	s19 =	sadd.s32 $0x20, s24  }
0x74: {  	[tilespmem:s1], [sflag:$0x1] =	stream.linear.gather [hbm4b:s19+s3], $0x80, $0x38;
	[tilespmem:$0x2800] =	vst v63  }
0x75: {  	s20 =	rddreg [dreg:$0x16];
	s21 =	sadd.s32 $0x30, s24  }
0x76: {  	[tilespmem:s20], [sflag:$0x1] =	stream.linear.gather [hbm4b:s21+s3], $0x80, $0x38;
	[tilespmem:$0x2800] =	vst v63  }
0x77: {  	s30 =	sadd.s32 $0x40, s24;
	s31 =	rddreg [dreg:$0x18]  }
0x78: {  	[tilespmem:s29], [sflag:$0x1] =	stream.linear.gather [hbm4b:s30+s3], $0x80, $0x38;
	[tilespmem:$0x2800] =	vst v63  }
0x79: {  	s0 =	sadd.s32 $0x50, s24;
	s1 =	rddreg [dreg:$0x19]  }
0x7a: {  	[tilespmem:s31], [sflag:$0x1] =	stream.linear.gather [hbm4b:s0+s3], $0x80, $0x38;
	[tilespmem:$0x2800] =	vst v63  }
0x7b: {  	s19 =	sadd.s32 $0xC00, s23;
	s20 =	sadd.s32 $0x60, s24;
	s21 =	rddreg [dreg:$0x1a]  }
0x7c: {  	[tilespmem:s1], [sflag:$0x1] =	stream.linear.gather [hbm4b:s20+s3], $0x80, $0x38;
	[tilespmem:$0x2800] =	vst v63  }
0x7d: {  	s25 =	sshrl.u32 s19, $0x3;
	s24 =	sadd.s32 $0x70, s24;
	s30 =	rddreg [dreg:$0x1b]  }
0x7e: {  	[tilespmem:s21], [sflag:$0x1] =	stream.linear.gather [hbm4b:s24+s3], $0x80, $0x38;
	[tilespmem:$0x2800] =	vst v63  }
0x7f: {  	s29 =	rddreg [dreg:$0x1f];
	s24 =	sadd.s32 s2, s25  }
0x80: {  	[tilespmem:s30], [sflag:$0x1] =	stream.linear.gather [hbm4b:s24+s3], $0x80, $0x38;
	[tilespmem:$0x2800] =	vst v63  }
0x81: {  	s31 =	rddreg [dreg:$0x1c];
	s0 =	sadd.s32 $0x10, s24  }
0x82: {  	[tilespmem:s31], [sflag:$0x1] =	stream.linear.gather [hbm4b:s0+s3], $0x80, $0x38;
	[tilespmem:$0x2800] =	vst v63  }
0x83: {  	s1 =	rddreg [dreg:$0x1d];
	s19 =	sadd.s32 $0x20, s24  }
0x84: {  	[tilespmem:s1], [sflag:$0x1] =	stream.linear.gather [hbm4b:s19+s3], $0x80, $0x38;
	[tilespmem:$0x2800] =	vst v63  }
0x85: {  	s20 =	rddreg [dreg:$0x1e];
	s21 =	sadd.s32 $0x30, s24  }
0x86: {  	[tilespmem:s20], [sflag:$0x1] =	stream.linear.gather [hbm4b:s21+s3], $0x80, $0x38;
	[tilespmem:$0x2800] =	vst v63  }
0x87: {  	s30 =	sadd.s32 $0x40, s24;
	s31 =	sld [smem:$0x7DB]  }
0x88: {  	[tilespmem:s29], [sflag:$0x1] =	stream.linear.gather [hbm4b:s30+s3], $0x80, $0x38;
	[tilespmem:$0x2800] =	vst v63  }
0x89: {  	s0 =	sadd.s32 $0x50, s24;
	s1 =	sld [smem:$0x7DC]  }
0x8a: {  	[tilespmem:s31], [sflag:$0x1] =	stream.linear.gather [hbm4b:s0+s3], $0x80, $0x38;
	[tilespmem:$0x2800] =	vst v63  }
0x8b: {  	s19 =	sadd.s32 $0x1000, s23;
	s20 =	sadd.s32 $0x60, s24;
	s21 =	sld [smem:$0x7DD]  }
0x8c: {  	[tilespmem:s1], [sflag:$0x1] =	stream.linear.gather [hbm4b:s20+s3], $0x80, $0x38;
	[tilespmem:$0x2800] =	vst v63  }
0x8d: {  	s25 =	sshrl.u32 s19, $0x3;
	s24 =	sadd.s32 $0x70, s24;
	s30 =	sld [smem:$0x7DE]  }
0x8e: {  	[tilespmem:s21], [sflag:$0x1] =	stream.linear.gather [hbm4b:s24+s3], $0x80, $0x38;
	[tilespmem:$0x2800] =	vst v63  }
0x8f: {  	s31 =	sld [smem:$0x7DF];
	s24 =	sadd.s32 s2, s25  }
0x90: {  	[tilespmem:s30], [sflag:$0x1] =	stream.linear.gather [hbm4b:s24+s3], $0x80, $0x38;
	[tilespmem:$0x2800] =	vst v63  }
0x91: {  	s1 =	sld [smem:$0x7E0];
	s0 =	sadd.s32 $0x10, s24  }
0x92: {  	[tilespmem:s31], [sflag:$0x1] =	stream.linear.gather [hbm4b:s0+s3], $0x80, $0x38;
	[tilespmem:$0x2800] =	vst v63  }
0x93: {  	s20 =	sld [smem:$0x7E1];
	s19 =	sadd.s32 $0x20, s24  }
0x94: {  	[tilespmem:s1], [sflag:$0x1] =	stream.linear.gather [hbm4b:s19+s3], $0x80, $0x38;
	[tilespmem:$0x2800] =	vst v63  }
0x95: {  	s29 =	sld [smem:$0x7E2];
	s21 =	sadd.s32 $0x30, s24  }
0x96: {  	[tilespmem:s20], [sflag:$0x1] =	stream.linear.gather [hbm4b:s21+s3], $0x80, $0x38;
	[tilespmem:$0x2800] =	vst v63  }
0x97: {  	s30 =	sadd.s32 $0x40, s24;
	s31 =	sld [smem:$0x7E3]  }
0x98: {  	[tilespmem:s29], [sflag:$0x1] =	stream.linear.gather [hbm4b:s30+s3], $0x80, $0x38;
	[tilespmem:$0x2800] =	vst v63  }
0x99: {  	s0 =	sadd.s32 $0x50, s24;
	s1 =	sld [smem:$0x7E4]  }
0x9a: {  	[tilespmem:s31], [sflag:$0x1] =	stream.linear.gather [hbm4b:s0+s3], $0x80, $0x38;
	[tilespmem:$0x2800] =	vst v63  }
0x9b: {  	s19 =	sadd.s32 $0x1400, s23;
	s20 =	sadd.s32 $0x60, s24;
	s21 =	sld [smem:$0x7E5]  }
0x9c: {  	[tilespmem:s1], [sflag:$0x1] =	stream.linear.gather [hbm4b:s20+s3], $0x80, $0x38;
	[tilespmem:$0x2800] =	vst v63  }
0x9d: {  	s25 =	sshrl.u32 s19, $0x3;
	s24 =	sadd.s32 $0x70, s24;
	s30 =	sld [smem:$0x7E6]  }
0x9e: {  	[tilespmem:s21], [sflag:$0x1] =	stream.linear.gather [hbm4b:s24+s3], $0x80, $0x38;
	[tilespmem:$0x2800] =	vst v63  }
0x9f: {  	s31 =	sld [smem:$0x7E7];
	s24 =	sadd.s32 s2, s25  }
0xa0: {  	[tilespmem:s30], [sflag:$0x1] =	stream.linear.gather [hbm4b:s24+s3], $0x80, $0x38;
	[tilespmem:$0x2800] =	vst v63  }
0xa1: {  	s1 =	sld [smem:$0x7E8];
	s0 =	sadd.s32 $0x10, s24  }
0xa2: {  	[tilespmem:s31], [sflag:$0x1] =	stream.linear.gather [hbm4b:s0+s3], $0x80, $0x38;
	[tilespmem:$0x2800] =	vst v63  }
0xa3: {  	s20 =	sld [smem:$0x7E9];
	s19 =	sadd.s32 $0x20, s24  }
0xa4: {  	[tilespmem:s1], [sflag:$0x1] =	stream.linear.gather [hbm4b:s19+s3], $0x80, $0x38;
	[tilespmem:$0x2800] =	vst v63  }
0xa5: {  	s29 =	sld [smem:$0x7EA];
	s21 =	sadd.s32 $0x30, s24  }
0xa6: {  	[tilespmem:s20], [sflag:$0x1] =	stream.linear.gather [hbm4b:s21+s3], $0x80, $0x38;
	[tilespmem:$0x2800] =	vst v63  }
0xa7: {  	s30 =	sadd.s32 $0x40, s24;
	s31 =	sld [smem:$0x7EB]  }
0xa8: {  	[tilespmem:s29], [sflag:$0x1] =	stream.linear.gather [hbm4b:s30+s3], $0x80, $0x38;
	[tilespmem:$0x2800] =	vst v63  }
0xa9: {  	s0 =	sadd.s32 $0x50, s24;
	s1 =	sld [smem:$0x7EC]  }
0xaa: {  	[tilespmem:s31], [sflag:$0x1] =	stream.linear.gather [hbm4b:s0+s3], $0x80, $0x38;
	[tilespmem:$0x2800] =	vst v63  }
0xab: {  	s19 =	sadd.s32 $0x1800, s23;
	s20 =	sadd.s32 $0x60, s24;
	s21 =	sld [smem:$0x7ED]  }
0xac: {  	[tilespmem:s1], [sflag:$0x1] =	stream.linear.gather [hbm4b:s20+s3], $0x80, $0x38;
	[tilespmem:$0x2800] =	vst v63  }
0xad: {  	s25 =	sshrl.u32 s19, $0x3;
	s24 =	sadd.s32 $0x70, s24;
	s30 =	sld [smem:$0x7EE]  }
0xae: {  	[tilespmem:s21], [sflag:$0x1] =	stream.linear.gather [hbm4b:s24+s3], $0x80, $0x38;
	[tilespmem:$0x2800] =	vst v63  }
0xaf: {  	s31 =	sld [smem:$0x7EF];
	s24 =	sadd.s32 s2, s25  }
0xb0: {  	[tilespmem:s30], [sflag:$0x1] =	stream.linear.gather [hbm4b:s24+s3], $0x80, $0x38;
	[tilespmem:$0x2800] =	vst v63  }
0xb1: {  	s1 =	sld [smem:$0x7F0];
	s0 =	sadd.s32 $0x10, s24  }
0xb2: {  	[tilespmem:s31], [sflag:$0x1] =	stream.linear.gather [hbm4b:s0+s3], $0x80, $0x38;
	[tilespmem:$0x2800] =	vst v63  }
0xb3: {  	s20 =	sld [smem:$0x7F1];
	s19 =	sadd.s32 $0x20, s24  }
0xb4: {  	[tilespmem:s1], [sflag:$0x1] =	stream.linear.gather [hbm4b:s19+s3], $0x80, $0x38;
	[tilespmem:$0x2800] =	vst v63  }
0xb5: {  	s29 =	sld [smem:$0x7F2];
	s21 =	sadd.s32 $0x30, s24  }
0xb6: {  	[tilespmem:s20], [sflag:$0x1] =	stream.linear.gather [hbm4b:s21+s3], $0x80, $0x38;
	[tilespmem:$0x2800] =	vst v63  }
0xb7: {  	s30 =	sadd.s32 $0x40, s24;
	s31 =	sld [smem:$0x7F3]  }
0xb8: {  	[tilespmem:s29], [sflag:$0x1] =	stream.linear.gather [hbm4b:s30+s3], $0x80, $0x38;
	[tilespmem:$0x2800] =	vst v63  }
0xb9: {  	s0 =	sadd.s32 $0x50, s24;
	s1 =	sld [smem:$0x7F4]  }
0xba: {  	[tilespmem:s31], [sflag:$0x1] =	stream.linear.gather [hbm4b:s0+s3], $0x80, $0x38;
	[tilespmem:$0x2800] =	vst v63  }
0xbb: {  	s23 =	sadd.s32 $0x1C00, s23;
	s19 =	sadd.s32 $0x60, s24;
	s20 =	sld [smem:$0x7F5]  }
0xbc: {  	[tilespmem:s1], [sflag:$0x1] =	stream.linear.gather [hbm4b:s19+s3], $0x80, $0x38;
	[tilespmem:$0x2800] =	vst v63  }
0xbd: {  	s23 =	sshrl.u32 s23, $0x3;
	s24 =	sadd.s32 $0x70, s24;
	s21 =	sld [smem:$0x7F6]  }
0xbe: {  	[tilespmem:s20], [sflag:$0x1] =	stream.linear.gather [hbm4b:s24+s3], $0x80, $0x38;
	[tilespmem:$0x2800] =	vst v63  }
0xbf: {  	s28 =	sld [smem:$0x7F7];
	s23 =	sadd.s32 s2, s23  }
0xc0: {  	[tilespmem:s21], [sflag:$0x1] =	stream.linear.gather [hbm4b:s23+s3], $0x80, $0x38;
	[tilespmem:$0x2800] =	vst v63  }
0xc1: {  	s29 =	sadd.s32 $0x10, s23;
	s30 =	sld [smem:$0x7F8]  }
0xc2: {  	[tilespmem:s28], [sflag:$0x1] =	stream.linear.gather [hbm4b:s29+s3], $0x80, $0x38;
	[tilespmem:$0x2800] =	vst v63  }
0xc3: {  	s31 =	sadd.s32 $0x20, s23;
	s0 =	sld [smem:$0x7F9]  }
0xc4: {  	[tilespmem:s30], [sflag:$0x1] =	stream.linear.gather [hbm4b:s31+s3], $0x80, $0x38;
	[tilespmem:$0x2800] =	vst v63  }
0xc5: {  	s1 =	sadd.s32 $0x30, s23;
	s19 =	sld [smem:$0x7FA]  }
0xc6: {  	[tilespmem:s0], [sflag:$0x1] =	stream.linear.gather [hbm4b:s1+s3], $0x80, $0x38;
	[tilespmem:$0x2800] =	vst v63  }
0xc7: {  	s20 =	sadd.s32 $0x40, s23;
	s21 =	sld [smem:$0x7FB]  }
0xc8: {  	[tilespmem:s19], [sflag:$0x1] =	stream.linear.gather [hbm4b:s20+s3], $0x80, $0x38;
	[tilespmem:$0x2800] =	vst v63  }
0xc9: {  	s26 =	sadd.s32 $0x50, s23;
	s28 =	sld [smem:$0x7FC]  }
0xca: {  	[tilespmem:s21], [sflag:$0x1] =	stream.linear.gather [hbm4b:s26+s3], $0x80, $0x38;
	[tilespmem:$0x2800] =	vst v63  }
0xcb: {  	s29 =	sadd.s32 $0x60, s23;
	s30 =	sld [smem:$0x7FD]  }
0xcc: {  	[tilespmem:s28], [sflag:$0x1] =	stream.linear.gather [hbm4b:s29+s3], $0x80, $0x38;
	[tilespmem:$0x2800] =	vst v63  }
0xcd: {  	s23 =	sadd.s32 $0x70, s23  }
0xce: {  	[tilespmem:s30], [sflag:$0x1] =	stream.linear.gather [hbm4b:s23+s3], $0x80, $0x38;
	[tilespmem:$0x2800] =	vst v63  }
0xcf: {  	_ =	swait.ge [sflag:s5], $0x400  }
0xd0: {  	[sflag:s5] =	ssyncset.done $0x0  }
0xd1: {  	[sflag:s5] =	ssyncadd.s32 $0xFFFFFC00  }
0xd2: {  	_ =	swait.ge [sflag:s5], $0x400  }
0xd3: {  	[sflag:s5] =	ssyncset.done $0x0  }
0xd4: {  	[sflag:s5] =	ssyncadd.s32 $0xFFFFFC00  }
0xd5: {  	_ =	swait.ge [sflag:s5], $0x400  }
0xd6: {  	[sflag:s5] =	ssyncset.done $0x0  }
0xd7: {  	[sflag:s5] =	ssyncadd.s32 $0xFFFFFC00  }
0xd8: {  	_ =	swait.ge [sflag:s5], $0x400  }
0xd9: {  	[sflag:s5] =	ssyncset.done $0x0  }
0xda: {  	[sflag:s5] =	ssyncadd.s32 $0xFFFFFC00  }
0xdb: {  	_ =	swait.ge [sflag:s5], $0x400  }
0xdc: {  	[sflag:s5] =	ssyncset.done $0x0  }
0xdd: {  	[sflag:s5] =	ssyncadd.s32 $0xFFFFFC00  }
0xde: {  	_ =	swait.ge [sflag:s5], $0x400  }
0xdf: {  	[sflag:s5] =	ssyncset.done $0x0  }
0xe0: {  	[sflag:s5] =	ssyncadd.s32 $0xFFFFFC00  }
0xe1: {  	_ =	swait.ge [sflag:s5], $0x400  }
0xe2: {  	[sflag:s5] =	ssyncset.done $0x0  }
0xe3: {  	[sflag:s5] =	ssyncadd.s32 $0xFFFFFC00  }
0xe4: {  	_ =	swait.ge [sflag:s5], $0x400  }
0xe5: {  	s31 =	rddreg [dreg:$0x3]  }
0xe6: {  	s23 =	sadd.s32 $0x0, s31  }
0xe7: {  	[sflag:s5] =	ssyncset.done $0x0;
	s23 =	sshrl.u32 s23, $0x3  }
0xe8: {  	[sflag:s5] =	ssyncadd.s32 $0xFFFFFC00;
	s23 =	sadd.s32 s4, s23  }
0xe9: {  	[hbm4b:s23+s16] =	stream.strided.scatter [tilespmem:s3], [sflag:$0x2], $0x2000, s17, s16, $0x38;
	[tilespmem:$0x2800] =	vst v63  }
0xea: {  	_ =	swait.ge [sflag:s18], $0x2000  }
0xeb: {  	s23 =	simm.s32 $0x20000;
	[sflag:s18] =	ssyncset.done $0x0  }
.LBB2_2:
0xec: {  	s24 =	smov.u32 s23;
	s25 =	rddreg [dreg:$0x4]  }
0xed: {  	s25 =	sadd.s32 s24, s25  }
0xee: {  	s26 =	sshrl.u32 s25, $0x3  }
0xef: {  	[sflag:s18] =	ssyncadd.s32 $0xFFFFE000;
	s19 =	rddreg [dreg:$0x5];
	s26 =	sadd.s32 s2, s26  }
0xf0: {  	[tilespmem:s3], [sflag:$0x1] =	stream.linear.gather [hbm4b:s26+s3], $0x80, $0x38;
	[tilespmem:$0x2800] =	vst v63  }
0xf1: {  	s28 =	sadd.s32 $0x400, s25;
	s29 =	sadd.s32 $0x800, s25;
	s0 =	sadd.s32 $0x10, s26  }
0xf2: {  	[tilespmem:s16], [sflag:$0x1] =	stream.linear.gather [hbm4b:s0+s3], $0x80, $0x38;
	[tilespmem:$0x2800] =	vst v63  }
0xf3: {  	s1 =	sshrl.u32 s28, $0x3;
	s28 =	rddreg [dreg:$0x8];
	s20 =	sadd.s32 $0x20, s26  }
0xf4: {  	[tilespmem:s19], [sflag:$0x1] =	stream.linear.gather [hbm4b:s20+s3], $0x80, $0x38;
	[tilespmem:$0x2800] =	vst v63  }
0xf5: {  	s31 =	sshrl.u32 s29, $0x3;
	s21 =	sadd.s32 $0x30, s26;
	s0 =	rddreg [dreg:$0x6]  }
0xf6: {  	[tilespmem:s0], [sflag:$0x1] =	stream.linear.gather [hbm4b:s21+s3], $0x80, $0x38;
	[tilespmem:$0x2800] =	vst v63  }
0xf7: {  	s20 =	rddreg [dreg:$0x7];
	s19 =	sadd.s32 $0x1000, s25;
	s21 =	sadd.s32 $0x40, s26  }
0xf8: {  	[tilespmem:s20], [sflag:$0x1] =	stream.linear.gather [hbm4b:s21+s3], $0x80, $0x38;
	[tilespmem:$0x2800] =	vst v63  }
0xf9: {  	s29 =	sshrl.u32 s19, $0x3;
	s19 =	sadd.s32 $0x50, s26;
	s20 =	rddreg [dreg:$0x9]  }
0xfa: {  	[tilespmem:s28], [sflag:$0x1] =	stream.linear.gather [hbm4b:s19+s3], $0x80, $0x38;
	[tilespmem:$0x2800] =	vst v63  }
0xfb: {  	s0 =	sadd.s32 $0x60, s26;
	s21 =	sadd.s32 $0x1400, s25;
	s19 =	rddreg [dreg:$0xa]  }
0xfc: {  	[tilespmem:s20], [sflag:$0x1] =	stream.linear.gather [hbm4b:s0+s3], $0x80, $0x38;
	[tilespmem:$0x2800] =	vst v63  }
0xfd: {  	s28 =	sshrl.u32 s21, $0x3;
	s21 =	sadd.s32 $0x70, s26;
	s20 =	rddreg [dreg:$0xb]  }
0xfe: {  	[tilespmem:s19], [sflag:$0x1] =	stream.linear.gather [hbm4b:s21+s3], $0x80, $0x38;
	[tilespmem:$0x2800] =	vst v63  }
0xff: {  	s0 =	sadd.s32 s2, s1;
	s19 =	rddreg [dreg:$0xc]  }
0x100: {  	[tilespmem:s20], [sflag:$0x1] =	stream.linear.gather [hbm4b:s0+s3], $0x80, $0x38;
	[tilespmem:$0x2800] =	vst v63  }
0x101: {  	s21 =	sadd.s32 $0x10, s0;
	s20 =	rddreg [dreg:$0xd]  }
0x102: {  	[tilespmem:s19], [sflag:$0x1] =	stream.linear.gather [hbm4b:s21+s3], $0x80, $0x38;
	[tilespmem:$0x2800] =	vst v63  }
0x103: {  	s1 =	sadd.s32 $0x20, s0;
	s19 =	rddreg [dreg:$0xe]  }
0x104: {  	[tilespmem:s20], [sflag:$0x1] =	stream.linear.gather [hbm4b:s1+s3], $0x80, $0x38;
	[tilespmem:$0x2800] =	vst v63  }
0x105: {  	s21 =	sadd.s32 $0x30, s0;
	s20 =	rddreg [dreg:$0xf]  }
0x106: {  	[tilespmem:s19], [sflag:$0x1] =	stream.linear.gather [hbm4b:s21+s3], $0x80, $0x38;
	[tilespmem:$0x2800] =	vst v63  }
0x107: {  	s21 =	sadd.s32 $0x40, s0;
	s19 =	rddreg [dreg:$0x10]  }
0x108: {  	[tilespmem:s20], [sflag:$0x1] =	stream.linear.gather [hbm4b:s21+s3], $0x80, $0x38;
	[tilespmem:$0x2800] =	vst v63  }
0x109: {  	s21 =	sadd.s32 $0x50, s0;
	s20 =	rddreg [dreg:$0x11]  }
0x10a: {  	[tilespmem:s19], [sflag:$0x1] =	stream.linear.gather [hbm4b:s21+s3], $0x80, $0x38;
	[tilespmem:$0x2800] =	vst v63  }
0x10b: {  	s21 =	sadd.s32 $0x60, s0;
	s19 =	rddreg [dreg:$0x12]  }
0x10c: {  	[tilespmem:s20], [sflag:$0x1] =	stream.linear.gather [hbm4b:s21+s3], $0x80, $0x38;
	[tilespmem:$0x2800] =	vst v63  }
0x10d: {  	s0 =	sadd.s32 $0x70, s0;
	s21 =	rddreg [dreg:$0x13]  }
0x10e: {  	[tilespmem:s19], [sflag:$0x1] =	stream.linear.gather [hbm4b:s0+s3], $0x80, $0x38;
	[tilespmem:$0x2800] =	vst v63  }
0x10f: {  	s0 =	sadd.s32 s2, s31;
	s31 =	rddreg [dreg:$0x14]  }
0x110: {  	[tilespmem:s21], [sflag:$0x1] =	stream.linear.gather [hbm4b:s0+s3], $0x80, $0x38;
	[tilespmem:$0x2800] =	vst v63  }
0x111: {  	s19 =	rddreg [dreg:$0x16];
	s20 =	sadd.s32 $0x10, s0  }
0x112: {  	[tilespmem:s31], [sflag:$0x1] =	stream.linear.gather [hbm4b:s20+s3], $0x80, $0x38;
	[tilespmem:$0x2800] =	vst v63  }
0x113: {  	s21 =	rddreg [dreg:$0x15];
	s31 =	sadd.s32 $0x20, s0  }
0x114: {  	[tilespmem:s21], [sflag:$0x1] =	stream.linear.gather [hbm4b:s31+s3], $0x80, $0x38;
	[tilespmem:$0x2800] =	vst v63  }
0x115: {  	s20 =	rddreg [dreg:$0x19];
	s21 =	sadd.s32 $0x30, s0  }
0x116: {  	[tilespmem:s19], [sflag:$0x1] =	stream.linear.gather [hbm4b:s21+s3], $0x80, $0x38;
	[tilespmem:$0x2800] =	vst v63  }
0x117: {  	s31 =	rddreg [dreg:$0x17];
	s19 =	sadd.s32 $0x40, s0  }
0x118: {  	[tilespmem:s31], [sflag:$0x1] =	stream.linear.gather [hbm4b:s19+s3], $0x80, $0x38;
	[tilespmem:$0x2800] =	vst v63  }
0x119: {  	s21 =	rddreg [dreg:$0x18];
	s31 =	sadd.s32 $0x50, s0  }
0x11a: {  	[tilespmem:s21], [sflag:$0x1] =	stream.linear.gather [hbm4b:s31+s3], $0x80, $0x38;
	[tilespmem:$0x2800] =	vst v63  }
0x11b: {  	s30 =	sadd.s32 $0xC00, s25;
	s21 =	sadd.s32 $0x60, s0;
	s31 =	rddreg [dreg:$0x1a]  }
0x11c: {  	[tilespmem:s20], [sflag:$0x1] =	stream.linear.gather [hbm4b:s21+s3], $0x80, $0x38;
	[tilespmem:$0x2800] =	vst v63  }
0x11d: {  	s30 =	sshrl.u32 s30, $0x3;
	s0 =	sadd.s32 $0x70, s0;
	s20 =	rddreg [dreg:$0x1b]  }
0x11e: {  	[tilespmem:s31], [sflag:$0x1] =	stream.linear.gather [hbm4b:s0+s3], $0x80, $0x38;
	[tilespmem:$0x2800] =	vst v63  }
0x11f: {  	s21 =	rddreg [dreg:$0x1c];
	s0 =	sadd.s32 s2, s30  }
0x120: {  	[tilespmem:s20], [sflag:$0x1] =	stream.linear.gather [hbm4b:s0+s3], $0x80, $0x38;
	[tilespmem:$0x2800] =	vst v63  }
0x121: {  	s31 =	rddreg [dreg:$0x1d];
	s30 =	sadd.s32 $0x10, s0  }
0x122: {  	[tilespmem:s21], [sflag:$0x1] =	stream.linear.gather [hbm4b:s30+s3], $0x80, $0x38;
	[tilespmem:$0x2800] =	vst v63  }
0x123: {  	s19 =	sadd.s32 $0x20, s0;
	s21 =	rddreg [dreg:$0x1e]  }
0x124: {  	[tilespmem:s31], [sflag:$0x1] =	stream.linear.gather [hbm4b:s19+s3], $0x80, $0x38;
	[tilespmem:$0x2800] =	vst v63  }
0x125: {  	s30 =	sadd.s32 $0x30, s0;
	s31 =	rddreg [dreg:$0x1f]  }
0x126: {  	[tilespmem:s21], [sflag:$0x1] =	stream.linear.gather [hbm4b:s30+s3], $0x80, $0x38;
	[tilespmem:$0x2800] =	vst v63  }
0x127: {  	s19 =	sadd.s32 $0x40, s0;
	s21 =	sld [smem:$0x7DB]  }
0x128: {  	[tilespmem:s31], [sflag:$0x1] =	stream.linear.gather [hbm4b:s19+s3], $0x80, $0x38;
	[tilespmem:$0x2800] =	vst v63  }
0x129: {  	s30 =	sadd.s32 $0x50, s0;
	s31 =	sld [smem:$0x7DC]  }
0x12a: {  	[tilespmem:s21], [sflag:$0x1] =	stream.linear.gather [hbm4b:s30+s3], $0x80, $0x38;
	[tilespmem:$0x2800] =	vst v63  }
0x12b: {  	s21 =	sadd.s32 $0x60, s0;
	s30 =	sld [smem:$0x7DD]  }
0x12c: {  	[tilespmem:s31], [sflag:$0x1] =	stream.linear.gather [hbm4b:s21+s3], $0x80, $0x38;
	[tilespmem:$0x2800] =	vst v63  }
0x12d: {  	s0 =	sadd.s32 $0x70, s0;
	s31 =	sld [smem:$0x7DE]  }
0x12e: {  	[tilespmem:s30], [sflag:$0x1] =	stream.linear.gather [hbm4b:s0+s3], $0x80, $0x38;
	[tilespmem:$0x2800] =	vst v63  }
0x12f: {  	s20 =	sld [smem:$0x7DF];
	s0 =	sadd.s32 s2, s29  }
0x130: {  	[tilespmem:s31], [sflag:$0x1] =	stream.linear.gather [hbm4b:s0+s3], $0x80, $0x38;
	[tilespmem:$0x2800] =	vst v63  }
0x131: {  	s29 =	sld [smem:$0x7E0];
	s21 =	sadd.s32 $0x10, s0  }
0x132: {  	[tilespmem:s20], [sflag:$0x1] =	stream.linear.gather [hbm4b:s21+s3], $0x80, $0x38;
	[tilespmem:$0x2800] =	vst v63  }
0x133: {  	s30 =	sadd.s32 $0x20, s0;
	s31 =	sld [smem:$0x7E1]  }
0x134: {  	[tilespmem:s29], [sflag:$0x1] =	stream.linear.gather [hbm4b:s30+s3], $0x80, $0x38;
	[tilespmem:$0x2800] =	vst v63  }
0x135: {  	s21 =	sadd.s32 $0x30, s0;
	s29 =	sld [smem:$0x7E2]  }
0x136: {  	[tilespmem:s31], [sflag:$0x1] =	stream.linear.gather [hbm4b:s21+s3], $0x80, $0x38;
	[tilespmem:$0x2800] =	vst v63  }
0x137: {  	s30 =	sadd.s32 $0x40, s0;
	s31 =	sld [smem:$0x7E3]  }
0x138: {  	[tilespmem:s29], [sflag:$0x1] =	stream.linear.gather [hbm4b:s30+s3], $0x80, $0x38;
	[tilespmem:$0x2800] =	vst v63  }
0x139: {  	s21 =	sadd.s32 $0x50, s0;
	s29 =	sld [smem:$0x7E4]  }
0x13a: {  	[tilespmem:s31], [sflag:$0x1] =	stream.linear.gather [hbm4b:s21+s3], $0x80, $0x38;
	[tilespmem:$0x2800] =	vst v63  }
0x13b: {  	s30 =	sadd.s32 $0x60, s0;
	s31 =	sld [smem:$0x7E5]  }
0x13c: {  	[tilespmem:s29], [sflag:$0x1] =	stream.linear.gather [hbm4b:s30+s3], $0x80, $0x38;
	[tilespmem:$0x2800] =	vst v63  }
0x13d: {  	s0 =	sadd.s32 $0x70, s0;
	s21 =	sld [smem:$0x7E6]  }
0x13e: {  	[tilespmem:s31], [sflag:$0x1] =	stream.linear.gather [hbm4b:s0+s3], $0x80, $0x38;
	[tilespmem:$0x2800] =	vst v63  }
0x13f: {  	s29 =	sld [smem:$0x7E7];
	s0 =	sadd.s32 s2, s28  }
0x140: {  	[tilespmem:s21], [sflag:$0x1] =	stream.linear.gather [hbm4b:s0+s3], $0x80, $0x38;
	[tilespmem:$0x2800] =	vst v63  }
0x141: {  	s31 =	sld [smem:$0x7E8];
	s30 =	sadd.s32 $0x10, s0  }
0x142: {  	[tilespmem:s29], [sflag:$0x1] =	stream.linear.gather [hbm4b:s30+s3], $0x80, $0x38;
	[tilespmem:$0x2800] =	vst v63  }
0x143: {  	s19 =	sadd.s32 $0x20, s0;
	s21 =	sld [smem:$0x7E9]  }
0x144: {  	[tilespmem:s31], [sflag:$0x1] =	stream.linear.gather [hbm4b:s19+s3], $0x80, $0x38;
	[tilespmem:$0x2800] =	vst v63  }
0x145: {  	s28 =	sadd.s32 $0x30, s0;
	s29 =	sld [smem:$0x7EA]  }
0x146: {  	[tilespmem:s21], [sflag:$0x1] =	stream.linear.gather [hbm4b:s28+s3], $0x80, $0x38;
	[tilespmem:$0x2800] =	vst v63  }
0x147: {  	s30 =	sadd.s32 $0x40, s0;
	s31 =	sld [smem:$0x7EB]  }
0x148: {  	[tilespmem:s29], [sflag:$0x1] =	stream.linear.gather [hbm4b:s30+s3], $0x80, $0x38;
	[tilespmem:$0x2800] =	vst v63  }
0x149: {  	s21 =	sadd.s32 $0x50, s0;
	s28 =	sld [smem:$0x7EC]  }
0x14a: {  	[tilespmem:s31], [sflag:$0x1] =	stream.linear.gather [hbm4b:s21+s3], $0x80, $0x38;
	[tilespmem:$0x2800] =	vst v63  }
0x14b: {  	s26 =	sadd.s32 $0x1800, s25;
	s29 =	sadd.s32 $0x60, s0;
	s30 =	sld [smem:$0x7ED]  }
0x14c: {  	[tilespmem:s28], [sflag:$0x1] =	stream.linear.gather [hbm4b:s29+s3], $0x80, $0x38;
	[tilespmem:$0x2800] =	vst v63  }
0x14d: {  	s26 =	sshrl.u32 s26, $0x3;
	s0 =	sadd.s32 $0x70, s0;
	s31 =	sld [smem:$0x7EE]  }
0x14e: {  	[tilespmem:s30], [sflag:$0x1] =	stream.linear.gather [hbm4b:s0+s3], $0x80, $0x38;
	[tilespmem:$0x2800] =	vst v63  }
0x14f: {  	s20 =	sld [smem:$0x7EF];
	s0 =	sadd.s32 s2, s26  }
0x150: {  	[tilespmem:s31], [sflag:$0x1] =	stream.linear.gather [hbm4b:s0+s3], $0x80, $0x38;
	[tilespmem:$0x2800] =	vst v63  }
0x151: {  	s26 =	sld [smem:$0x7F0];
	s21 =	sadd.s32 $0x10, s0  }
0x152: {  	[tilespmem:s20], [sflag:$0x1] =	stream.linear.gather [hbm4b:s21+s3], $0x80, $0x38;
	[tilespmem:$0x2800] =	vst v63  }
0x153: {  	s29 =	sld [smem:$0x7F1];
	s28 =	sadd.s32 $0x20, s0  }
0x154: {  	[tilespmem:s26], [sflag:$0x1] =	stream.linear.gather [hbm4b:s28+s3], $0x80, $0x38;
	[tilespmem:$0x2800] =	vst v63  }
0x155: {  	s30 =	sadd.s32 $0x30, s0;
	s31 =	sld [smem:$0x7F2]  }
0x156: {  	[tilespmem:s29], [sflag:$0x1] =	stream.linear.gather [hbm4b:s30+s3], $0x80, $0x38;
	[tilespmem:$0x2800] =	vst v63  }
0x157: {  	s21 =	sadd.s32 $0x40, s0;
	s26 =	sld [smem:$0x7F3]  }
0x158: {  	[tilespmem:s31], [sflag:$0x1] =	stream.linear.gather [hbm4b:s21+s3], $0x80, $0x38;
	[tilespmem:$0x2800] =	vst v63  }
0x159: {  	s28 =	sadd.s32 $0x50, s0;
	s29 =	sld [smem:$0x7F4]  }
0x15a: {  	[tilespmem:s26], [sflag:$0x1] =	stream.linear.gather [hbm4b:s28+s3], $0x80, $0x38;
	[tilespmem:$0x2800] =	vst v63  }
0x15b: {  	s25 =	sadd.s32 $0x1C00, s25;
	s30 =	sadd.s32 $0x60, s0;
	s31 =	sld [smem:$0x7F5]  }
0x15c: {  	[tilespmem:s29], [sflag:$0x1] =	stream.linear.gather [hbm4b:s30+s3], $0x80, $0x38;
	[tilespmem:$0x2800] =	vst v63  }
0x15d: {  	s25 =	sshrl.u32 s25, $0x3;
	s20 =	sld [smem:$0x7F6];
	s0 =	sadd.s32 $0x70, s0  }
0x15e: {  	[tilespmem:s31], [sflag:$0x1] =	stream.linear.gather [hbm4b:s0+s3], $0x80, $0x38;
	[tilespmem:$0x2800] =	vst v63  }
0x15f: {  	s21 =	sld [smem:$0x7F7];
	s0 =	sadd.s32 s2, s25  }
0x160: {  	[tilespmem:s20], [sflag:$0x1] =	stream.linear.gather [hbm4b:s0+s3], $0x80, $0x38;
	[tilespmem:$0x2800] =	vst v63  }
0x161: {  	s26 =	sld [smem:$0x7F8];
	s25 =	sadd.s32 $0x10, s0  }
0x162: {  	[tilespmem:s21], [sflag:$0x1] =	stream.linear.gather [hbm4b:s25+s3], $0x80, $0x38;
	[tilespmem:$0x2800] =	vst v63  }
0x163: {  	s29 =	sld [smem:$0x7F9];
	s28 =	sadd.s32 $0x20, s0  }
0x164: {  	[tilespmem:s26], [sflag:$0x1] =	stream.linear.gather [hbm4b:s28+s3], $0x80, $0x38;
	[tilespmem:$0x2800] =	vst v63  }
0x165: {  	s31 =	sld [smem:$0x7FA];
	s30 =	sadd.s32 $0x30, s0  }
0x166: {  	[tilespmem:s29], [sflag:$0x1] =	stream.linear.gather [hbm4b:s30+s3], $0x80, $0x38;
	[tilespmem:$0x2800] =	vst v63  }
0x167: {  	s21 =	sadd.s32 $0x40, s0;
	s25 =	sld [smem:$0x7FB]  }
0x168: {  	[tilespmem:s31], [sflag:$0x1] =	stream.linear.gather [hbm4b:s21+s3], $0x80, $0x38;
	[tilespmem:$0x2800] =	vst v63  }
0x169: {  	s26 =	sadd.s32 $0x50, s0;
	s28 =	sld [smem:$0x7FC]  }
0x16a: {  	[tilespmem:s25], [sflag:$0x1] =	stream.linear.gather [hbm4b:s26+s3], $0x80, $0x38;
	[tilespmem:$0x2800] =	vst v63  }
0x16b: {  	s29 =	sadd.s32 $0x60, s0;
	s30 =	sld [smem:$0x7FD]  }
0x16c: {  	[tilespmem:s28], [sflag:$0x1] =	stream.linear.gather [hbm4b:s29+s3], $0x80, $0x38;
	[tilespmem:$0x2800] =	vst v63  }
0x16d: {  	s0 =	sadd.s32 $0x70, s0  }
0x16e: {  	[tilespmem:s30], [sflag:$0x1] =	stream.linear.gather [hbm4b:s0+s3], $0x80, $0x38;
	[tilespmem:$0x2800] =	vst v63  }
0x16f: {  	_ =	swait.ge [sflag:s5], $0x400  }
0x170: {  	[sflag:s5] =	ssyncset.done $0x0  }
0x171: {  	[sflag:s5] =	ssyncadd.s32 $0xFFFFFC00  }
0x172: {  	_ =	swait.ge [sflag:s5], $0x400  }
0x173: {  	[sflag:s5] =	ssyncset.done $0x0  }
0x174: {  	[sflag:s5] =	ssyncadd.s32 $0xFFFFFC00  }
0x175: {  	_ =	swait.ge [sflag:s5], $0x400  }
0x176: {  	[sflag:s5] =	ssyncset.done $0x0  }
0x177: {  	[sflag:s5] =	ssyncadd.s32 $0xFFFFFC00  }
0x178: {  	_ =	swait.ge [sflag:s5], $0x400  }
0x179: {  	[sflag:s5] =	ssyncset.done $0x0  }
0x17a: {  	[sflag:s5] =	ssyncadd.s32 $0xFFFFFC00  }
0x17b: {  	_ =	swait.ge [sflag:s5], $0x400  }
0x17c: {  	[sflag:s5] =	ssyncset.done $0x0  }
0x17d: {  	[sflag:s5] =	ssyncadd.s32 $0xFFFFFC00  }
0x17e: {  	_ =	swait.ge [sflag:s5], $0x400  }
0x17f: {  	[sflag:s5] =	ssyncset.done $0x0  }
0x180: {  	[sflag:s5] =	ssyncadd.s32 $0xFFFFFC00  }
0x181: {  	_ =	swait.ge [sflag:s5], $0x400  }
0x182: {  	[sflag:s5] =	ssyncset.done $0x0  }
0x183: {  	[sflag:s5] =	ssyncadd.s32 $0xFFFFFC00  }
0x184: {  	_ =	swait.ge [sflag:s5], $0x400  }
0x185: {  	s31 =	rddreg [dreg:$0x3]  }
0x186: {  	p1 =	sne.s32 s23, $0x40000;
	s0 =	sadd.s32 s24, s31  }
.Ltmp2:
0x187: {  	[sflag:s5] =	ssyncset.done $0x0;
	s0 =	sshrl.u32 s0, $0x3;
	(pc) =	sbr.rel @p1 .LBB2_2-.Ltmp2, $4  }
0x188: {  	[sflag:s5] =	ssyncadd.s32 $0xFFFFFC00;
	s0 =	sadd.s32 s4, s0  }
0x189: {  	[hbm4b:s0+s16] =	stream.strided.scatter [tilespmem:s3], [sflag:$0x2], $0x2000, s17, s16, $0x38;
	[tilespmem:$0x2800] =	vst v63  }
0x18a: {  	_ =	swait.ge [sflag:s18], $0x2000  }
0x18b: {  	s23 =	sadd.s32 $0x20000, s23;
	[sflag:s18] =	ssyncset.done $0x0  }
.Ltmp3:
0x18c: {  	(pc) =	sbr.rel @p0 .LBB2_5-.Ltmp3, $2  }
0x18d: {  	_ =	sdelay $0x2  }
0x18e: {  	[sflag:s18] =	ssyncadd.s32 $0xFFFFE000  }
0x18f: {  	s1 =	simm.s32 $0x2000  }
0x190: {  	[tilespmem:s1], [sflag:$0x1] =	stream.linear.gather [hbm4b:s6+s3], $0x80, $0x38;
	[tilespmem:$0x2800] =	vst v63  }
0x191: {  	s0 =	sadd.s32 $0x10, s6;
	s19 =	simm.s32 $0x2400  }
0x192: {  	[tilespmem:s19], [sflag:$0x1] =	stream.linear.gather [hbm4b:s0+s3], $0x80, $0x38;
	[tilespmem:$0x2800] =	vst v63  }
0x193: {  	s20 =	simm.s32 $0x2080  }
0x194: {  	[tilespmem:s20], [sflag:$0x1] =	stream.linear.gather [hbm4b:s7+s3], $0x80, $0x38;
	[tilespmem:$0x2800] =	vst v63  }
0x195: {  	s21 =	sadd.s32 $0x10, s7;
	s23 =	simm.s32 $0x2480  }
0x196: {  	[tilespmem:s23], [sflag:$0x1] =	stream.linear.gather [hbm4b:s21+s3], $0x80, $0x38;
	[tilespmem:$0x2800] =	vst v63  }
0x197: {  	s24 =	simm.s32 $0x2100  }
0x198: {  	[tilespmem:s24], [sflag:$0x1] =	stream.linear.gather [hbm4b:s8+s3], $0x80, $0x38;
	[tilespmem:$0x2800] =	vst v63  }
0x199: {  	s25 =	sadd.s32 $0x10, s8;
	s26 =	simm.s32 $0x2500  }
0x19a: {  	[tilespmem:s26], [sflag:$0x1] =	stream.linear.gather [hbm4b:s25+s3], $0x80, $0x38;
	[tilespmem:$0x2800] =	vst v63  }
0x19b: {  	s28 =	simm.s32 $0x2180  }
0x19c: {  	[tilespmem:s28], [sflag:$0x1] =	stream.linear.gather [hbm4b:s9+s3], $0x80, $0x38;
	[tilespmem:$0x2800] =	vst v63  }
0x19d: {  	s29 =	sadd.s32 $0x10, s9;
	s30 =	simm.s32 $0x2580  }
0x19e: {  	[tilespmem:s30], [sflag:$0x1] =	stream.linear.gather [hbm4b:s29+s3], $0x80, $0x38;
	[tilespmem:$0x2800] =	vst v63  }
0x19f: {  	s31 =	simm.s32 $0x2200  }
0x1a0: {  	[tilespmem:s31], [sflag:$0x1] =	stream.linear.gather [hbm4b:s10+s3], $0x80, $0x38;
	[tilespmem:$0x2800] =	vst v63  }
0x1a1: {  	s19 =	sadd.s32 $0x10, s10;
	s20 =	simm.s32 $0x2600  }
0x1a2: {  	[tilespmem:s20], [sflag:$0x1] =	stream.linear.gather [hbm4b:s19+s3], $0x80, $0x38;
	[tilespmem:$0x2800] =	vst v63  }
0x1a3: {  	s21 =	simm.s32 $0x2280  }
0x1a4: {  	[tilespmem:s21], [sflag:$0x1] =	stream.linear.gather [hbm4b:s11+s3], $0x80, $0x38;
	[tilespmem:$0x2800] =	vst v63  }
0x1a5: {  	s23 =	sadd.s32 $0x10, s11;
	s24 =	simm.s32 $0x2680  }
0x1a6: {  	[tilespmem:s24], [sflag:$0x1] =	stream.linear.gather [hbm4b:s23+s3], $0x80, $0x38;
	[tilespmem:$0x2800] =	vst v63  }
0x1a7: {  	s25 =	simm.s32 $0x2300  }
0x1a8: {  	[tilespmem:s25], [sflag:$0x1] =	stream.linear.gather [hbm4b:s12+s3], $0x80, $0x38;
	[tilespmem:$0x2800] =	vst v63  }
0x1a9: {  	s26 =	sadd.s32 $0x10, s12;
	s28 =	simm.s32 $0x2700  }
0x1aa: {  	[tilespmem:s28], [sflag:$0x1] =	stream.linear.gather [hbm4b:s26+s3], $0x80, $0x38;
	[tilespmem:$0x2800] =	vst v63  }
0x1ab: {  	s29 =	simm.s32 $0x2380  }
0x1ac: {  	[tilespmem:s29], [sflag:$0x1] =	stream.linear.gather [hbm4b:s13+s3], $0x80, $0x38;
	[tilespmem:$0x2800] =	vst v63  }
0x1ad: {  	s30 =	sadd.s32 $0x10, s13;
	s31 =	simm.s32 $0x2780  }
0x1ae: {  	[tilespmem:s31], [sflag:$0x1] =	stream.linear.gather [hbm4b:s30+s3], $0x80, $0x38;
	[tilespmem:$0x2800] =	vst v63  }
0x1af: {  	_ =	swait.ge [sflag:s5], $0x100  }
0x1b0: {  	[sflag:s5] =	ssyncset.done $0x0  }
0x1b1: {  	[sflag:s5] =	ssyncadd.s32 $0xFFFFFF00  }
0x1b2: {  	_ =	swait.ge [sflag:s5], $0x100  }
0x1b3: {  	[sflag:s5] =	ssyncset.done $0x0  }
0x1b4: {  	[sflag:s5] =	ssyncadd.s32 $0xFFFFFF00  }
0x1b5: {  	_ =	swait.ge [sflag:s5], $0x100  }
0x1b6: {  	[sflag:s5] =	ssyncset.done $0x0  }
0x1b7: {  	[sflag:s5] =	ssyncadd.s32 $0xFFFFFF00  }
0x1b8: {  	_ =	swait.ge [sflag:s5], $0x100  }
0x1b9: {  	[sflag:s5] =	ssyncset.done $0x0  }
0x1ba: {  	[sflag:s5] =	ssyncadd.s32 $0xFFFFFF00  }
0x1bb: {  	_ =	swait.ge [sflag:s5], $0x100  }
0x1bc: {  	[sflag:s5] =	ssyncset.done $0x0  }
0x1bd: {  	[sflag:s5] =	ssyncadd.s32 $0xFFFFFF00  }
0x1be: {  	_ =	swait.ge [sflag:s5], $0x100  }
0x1bf: {  	[sflag:s5] =	ssyncset.done $0x0  }
0x1c0: {  	[sflag:s5] =	ssyncadd.s32 $0xFFFFFF00  }
0x1c1: {  	_ =	swait.ge [sflag:s5], $0x100  }
0x1c2: {  	[sflag:s5] =	ssyncset.done $0x0  }
0x1c3: {  	[sflag:s5] =	ssyncadd.s32 $0xFFFFFF00  }
0x1c4: {  	_ =	swait.ge [sflag:s5], $0x100  }
0x1c5: {  	[sflag:s5] =	ssyncset.done $0x0  }
.Ltmp4:
0x1c6: {  	[sflag:s5] =	ssyncadd.s32 $0xFFFFFF00;
	(pc) =	sbr.rel .LBB2_5-.Ltmp4, $4  }
0x1c7: {  	[hbm4b:s14+s16] =	stream.strided.scatter [tilespmem:s1], [sflag:$0x2], $0x800, s17, s16, $0x38;
	[tilespmem:$0x2800] =	vst v63  }
0x1c8: {  	_ =	swait.ge [sflag:s18], $0x800  }
0x1c9: {  	[sflag:s18] =	ssyncset.done $0x0  }
0x1ca: {  	[sflag:s18] =	ssyncadd.s32 $0xFFFFF800  }
.LBB2_6:
0x1cb: {  	_ =	sfence.sel $0x180000  }
0x1cc: {  	[bflag:$0x0] =	sbarrier.arrive $0xFFFF  }
0x1cd: {  	_ =	strace $0x90000047  }
0x1ce: {  	s0 =	stileid.u32;
	[bflag:$0x2] =	sbarrier.arrive $0xFFFF  }
0x1cf: {  	p0 =	sne.s32 s0, $0x0;
	s0 =	rddreg [dreg:$0x2]  }
0x1d0: {  	s0 =	sadd.s32 @!p0 $0x100000, s0  }
0x1d1: {  	[sflag:s0] =	ssyncadd.tile.s32 @!p0 $0x1;
	_ =	shalt  }
.Lfunc_end2:
_tile_overlayer_lowered:
.L_overlay_start_2:
0x1d2: {  	(tag) =	ssettag $0x2  }
0x1d3: {  	s0 =	rddreg [dreg:$0x0];
	s2 =	stileid.u32  }
0x1d4: {  	s1 =	rddreg [dreg:$0x1];
	p0 =	sne.s32 s2, $0x0  }
0x1d5: {  	s3 =	rddreg [dreg:$0x2];
	[bflag:$0x3] =	sbarrier.arrive $0xFFFF;
	s2 =	simm.s32 @!p0 $0x1C02  }
0x1d6: {  	[timem:s3], [sflag:s2] =	dma.local @!p0 [hbm:s0], s1  }
0x1d7: {  	s0 =	simm.s32 @!p0 $0x2  }
0x1d8: {  	_ =	swait.ge @!p0 [sflag:s0], s1  }
0x1d9: {  	s1 =	ssub.s32 @!p0 $0x0, s1;
	[sflag:s0] =	ssyncset.done @!p0 $0x0  }
0x1da: {  	[sflag:s0] =	ssyncadd.s32 @!p0 s1  }
0x1db: {  	[bflag:$0x3] =	sbarrier.arrive $0xFFFF  }
0x1dc: {  	_ =	shalt  }

// kernel: kernel.8.cloned.1.call-start
scs
__scs_entry_jumppad:
0x0: {  	(pc) =	sbr.rel $0x88, $3  }
0x1: {  	(tag) =	ssettag $0x0;
	lr =	simm.s32 $0x1  }
0x2: {  	[smem:$0x3F9F] =	sst lr;
	_ =	strace $0xD0000000  }
0x3: {  	_ = 	snop  }
0x4: {  	_ = 	snop  }
0x5: {  	_ = 	snop  }
0x6: {  	_ = 	snop  }
0x7: {  	_ = 	snop  }
__scs_overlays_trampoline_lowered:
0x8: {  	[smem:$0x3FAE] =	sst s0  }
0x9: {  	[smem:$0x3FAF] =	sst s1  }
0xa: {  	[smem:$0x3FB0] =	sst s2  }
0xb: {  	[smem:$0x3FB1] =	sst s3  }
0xc: {  	[smem:$0x3FB2] =	sst s4  }
0xd: {  	[smem:$0x3FB3] =	sst s5  }
0xe: {  	[smem:$0x3FB4] =	sst s6  }
0xf: {  	[smem:$0x3FB5] =	sst s7  }
0x10: {  	[smem:$0x3FB6] =	sst s8  }
0x11: {  	[smem:$0x3FB7] =	sst s9;
	s0 =	simm.s32 @!p0 $0x0  }
0x12: {  	s1 =	sld [smem:$0x3F9D];
	s0 =	simm.s32 @p0 $0x1  }
0x13: {  	[smem:$0x3FB8] =	sst s0;
	s0 =	simm.s32 @!p1 $0x0  }
0x14: {  	s2 =	sld [smem:$0x3F9C];
	s0 =	simm.s32 @p1 $0x1  }
0x15: {  	[smem:$0x3FB9] =	sst s0;
	s0 =	simm.s32 @!p2 $0x0  }
0x16: {  	s3 =	sld [smem:$0x3FDB];
	s0 =	simm.s32 @p2 $0x1  }
0x17: {  	s4 =	simm.s32 $0x1BF5;
	[smem:$0x3FBB] =	sst s0  }
0x18: {  	s0 =	sld [smem:$0x3F9E];
	_ =	swait.ge [sflag:s4], $0x0  }
0x19: {  	s7 =	sld [smem:$0x3F9F]  }
0x1a: {  	s8 =	sadd.s32 $0xFFFFE003, lr  }
0x1b: {  	s9 =	sadd.s32 $0xFFFFFEF7, lr;
	s5 =	simm.s32 $0xFFFFFFFF;
	p2 =	slt.u32 s8, $0xFFFFF086  }
0x1c: {  	p1 =	slt.u32 s9, $0xF7A;
	s5 =	simm.s32 @!p2 $0x0  }
0x1d: {  	s5 =	simm.s32 @p1 $0x1;
	p0 =	seq.s32 s7, s2  }
0x1e: {  	s7 =	smul.u32 @!p0 $0xF7A, s2;
	p2 =	seq.s32 @!p0 s5, $0x0  }
0x1f: {  	s9 =	smul.u32 $0xF7A, s1;
	s8 =	simm.s32 @!p0 $0x1BF5;
	p2 =	por !p2, p0  }
0x20: {  	[sflag:s8] =	ssyncset.s32 @!p0 $0xFFFFF086;
	s6 =	sadd.s32 @!p0 s3, s7;
	s7 =	simm.s32 @!p0 $0x108  }
0x21: {  	s3 =	sadd.s32 s3, s9;
	s6 =	sadd.s32 @!p0 $0x88, s6;
	s7 =	simm.s32 @p2 $0x1082  }
0x22: {  	[simem:s7], [sflag:s8] =	dma.local @!p0 [hbm:s6], $0xF7A  }
0x23: {  	s9 =	sor.u32 $0xD0000000, s2;
	s6 =	simm.s32 $0x108;
	_ =	swait.ge @!p0 [sflag:s8], $0x0  }
0x24: {  	s3 =	sadd.s32 $0x88, s3;
	s6 =	simm.s32 @!p1 $0x1082;
	[sflag:s4] =	ssyncset.s32 $0xFFFFF086  }
0x25: {  	[simem:s6], [sflag:s4] =	dma.local [hbm:s3], $0xF7A  }
0x26: {  	[smem:$0x3F9F] =	sst s1;
	(tag) =	ssettag s2;
	_ =	strace s9  }
0x27: {  	s1 =	sld [smem:$0x3FAF]  }
0x28: {  	s2 =	sld [smem:$0x3FB0]  }
0x29: {  	s4 =	sld [smem:$0x3FB2]  }
0x2a: {  	p0 =	seq.s32 s5, $0x0;
	s5 =	sld [smem:$0x3FB3]  }
0x2b: {  	s6 =	sld [smem:$0x3FB4]  }
0x2c: {  	s7 =	sld [smem:$0x3FB5]  }
0x2d: {  	s3 =	simm.s32 $0x108;
	s8 =	sld [smem:$0x3FB6]  }
0x2e: {  	s3 =	simm.s32 @!p0 $0x1082;
	s9 =	sld [smem:$0x3FB7]  }
0x2f: {  	lr =	sadd.s32 s0, s3;
	s0 =	sld [smem:$0x3FAE]  }
0x30: {  	s3 =	sld [smem:$0x3FB1]  }
0x31: {  	[smem:$0x3FBA] =	sst s10  }
0x32: {  	s10 =	sld [smem:$0x3FB8];
	_ =	sdelay $0x3  }
0x33: {  	p0 =	seq.s32 s10, $0x1;
	s10 =	sld [smem:$0x3FBA];
	_ =	sdelay $0x3  }
0x34: {  	[smem:$0x3FBA] =	sst s10  }
0x35: {  	s10 =	sld [smem:$0x3FB9];
	_ =	sdelay $0x3  }
0x36: {  	p1 =	seq.s32 s10, $0x1;
	s10 =	sld [smem:$0x3FBA];
	_ =	sdelay $0x3  }
0x37: {  	[smem:$0x3FBA] =	sst s10  }
0x38: {  	s10 =	sld [smem:$0x3FBB]  }
0x39: {  	_ = 	snop;
	(pc) =	sbr.ind lr, $3  }
0x3a: {  	_ = 	snop  }
0x3b: {  	_ = 	snop  }
0x3c: {  	p2 =	seq.s32 s10, $0x1;
	s10 =	sld [smem:$0x3FBA]  }
0x3d: {  	_ =	shalt  }
0x3e: {  	_ =	shalt  }
0x3f: {  	_ =	shalt  }
0x40: {  	_ =	shalt  }
0x41: {  	_ =	shalt  }
0x42: {  	_ =	shalt  }
0x43: {  	_ =	shalt  }
0x44: {  	_ =	shalt  }
0x45: {  	_ =	shalt  }
0x46: {  	_ =	shalt  }
0x47: {  	_ =	shalt  }
0x48: {  	_ =	shalt  }
0x49: {  	_ =	shalt  }
0x4a: {  	_ =	shalt  }
0x4b: {  	_ =	shalt  }
0x4c: {  	_ =	shalt  }
0x4d: {  	_ =	shalt  }
0x4e: {  	_ =	shalt  }
0x4f: {  	_ =	shalt  }
0x50: {  	_ =	shalt  }
0x51: {  	_ =	shalt  }
0x52: {  	_ =	shalt  }
0x53: {  	_ =	shalt  }
0x54: {  	_ =	shalt  }
0x55: {  	_ =	shalt  }
0x56: {  	_ =	shalt  }
0x57: {  	_ =	shalt  }
0x58: {  	_ =	shalt  }
0x59: {  	_ =	shalt  }
0x5a: {  	_ =	shalt  }
0x5b: {  	_ =	shalt  }
0x5c: {  	_ =	shalt  }
0x5d: {  	_ =	shalt  }
0x5e: {  	_ =	shalt  }
0x5f: {  	_ =	shalt  }
0x60: {  	_ =	shalt  }
0x61: {  	_ =	shalt  }
0x62: {  	_ =	shalt  }
0x63: {  	_ =	shalt  }
0x64: {  	_ =	shalt  }
0x65: {  	_ =	shalt  }
0x66: {  	_ =	shalt  }
0x67: {  	_ =	shalt  }
0x68: {  	_ =	shalt  }
0x69: {  	_ =	shalt  }
0x6a: {  	_ =	shalt  }
0x6b: {  	_ =	shalt  }
0x6c: {  	_ =	shalt  }
0x6d: {  	_ =	shalt  }
0x6e: {  	_ =	shalt  }
0x6f: {  	_ =	shalt  }
0x70: {  	_ =	shalt  }
0x71: {  	_ =	shalt  }
0x72: {  	_ =	shalt  }
0x73: {  	_ =	shalt  }
0x74: {  	_ =	shalt  }
0x75: {  	_ =	shalt  }
0x76: {  	_ =	shalt  }
0x77: {  	_ =	shalt  }
0x78: {  	_ =	shalt  }
0x79: {  	_ =	shalt  }
0x7a: {  	_ =	shalt  }
0x7b: {  	_ =	shalt  }
0x7c: {  	_ =	shalt  }
0x7d: {  	_ =	shalt  }
0x7e: {  	_ =	shalt  }
0x7f: {  	_ =	shalt  }
0x80: {  	_ =	shalt  }
0x81: {  	_ =	shalt  }
0x82: {  	_ =	shalt  }
0x83: {  	_ =	shalt  }
0x84: {  	_ =	shalt  }
0x85: {  	_ =	shalt  }
0x86: {  	_ =	shalt  }
0x87: {  	_ =	shalt  }
.Lfunc_end0:
.L_simem_size_0:
called_computation.1_lowered:
.L_overlay_start_0:
0x88: {  	s2 =	sld [smem:$0x3FD9]  }
0x89: {  	s3 =	sld [smem:$0x3FFE];
	_ =	sdelay $0x1  }
0x8a: {  	s1 =	srdreg.scid  }
0x8b: {  	s0 =	sand.u32 $0x1, s1  }
0x8c: {  	s17 =	sshll.u32 s0, $0xA;
	s2 =	sadd.s32 s3, s2  }
0x8d: {  	s2 =	sadd.s32 s2, s17  }
0x8e: {  	[smem:$0x3FC6] =	sst s2  }
0x8f: {  	_ = 	snop  }
0x90: {  	s2 =	sld [smem:$0x3FD0];
	(tm) =	ssettm $0x1  }
0x91: {  	s18 =	sld [smem:$0x3FFB];
	_ =	sdelay $0x3  }
0x92: {  	_ =	strace s18  }
0x93: {  	s3 =	sld [smem:$0x3FFC];
	_ =	sdelay $0x3  }
0x94: {  	_ =	strace s3  }
0x95: {  	s3 =	sld [smem:$0x3FFD];
	_ =	sdelay $0x3  }
0x96: {  	_ =	strace s3  }
0x97: {  	_ =	strace $0x8FFFFFFF  }
0x98: {  	s19 =	sld [smem:$0x3FDB];
	_ =	sdelay $0x1  }
0x99: {  	s4 =	simm.s32 $_scs_section_size  }
0x9a: {  	s5 =	simm.s32 $_size__tile_overlayer_lowered;
	s6 =	simm.s32 $_tile_overlayer_lowered  }
0x9b: {  	s22 =	simm.s32 $0x1BFF;
	s21 =	sshll.u32 s6, $0x1;
	s3 =	sadd.s32 s4, s19  }
0x9c: {  	s7 =	simm.s32 $0x0;
	s20 =	sshll.u32 s5, $0x1;
	s5 =	sadd.s32 s21, s3  }
0x9d: {  	[timem:s7], [sflag:s22] =	dma.local [hbm:s5], s20  }
0x9e: {  	_ =	swait.ge [sflag:s22], s20  }
0x9f: {  	s4 =	ssub.s32 $0x0, s20;
	[sflag:s22] =	ssyncset.done $0x0  }
0xa0: {  	[sflag:s22] =	ssyncadd.s32 s4;
	_ =	sdelay $0x1  }
0xa1: {  	s23 =	simm.s32 $0x1B8B  }
0xa2: {  	_ =	swait.ge [sflag:s23], $0x1  }
0xa3: {  	[sflag:s23] =	ssyncset.done $0x0  }
0xa4: {  	s25 =	simm.s32 $0x1B8E;
	s24 =	sld [smem:$0x3FFE];
	[sflag:s23] =	ssyncadd.s32 $0xFFFFFFFF  }
0xa5: {  	s26 =	simm.s32 $execute0_lowered;
	[smem:$0x3FD2] =	sst s25  }
0xa6: {  	s5 =	sshll.u32 s26, $0x1;
	_ =	strace $0x80000049;
	[dreg:$0x1] =	wrdreg $0xFFFFFFFF  }
0xa7: {  	s28 =	simm.s32 $_size_execute0_lowered;
	s3 =	sadd.s32 s3, s5;
	[dreg:$0x0] =	wrdreg $0x0  }
0xa8: {  	s5 =	sshll.u32 s28, $0x1;
	[dreg:$0x2] =	wrdreg s3  }
0xa9: {  	[dreg:$0x3] =	wrdreg s5  }
0xaa: {  	[dreg:$0x4] =	wrdreg $0xC0  }
0xab: {  	_ =	task [dreg:s7], $0x5FFFF  }
0xac: {  	[dreg:$0x1] =	wrdreg $0xFFFFFFFF  }
0xad: {  	[dreg:$0x0] =	wrdreg $0x60  }
0xae: {  	[dreg:$0x2] =	wrdreg s24  }
0xaf: {  	[dreg:$0x3] =	wrdreg s2  }
0xb0: {  	[dreg:$0x4] =	wrdreg $0x9  }
0xb1: {  	_ =	task.clear_ibuf [dreg:s7], $0x5FFFF;
	_ =	strace $0x90000049  }
0xb2: {  	s29 =	simm.s32 $0x9;
	_ =	strace $0x8000004B  }
0xb3: {  	_ =	swait.ge [sflag:s29], $0x1  }
0xb4: {  	[sflag:s29] =	ssyncadd.s32 $0xFFFFFFFF  }
0xb5: {  	_ =	strace $0x9000004B  }
0xb6: {  	_ =	sfence  }
0xb7: {  	s30 =	sld [smem:$0x0];
	_ =	sdelay $0x2  }
0xb8: {  	s31 =	sshll.u32 s1, $0xD;
	s1 =	sshrl.u32 s1, $0x2  }
0xb9: {  	s3 =	sand.u32 $0x4000, s31;
	s1 =	sadd.s32 s1, s30  }
0xba: {  	s0 =	sor.u32 s3, s0;
	s1 =	sshll.u32 s1, $0x11  }
0xbb: {  	s0 =	sor.u32 s1, s0  }
0xbc: {  	s0 =	sadd.s32 $0x8F2B, s0  }
0xbd: {  	[sflag:s0] =	ssyncadd.remote.s32 $0x1  }
0xbe: {  	_ =	sfence.sel $0xFFFF  }
0xbf: {  	[dreg:$0x0] =	wrdreg $0xFFFFFFFF;
	(pc) =	sbr.abs _section_cstart, $3  }
0xc0: {  	[dreg:$0x1] =	wrdreg $0xFFFFFFFF  }
0xc1: {  	_ =	task.clear_ibuf [dreg:s7], $0x2FFFF;
	_ =	strace $0x9FFFFFFF  }
0xc2: {  	(tm) =	ssettm $0x7FFFFFFF  }
0xc3: {  	_ =	shalt  }
tec
execute0_lowered:
.L_overlay_start_1:
0x0: {  	(tag) =	ssettag $0x1  }
0x1: {  	s0 =	rddreg [dreg:$0x0];
	s1 =	srdreg.scid  }
0x2: {  	s3 =	stileid.u32;
	s2 =	rddreg [dreg:$0x1];
	s12 =	simm.s32 $0x80  }
0x3: {  	s13 =	simm.s32 $0x6400;
	s14 =	simm.s32 $0x7400;
	s16 =	simm.s32 $0x8400  }
0x4: {  	s17 =	simm.s32 $0x1;
	s22 =	simm.s32 $0x9400;
	s23 =	simm.s32 $0x2  }
0x5: {  	s29 =	simm.s32 $0x3;
	s15 =	simm.s32 $0x4;
	s10 =	simm.s32 $0xD800  }
0x6: {  	s11 =	simm.s32 $0xDC00;
	s18 =	simm.s32 $0xE000;
	s19 =	simm.s32 $0x7  }
0x7: {  	s21 =	simm.s32 $0x0;
	s1 =	sand.u32 $0x1, s1;
	s4 =	sshll.u32 s3, $0x1  }
0x8: {  	s3 =	simm.s32 $0x0;
	s7 =	sadd.s32 $0x4000, s2;
	s5 =	sor.u32 s1, s4  }
0x9: {  	v0 =	vlaneseq.u32;
	s8 =	sadd.s32 $0x8000, s2;
	s9 =	sadd.s32 $0xC000, s2;
	s4 =	smul.u32 $0xC80, s5  }
.Ltmp0:
0xa: {  	v0 =	vmul.u32 $0x20, v0;
	[smem:$0x7FF] =	sst s3;
	s1 =	ssub.s32 $0x2, s1;
	(pc) =	sbr.rel .LBB2_1-.Ltmp0, $4  }
0xb: {  	_ =	strace $0x8000004A;
	s30 =	sshrl.u32 s1, $0x1;
	s6 =	sadd.s32 s4, s0  }
0xc: {  	v1 =	vor.u32 $0x200, v0;
	s4 =	sadd.s32 $0xF5BC00, s0;
	s0 =	ssub.s32 s1, s30;
	s31 =	sadd.s32 $0x800, s6  }
0xd: {  	s5 =	smul.u32 $0xC8, s5;
	v2 =	vor.u32 $0x400, v0;
	v3 =	vor.u32 $0x600, v0;
	v4 =	vor.u32 $0x800, v0;
	s0 =	smax.u32 s0, $0x1;
	[dreg:$0x3] =	wrdreg s31  }
0xe: {  	v5 =	vor.u32 $0xA00, v0;
	v6 =	vor.u32 $0xC00, v0;
	v7 =	vor.u32 $0xE00, v0;
	s6 =	simm.s32 $0xD400;
	[dreg:$0x4] =	wrdreg s0;
	s0 =	simm.s32 $0xD000  }
.LBB2_12:
0xf: {  	s1 =	simm.s32 $0x5  }
0x10: {  	_ =	swait.ge [sflag:s1], $0x400  }
0x11: {  	[sflag:s1] =	ssyncset.done $0x0  }
0x12: {  	[sflag:s1] =	ssyncadd.s32 $0xFFFFFC00  }
0x13: {  	_ =	swait.ge [sflag:s1], $0x400  }
0x14: {  	[sflag:s1] =	ssyncset.done $0x0  }
0x15: {  	[sflag:s1] =	ssyncadd.s32 $0xFFFFFC00  }
0x16: {  	_ =	swait.ge [sflag:s1], $0x400  }
0x17: {  	[sflag:s1] =	ssyncset.done $0x0  }
0x18: {  	[sflag:s1] =	ssyncadd.s32 $0xFFFFFC00  }
0x19: {  	_ =	swait.ge [sflag:s1], $0x400  }
0x1a: {  	[sflag:s1] =	ssyncset.done $0x0  }
0x1b: {  	s30 =	simm.s32 $0x6;
	[sflag:s1] =	ssyncadd.s32 $0xFFFFFC00  }
0x1c: {  	_ =	swait.ge [sflag:s30], $0x400  }
0x1d: {  	[sflag:s30] =	ssyncset.done $0x0  }
0x1e: {  	[sflag:s30] =	ssyncadd.s32 $0xFFFFFC00  }
0x1f: {  	_ =	swait.ge [sflag:s30], $0x400  }
0x20: {  	[sflag:s30] =	ssyncset.done $0x0  }
0x21: {  	[sflag:s30] =	ssyncadd.s32 $0xFFFFFC00  }
0x22: {  	_ =	swait.ge [sflag:s30], $0x400  }
0x23: {  	[sflag:s30] =	ssyncset.done $0x0  }
0x24: {  	[sflag:s30] =	ssyncadd.s32 $0xFFFFFC00  }
0x25: {  	_ =	swait.ge [sflag:s30], $0x400  }
0x26: {  	[sflag:s30] =	ssyncset.done $0x0  }
0x27: {  	[sflag:s30] =	ssyncadd.s32 $0xFFFFFC00  }
0x28: {  	_ =	swait.ge [sflag:s19], $0x400  }
0x29: {  	[sflag:s19] =	ssyncset.done $0x0  }
0x2a: {  	[sflag:s19] =	ssyncadd.s32 $0xFFFFFC00  }
0x2b: {  	_ =	swait.ge [sflag:s19], $0x400  }
0x2c: {  	[sflag:s19] =	ssyncset.done $0x0  }
0x2d: {  	[sflag:s19] =	ssyncadd.s32 $0xFFFFFC00  }
0x2e: {  	_ =	swait.ge [sflag:s19], $0x400  }
0x2f: {  	[sflag:s19] =	ssyncset.done $0x0  }
0x30: {  	[sflag:s19] =	ssyncadd.s32 $0xFFFFFC00  }
0x31: {  	_ =	swait.ge [sflag:s19], $0x400  }
0x32: {  	[sflag:s19] =	ssyncset.done $0x0  }
0x33: {  	s20 =	simm.s32 $0x8;
	[sflag:s19] =	ssyncadd.s32 $0xFFFFFC00  }
0x34: {  	_ =	swait.ge [sflag:s20], $0x400  }
0x35: {  	[sflag:s20] =	ssyncset.done $0x0  }
0x36: {  	[sflag:s20] =	ssyncadd.s32 $0xFFFFFC00  }
0x37: {  	_ =	swait.ge [sflag:s20], $0x400  }
0x38: {  	[sflag:s20] =	ssyncset.done $0x0  }
0x39: {  	[sflag:s20] =	ssyncadd.s32 $0xFFFFFC00  }
0x3a: {  	_ =	swait.ge [sflag:s20], $0x400  }
0x3b: {  	[sflag:s20] =	ssyncset.done $0x0  }
0x3c: {  	[sflag:s20] =	ssyncadd.s32 $0xFFFFFC00  }
0x3d: {  	_ =	swait.ge [sflag:s20], $0x400  }
0x3e: {  	s21 =	rddreg [dreg:$0x5]  }
0x3f: {  	s31 =	rddreg [dreg:$0x4];
	s21 =	sadd.s32 $0x1, s21  }
0x40: {  	p0 =	sne.s32 s21, s31  }
.Ltmp1:
0x41: {  	_ = 	snop;
	(pc) =	sbr.rel @!p0 .LBB2_13-.Ltmp1, $3  }
0x42: {  	_ =	sdelay $0x1  }
0x43: {  	[sflag:s20] =	ssyncset.done $0x0  }
0x44: {  	[sflag:s20] =	ssyncadd.s32 $0xFFFFFC00  }
.LBB2_1:
0x45: {  	[dreg:$0x5] =	wrdreg s21  }
0x46: {  	s1 =	rddreg [dreg:$0x3];
	s30 =	simm.s32 $0x9  }
0x47: {  	[tilespmem:s3], [sflag:$0x9] =	stream.linear.gather [hbm4b:s1+s3], $0x6400, $0x38;
	[tilespmem:$0xE400] =	vst v63  }
0x48: {  	_ =	swait.ge [sflag:s30], $0x6400  }
0x49: {  	[sflag:s30] =	ssyncset.done $0x0  }
0x4a: {  	[sflag:s30] =	ssyncadd.s32 $0xFFFF9C00  }
0x4b: {  	[tilespmem:s13], [sflag:$0x1] =	stream.indirect.gather [hbm4b:s4+s12], $0x20, s3, s12, $0xb8;
	[tilespmem:$0xE400] =	vst v63  }
0x4c: {  	_ = 	snop  }
0x4d: {  	[tilespmem:s14], [sflag:$0x2] =	stream.indirect.gather [hbm4b:s4+s12], $0x20, s12, s12, $0xb8;
	[tilespmem:$0xE400] =	vst v63  }
0x4e: {  	s31 =	simm.s32 $0x100;
	s20 =	simm.s32 $0x0  }
0x4f: {  	[tilespmem:s16], [sflag:$0x3] =	stream.indirect.gather [hbm4b:s4+s12], $0x20, s31, s12, $0xb8;
	[tilespmem:$0xE400] =	vst v63  }
.LBB2_2:
0x50: {  	s1 =	simm.s32 $0x3  }
0x51: {  	s21 =	simm.s32 $0x1;
	v8 =	vmov s1  }
0x52: {  	s25 =	simm.s32 $0x2;
	v9 =	vmov s21;
	v8 =	vand.u32 $0x1F, v8  }
0x53: {  	s26 =	simm.s32 $0x0;
	v10 =	vmov s25;
	v9 =	vand.u32 $0x1D, v9;
	v19 =	vbroadcast v8, $0x0  }
0x54: {  	v8 =	vmov s26;
	v18 =	vbroadcast v9, $0x0;
	v9 =	vand.u32 $0x1E, v10  }
0x55: {  	v8 =	vand.u32 $0x1C, v8;
	v17 =	vbroadcast v9, $0x0;
	v9 =	vor.u32 v0, v19  }
0x56: {  	v16 =	vbroadcast v8, $0x0;
	v8 =	vor.u32 v0, v18  }
0x57: {  	_ =	swait.ge [sflag:s17], $0x1000;
	v10 =	vor.u32 v0, v17  }
0x58: {  	[sflag:s17] =	ssyncset.done $0x0;
	v11 =	vor.u32 v0, v16  }
0x59: {  	[sflag:s17] =	ssyncadd.s32 $0xFFFFF000  }
0x5a: {  	v9 =	vld.idx.msk [tilespmem:v9+s13+$0x0], $0xffff  }
0x5b: {  	v8 =	vld.idx.msk [tilespmem:v8+s13+$0x0], $0xffff  }
0x5c: {  	v10 =	vld.idx.msk [tilespmem:v10+s13+$0x0], $0xffff  }
0x5d: {  	v12 =	vor.u32 v1, v19;
	v11 =	vld.idx.msk [tilespmem:v11+s13+$0x0], $0xffff  }
0x5e: {  	v13 =	vor.u32 v1, v18  }
0x5f: {  	v14 =	vor.u32 v1, v17;
	v9 =	vmul.f32 $5.656854150e+00, v9  }
0x60: {  	s24 =	simm.s32 $0xA500;
	v15 =	vor.u32 v1, v16;
	v8 =	vmul.f32 $5.656854150e+00, v8  }
0x61: {  	v10 =	vmul.f32 $5.656854150e+00, v10;
	[tilespmem:s24+$0x80] =	vst v9  }
0x62: {  	v9 =	vmul.f32 $5.656854150e+00, v11;
	[tilespmem:s24+$0xFFFFFF80] =	vst v8;
	v8 =	vld.idx.msk [tilespmem:v12+s13+$0x0], $0xffff  }
0x63: {  	v11 =	vld.idx.msk [tilespmem:v13+s13+$0x0], $0xffff;
	[tilespmem:s24+$0x0] =	vst v10  }
0x64: {  	[tilespmem:s24+$0xFFFFFF00] =	vst v9;
	v9 =	vld.idx.msk [tilespmem:v14+s13+$0x0], $0xffff  }
0x65: {  	v12 =	vor.u32 v2, v19;
	v10 =	vld.idx.msk [tilespmem:v15+s13+$0x0], $0xffff  }
0x66: {  	v13 =	vor.u32 v2, v18  }
0x67: {  	v14 =	vor.u32 v2, v17;
	v8 =	vmul.f32 $5.656854150e+00, v8  }
0x68: {  	v15 =	vor.u32 v2, v16;
	v11 =	vmul.f32 $5.656854150e+00, v11  }
0x69: {  	v9 =	vmul.f32 $5.656854150e+00, v9;
	[tilespmem:s24+$0x90] =	vst v8  }
0x6a: {  	s30 =	simm.s32 $0x4;
	v10 =	vmul.f32 $5.656854150e+00, v10;
	[tilespmem:s24+$0xFFFFFF90] =	vst v11;
	v11 =	vld.idx.msk [tilespmem:v12+s13+$0x0], $0xffff  }
0x6b: {  	v20 =	vmov s30;
	s21 =	simm.s32 $0x6;
	v12 =	vld.idx.msk [tilespmem:v13+s13+$0x0], $0xffff;
	[tilespmem:s24+$0x10] =	vst v9  }
0x6c: {  	v22 =	vmov s21;
	v21 =	vor.u32 v3, v19;
	v23 =	vor.u32 v3, v18;
	[tilespmem:s24+$0xFFFFFF10] =	vst v10;
	v10 =	vld.idx.msk [tilespmem:v14+s13+$0x0], $0xffff  }
0x6d: {  	s31 =	simm.s32 $0x5;
	s25 =	simm.s32 $0x7;
	v24 =	vor.u32 v3, v17;
	v25 =	vor.u32 v3, v16;
	v8 =	vand.u32 $0x1C, v20;
	v15 =	vld.idx.msk [tilespmem:v15+s13+$0x0], $0xffff  }
0x6e: {  	v8 =	vbroadcast v8, $0x0;
	v9 =	vmov s31;
	v13 =	vmov s25  }
0x6f: {  	v9 =	vand.u32 $0x1D, v9;
	v13 =	vand.u32 $0x1F, v13;
	v11 =	vmul.f32 $5.656854150e+00, v11  }
0x70: {  	v20 =	vor.u32 v0, v8;
	v14 =	vbroadcast v13, $0x0;
	v12 =	vmul.f32 $5.656854150e+00, v12  }
0x71: {  	v13 =	vbroadcast v9, $0x0;
	v9 =	vand.u32 $0x1E, v22;
	v10 =	vmul.f32 $5.656854150e+00, v10;
	[tilespmem:s24+$0xA0] =	vst v11  }
0x72: {  	v11 =	vbroadcast v9, $0x0;
	v9 =	vor.u32 v0, v14;
	v15 =	vmul.f32 $5.656854150e+00, v15;
	[tilespmem:s24+$0xFFFFFFA0] =	vst v12;
	v12 =	vld.idx.msk [tilespmem:v21+s13+$0x0], $0xffff  }
0x73: {  	v21 =	vor.u32 v0, v13;
	v22 =	vld.idx.msk [tilespmem:v23+s13+$0x0], $0xffff;
	[tilespmem:s24+$0x20] =	vst v10  }
0x74: {  	s26 =	simm.s32 $0x8;
	v10 =	vor.u32 v0, v11;
	[tilespmem:s24+$0xFFFFFF20] =	vst v15;
	v15 =	vld.idx.msk [tilespmem:v24+s13+$0x0], $0xffff  }
0x75: {  	v24 =	vmov s26;
	v23 =	vld.idx.msk [tilespmem:v25+s13+$0x0], $0xffff;
	v25 =	vor.u32 v4, v19  }
0x76: {  	v26 =	vld.idx.msk [tilespmem:v20+s13+$0x0], $0xffff;
	v20 =	vand.u32 $0x1C, v24;
	v24 =	vor.u32 v4, v18  }
0x77: {  	v27 =	vld.idx.msk [tilespmem:v9+s13+$0x0], $0xffff;
	v9 =	vbroadcast v20, $0x0;
	v20 =	vor.u32 v4, v17;
	v12 =	vmul.f32 $5.656854150e+00, v12  }
0x78: {  	v28 =	vor.u32 v4, v16;
	v21 =	vld.idx.msk [tilespmem:v21+s13+$0x0], $0xffff;
	v22 =	vmul.f32 $5.656854150e+00, v22  }
0x79: {  	v10 =	vld.idx.msk [tilespmem:v10+s13+$0x0], $0xffff;
	v29 =	vor.u32 v0, v9;
	v15 =	vmul.f32 $5.656854150e+00, v15;
	[tilespmem:s24+$0xB0] =	vst v12  }
0x7a: {  	v30 =	vor.u32 v1, v8;
	v23 =	vmul.f32 $5.656854150e+00, v23;
	[tilespmem:s24+$0xFFFFFFB0] =	vst v22;
	v22 =	vld.idx.msk [tilespmem:v25+s13+$0x0], $0xffff  }
0x7b: {  	v26 =	vmul.f32 $5.656854150e+00, v26;
	v12 =	vor.u32 v1, v14;
	v24 =	vld.idx.msk [tilespmem:v24+s13+$0x0], $0xffff;
	[tilespmem:s24+$0x30] =	vst v15  }
0x7c: {  	s21 =	simm.s32 $0xA700;
	v25 =	vor.u32 v1, v13;
	v27 =	vmul.f32 $5.656854150e+00, v27;
	[tilespmem:s24+$0xFFFFFF30] =	vst v23;
	v23 =	vld.idx.msk [tilespmem:v20+s13+$0x0], $0xffff  }
0x7d: {  	s30 =	simm.s32 $0x9;
	[tilespmem:s21+$0xFFFFFF00] =	vst v26;
	v15 =	vor.u32 v1, v11;
	v21 =	vmul.f32 $5.656854150e+00, v21;
	v28 =	vld.idx.msk [tilespmem:v28+s13+$0x0], $0xffff  }
0x7e: {  	v31 =	vmov s30;
	v20 =	vld.idx.msk [tilespmem:v29+s13+$0x0], $0xffff;
	v29 =	vmul.f32 $5.656854150e+00, v10;
	[tilespmem:s21+$0x80] =	vst v27;
	v27 =	vor.u32 v5, v19  }
0x7f: {  	v30 =	vld.idx.msk [tilespmem:v30+s13+$0x0], $0xffff;
	v10 =	vand.u32 $0x1D, v31;
	[tilespmem:s21+$0xFFFFFF80] =	vst v21;
	v21 =	vor.u32 v5, v18  }
0x80: {  	v12 =	vld.idx.msk [tilespmem:v12+s13+$0x0], $0xffff;
	v10 =	vbroadcast v10, $0x0;
	[tilespmem:s21+$0x0] =	vst v29;
	v29 =	vor.u32 v5, v17;
	v22 =	vmul.f32 $5.656854150e+00, v22  }
0x81: {  	v26 =	vor.u32 v5, v16;
	v25 =	vld.idx.msk [tilespmem:v25+s13+$0x0], $0xffff;
	v24 =	vmul.f32 $5.656854150e+00, v24  }
0x82: {  	v15 =	vld.idx.msk [tilespmem:v15+s13+$0x0], $0xffff;
	v31 =	vor.u32 v0, v10;
	v23 =	vmul.f32 $5.656854150e+00, v23;
	[tilespmem:s24+$0xC0] =	vst v22  }
0x83: {  	v22 =	vor.u32 v2, v14;
	v28 =	vmul.f32 $5.656854150e+00, v28;
	[tilespmem:s24+$0xFFFFFFC0] =	vst v24;
	v24 =	vld.idx.msk [tilespmem:v27+s13+$0x0], $0xffff  }
0x84: {  	v27 =	vor.u32 v2, v13;
	[tilespmem:s24+$0x40] =	vst v23;
	v21 =	vld.idx.msk [tilespmem:v21+s13+$0x0], $0xffff  }
0x85: {  	v23 =	vor.u32 v2, v11;
	v12 =	vmul.f32 $5.656854150e+00, v12;
	[tilespmem:s24+$0xFFFFFF40] =	vst v28;
	v28 =	vld.idx.msk [tilespmem:v29+s13+$0x0], $0xffff  }
0x86: {  	s31 =	simm.s32 $0xA;
	v29 =	vor.u32 v2, v8;
	v25 =	vmul.f32 $5.656854150e+00, v25;
	v26 =	vld.idx.msk [tilespmem:v26+s13+$0x0], $0xffff  }
0x87: {  	v33 =	vor.u32 v6, v19;
	v32 =	vmov s31;
	v31 =	vld.idx.msk [tilespmem:v31+s13+$0x0], $0xffff;
	v15 =	vmul.f32 $5.656854150e+00, v15;
	[tilespmem:s21+$0x90] =	vst v12  }
0x88: {  	v30 =	vmul.f32 $5.656854150e+00, v30;
	v12 =	vand.u32 $0x1E, v32;
	[tilespmem:s21+$0xFFFFFF90] =	vst v25;
	v22 =	vld.idx.msk [tilespmem:v22+s13+$0x0], $0xffff;
	v25 =	vor.u32 v6, v18  }
0x89: {  	v12 =	vbroadcast v12, $0x0;
	v27 =	vld.idx.msk [tilespmem:v27+s13+$0x0], $0xffff;
	[tilespmem:s21+$0x10] =	vst v15;
	v15 =	vor.u32 v6, v17;
	v24 =	vmul.f32 $5.656854150e+00, v24  }
0x8a: {  	[tilespmem:s21+$0xFFFFFF10] =	vst v30;
	v30 =	vor.u32 v6, v16;
	v23 =	vld.idx.msk [tilespmem:v23+s13+$0x0], $0xffff;
	v21 =	vmul.f32 $5.656854150e+00, v21  }
0x8b: {  	v56 =	vor.u32 v0, v12;
	v29 =	vld.idx.msk [tilespmem:v29+s13+$0x0], $0xffff;
	v28 =	vmul.f32 $5.656854150e+00, v28;
	[tilespmem:s24+$0xD0] =	vst v24  }
0x8c: {  	s25 =	simm.s32 $0xB;
	v24 =	vor.u32 v3, v14;
	v26 =	vmul.f32 $5.656854150e+00, v26;
	[tilespmem:s24+$0xFFFFFFD0] =	vst v21;
	v21 =	vld.idx.msk [tilespmem:v33+s13+$0x0], $0xffff  }
0x8d: {  	v57 =	vmov s25;
	v34 =	vor.u32 v3, v13;
	v25 =	vld.idx.msk [tilespmem:v25+s13+$0x0], $0xffff;
	[tilespmem:s24+$0x50] =	vst v28  }
0x8e: {  	v58 =	vor.u32 v3, v11;
	v28 =	vand.u32 $0x1F, v57;
	v22 =	vmul.f32 $5.656854150e+00, v22;
	[tilespmem:s24+$0xFFFFFF50] =	vst v26;
	v26 =	vld.idx.msk [tilespmem:v15+s13+$0x0], $0xffff  }
0x8f: {  	v15 =	vbroadcast v28, $0x0;
	v28 =	vor.u32 v3, v8;
	v27 =	vmul.f32 $5.656854150e+00, v27;
	v30 =	vld.idx.msk [tilespmem:v30+s13+$0x0], $0xffff  }
0x90: {  	v19 =	vor.u32 v7, v19;
	v32 =	vld.idx.msk [tilespmem:v56+s13+$0x0], $0xffff;
	v23 =	vmul.f32 $5.656854150e+00, v23;
	[tilespmem:s21+$0xA0] =	vst v22  }
0x91: {  	v22 =	vor.u32 v0, v15;
	v29 =	vmul.f32 $5.656854150e+00, v29;
	[tilespmem:s21+$0xFFFFFFA0] =	vst v27;
	v24 =	vld.idx.msk [tilespmem:v24+s13+$0x0], $0xffff  }
0x92: {  	v18 =	vor.u32 v7, v18;
	v27 =	vld.idx.msk [tilespmem:v34+s13+$0x0], $0xffff;
	[tilespmem:s21+$0x20] =	vst v23;
	v21 =	vmul.f32 $5.656854150e+00, v21  }
0x93: {  	v17 =	vor.u32 v7, v17;
	[tilespmem:s21+$0xFFFFFF20] =	vst v29;
	v23 =	vld.idx.msk [tilespmem:v58+s13+$0x0], $0xffff  }
0x94: {  	s26 =	simm.s32 $0xC;
	v25 =	vmul.f32 $5.656854150e+00, v25;
	v29 =	vor.u32 v7, v16;
	v28 =	vld.idx.msk [tilespmem:v28+s13+$0x0], $0xffff;
	[tilespmem:s24+$0xE0] =	vst v21  }
0x95: {  	v16 =	vmul.f32 $5.656854150e+00, v26;
	v21 =	vmov s26;
	v26 =	vor.u32 v4, v14;
	v19 =	vld.idx.msk [tilespmem:v19+s13+$0x0], $0xffff  }
0x96: {  	v30 =	vmul.f32 $5.656854150e+00, v30;
	[tilespmem:s24+$0xFFFFFFE0] =	vst v25;
	v21 =	vand.u32 $0x1C, v21;
	v25 =	vor.u32 v4, v13;
	v22 =	vld.idx.msk [tilespmem:v22+s13+$0x0], $0xffff  }
0x97: {  	[tilespmem:s24+$0x60] =	vst v16;
	v16 =	vbroadcast v21, $0x0;
	v21 =	vor.u32 v4, v11;
	v24 =	vmul.f32 $5.656854150e+00, v24;
	v18 =	vld.idx.msk [tilespmem:v18+s13+$0x0], $0xffff  }
0x98: {  	[tilespmem:s24+$0xFFFFFF60] =	vst v30;
	v30 =	vor.u32 v4, v8;
	v27 =	vmul.f32 $5.656854150e+00, v27;
	v59 =	vld.idx.msk [tilespmem:v17+s13+$0x0], $0xffff  }
0x99: {  	v17 =	vor.u32 v0, v16;
	v23 =	vmul.f32 $5.656854150e+00, v23;
	[tilespmem:s21+$0xB0] =	vst v24;
	v24 =	vld.idx.msk [tilespmem:v29+s13+$0x0], $0xffff  }
0x9a: {  	v29 =	vor.u32 v1, v15;
	v28 =	vmul.f32 $5.656854150e+00, v28;
	[tilespmem:s21+$0xFFFFFFB0] =	vst v27;
	v26 =	vld.idx.msk [tilespmem:v26+s13+$0x0], $0xffff  }
0x9b: {  	v27 =	vor.u32 v1, v10;
	v25 =	vld.idx.msk [tilespmem:v25+s13+$0x0], $0xffff;
	[tilespmem:s21+$0x30] =	vst v23;
	v19 =	vmul.f32 $5.656854150e+00, v19  }
0x9c: {  	v23 =	vor.u32 v1, v12;
	v22 =	vmul.f32 $5.656854150e+00, v22;
	[tilespmem:s21+$0xFFFFFF30] =	vst v28;
	v21 =	vld.idx.msk [tilespmem:v21+s13+$0x0], $0xffff  }
0x9d: {  	s30 =	simm.s32 $0xD;
	s25 =	simm.s32 $0xA900;
	v31 =	vmul.f32 $5.656854150e+00, v31;
	v28 =	vor.u32 v1, v9;
	v30 =	vld.idx.msk [tilespmem:v30+s13+$0x0], $0xffff;
	[tilespmem:s24+$0xF0] =	vst v19  }
0x9e: {  	v60 =	vmov s30;
	v32 =	vmul.f32 $5.656854150e+00, v32;
	v19 =	vld.idx.msk [tilespmem:v17+s13+$0x0], $0xffff;
	[tilespmem:s25+$0x80] =	vst v22;
	v22 =	vor.u32 v5, v14  }
0x9f: {  	v20 =	vmul.f32 $5.656854150e+00, v20;
	[tilespmem:s25+$0xFFFFFF80] =	vst v31;
	v31 =	vor.u32 v5, v13;
	v17 =	vand.u32 $0x1D, v60;
	v29 =	vld.idx.msk [tilespmem:v29+s13+$0x0], $0xffff  }
0xa0: {  	v61 =	vor.u32 v5, v11;
	[tilespmem:s25+$0x0] =	vst v32;
	v17 =	vbroadcast v17, $0x0;
	v27 =	vld.idx.msk [tilespmem:v27+s13+$0x0], $0xffff;
	v26 =	vmul.f32 $5.656854150e+00, v26  }
0xa1: {  	[tilespmem:s25+$0xFFFFFF00] =	vst v20;
	v20 =	vld.idx.msk [tilespmem:v23+s13+$0x0], $0xffff;
	v23 =	vor.u32 v5, v8;
	v25 =	vmul.f32 $5.656854150e+00, v25  }
0xa2: {  	v62 =	vor.u32 v0, v17;
	v28 =	vld.idx.msk [tilespmem:v28+s13+$0x0], $0xffff;
	v21 =	vmul.f32 $5.656854150e+00, v21;
	[tilespmem:s21+$0xC0] =	vst v26  }
0xa3: {  	v26 =	vor.u32 v2, v15;
	v30 =	vmul.f32 $5.656854150e+00, v30;
	[tilespmem:s21+$0xFFFFFFC0] =	vst v25;
	v25 =	vld.idx.msk [tilespmem:v22+s13+$0x0], $0xffff  }
0xa4: {  	v35 =	vor.u32 v2, v10;
	v18 =	vmul.f32 $5.656854150e+00, v18;
	v31 =	vld.idx.msk [tilespmem:v31+s13+$0x0], $0xffff;
	[tilespmem:s21+$0x40] =	vst v21  }
0xa5: {  	v21 =	vor.u32 v2, v12;
	v29 =	vmul.f32 $5.656854150e+00, v29;
	[tilespmem:s21+$0xFFFFFF40] =	vst v30;
	v32 =	vld.idx.msk [tilespmem:v61+s13+$0x0], $0xffff  }
0xa6: {  	s31 =	simm.s32 $0xE;
	v36 =	vor.u32 v2, v9;
	[tilespmem:s24+$0xFFFFFFF0] =	vst v18;
	v27 =	vmul.f32 $5.656854150e+00, v27;
	v37 =	vld.idx.msk [tilespmem:v23+s13+$0x0], $0xffff  }
0xa7: {  	v38 =	vor.u32 v6, v14;
	v18 =	vmov s31;
	v20 =	vmul.f32 $5.656854150e+00, v20;
	v22 =	vld.idx.msk [tilespmem:v62+s13+$0x0], $0xffff;
	[tilespmem:s25+$0x90] =	vst v29  }
0xa8: {  	v18 =	vand.u32 $0x1E, v18;
	v30 =	vmul.f32 $5.656854150e+00, v28;
	[tilespmem:s25+$0xFFFFFF90] =	vst v27;
	v28 =	vor.u32 v6, v13;
	v29 =	vld.idx.msk [tilespmem:v26+s13+$0x0], $0xffff  }
0xa9: {  	v18 =	vbroadcast v18, $0x0;
	v27 =	vld.idx.msk [tilespmem:v35+s13+$0x0], $0xffff;
	[tilespmem:s25+$0x10] =	vst v20;
	v63 =	vmul.f32 $5.656854150e+00, v25;
	v25 =	vor.u32 v6, v11  }
0xaa: {  	v26 =	vor.u32 v6, v8;
	[tilespmem:s25+$0xFFFFFF10] =	vst v30;
	v30 =	vld.idx.msk [tilespmem:v21+s13+$0x0], $0xffff;
	v21 =	vmul.f32 $5.656854150e+00, v31  }
0xab: {  	v33 =	vor.u32 v0, v18;
	v23 =	vmul.f32 $5.656854150e+00, v59;
	v31 =	vld.idx.msk [tilespmem:v36+s13+$0x0], $0xffff;
	v34 =	vmul.f32 $5.656854150e+00, v32;
	[tilespmem:s21+$0xD0] =	vst v63  }
0xac: {  	s28 =	simm.s32 $0xF;
	s26 =	simm.s32 $0x10;
	v20 =	vmul.f32 $5.656854150e+00, v24;
	v24 =	vor.u32 v3, v15;
	v35 =	vmul.f32 $5.656854150e+00, v37;
	[tilespmem:s21+$0xFFFFFFD0] =	vst v21;
	v32 =	vld.idx.msk [tilespmem:v38+s13+$0x0], $0xffff  }
.LBB2_3:
0xad: {  	p0 =	slt.u32 s26, $0x1C;
	v21 =	vmov s28;
	v36 =	vor.u32 v3, v10;
	v28 =	vld.idx.msk [tilespmem:v28+s13+$0x0], $0xffff;
	[tilespmem:s21+$0x50] =	vst v34  }
0xae: {  	v34 =	vor.u32 v3, v12;
	v29 =	vmul.f32 $5.656854150e+00, v29;
	v21 =	vand.u32 $0x1F, v21;
	[tilespmem:s21+$0xFFFFFF50] =	vst v35;
	v25 =	vld.idx.msk [tilespmem:v25+s13+$0x0], $0xffff  }
0xaf: {  	v35 =	vor.u32 v3, v9;
	v27 =	vmul.f32 $5.656854150e+00, v27;
	v21 =	vbroadcast v21, $0x0;
	v26 =	vld.idx.msk [tilespmem:v26+s13+$0x0], $0xffff;
	[tilespmem:s24+$0x70] =	vst v23  }
0xb0: {  	v30 =	vmul.f32 $5.656854150e+00, v30;
	v23 =	vld.idx.msk [tilespmem:v33+s13+$0x0], $0xffff;
	[tilespmem:s25+$0xA0] =	vst v29;
	v29 =	vor.u32 v7, v14;
	v14 =	vmov v15  }
0xb1: {  	v31 =	vmul.f32 $5.656854150e+00, v31;
	v33 =	vor.u32 v0, v21;
	[tilespmem:s25+$0xFFFFFFA0] =	vst v27;
	v24 =	vld.idx.msk [tilespmem:v24+s13+$0x0], $0xffff;
	v15 =	vmov v21  }
0xb2: {  	v27 =	vor.u32 v7, v13;
	v13 =	vmovc v10;
	v10 =	vmov v17;
	v21 =	vld.idx.msk [tilespmem:v36+s13+$0x0], $0xffff;
	[tilespmem:s25+$0x20] =	vst v30;
	v30 =	vmul.f32 $5.656854150e+00, v32  }
0xb3: {  	v28 =	vmul.f32 $5.656854150e+00, v28;
	[tilespmem:s25+$0xFFFFFF20] =	vst v31;
	v17 =	vld.idx.msk [tilespmem:v34+s13+$0x0], $0xffff;
	v31 =	vor.u32 v7, v11;
	v11 =	vmovc v12;
	v12 =	vmov v18  }
0xb4: {  	v32 =	vor.u32 v7, v8;
	v8 =	vmovc v9;
	v9 =	vmov v16;
	v25 =	vmul.f32 $5.656854150e+00, v25;
	v18 =	vld.idx.msk [tilespmem:v35+s13+$0x0], $0xffff;
	[tilespmem:s21+$0xE0] =	vst v30  }
0xb5: {  	v16 =	vmov s26;
	v30 =	vor.u32 v4, v14;
	v26 =	vmul.f32 $5.656854150e+00, v26;
	[tilespmem:s21+$0xFFFFFFE0] =	vst v28;
	v28 =	vld.idx.msk [tilespmem:v29+s13+$0x0], $0xffff  }
0xb6: {  	v16 =	vand.u32 $0x1C, v16;
	v29 =	vld.idx.msk [tilespmem:v33+s13+$0x0], $0xffff;
	v33 =	vor.u32 v4, v13;
	[tilespmem:s21+$0x60] =	vst v25  }
0xb7: {  	v16 =	vbroadcast v16, $0x0;
	v25 =	vor.u32 v4, v11;
	v24 =	vmul.f32 $5.656854150e+00, v24;
	[tilespmem:s21+$0xFFFFFF60] =	vst v26;
	v26 =	vld.idx.msk [tilespmem:v27+s13+$0x0], $0xffff  }
0xb8: {  	v27 =	vor.u32 v4, v8;
	v21 =	vmul.f32 $5.656854150e+00, v21;
	v31 =	vld.idx.msk [tilespmem:v31+s13+$0x0], $0xffff;
	[tilespmem:s24+$0xFFFFFF70] =	vst v20;
	s24 =	smov.u32 s21;
	s21 =	smov.u32 s25  }
0xb9: {  	v20 =	vor.u32 v0, v16;
	v17 =	vmul.f32 $5.656854150e+00, v17;
	[tilespmem:s25+$0xB0] =	vst v24;
	v24 =	vld.idx.msk [tilespmem:v32+s13+$0x0], $0xffff  }
0xba: {  	s1 =	sadd.s32 $0x1, s26;
	v32 =	vor.u32 v1, v15;
	v18 =	vmul.f32 $5.656854150e+00, v18;
	[tilespmem:s25+$0xFFFFFFB0] =	vst v21;
	v21 =	vld.idx.msk [tilespmem:v30+s13+$0x0], $0xffff  }
0xbb: {  	v34 =	vor.u32 v1, v10;
	v30 =	vmov s1;
	v33 =	vld.idx.msk [tilespmem:v33+s13+$0x0], $0xffff;
	[tilespmem:s25+$0x30] =	vst v17;
	v17 =	vmul.f32 $5.656854150e+00, v28  }
0xbc: {  	v28 =	vand.u32 $0x1D, v30;
	v30 =	vor.u32 v1, v12;
	v29 =	vmul.f32 $5.656854150e+00, v29;
	[tilespmem:s25+$0xFFFFFF30] =	vst v18;
	v18 =	vld.idx.msk [tilespmem:v25+s13+$0x0], $0xffff  }
0xbd: {  	v22 =	vmul.f32 $5.656854150e+00, v22;
	v25 =	vor.u32 v1, v9;
	s25 =	sadd.s32 $0x200, s25;
	v26 =	vmul.f32 $5.656854150e+00, v26;
	v27 =	vld.idx.msk [tilespmem:v27+s13+$0x0], $0xffff;
	[tilespmem:s24+$0xF0] =	vst v17  }
0xbe: {  	v36 =	vmul.f32 $5.656854150e+00, v23;
	v23 =	vmul.f32 $5.656854150e+00, v31;
	v35 =	vld.idx.msk [tilespmem:v20+s13+$0x0], $0xffff;
	[tilespmem:s25+$0x80] =	vst v29;
	v29 =	vor.u32 v5, v14  }
0xbf: {  	v19 =	vmul.f32 $5.656854150e+00, v19;
	v31 =	vor.u32 v5, v13;
	v20 =	vmul.f32 $5.656854150e+00, v24;
	[tilespmem:s25+$0xFFFFFF80] =	vst v22;
	v22 =	vld.idx.msk [tilespmem:v32+s13+$0x0], $0xffff  }
0xc0: {  	v17 =	vbroadcast v28, $0x0;
	v28 =	vor.u32 v5, v11;
	v21 =	vmul.f32 $5.656854150e+00, v21;
	v24 =	vld.idx.msk [tilespmem:v34+s13+$0x0], $0xffff;
	[tilespmem:s25+$0x0] =	vst v36  }
0xc1: {  	v32 =	vor.u32 v5, v8;
	v37 =	vmul.f32 $5.656854150e+00, v33;
	[tilespmem:s25+$0xFFFFFF00] =	vst v19;
	v30 =	vld.idx.msk [tilespmem:v30+s13+$0x0], $0xffff  }
0xc2: {  	v33 =	vor.u32 v0, v17;
	v18 =	vmul.f32 $5.656854150e+00, v18;
	v25 =	vld.idx.msk [tilespmem:v25+s13+$0x0], $0xffff;
	[tilespmem:s21+$0xC0] =	vst v21  }
0xc3: {  	v21 =	vor.u32 v2, v15;
	v27 =	vmul.f32 $5.656854150e+00, v27;
	[tilespmem:s21+$0xFFFFFFC0] =	vst v37;
	v34 =	vld.idx.msk [tilespmem:v29+s13+$0x0], $0xffff  }
0xc4: {  	v36 =	vor.u32 v2, v10;
	v19 =	vmov v35;
	v31 =	vld.idx.msk [tilespmem:v31+s13+$0x0], $0xffff;
	[tilespmem:s21+$0x40] =	vst v18  }
0xc5: {  	v35 =	vor.u32 v2, v12;
	v18 =	vmul.f32 $5.656854150e+00, v22;
	[tilespmem:s21+$0xFFFFFF40] =	vst v27;
	v37 =	vld.idx.msk [tilespmem:v28+s13+$0x0], $0xffff  }
0xc6: {  	v38 =	vor.u32 v2, v9;
	s1 =	sadd.s32 $0x2, s26;
	v24 =	vmul.f32 $5.656854150e+00, v24;
	v32 =	vld.idx.msk [tilespmem:v32+s13+$0x0], $0xffff;
	[tilespmem:s24+$0xFFFFFFF0] =	vst v26  }
0xc7: {  	v39 =	vor.u32 v6, v14;
	v26 =	vmov s1;
	v30 =	vmul.f32 $5.656854150e+00, v30;
	v22 =	vld.idx.msk [tilespmem:v33+s13+$0x0], $0xffff;
	[tilespmem:s25+$0x90] =	vst v18  }
.Ltmp2:
0xc8: {  	v28 =	vor.u32 v6, v13;
	v18 =	vand.u32 $0x1E, v26;
	v26 =	vmul.f32 $5.656854150e+00, v25;
	[tilespmem:s25+$0xFFFFFF90] =	vst v24;
	v29 =	vld.idx.msk [tilespmem:v21+s13+$0x0], $0xffff;
	(pc) =	sbr.rel @p0 .LBB2_3-.Ltmp2, $4  }
0xc9: {  	v25 =	vor.u32 v6, v11;
	v18 =	vbroadcast v18, $0x0;
	v21 =	vmul.f32 $5.656854150e+00, v34;
	v27 =	vld.idx.msk [tilespmem:v36+s13+$0x0], $0xffff;
	[tilespmem:s25+$0x10] =	vst v30  }
0xca: {  	v36 =	vmul.f32 $5.656854150e+00, v31;
	[tilespmem:s25+$0xFFFFFF10] =	vst v26;
	v30 =	vld.idx.msk [tilespmem:v35+s13+$0x0], $0xffff;
	v26 =	vor.u32 v6, v8  }
0xcb: {  	v33 =	vor.u32 v0, v18;
	v34 =	vmul.f32 $5.656854150e+00, v37;
	v31 =	vld.idx.msk [tilespmem:v38+s13+$0x0], $0xffff;
	[tilespmem:s21+$0xD0] =	vst v21  }
0xcc: {  	s28 =	sadd.s32 $0x3, s26;
	s26 =	sadd.s32 $0x4, s26;
	v24 =	vor.u32 v3, v15;
	v35 =	vmul.f32 $5.656854150e+00, v32;
	[tilespmem:s21+$0xFFFFFFD0] =	vst v36;
	v32 =	vld.idx.msk [tilespmem:v39+s13+$0x0], $0xffff  }
0xcd: {  	v21 =	vmov s28  }
0xce: {  	v21 =	vand.u32 $0x1F, v21  }
0xcf: {  	v21 =	vbroadcast v21, $0x0;
	_ =	sdelay $0x1  }
0xd0: {  	v36 =	vor.u32 v0, v21;
	_ =	sdelay $0x3  }
0xd1: {  	[tilespmem:s21+$0x50] =	vst v34  }
0xd2: {  	v29 =	vmul.f32 $5.656854150e+00, v29;
	[tilespmem:s24+$0x70] =	vst v23;
	v47 =	vld.idx.msk [tilespmem:v36+s13+$0x0], $0xffff  }
0xd3: {  	[tilespmem:s21+$0xFFFFFF50] =	vst v35;
	v27 =	vmul.f32 $5.656854150e+00, v27  }
0xd4: {  	v23 =	vld.idx.msk [tilespmem:v33+s13+$0x0], $0xffff;
	v30 =	vmul.f32 $5.656854150e+00, v30;
	[tilespmem:s25+$0xA0] =	vst v29  }
0xd5: {  	v29 =	vmul.f32 $5.656854150e+00, v31;
	[tilespmem:s25+$0xFFFFFFA0] =	vst v27;
	v27 =	vor.u32 v1, v21  }
0xd6: {  	v28 =	vld.idx.msk [tilespmem:v28+s13+$0x0], $0xffff;
	v31 =	vor.u32 v1, v17;
	[tilespmem:s25+$0x20] =	vst v30;
	v30 =	vmul.f32 $5.656854150e+00, v32  }
0xd7: {  	v25 =	vld.idx.msk [tilespmem:v25+s13+$0x0], $0xffff;
	[tilespmem:s25+$0xFFFFFF20] =	vst v29;
	v29 =	vor.u32 v1, v18;
	v48 =	vmul.f32 $5.656854150e+00, v47  }
0xd8: {  	v22 =	vmul.f32 $5.656854150e+00, v22;
	s26 =	sadd.s32 $0x200, s25;
	v26 =	vld.idx.msk [tilespmem:v26+s13+$0x0], $0xffff;
	[tilespmem:s21+$0xE0] =	vst v30;
	v30 =	vor.u32 v1, v16  }
0xd9: {  	v23 =	vmul.f32 $5.656854150e+00, v23;
	[tilespmem:s26+$0x80] =	vst v48  }
0xda: {  	v49 =	vor.u32 v3, v10;
	v19 =	vmul.f32 $5.656854150e+00, v19;
	[tilespmem:s26+$0xFFFFFF80] =	vst v22;
	v22 =	vld.idx.msk [tilespmem:v27+s13+$0x0], $0xffff  }
0xdb: {  	v28 =	vmul.f32 $5.656854150e+00, v28;
	[tilespmem:s26+$0x0] =	vst v23;
	v31 =	vld.idx.msk [tilespmem:v31+s13+$0x0], $0xffff;
	v27 =	vor.u32 v3, v12  }
0xdc: {  	[tilespmem:s26+$0xFFFFFF00] =	vst v19;
	v25 =	vmul.f32 $5.656854150e+00, v25;
	v23 =	vor.u32 v3, v9;
	v19 =	vld.idx.msk [tilespmem:v29+s13+$0x0], $0xffff  }
0xdd: {  	v26 =	vmul.f32 $5.656854150e+00, v26;
	[tilespmem:s21+$0xFFFFFFE0] =	vst v28;
	v29 =	vor.u32 v2, v21;
	v28 =	vld.idx.msk [tilespmem:v30+s13+$0x0], $0xffff  }
0xde: {  	v24 =	vld.idx.msk [tilespmem:v24+s13+$0x0], $0xffff;
	[tilespmem:s21+$0x60] =	vst v25;
	v25 =	vor.u32 v2, v17  }
0xdf: {  	[tilespmem:s21+$0xFFFFFF60] =	vst v26;
	v26 =	vor.u32 v2, v18;
	v30 =	vld.idx.msk [tilespmem:v49+s13+$0x0], $0xffff;
	v22 =	vmul.f32 $5.656854150e+00, v22  }
0xe0: {  	[tilespmem:s24+$0xFFFFFF70] =	vst v20;
	v20 =	vor.u32 v2, v16;
	v31 =	vmul.f32 $5.656854150e+00, v31;
	v27 =	vld.idx.msk [tilespmem:v27+s13+$0x0], $0xffff  }
0xe1: {  	v14 =	vor.u32 v7, v14;
	v23 =	vld.idx.msk [tilespmem:v23+s13+$0x0], $0xffff;
	v19 =	vmul.f32 $5.656854150e+00, v19;
	[tilespmem:s26+$0x90] =	vst v22  }
0xe2: {  	[tilespmem:s26+$0xFFFFFF90] =	vst v31;
	v28 =	vmul.f32 $5.656854150e+00, v28;
	v22 =	vor.u32 v4, v15;
	v29 =	vld.idx.msk [tilespmem:v29+s13+$0x0], $0xffff  }
0xe3: {  	v24 =	vmul.f32 $5.656854150e+00, v24;
	v31 =	vor.u32 v4, v10;
	v25 =	vld.idx.msk [tilespmem:v25+s13+$0x0], $0xffff;
	[tilespmem:s26+$0x10] =	vst v19  }
0xe4: {  	v30 =	vmul.f32 $5.656854150e+00, v30;
	v19 =	vor.u32 v4, v12;
	[tilespmem:s26+$0xFFFFFF10] =	vst v28;
	v26 =	vld.idx.msk [tilespmem:v26+s13+$0x0], $0xffff  }
0xe5: {  	[tilespmem:s25+$0xB0] =	vst v24;
	v24 =	vor.u32 v3, v21;
	v20 =	vld.idx.msk [tilespmem:v20+s13+$0x0], $0xffff;
	v27 =	vmul.f32 $5.656854150e+00, v27  }
0xe6: {  	v14 =	vld.idx.msk [tilespmem:v14+s13+$0x0], $0xffff;
	v23 =	vmul.f32 $5.656854150e+00, v23;
	[tilespmem:s25+$0xFFFFFFB0] =	vst v30;
	v28 =	vor.u32 v3, v17  }
0xe7: {  	v22 =	vld.idx.msk [tilespmem:v22+s13+$0x0], $0xffff;
	[tilespmem:s25+$0x30] =	vst v27;
	v27 =	vor.u32 v3, v18;
	v29 =	vmul.f32 $5.656854150e+00, v29  }
0xe8: {  	[tilespmem:s25+$0xFFFFFF30] =	vst v23;
	v23 =	vor.u32 v3, v16;
	v30 =	vld.idx.msk [tilespmem:v31+s13+$0x0], $0xffff;
	v25 =	vmul.f32 $5.656854150e+00, v25  }
0xe9: {  	v13 =	vor.u32 v7, v13;
	v26 =	vmul.f32 $5.656854150e+00, v26;
	v19 =	vld.idx.msk [tilespmem:v19+s13+$0x0], $0xffff;
	[tilespmem:s26+$0xA0] =	vst v29  }
0xea: {  	v31 =	vor.u32 v4, v9;
	[tilespmem:s26+$0xFFFFFFA0] =	vst v25;
	v20 =	vmul.f32 $5.656854150e+00, v20;
	v24 =	vld.idx.msk [tilespmem:v24+s13+$0x0], $0xffff  }
0xeb: {  	v14 =	vmul.f32 $5.656854150e+00, v14;
	v25 =	vor.u32 v5, v15;
	v28 =	vld.idx.msk [tilespmem:v28+s13+$0x0], $0xffff;
	[tilespmem:s26+$0x20] =	vst v26  }
0xec: {  	v26 =	vor.u32 v5, v10;
	[tilespmem:s26+$0xFFFFFF20] =	vst v20;
	v22 =	vmul.f32 $5.656854150e+00, v22;
	v20 =	vld.idx.msk [tilespmem:v27+s13+$0x0], $0xffff  }
0xed: {  	[tilespmem:s21+$0xF0] =	vst v14;
	v14 =	vmul.f32 $5.656854150e+00, v30;
	v23 =	vld.idx.msk [tilespmem:v23+s13+$0x0], $0xffff;
	v27 =	vor.u32 v4, v21  }
0xee: {  	v13 =	vld.idx.msk [tilespmem:v13+s13+$0x0], $0xffff;
	v19 =	vmul.f32 $5.656854150e+00, v19;
	[tilespmem:s25+$0xC0] =	vst v22;
	v22 =	vor.u32 v4, v17  }
0xef: {  	[tilespmem:s25+$0xFFFFFFC0] =	vst v14;
	v14 =	vor.u32 v4, v18;
	v29 =	vld.idx.msk [tilespmem:v31+s13+$0x0], $0xffff;
	v24 =	vmul.f32 $5.656854150e+00, v24  }
0xf0: {  	v28 =	vmul.f32 $5.656854150e+00, v28;
	v25 =	vld.idx.msk [tilespmem:v25+s13+$0x0], $0xffff;
	[tilespmem:s25+$0x40] =	vst v19;
	v19 =	vor.u32 v4, v16  }
0xf1: {  	v30 =	vor.u32 v5, v12;
	v26 =	vld.idx.msk [tilespmem:v26+s13+$0x0], $0xffff;
	v20 =	vmul.f32 $5.656854150e+00, v20;
	[tilespmem:s26+$0xB0] =	vst v24  }
0xf2: {  	[tilespmem:s26+$0xFFFFFFB0] =	vst v28;
	v23 =	vmul.f32 $5.656854150e+00, v23;
	v24 =	vor.u32 v5, v9;
	v27 =	vld.idx.msk [tilespmem:v27+s13+$0x0], $0xffff  }
0xf3: {  	v11 =	vor.u32 v7, v11;
	v13 =	vmul.f32 $5.656854150e+00, v13;
	v22 =	vld.idx.msk [tilespmem:v22+s13+$0x0], $0xffff;
	[tilespmem:s26+$0x30] =	vst v20  }
0xf4: {  	[tilespmem:s26+$0xFFFFFF30] =	vst v23;
	v28 =	vmul.f32 $5.656854150e+00, v29;
	v20 =	vor.u32 v6, v15;
	v14 =	vld.idx.msk [tilespmem:v14+s13+$0x0], $0xffff  }
0xf5: {  	[tilespmem:s21+$0xFFFFFFF0] =	vst v13;
	v23 =	vmul.f32 $5.656854150e+00, v25;
	v19 =	vld.idx.msk [tilespmem:v19+s13+$0x0], $0xffff;
	v25 =	vor.u32 v5, v21  }
0xf6: {  	v13 =	vmul.f32 $5.656854150e+00, v26;
	v26 =	vor.u32 v5, v17;
	[tilespmem:s25+$0xFFFFFF40] =	vst v28;
	v28 =	vld.idx.msk [tilespmem:v30+s13+$0x0], $0xffff  }
0xf7: {  	[tilespmem:s25+$0xD0] =	vst v23;
	v23 =	vor.u32 v5, v18;
	v24 =	vld.idx.msk [tilespmem:v24+s13+$0x0], $0xffff;
	v27 =	vmul.f32 $5.656854150e+00, v27  }
0xf8: {  	v11 =	vld.idx.msk [tilespmem:v11+s13+$0x0], $0xffff;
	[tilespmem:s25+$0xFFFFFFD0] =	vst v13;
	v13 =	vor.u32 v5, v16;
	v22 =	vmul.f32 $5.656854150e+00, v22  }
0xf9: {  	v29 =	vor.u32 v6, v10;
	v20 =	vld.idx.msk [tilespmem:v20+s13+$0x0], $0xffff;
	v14 =	vmul.f32 $5.656854150e+00, v14;
	[tilespmem:s26+$0xC0] =	vst v27  }
0xfa: {  	v19 =	vmul.f32 $5.656854150e+00, v19;
	v27 =	vor.u32 v6, v12;
	[tilespmem:s26+$0xFFFFFFC0] =	vst v22;
	v22 =	vld.idx.msk [tilespmem:v25+s13+$0x0], $0xffff  }
0xfb: {  	v28 =	vmul.f32 $5.656854150e+00, v28;
	v25 =	vor.u32 v6, v9;
	v26 =	vld.idx.msk [tilespmem:v26+s13+$0x0], $0xffff;
	[tilespmem:s26+$0x40] =	vst v14  }
0xfc: {  	v8 =	vor.u32 v7, v8;
	[tilespmem:s26+$0xFFFFFF40] =	vst v19;
	v14 =	vmul.f32 $5.656854150e+00, v24;
	v19 =	vld.idx.msk [tilespmem:v23+s13+$0x0], $0xffff  }
0xfd: {  	v11 =	vmul.f32 $5.656854150e+00, v11;
	[tilespmem:s25+$0x50] =	vst v28;
	v13 =	vld.idx.msk [tilespmem:v13+s13+$0x0], $0xffff;
	v23 =	vor.u32 v6, v21  }
0xfe: {  	v24 =	vld.idx.msk [tilespmem:v29+s13+$0x0], $0xffff;
	[tilespmem:s25+$0xFFFFFF50] =	vst v14;
	v14 =	vmul.f32 $5.656854150e+00, v20;
	v20 =	vor.u32 v6, v17  }
0xff: {  	[tilespmem:s21+$0x70] =	vst v11;
	v11 =	vor.u32 v6, v18;
	v27 =	vld.idx.msk [tilespmem:v27+s13+$0x0], $0xffff;
	v22 =	vmul.f32 $5.656854150e+00, v22  }
0x100: {  	v25 =	vld.idx.msk [tilespmem:v25+s13+$0x0], $0xffff;
	[tilespmem:s25+$0xE0] =	vst v14;
	v14 =	vor.u32 v6, v16;
	v26 =	vmul.f32 $5.656854150e+00, v26  }
0x101: {  	v8 =	vld.idx.msk [tilespmem:v8+s13+$0x0], $0xffff;
	v15 =	vor.u32 v7, v15;
	v19 =	vmul.f32 $5.656854150e+00, v19;
	[tilespmem:s26+$0xD0] =	vst v22  }
0x102: {  	v10 =	vor.u32 v7, v10;
	v13 =	vmul.f32 $5.656854150e+00, v13;
	[tilespmem:s26+$0xFFFFFFD0] =	vst v26;
	v22 =	vld.idx.msk [tilespmem:v23+s13+$0x0], $0xffff  }
0x103: {  	v12 =	vor.u32 v7, v12;
	v23 =	vmul.f32 $5.656854150e+00, v24;
	v20 =	vld.idx.msk [tilespmem:v20+s13+$0x0], $0xffff;
	[tilespmem:s26+$0x50] =	vst v19  }
0x104: {  	v9 =	vor.u32 v7, v9;
	[tilespmem:s26+$0xFFFFFF50] =	vst v13;
	v19 =	vmul.f32 $5.656854150e+00, v27;
	v11 =	vld.idx.msk [tilespmem:v11+s13+$0x0], $0xffff  }
0x105: {  	v21 =	vor.u32 v7, v21;
	v13 =	vmul.f32 $5.656854150e+00, v25;
	[tilespmem:s25+$0xFFFFFFE0] =	vst v23;
	v14 =	vld.idx.msk [tilespmem:v14+s13+$0x0], $0xffff  }
0x106: {  	v8 =	vmul.f32 $5.656854150e+00, v8;
	v17 =	vor.u32 v7, v17;
	v15 =	vld.idx.msk [tilespmem:v15+s13+$0x0], $0xffff;
	[tilespmem:s25+$0x60] =	vst v19  }
0x107: {  	v18 =	vor.u32 v7, v18;
	v10 =	vld.idx.msk [tilespmem:v10+s13+$0x0], $0xffff;
	[tilespmem:s25+$0xFFFFFF60] =	vst v13;
	v13 =	vmul.f32 $5.656854150e+00, v22  }
0x108: {  	[tilespmem:s21+$0xFFFFFF70] =	vst v8;
	v16 =	vor.u32 v7, v16;
	v12 =	vld.idx.msk [tilespmem:v12+s13+$0x0], $0xffff;
	v8 =	vmul.f32 $5.656854150e+00, v20  }
0x109: {  	v9 =	vld.idx.msk [tilespmem:v9+s13+$0x0], $0xffff;
	v11 =	vmul.f32 $5.656854150e+00, v11;
	[tilespmem:s26+$0xE0] =	vst v13  }
0x10a: {  	v13 =	vmul.f32 $5.656854150e+00, v14;
	[tilespmem:s26+$0xFFFFFFE0] =	vst v8;
	v8 =	vld.idx.msk [tilespmem:v21+s13+$0x0], $0xffff  }
0x10b: {  	v14 =	vmul.f32 $5.656854150e+00, v15;
	[tilespmem:s26+$0x60] =	vst v11;
	v11 =	vld.idx.msk [tilespmem:v17+s13+$0x0], $0xffff  }
0x10c: {  	v10 =	vmul.f32 $5.656854150e+00, v10;
	[tilespmem:s26+$0xFFFFFF60] =	vst v13;
	v13 =	vld.idx.msk [tilespmem:v18+s13+$0x0], $0xffff  }
0x10d: {  	[tilespmem:s25+$0xF0] =	vst v14;
	v12 =	vmul.f32 $5.656854150e+00, v12;
	v14 =	vld.idx.msk [tilespmem:v16+s13+$0x0], $0xffff  }
0x10e: {  	v9 =	vmul.f32 $5.656854150e+00, v9;
	[tilespmem:s25+$0xFFFFFFF0] =	vst v10  }
0x10f: {  	s24 =	sshll.u32 s20, $0x2;
	[tilespmem:s25+$0x70] =	vst v12;
	v8 =	vmul.f32 $5.656854150e+00, v8  }
0x110: {  	s1 =	sadd.s32 s5, s24;
	[tilespmem:s25+$0xFFFFFF70] =	vst v9;
	v9 =	vmul.f32 $5.656854150e+00, v11  }
0x111: {  	s25 =	sshll.u32 s1, $0x9;
	s1 =	sshll.u32 s1, $0x7;
	[tilespmem:s26+$0xF0] =	vst v8;
	v8 =	vmul.f32 $5.656854150e+00, v13  }
0x112: {  	s21 =	sand.u32 $0xFFF0000, s25;
	s1 =	sand.u32 $0x3E00, s1;
	v10 =	vmul.f32 $5.656854150e+00, v14;
	[tilespmem:s26+$0xFFFFFFF0] =	vst v9  }
0x113: {  	s1 =	sor.u32 s1, s21;
	[tilespmem:s26+$0x70] =	vst v8  }
0x114: {  	s21 =	sadd.s32 s2, s1;
	[tilespmem:s26+$0xFFFFFF70] =	vst v10;
	s26 =	simm.s32 $0xA400  }
0x115: {  	[hbm4b:s21+s3] =	stream.linear.scatter [tilespmem:s26], [sflag:$0x5], $0x400, $0x38;
	[tilespmem:$0xE400] =	vst v63  }
0x116: {  	s25 =	sadd.s32 s1, s7;
	s26 =	simm.s32 $0xA800  }
0x117: {  	[hbm4b:s25+s3] =	stream.linear.scatter [tilespmem:s26], [sflag:$0x5], $0x400, $0x38;
	[tilespmem:$0xE400] =	vst v63  }
0x118: {  	s25 =	sadd.s32 s1, s8;
	s26 =	simm.s32 $0xAC00  }
0x119: {  	[hbm4b:s25+s3] =	stream.linear.scatter [tilespmem:s26], [sflag:$0x5], $0x400, $0x38;
	[tilespmem:$0xE400] =	vst v63  }
0x11a: {  	p0 =	seq.s32 s20, $0x0;
	s1 =	sadd.s32 s1, s9;
	s26 =	simm.s32 $0xB000  }
0x11b: {  	[hbm4b:s1+s3] =	stream.linear.scatter [tilespmem:s26], [sflag:$0x5], $0x400, $0x38;
	[tilespmem:$0xE400] =	vst v63  }
0x11c: {  	s1 =	simm.s32 @!p0 $0x8  }
0x11d: {  	_ =	swait.ge @!p0 [sflag:s1], $0x400  }
0x11e: {  	[sflag:s1] =	ssyncset.done @!p0 $0x0  }
0x11f: {  	[sflag:s1] =	ssyncadd.s32 @!p0 $0xFFFFFC00  }
0x120: {  	_ =	swait.ge @!p0 [sflag:s1], $0x400  }
0x121: {  	[sflag:s1] =	ssyncset.done @!p0 $0x0  }
0x122: {  	[sflag:s1] =	ssyncadd.s32 @!p0 $0xFFFFFC00  }
0x123: {  	s25 =	simm.s32 $0x3;
	_ =	swait.ge @!p0 [sflag:s1], $0x400  }
0x124: {  	v8 =	vmov s25;
	s26 =	simm.s32 $0x1;
	[sflag:s1] =	ssyncset.done @!p0 $0x0  }
0x125: {  	s25 =	simm.s32 $0x2;
	v8 =	vand.u32 $0x1F, v8;
	v9 =	vmov s26;
	[sflag:s1] =	ssyncadd.s32 @!p0 $0xFFFFFC00  }
0x126: {  	s21 =	sshllo.u32 s20, $0x2;
	v10 =	vmov s25;
	s26 =	simm.s32 $0x0;
	v19 =	vbroadcast v8, $0x0;
	v9 =	vand.u32 $0x1D, v9;
	_ =	swait.ge @!p0 [sflag:s1], $0x400  }
0x127: {  	s25 =	sshll.u32 s21, $0x7;
	v8 =	vmov s26;
	v17 =	vbroadcast v9, $0x0;
	v9 =	vand.u32 $0x1E, v10;
	[sflag:s1] =	ssyncset.done @!p0 $0x0  }
0x128: {  	s26 =	sand.u32 $0x3FFFFF80, s25;
	v8 =	vand.u32 $0x1C, v8;
	v18 =	vbroadcast v9, $0x0;
	v9 =	vor.u32 v0, v19;
	[sflag:s1] =	ssyncadd.s32 @!p0 $0xFFFFFC00  }
0x129: {  	v16 =	vbroadcast v8, $0x0;
	v8 =	vor.u32 v0, v17;
	[tilespmem:s22], [sflag:$0x4] =	stream.indirect.gather [hbm4b:s4+s12], $0x20, s26, s12, $0xb8;
	[tilespmem:$0xE400] =	vst v63  }
0x12a: {  	v10 =	vor.u32 v0, v18;
	_ =	swait.ge [sflag:s23], $0x1000  }
0x12b: {  	v11 =	vor.u32 v0, v16;
	[sflag:s23] =	ssyncset.done $0x0  }
0x12c: {  	[sflag:s23] =	ssyncadd.s32 $0xFFFFF000  }
0x12d: {  	v9 =	vld.idx.msk [tilespmem:v9+s14+$0x0], $0xffff  }
0x12e: {  	v8 =	vld.idx.msk [tilespmem:v8+s14+$0x0], $0xffff  }
0x12f: {  	v10 =	vld.idx.msk [tilespmem:v10+s14+$0x0], $0xffff  }
0x130: {  	v12 =	vor.u32 v1, v19;
	v11 =	vld.idx.msk [tilespmem:v11+s14+$0x0], $0xffff  }
0x131: {  	v13 =	vor.u32 v1, v17  }
0x132: {  	v14 =	vor.u32 v1, v18;
	v9 =	vmul.f32 $5.656854150e+00, v9  }
0x133: {  	v15 =	vor.u32 v1, v16;
	s26 =	simm.s32 $0xB500;
	v8 =	vmul.f32 $5.656854150e+00, v8  }
0x134: {  	v10 =	vmul.f32 $5.656854150e+00, v10;
	[tilespmem:s26+$0x80] =	vst v9  }
0x135: {  	v9 =	vmul.f32 $5.656854150e+00, v11;
	[tilespmem:s26+$0xFFFFFF80] =	vst v8;
	v8 =	vld.idx.msk [tilespmem:v12+s14+$0x0], $0xffff  }
0x136: {  	[tilespmem:s26+$0x0] =	vst v10;
	v11 =	vld.idx.msk [tilespmem:v13+s14+$0x0], $0xffff  }
0x137: {  	[tilespmem:s26+$0xFFFFFF00] =	vst v9;
	v9 =	vld.idx.msk [tilespmem:v14+s14+$0x0], $0xffff  }
0x138: {  	v12 =	vor.u32 v2, v19;
	v10 =	vld.idx.msk [tilespmem:v15+s14+$0x0], $0xffff  }
0x139: {  	v13 =	vor.u32 v2, v17  }
0x13a: {  	v14 =	vor.u32 v2, v18;
	v8 =	vmul.f32 $5.656854150e+00, v8  }
0x13b: {  	v15 =	vor.u32 v2, v16;
	v11 =	vmul.f32 $5.656854150e+00, v11  }
0x13c: {  	v9 =	vmul.f32 $5.656854150e+00, v9;
	[tilespmem:s26+$0x90] =	vst v8  }
0x13d: {  	v10 =	vmul.f32 $5.656854150e+00, v10;
	[tilespmem:s26+$0xFFFFFF90] =	vst v11;
	v11 =	vld.idx.msk [tilespmem:v12+s14+$0x0], $0xffff  }
0x13e: {  	s25 =	simm.s32 $0x4;
	v21 =	vor.u32 v3, v19;
	v12 =	vld.idx.msk [tilespmem:v13+s14+$0x0], $0xffff;
	[tilespmem:s26+$0x10] =	vst v9  }
0x13f: {  	v20 =	vmov s25;
	s25 =	simm.s32 $0x5;
	v23 =	vor.u32 v3, v17;
	v24 =	vor.u32 v3, v18;
	[tilespmem:s26+$0xFFFFFF10] =	vst v10;
	v10 =	vld.idx.msk [tilespmem:v14+s14+$0x0], $0xffff  }
0x140: {  	v25 =	vor.u32 v3, v16;
	s1 =	simm.s32 $0x6;
	v8 =	vand.u32 $0x1C, v20;
	v9 =	vmov s25;
	s25 =	simm.s32 $0x7;
	v15 =	vld.idx.msk [tilespmem:v15+s14+$0x0], $0xffff  }
0x141: {  	v22 =	vmov s1;
	v8 =	vbroadcast v8, $0x0;
	v13 =	vmov s25  }
0x142: {  	v9 =	vand.u32 $0x1D, v9;
	v13 =	vand.u32 $0x1F, v13;
	v11 =	vmul.f32 $5.656854150e+00, v11  }
0x143: {  	v20 =	vor.u32 v0, v8;
	v14 =	vbroadcast v13, $0x0;
	v12 =	vmul.f32 $5.656854150e+00, v12  }
0x144: {  	v13 =	vbroadcast v9, $0x0;
	v9 =	vand.u32 $0x1E, v22;
	v10 =	vmul.f32 $5.656854150e+00, v10;
	[tilespmem:s26+$0xA0] =	vst v11  }
0x145: {  	v11 =	vbroadcast v9, $0x0;
	v9 =	vor.u32 v0, v14;
	v15 =	vmul.f32 $5.656854150e+00, v15;
	[tilespmem:s26+$0xFFFFFFA0] =	vst v12;
	v12 =	vld.idx.msk [tilespmem:v21+s14+$0x0], $0xffff  }
0x146: {  	v21 =	vor.u32 v0, v13;
	v22 =	vld.idx.msk [tilespmem:v23+s14+$0x0], $0xffff;
	[tilespmem:s26+$0x20] =	vst v10  }
0x147: {  	s25 =	simm.s32 $0x8;
	v10 =	vor.u32 v0, v11;
	[tilespmem:s26+$0xFFFFFF20] =	vst v15;
	v15 =	vld.idx.msk [tilespmem:v24+s14+$0x0], $0xffff  }
0x148: {  	v24 =	vmov s25;
	v23 =	vld.idx.msk [tilespmem:v25+s14+$0x0], $0xffff;
	v25 =	vor.u32 v4, v19  }
0x149: {  	v26 =	vld.idx.msk [tilespmem:v20+s14+$0x0], $0xffff;
	v20 =	vand.u32 $0x1C, v24;
	v24 =	vor.u32 v4, v17  }
0x14a: {  	v27 =	vld.idx.msk [tilespmem:v9+s14+$0x0], $0xffff;
	v9 =	vbroadcast v20, $0x0;
	v20 =	vor.u32 v4, v18;
	v12 =	vmul.f32 $5.656854150e+00, v12  }
0x14b: {  	v28 =	vor.u32 v4, v16;
	v21 =	vld.idx.msk [tilespmem:v21+s14+$0x0], $0xffff;
	v22 =	vmul.f32 $5.656854150e+00, v22  }
0x14c: {  	v10 =	vld.idx.msk [tilespmem:v10+s14+$0x0], $0xffff;
	v29 =	vor.u32 v0, v9;
	v15 =	vmul.f32 $5.656854150e+00, v15;
	[tilespmem:s26+$0xB0] =	vst v12  }
0x14d: {  	v30 =	vor.u32 v1, v8;
	v23 =	vmul.f32 $5.656854150e+00, v23;
	[tilespmem:s26+$0xFFFFFFB0] =	vst v22;
	v22 =	vld.idx.msk [tilespmem:v25+s14+$0x0], $0xffff  }
0x14e: {  	v26 =	vmul.f32 $5.656854150e+00, v26;
	v12 =	vor.u32 v1, v14;
	v24 =	vld.idx.msk [tilespmem:v24+s14+$0x0], $0xffff;
	[tilespmem:s26+$0x30] =	vst v15  }
0x14f: {  	s25 =	simm.s32 $0xB700;
	v25 =	vor.u32 v1, v13;
	v27 =	vmul.f32 $5.656854150e+00, v27;
	[tilespmem:s26+$0xFFFFFF30] =	vst v23;
	v23 =	vld.idx.msk [tilespmem:v20+s14+$0x0], $0xffff  }
0x150: {  	s1 =	simm.s32 $0x9;
	[tilespmem:s25+$0xFFFFFF00] =	vst v26;
	v15 =	vor.u32 v1, v11;
	v21 =	vmul.f32 $5.656854150e+00, v21;
	v28 =	vld.idx.msk [tilespmem:v28+s14+$0x0], $0xffff  }
0x151: {  	v31 =	vmov s1;
	v20 =	vld.idx.msk [tilespmem:v29+s14+$0x0], $0xffff;
	v29 =	vmul.f32 $5.656854150e+00, v10;
	[tilespmem:s25+$0x80] =	vst v27;
	v27 =	vor.u32 v5, v19  }
0x152: {  	v30 =	vld.idx.msk [tilespmem:v30+s14+$0x0], $0xffff;
	v10 =	vand.u32 $0x1D, v31;
	[tilespmem:s25+$0xFFFFFF80] =	vst v21;
	v21 =	vor.u32 v5, v17  }
0x153: {  	v12 =	vld.idx.msk [tilespmem:v12+s14+$0x0], $0xffff;
	v10 =	vbroadcast v10, $0x0;
	[tilespmem:s25+$0x0] =	vst v29;
	v29 =	vor.u32 v5, v18;
	v22 =	vmul.f32 $5.656854150e+00, v22  }
0x154: {  	v26 =	vor.u32 v5, v16;
	v25 =	vld.idx.msk [tilespmem:v25+s14+$0x0], $0xffff;
	v24 =	vmul.f32 $5.656854150e+00, v24  }
0x155: {  	v15 =	vld.idx.msk [tilespmem:v15+s14+$0x0], $0xffff;
	v31 =	vor.u32 v0, v10;
	v23 =	vmul.f32 $5.656854150e+00, v23;
	[tilespmem:s26+$0xC0] =	vst v22  }
0x156: {  	v22 =	vor.u32 v2, v14;
	v28 =	vmul.f32 $5.656854150e+00, v28;
	[tilespmem:s26+$0xFFFFFFC0] =	vst v24;
	v24 =	vld.idx.msk [tilespmem:v27+s14+$0x0], $0xffff  }
0x157: {  	v27 =	vor.u32 v2, v13;
	[tilespmem:s26+$0x40] =	vst v23;
	v21 =	vld.idx.msk [tilespmem:v21+s14+$0x0], $0xffff  }
0x158: {  	v23 =	vor.u32 v2, v11;
	v12 =	vmul.f32 $5.656854150e+00, v12;
	[tilespmem:s26+$0xFFFFFF40] =	vst v28;
	v28 =	vld.idx.msk [tilespmem:v29+s14+$0x0], $0xffff  }
0x159: {  	s1 =	simm.s32 $0xA;
	v29 =	vor.u32 v2, v8;
	v25 =	vmul.f32 $5.656854150e+00, v25;
	v26 =	vld.idx.msk [tilespmem:v26+s14+$0x0], $0xffff  }
0x15a: {  	v51 =	vor.u32 v6, v19;
	v50 =	vmov s1;
	v31 =	vld.idx.msk [tilespmem:v31+s14+$0x0], $0xffff;
	v15 =	vmul.f32 $5.656854150e+00, v15;
	[tilespmem:s25+$0x90] =	vst v12  }
0x15b: {  	v30 =	vmul.f32 $5.656854150e+00, v30;
	v12 =	vand.u32 $0x1E, v50;
	[tilespmem:s25+$0xFFFFFF90] =	vst v25;
	v22 =	vld.idx.msk [tilespmem:v22+s14+$0x0], $0xffff;
	v25 =	vor.u32 v6, v17  }
0x15c: {  	v12 =	vbroadcast v12, $0x0;
	v27 =	vld.idx.msk [tilespmem:v27+s14+$0x0], $0xffff;
	[tilespmem:s25+$0x10] =	vst v15;
	v15 =	vor.u32 v6, v18;
	v24 =	vmul.f32 $5.656854150e+00, v24  }
0x15d: {  	[tilespmem:s25+$0xFFFFFF10] =	vst v30;
	v30 =	vor.u32 v6, v16;
	v23 =	vld.idx.msk [tilespmem:v23+s14+$0x0], $0xffff;
	v21 =	vmul.f32 $5.656854150e+00, v21  }
0x15e: {  	v52 =	vor.u32 v0, v12;
	v29 =	vld.idx.msk [tilespmem:v29+s14+$0x0], $0xffff;
	v28 =	vmul.f32 $5.656854150e+00, v28;
	[tilespmem:s26+$0xD0] =	vst v24  }
0x15f: {  	s1 =	simm.s32 $0xB;
	v24 =	vor.u32 v3, v14;
	v26 =	vmul.f32 $5.656854150e+00, v26;
	[tilespmem:s26+$0xFFFFFFD0] =	vst v21;
	v21 =	vld.idx.msk [tilespmem:v51+s14+$0x0], $0xffff  }
0x160: {  	v53 =	vmov s1;
	v54 =	vor.u32 v3, v13;
	v25 =	vld.idx.msk [tilespmem:v25+s14+$0x0], $0xffff;
	[tilespmem:s26+$0x50] =	vst v28  }
0x161: {  	v55 =	vor.u32 v3, v11;
	v28 =	vand.u32 $0x1F, v53;
	v22 =	vmul.f32 $5.656854150e+00, v22;
	[tilespmem:s26+$0xFFFFFF50] =	vst v26;
	v26 =	vld.idx.msk [tilespmem:v15+s14+$0x0], $0xffff  }
0x162: {  	v15 =	vbroadcast v28, $0x0;
	v28 =	vor.u32 v3, v8;
	v27 =	vmul.f32 $5.656854150e+00, v27;
	v30 =	vld.idx.msk [tilespmem:v30+s14+$0x0], $0xffff  }
0x163: {  	v19 =	vor.u32 v7, v19;
	v32 =	vld.idx.msk [tilespmem:v52+s14+$0x0], $0xffff;
	v23 =	vmul.f32 $5.656854150e+00, v23;
	[tilespmem:s25+$0xA0] =	vst v22  }
0x164: {  	v22 =	vor.u32 v0, v15;
	v29 =	vmul.f32 $5.656854150e+00, v29;
	[tilespmem:s25+$0xFFFFFFA0] =	vst v27;
	v24 =	vld.idx.msk [tilespmem:v24+s14+$0x0], $0xffff  }
0x165: {  	v17 =	vor.u32 v7, v17;
	v27 =	vld.idx.msk [tilespmem:v54+s14+$0x0], $0xffff;
	[tilespmem:s25+$0x20] =	vst v23;
	v21 =	vmul.f32 $5.656854150e+00, v21  }
0x166: {  	v18 =	vor.u32 v7, v18;
	[tilespmem:s25+$0xFFFFFF20] =	vst v29;
	v23 =	vld.idx.msk [tilespmem:v55+s14+$0x0], $0xffff  }
0x167: {  	s1 =	simm.s32 $0xC;
	v25 =	vmul.f32 $5.656854150e+00, v25;
	v29 =	vor.u32 v7, v16;
	v28 =	vld.idx.msk [tilespmem:v28+s14+$0x0], $0xffff;
	[tilespmem:s26+$0xE0] =	vst v21  }
0x168: {  	v16 =	vmul.f32 $5.656854150e+00, v26;
	v21 =	vmov s1;
	v26 =	vor.u32 v4, v14;
	v19 =	vld.idx.msk [tilespmem:v19+s14+$0x0], $0xffff  }
0x169: {  	v30 =	vmul.f32 $5.656854150e+00, v30;
	[tilespmem:s26+$0xFFFFFFE0] =	vst v25;
	v21 =	vand.u32 $0x1C, v21;
	v25 =	vor.u32 v4, v13;
	v22 =	vld.idx.msk [tilespmem:v22+s14+$0x0], $0xffff  }
0x16a: {  	[tilespmem:s26+$0x60] =	vst v16;
	v16 =	vbroadcast v21, $0x0;
	v21 =	vor.u32 v4, v11;
	v24 =	vmul.f32 $5.656854150e+00, v24;
	v56 =	vld.idx.msk [tilespmem:v17+s14+$0x0], $0xffff  }
0x16b: {  	[tilespmem:s26+$0xFFFFFF60] =	vst v30;
	v17 =	vor.u32 v4, v8;
	v27 =	vmul.f32 $5.656854150e+00, v27;
	v18 =	vld.idx.msk [tilespmem:v18+s14+$0x0], $0xffff  }
0x16c: {  	v30 =	vor.u32 v0, v16;
	v23 =	vmul.f32 $5.656854150e+00, v23;
	[tilespmem:s25+$0xB0] =	vst v24;
	v24 =	vld.idx.msk [tilespmem:v29+s14+$0x0], $0xffff  }
0x16d: {  	v29 =	vor.u32 v1, v15;
	v28 =	vmul.f32 $5.656854150e+00, v28;
	[tilespmem:s25+$0xFFFFFFB0] =	vst v27;
	v26 =	vld.idx.msk [tilespmem:v26+s14+$0x0], $0xffff  }
0x16e: {  	v27 =	vor.u32 v1, v10;
	v25 =	vld.idx.msk [tilespmem:v25+s14+$0x0], $0xffff;
	[tilespmem:s25+$0x30] =	vst v23;
	v19 =	vmul.f32 $5.656854150e+00, v19  }
0x16f: {  	v23 =	vor.u32 v1, v12;
	v22 =	vmul.f32 $5.656854150e+00, v22;
	[tilespmem:s25+$0xFFFFFF30] =	vst v28;
	v21 =	vld.idx.msk [tilespmem:v21+s14+$0x0], $0xffff  }
0x170: {  	s28 =	simm.s32 $0xB900;
	v31 =	vmul.f32 $5.656854150e+00, v31;
	s1 =	simm.s32 $0xD;
	v28 =	vor.u32 v1, v9;
	v57 =	vld.idx.msk [tilespmem:v17+s14+$0x0], $0xffff;
	[tilespmem:s26+$0xF0] =	vst v19  }
0x171: {  	v17 =	vmov s1;
	v19 =	vld.idx.msk [tilespmem:v30+s14+$0x0], $0xffff;
	v30 =	vmul.f32 $5.656854150e+00, v32;
	[tilespmem:s28+$0x80] =	vst v22;
	v22 =	vor.u32 v5, v14  }
0x172: {  	v20 =	vmul.f32 $5.656854150e+00, v20;
	[tilespmem:s28+$0xFFFFFF80] =	vst v31;
	v31 =	vor.u32 v5, v13;
	v17 =	vand.u32 $0x1D, v17;
	v29 =	vld.idx.msk [tilespmem:v29+s14+$0x0], $0xffff  }
0x173: {  	v17 =	vbroadcast v17, $0x0;
	v27 =	vld.idx.msk [tilespmem:v27+s14+$0x0], $0xffff;
	v26 =	vmul.f32 $5.656854150e+00, v26;
	[tilespmem:s28+$0x0] =	vst v30;
	v30 =	vor.u32 v5, v11  }
0x174: {  	[tilespmem:s28+$0xFFFFFF00] =	vst v20;
	v25 =	vmul.f32 $5.656854150e+00, v25;
	v20 =	vld.idx.msk [tilespmem:v23+s14+$0x0], $0xffff;
	v23 =	vor.u32 v5, v8  }
0x175: {  	v58 =	vor.u32 v0, v17;
	v28 =	vld.idx.msk [tilespmem:v28+s14+$0x0], $0xffff;
	v21 =	vmul.f32 $5.656854150e+00, v21;
	[tilespmem:s25+$0xC0] =	vst v26  }
0x176: {  	v26 =	vor.u32 v2, v15;
	v34 =	vmul.f32 $5.656854150e+00, v57;
	[tilespmem:s25+$0xFFFFFFC0] =	vst v25;
	v25 =	vld.idx.msk [tilespmem:v22+s14+$0x0], $0xffff  }
0x177: {  	v59 =	vor.u32 v2, v10;
	v22 =	vmul.f32 $5.656854150e+00, v56;
	v31 =	vld.idx.msk [tilespmem:v31+s14+$0x0], $0xffff;
	[tilespmem:s25+$0x40] =	vst v21  }
0x178: {  	v21 =	vor.u32 v2, v12;
	v29 =	vmul.f32 $5.656854150e+00, v29;
	[tilespmem:s25+$0xFFFFFF40] =	vst v34;
	v60 =	vld.idx.msk [tilespmem:v30+s14+$0x0], $0xffff  }
0x179: {  	v63 =	vor.u32 v6, v14;
	v61 =	vor.u32 v2, v9;
	s1 =	simm.s32 $0xE;
	v27 =	vmul.f32 $5.656854150e+00, v27;
	[tilespmem:s26+$0xFFFFFFF0] =	vst v22;
	v62 =	vld.idx.msk [tilespmem:v23+s14+$0x0], $0xffff  }
0x17a: {  	v30 =	vmov s1;
	v22 =	vld.idx.msk [tilespmem:v58+s14+$0x0], $0xffff;
	v20 =	vmul.f32 $5.656854150e+00, v20;
	[tilespmem:s28+$0x90] =	vst v29;
	v23 =	vmul.f32 $5.656854150e+00, v18  }
0x17b: {  	v18 =	vand.u32 $0x1E, v30;
	v30 =	vmul.f32 $5.656854150e+00, v28;
	[tilespmem:s28+$0xFFFFFF90] =	vst v27;
	v28 =	vor.u32 v6, v13;
	v29 =	vld.idx.msk [tilespmem:v26+s14+$0x0], $0xffff  }
0x17c: {  	v18 =	vbroadcast v18, $0x0;
	v27 =	vld.idx.msk [tilespmem:v59+s14+$0x0], $0xffff;
	[tilespmem:s28+$0x10] =	vst v20;
	v37 =	vmul.f32 $5.656854150e+00, v25;
	v25 =	vor.u32 v6, v11  }
0x17d: {  	v26 =	vor.u32 v6, v8;
	[tilespmem:s28+$0xFFFFFF10] =	vst v30;
	v30 =	vld.idx.msk [tilespmem:v21+s14+$0x0], $0xffff;
	v21 =	vmul.f32 $5.656854150e+00, v31  }
0x17e: {  	v33 =	vor.u32 v0, v18;
	v31 =	vld.idx.msk [tilespmem:v61+s14+$0x0], $0xffff;
	[tilespmem:s25+$0xD0] =	vst v37;
	v34 =	vmul.f32 $5.656854150e+00, v60  }
0x17f: {  	s31 =	simm.s32 $0xF;
	s30 =	simm.s32 $0x10;
	v20 =	vmul.f32 $5.656854150e+00, v24;
	v24 =	vor.u32 v3, v15;
	v35 =	vmul.f32 $5.656854150e+00, v62;
	[tilespmem:s25+$0xFFFFFFD0] =	vst v21;
	v32 =	vld.idx.msk [tilespmem:v63+s14+$0x0], $0xffff  }
.LBB2_5:
0x180: {  	p0 =	slt.u32 s30, $0x1C;
	v21 =	vmov s31;
	v36 =	vor.u32 v3, v10;
	v28 =	vld.idx.msk [tilespmem:v28+s14+$0x0], $0xffff;
	[tilespmem:s25+$0x50] =	vst v34  }
0x181: {  	v34 =	vor.u32 v3, v12;
	v29 =	vmul.f32 $5.656854150e+00, v29;
	v21 =	vand.u32 $0x1F, v21;
	[tilespmem:s25+$0xFFFFFF50] =	vst v35;
	v25 =	vld.idx.msk [tilespmem:v25+s14+$0x0], $0xffff  }
0x182: {  	v35 =	vor.u32 v3, v9;
	v27 =	vmul.f32 $5.656854150e+00, v27;
	v21 =	vbroadcast v21, $0x0;
	v26 =	vld.idx.msk [tilespmem:v26+s14+$0x0], $0xffff;
	[tilespmem:s26+$0x70] =	vst v23  }
0x183: {  	v30 =	vmul.f32 $5.656854150e+00, v30;
	v23 =	vld.idx.msk [tilespmem:v33+s14+$0x0], $0xffff;
	[tilespmem:s28+$0xA0] =	vst v29;
	v29 =	vor.u32 v7, v14;
	v14 =	vmov v15  }
0x184: {  	v31 =	vmul.f32 $5.656854150e+00, v31;
	v33 =	vor.u32 v0, v21;
	[tilespmem:s28+$0xFFFFFFA0] =	vst v27;
	v24 =	vld.idx.msk [tilespmem:v24+s14+$0x0], $0xffff;
	v15 =	vmov v21  }
0x185: {  	v27 =	vor.u32 v7, v13;
	v13 =	vmovc v10;
	v10 =	vmov v17;
	v21 =	vld.idx.msk [tilespmem:v36+s14+$0x0], $0xffff;
	[tilespmem:s28+$0x20] =	vst v30;
	v30 =	vmul.f32 $5.656854150e+00, v32  }
0x186: {  	v28 =	vmul.f32 $5.656854150e+00, v28;
	[tilespmem:s28+$0xFFFFFF20] =	vst v31;
	v17 =	vld.idx.msk [tilespmem:v34+s14+$0x0], $0xffff;
	v31 =	vor.u32 v7, v11;
	v11 =	vmovc v12;
	v12 =	vmov v18  }
0x187: {  	v32 =	vor.u32 v7, v8;
	v8 =	vmovc v9;
	v9 =	vmov v16;
	v25 =	vmul.f32 $5.656854150e+00, v25;
	v18 =	vld.idx.msk [tilespmem:v35+s14+$0x0], $0xffff;
	[tilespmem:s25+$0xE0] =	vst v30  }
0x188: {  	v16 =	vmov s30;
	v30 =	vor.u32 v4, v14;
	v26 =	vmul.f32 $5.656854150e+00, v26;
	[tilespmem:s25+$0xFFFFFFE0] =	vst v28;
	v28 =	vld.idx.msk [tilespmem:v29+s14+$0x0], $0xffff  }
0x189: {  	v16 =	vand.u32 $0x1C, v16;
	v29 =	vld.idx.msk [tilespmem:v33+s14+$0x0], $0xffff;
	v33 =	vor.u32 v4, v13;
	[tilespmem:s25+$0x60] =	vst v25  }
0x18a: {  	v16 =	vbroadcast v16, $0x0;
	v25 =	vor.u32 v4, v11;
	v24 =	vmul.f32 $5.656854150e+00, v24;
	[tilespmem:s25+$0xFFFFFF60] =	vst v26;
	v26 =	vld.idx.msk [tilespmem:v27+s14+$0x0], $0xffff  }
0x18b: {  	v27 =	vor.u32 v4, v8;
	v21 =	vmul.f32 $5.656854150e+00, v21;
	v31 =	vld.idx.msk [tilespmem:v31+s14+$0x0], $0xffff;
	[tilespmem:s26+$0xFFFFFF70] =	vst v20;
	s26 =	smov.u32 s25;
	s25 =	smov.u32 s28  }
0x18c: {  	v20 =	vor.u32 v0, v16;
	v17 =	vmul.f32 $5.656854150e+00, v17;
	[tilespmem:s28+$0xB0] =	vst v24;
	v24 =	vld.idx.msk [tilespmem:v32+s14+$0x0], $0xffff  }
0x18d: {  	s1 =	sadd.s32 $0x1, s30;
	v32 =	vor.u32 v1, v15;
	v18 =	vmul.f32 $5.656854150e+00, v18;
	[tilespmem:s28+$0xFFFFFFB0] =	vst v21;
	v21 =	vld.idx.msk [tilespmem:v30+s14+$0x0], $0xffff  }
0x18e: {  	v34 =	vor.u32 v1, v10;
	v30 =	vmov s1;
	v33 =	vld.idx.msk [tilespmem:v33+s14+$0x0], $0xffff;
	[tilespmem:s28+$0x30] =	vst v17;
	v17 =	vmul.f32 $5.656854150e+00, v28  }
0x18f: {  	v28 =	vand.u32 $0x1D, v30;
	v30 =	vor.u32 v1, v12;
	v29 =	vmul.f32 $5.656854150e+00, v29;
	[tilespmem:s28+$0xFFFFFF30] =	vst v18;
	v18 =	vld.idx.msk [tilespmem:v25+s14+$0x0], $0xffff  }
0x190: {  	v22 =	vmul.f32 $5.656854150e+00, v22;
	v25 =	vor.u32 v1, v9;
	s28 =	sadd.s32 $0x200, s28;
	v26 =	vmul.f32 $5.656854150e+00, v26;
	v27 =	vld.idx.msk [tilespmem:v27+s14+$0x0], $0xffff;
	[tilespmem:s26+$0xF0] =	vst v17  }
0x191: {  	v36 =	vmul.f32 $5.656854150e+00, v23;
	v23 =	vmul.f32 $5.656854150e+00, v31;
	v35 =	vld.idx.msk [tilespmem:v20+s14+$0x0], $0xffff;
	[tilespmem:s28+$0x80] =	vst v29;
	v29 =	vor.u32 v5, v14  }
0x192: {  	v19 =	vmul.f32 $5.656854150e+00, v19;
	v31 =	vor.u32 v5, v13;
	v20 =	vmul.f32 $5.656854150e+00, v24;
	[tilespmem:s28+$0xFFFFFF80] =	vst v22;
	v22 =	vld.idx.msk [tilespmem:v32+s14+$0x0], $0xffff  }
0x193: {  	v17 =	vbroadcast v28, $0x0;
	v28 =	vor.u32 v5, v11;
	v21 =	vmul.f32 $5.656854150e+00, v21;
	v24 =	vld.idx.msk [tilespmem:v34+s14+$0x0], $0xffff;
	[tilespmem:s28+$0x0] =	vst v36  }
0x194: {  	v32 =	vor.u32 v5, v8;
	v37 =	vmul.f32 $5.656854150e+00, v33;
	[tilespmem:s28+$0xFFFFFF00] =	vst v19;
	v30 =	vld.idx.msk [tilespmem:v30+s14+$0x0], $0xffff  }
0x195: {  	v33 =	vor.u32 v0, v17;
	v18 =	vmul.f32 $5.656854150e+00, v18;
	v25 =	vld.idx.msk [tilespmem:v25+s14+$0x0], $0xffff;
	[tilespmem:s25+$0xC0] =	vst v21  }
0x196: {  	v21 =	vor.u32 v2, v15;
	v27 =	vmul.f32 $5.656854150e+00, v27;
	[tilespmem:s25+$0xFFFFFFC0] =	vst v37;
	v34 =	vld.idx.msk [tilespmem:v29+s14+$0x0], $0xffff  }
0x197: {  	v36 =	vor.u32 v2, v10;
	v19 =	vmov v35;
	v31 =	vld.idx.msk [tilespmem:v31+s14+$0x0], $0xffff;
	[tilespmem:s25+$0x40] =	vst v18  }
0x198: {  	v35 =	vor.u32 v2, v12;
	v18 =	vmul.f32 $5.656854150e+00, v22;
	[tilespmem:s25+$0xFFFFFF40] =	vst v27;
	v37 =	vld.idx.msk [tilespmem:v28+s14+$0x0], $0xffff  }
0x199: {  	v38 =	vor.u32 v2, v9;
	s1 =	sadd.s32 $0x2, s30;
	v24 =	vmul.f32 $5.656854150e+00, v24;
	v32 =	vld.idx.msk [tilespmem:v32+s14+$0x0], $0xffff;
	[tilespmem:s26+$0xFFFFFFF0] =	vst v26  }
0x19a: {  	v39 =	vor.u32 v6, v14;
	v26 =	vmov s1;
	v30 =	vmul.f32 $5.656854150e+00, v30;
	v22 =	vld.idx.msk [tilespmem:v33+s14+$0x0], $0xffff;
	[tilespmem:s28+$0x90] =	vst v18  }
.Ltmp3:
0x19b: {  	v28 =	vor.u32 v6, v13;
	v18 =	vand.u32 $0x1E, v26;
	v26 =	vmul.f32 $5.656854150e+00, v25;
	[tilespmem:s28+$0xFFFFFF90] =	vst v24;
	v29 =	vld.idx.msk [tilespmem:v21+s14+$0x0], $0xffff;
	(pc) =	sbr.rel @p0 .LBB2_5-.Ltmp3, $4  }
0x19c: {  	v25 =	vor.u32 v6, v11;
	v18 =	vbroadcast v18, $0x0;
	v21 =	vmul.f32 $5.656854150e+00, v34;
	v27 =	vld.idx.msk [tilespmem:v36+s14+$0x0], $0xffff;
	[tilespmem:s28+$0x10] =	vst v30  }
0x19d: {  	v36 =	vmul.f32 $5.656854150e+00, v31;
	[tilespmem:s28+$0xFFFFFF10] =	vst v26;
	v30 =	vld.idx.msk [tilespmem:v35+s14+$0x0], $0xffff;
	v26 =	vor.u32 v6, v8  }
0x19e: {  	v33 =	vor.u32 v0, v18;
	v34 =	vmul.f32 $5.656854150e+00, v37;
	v31 =	vld.idx.msk [tilespmem:v38+s14+$0x0], $0xffff;
	[tilespmem:s25+$0xD0] =	vst v21  }
0x19f: {  	s31 =	sadd.s32 $0x3, s30;
	s30 =	sadd.s32 $0x4, s30;
	v24 =	vor.u32 v3, v15;
	v35 =	vmul.f32 $5.656854150e+00, v32;
	[tilespmem:s25+$0xFFFFFFD0] =	vst v36;
	v32 =	vld.idx.msk [tilespmem:v39+s14+$0x0], $0xffff  }
0x1a0: {  	v21 =	vmov s31  }
0x1a1: {  	v21 =	vand.u32 $0x1F, v21  }
0x1a2: {  	v21 =	vbroadcast v21, $0x0;
	_ =	sdelay $0x1  }
0x1a3: {  	v36 =	vor.u32 v0, v21;
	_ =	sdelay $0x3  }
0x1a4: {  	[tilespmem:s25+$0x50] =	vst v34  }
0x1a5: {  	v29 =	vmul.f32 $5.656854150e+00, v29;
	[tilespmem:s26+$0x70] =	vst v23;
	v46 =	vld.idx.msk [tilespmem:v36+s14+$0x0], $0xffff  }
0x1a6: {  	[tilespmem:s25+$0xFFFFFF50] =	vst v35;
	v27 =	vmul.f32 $5.656854150e+00, v27  }
0x1a7: {  	v23 =	vld.idx.msk [tilespmem:v33+s14+$0x0], $0xffff;
	v30 =	vmul.f32 $5.656854150e+00, v30;
	[tilespmem:s28+$0xA0] =	vst v29  }
0x1a8: {  	v29 =	vmul.f32 $5.656854150e+00, v31;
	[tilespmem:s28+$0xFFFFFFA0] =	vst v27;
	v27 =	vor.u32 v1, v21  }
0x1a9: {  	v28 =	vld.idx.msk [tilespmem:v28+s14+$0x0], $0xffff;
	v31 =	vor.u32 v1, v17;
	[tilespmem:s28+$0x20] =	vst v30;
	v30 =	vmul.f32 $5.656854150e+00, v32  }
0x1aa: {  	v25 =	vld.idx.msk [tilespmem:v25+s14+$0x0], $0xffff;
	[tilespmem:s28+$0xFFFFFF20] =	vst v29;
	v29 =	vor.u32 v1, v18;
	v47 =	vmul.f32 $5.656854150e+00, v46  }
0x1ab: {  	v22 =	vmul.f32 $5.656854150e+00, v22;
	s30 =	sadd.s32 $0x200, s28;
	v26 =	vld.idx.msk [tilespmem:v26+s14+$0x0], $0xffff;
	[tilespmem:s25+$0xE0] =	vst v30;
	v30 =	vor.u32 v1, v16  }
0x1ac: {  	v23 =	vmul.f32 $5.656854150e+00, v23;
	[tilespmem:s30+$0x80] =	vst v47  }
0x1ad: {  	v48 =	vor.u32 v3, v10;
	v19 =	vmul.f32 $5.656854150e+00, v19;
	[tilespmem:s30+$0xFFFFFF80] =	vst v22;
	v22 =	vld.idx.msk [tilespmem:v27+s14+$0x0], $0xffff  }
0x1ae: {  	v28 =	vmul.f32 $5.656854150e+00, v28;
	[tilespmem:s30+$0x0] =	vst v23;
	v31 =	vld.idx.msk [tilespmem:v31+s14+$0x0], $0xffff;
	v27 =	vor.u32 v3, v12  }
0x1af: {  	[tilespmem:s30+$0xFFFFFF00] =	vst v19;
	v25 =	vmul.f32 $5.656854150e+00, v25;
	v23 =	vor.u32 v3, v9;
	v19 =	vld.idx.msk [tilespmem:v29+s14+$0x0], $0xffff  }
0x1b0: {  	v26 =	vmul.f32 $5.656854150e+00, v26;
	[tilespmem:s25+$0xFFFFFFE0] =	vst v28;
	v29 =	vor.u32 v2, v21;
	v28 =	vld.idx.msk [tilespmem:v30+s14+$0x0], $0xffff  }
0x1b1: {  	v24 =	vld.idx.msk [tilespmem:v24+s14+$0x0], $0xffff;
	[tilespmem:s25+$0x60] =	vst v25;
	v25 =	vor.u32 v2, v17  }
0x1b2: {  	[tilespmem:s25+$0xFFFFFF60] =	vst v26;
	v26 =	vor.u32 v2, v18;
	v30 =	vld.idx.msk [tilespmem:v48+s14+$0x0], $0xffff;
	v22 =	vmul.f32 $5.656854150e+00, v22  }
0x1b3: {  	[tilespmem:s26+$0xFFFFFF70] =	vst v20;
	v20 =	vor.u32 v2, v16;
	v31 =	vmul.f32 $5.656854150e+00, v31;
	v27 =	vld.idx.msk [tilespmem:v27+s14+$0x0], $0xffff  }
0x1b4: {  	v14 =	vor.u32 v7, v14;
	v23 =	vld.idx.msk [tilespmem:v23+s14+$0x0], $0xffff;
	v19 =	vmul.f32 $5.656854150e+00, v19;
	[tilespmem:s30+$0x90] =	vst v22  }
0x1b5: {  	[tilespmem:s30+$0xFFFFFF90] =	vst v31;
	v28 =	vmul.f32 $5.656854150e+00, v28;
	v22 =	vor.u32 v4, v15;
	v29 =	vld.idx.msk [tilespmem:v29+s14+$0x0], $0xffff  }
0x1b6: {  	v24 =	vmul.f32 $5.656854150e+00, v24;
	v31 =	vor.u32 v4, v10;
	v25 =	vld.idx.msk [tilespmem:v25+s14+$0x0], $0xffff;
	[tilespmem:s30+$0x10] =	vst v19  }
0x1b7: {  	v30 =	vmul.f32 $5.656854150e+00, v30;
	v19 =	vor.u32 v4, v12;
	[tilespmem:s30+$0xFFFFFF10] =	vst v28;
	v26 =	vld.idx.msk [tilespmem:v26+s14+$0x0], $0xffff  }
0x1b8: {  	[tilespmem:s28+$0xB0] =	vst v24;
	v24 =	vor.u32 v3, v21;
	v20 =	vld.idx.msk [tilespmem:v20+s14+$0x0], $0xffff;
	v27 =	vmul.f32 $5.656854150e+00, v27  }
0x1b9: {  	v14 =	vld.idx.msk [tilespmem:v14+s14+$0x0], $0xffff;
	v23 =	vmul.f32 $5.656854150e+00, v23;
	[tilespmem:s28+$0xFFFFFFB0] =	vst v30;
	v28 =	vor.u32 v3, v17  }
0x1ba: {  	v22 =	vld.idx.msk [tilespmem:v22+s14+$0x0], $0xffff;
	[tilespmem:s28+$0x30] =	vst v27;
	v27 =	vor.u32 v3, v18;
	v29 =	vmul.f32 $5.656854150e+00, v29  }
0x1bb: {  	[tilespmem:s28+$0xFFFFFF30] =	vst v23;
	v23 =	vor.u32 v3, v16;
	v30 =	vld.idx.msk [tilespmem:v31+s14+$0x0], $0xffff;
	v25 =	vmul.f32 $5.656854150e+00, v25  }
0x1bc: {  	v13 =	vor.u32 v7, v13;
	v26 =	vmul.f32 $5.656854150e+00, v26;
	v19 =	vld.idx.msk [tilespmem:v19+s14+$0x0], $0xffff;
	[tilespmem:s30+$0xA0] =	vst v29  }
0x1bd: {  	v31 =	vor.u32 v4, v9;
	[tilespmem:s30+$0xFFFFFFA0] =	vst v25;
	v20 =	vmul.f32 $5.656854150e+00, v20;
	v24 =	vld.idx.msk [tilespmem:v24+s14+$0x0], $0xffff  }
0x1be: {  	v14 =	vmul.f32 $5.656854150e+00, v14;
	v25 =	vor.u32 v5, v15;
	v28 =	vld.idx.msk [tilespmem:v28+s14+$0x0], $0xffff;
	[tilespmem:s30+$0x20] =	vst v26  }
0x1bf: {  	v26 =	vor.u32 v5, v10;
	[tilespmem:s30+$0xFFFFFF20] =	vst v20;
	v22 =	vmul.f32 $5.656854150e+00, v22;
	v20 =	vld.idx.msk [tilespmem:v27+s14+$0x0], $0xffff  }
0x1c0: {  	[tilespmem:s25+$0xF0] =	vst v14;
	v14 =	vmul.f32 $5.656854150e+00, v30;
	v23 =	vld.idx.msk [tilespmem:v23+s14+$0x0], $0xffff;
	v27 =	vor.u32 v4, v21  }
0x1c1: {  	v13 =	vld.idx.msk [tilespmem:v13+s14+$0x0], $0xffff;
	v19 =	vmul.f32 $5.656854150e+00, v19;
	[tilespmem:s28+$0xC0] =	vst v22;
	v22 =	vor.u32 v4, v17  }
0x1c2: {  	[tilespmem:s28+$0xFFFFFFC0] =	vst v14;
	v14 =	vor.u32 v4, v18;
	v29 =	vld.idx.msk [tilespmem:v31+s14+$0x0], $0xffff;
	v24 =	vmul.f32 $5.656854150e+00, v24  }
0x1c3: {  	v28 =	vmul.f32 $5.656854150e+00, v28;
	v25 =	vld.idx.msk [tilespmem:v25+s14+$0x0], $0xffff;
	[tilespmem:s28+$0x40] =	vst v19;
	v19 =	vor.u32 v4, v16  }
0x1c4: {  	v30 =	vor.u32 v5, v12;
	v26 =	vld.idx.msk [tilespmem:v26+s14+$0x0], $0xffff;
	v20 =	vmul.f32 $5.656854150e+00, v20;
	[tilespmem:s30+$0xB0] =	vst v24  }
0x1c5: {  	[tilespmem:s30+$0xFFFFFFB0] =	vst v28;
	v23 =	vmul.f32 $5.656854150e+00, v23;
	v24 =	vor.u32 v5, v9;
	v27 =	vld.idx.msk [tilespmem:v27+s14+$0x0], $0xffff  }
0x1c6: {  	v11 =	vor.u32 v7, v11;
	v13 =	vmul.f32 $5.656854150e+00, v13;
	v22 =	vld.idx.msk [tilespmem:v22+s14+$0x0], $0xffff;
	[tilespmem:s30+$0x30] =	vst v20  }
0x1c7: {  	[tilespmem:s30+$0xFFFFFF30] =	vst v23;
	v28 =	vmul.f32 $5.656854150e+00, v29;
	v20 =	vor.u32 v6, v15;
	v14 =	vld.idx.msk [tilespmem:v14+s14+$0x0], $0xffff  }
0x1c8: {  	[tilespmem:s25+$0xFFFFFFF0] =	vst v13;
	v23 =	vmul.f32 $5.656854150e+00, v25;
	v19 =	vld.idx.msk [tilespmem:v19+s14+$0x0], $0xffff;
	v25 =	vor.u32 v5, v21  }
0x1c9: {  	v13 =	vmul.f32 $5.656854150e+00, v26;
	v26 =	vor.u32 v5, v17;
	[tilespmem:s28+$0xFFFFFF40] =	vst v28;
	v28 =	vld.idx.msk [tilespmem:v30+s14+$0x0], $0xffff  }
0x1ca: {  	[tilespmem:s28+$0xD0] =	vst v23;
	v23 =	vor.u32 v5, v18;
	v24 =	vld.idx.msk [tilespmem:v24+s14+$0x0], $0xffff;
	v27 =	vmul.f32 $5.656854150e+00, v27  }
0x1cb: {  	v11 =	vld.idx.msk [tilespmem:v11+s14+$0x0], $0xffff;
	[tilespmem:s28+$0xFFFFFFD0] =	vst v13;
	v13 =	vor.u32 v5, v16;
	v22 =	vmul.f32 $5.656854150e+00, v22  }
0x1cc: {  	v29 =	vor.u32 v6, v10;
	v20 =	vld.idx.msk [tilespmem:v20+s14+$0x0], $0xffff;
	v14 =	vmul.f32 $5.656854150e+00, v14;
	[tilespmem:s30+$0xC0] =	vst v27  }
0x1cd: {  	v19 =	vmul.f32 $5.656854150e+00, v19;
	v27 =	vor.u32 v6, v12;
	[tilespmem:s30+$0xFFFFFFC0] =	vst v22;
	v22 =	vld.idx.msk [tilespmem:v25+s14+$0x0], $0xffff  }
0x1ce: {  	v28 =	vmul.f32 $5.656854150e+00, v28;
	v25 =	vor.u32 v6, v9;
	v26 =	vld.idx.msk [tilespmem:v26+s14+$0x0], $0xffff;
	[tilespmem:s30+$0x40] =	vst v14  }
0x1cf: {  	v8 =	vor.u32 v7, v8;
	[tilespmem:s30+$0xFFFFFF40] =	vst v19;
	v14 =	vmul.f32 $5.656854150e+00, v24;
	v19 =	vld.idx.msk [tilespmem:v23+s14+$0x0], $0xffff  }
0x1d0: {  	v11 =	vmul.f32 $5.656854150e+00, v11;
	[tilespmem:s28+$0x50] =	vst v28;
	v13 =	vld.idx.msk [tilespmem:v13+s14+$0x0], $0xffff;
	v23 =	vor.u32 v6, v21  }
0x1d1: {  	v24 =	vld.idx.msk [tilespmem:v29+s14+$0x0], $0xffff;
	[tilespmem:s28+$0xFFFFFF50] =	vst v14;
	v14 =	vmul.f32 $5.656854150e+00, v20;
	v20 =	vor.u32 v6, v17  }
0x1d2: {  	[tilespmem:s25+$0x70] =	vst v11;
	v11 =	vor.u32 v6, v18;
	v27 =	vld.idx.msk [tilespmem:v27+s14+$0x0], $0xffff;
	v22 =	vmul.f32 $5.656854150e+00, v22  }
0x1d3: {  	v25 =	vld.idx.msk [tilespmem:v25+s14+$0x0], $0xffff;
	[tilespmem:s28+$0xE0] =	vst v14;
	v14 =	vor.u32 v6, v16;
	v26 =	vmul.f32 $5.656854150e+00, v26  }
0x1d4: {  	v8 =	vld.idx.msk [tilespmem:v8+s14+$0x0], $0xffff;
	v15 =	vor.u32 v7, v15;
	v19 =	vmul.f32 $5.656854150e+00, v19;
	[tilespmem:s30+$0xD0] =	vst v22  }
0x1d5: {  	v10 =	vor.u32 v7, v10;
	v13 =	vmul.f32 $5.656854150e+00, v13;
	[tilespmem:s30+$0xFFFFFFD0] =	vst v26;
	v22 =	vld.idx.msk [tilespmem:v23+s14+$0x0], $0xffff  }
0x1d6: {  	v12 =	vor.u32 v7, v12;
	v23 =	vmul.f32 $5.656854150e+00, v24;
	v20 =	vld.idx.msk [tilespmem:v20+s14+$0x0], $0xffff;
	[tilespmem:s30+$0x50] =	vst v19  }
0x1d7: {  	v9 =	vor.u32 v7, v9;
	[tilespmem:s30+$0xFFFFFF50] =	vst v13;
	v19 =	vmul.f32 $5.656854150e+00, v27;
	v11 =	vld.idx.msk [tilespmem:v11+s14+$0x0], $0xffff  }
0x1d8: {  	v21 =	vor.u32 v7, v21;
	v13 =	vmul.f32 $5.656854150e+00, v25;
	[tilespmem:s28+$0xFFFFFFE0] =	vst v23;
	v14 =	vld.idx.msk [tilespmem:v14+s14+$0x0], $0xffff  }
0x1d9: {  	v8 =	vmul.f32 $5.656854150e+00, v8;
	v17 =	vor.u32 v7, v17;
	v15 =	vld.idx.msk [tilespmem:v15+s14+$0x0], $0xffff;
	[tilespmem:s28+$0x60] =	vst v19  }
0x1da: {  	v18 =	vor.u32 v7, v18;
	v10 =	vld.idx.msk [tilespmem:v10+s14+$0x0], $0xffff;
	[tilespmem:s28+$0xFFFFFF60] =	vst v13;
	v13 =	vmul.f32 $5.656854150e+00, v22  }
0x1db: {  	[tilespmem:s25+$0xFFFFFF70] =	vst v8;
	v16 =	vor.u32 v7, v16;
	v12 =	vld.idx.msk [tilespmem:v12+s14+$0x0], $0xffff;
	v8 =	vmul.f32 $5.656854150e+00, v20  }
0x1dc: {  	v9 =	vld.idx.msk [tilespmem:v9+s14+$0x0], $0xffff;
	v11 =	vmul.f32 $5.656854150e+00, v11;
	[tilespmem:s30+$0xE0] =	vst v13  }
0x1dd: {  	v13 =	vmul.f32 $5.656854150e+00, v14;
	[tilespmem:s30+$0xFFFFFFE0] =	vst v8;
	v8 =	vld.idx.msk [tilespmem:v21+s14+$0x0], $0xffff  }
0x1de: {  	v14 =	vmul.f32 $5.656854150e+00, v15;
	[tilespmem:s30+$0x60] =	vst v11;
	v11 =	vld.idx.msk [tilespmem:v17+s14+$0x0], $0xffff  }
0x1df: {  	v10 =	vmul.f32 $5.656854150e+00, v10;
	[tilespmem:s30+$0xFFFFFF60] =	vst v13;
	v13 =	vld.idx.msk [tilespmem:v18+s14+$0x0], $0xffff  }
0x1e0: {  	[tilespmem:s28+$0xF0] =	vst v14;
	v12 =	vmul.f32 $5.656854150e+00, v12;
	v14 =	vld.idx.msk [tilespmem:v16+s14+$0x0], $0xffff  }
0x1e1: {  	v9 =	vmul.f32 $5.656854150e+00, v9;
	[tilespmem:s28+$0xFFFFFFF0] =	vst v10  }
0x1e2: {  	s24 =	sadd.s32 s24, s5;
	[tilespmem:s28+$0x70] =	vst v12;
	v8 =	vmul.f32 $5.656854150e+00, v8  }
0x1e3: {  	s1 =	sadd.s32 $0x1, s24;
	[tilespmem:s28+$0xFFFFFF70] =	vst v9;
	v9 =	vmul.f32 $5.656854150e+00, v11  }
0x1e4: {  	s26 =	sshll.u32 s1, $0x9;
	s1 =	sshll.u32 s1, $0x7;
	[tilespmem:s30+$0xF0] =	vst v8;
	v8 =	vmul.f32 $5.656854150e+00, v13  }
0x1e5: {  	s1 =	sand.u32 $0x3E80, s1;
	s25 =	sand.u32 $0xFFF0000, s26;
	v10 =	vmul.f32 $5.656854150e+00, v14;
	[tilespmem:s30+$0xFFFFFFF0] =	vst v9  }
0x1e6: {  	s1 =	sor.u32 s1, s25;
	[tilespmem:s30+$0x70] =	vst v8  }
0x1e7: {  	s26 =	simm.s32 $0xB400;
	s25 =	sadd.s32 s2, s1;
	[tilespmem:s30+$0xFFFFFF70] =	vst v10  }
0x1e8: {  	[hbm4b:s25+s3] =	stream.linear.scatter [tilespmem:s26], [sflag:$0x6], $0x400, $0x38;
	[tilespmem:$0xE400] =	vst v63  }
0x1e9: {  	s25 =	sadd.s32 s1, s7;
	s26 =	simm.s32 $0xB800  }
0x1ea: {  	[hbm4b:s25+s3] =	stream.linear.scatter [tilespmem:s26], [sflag:$0x6], $0x400, $0x38;
	[tilespmem:$0xE400] =	vst v63  }
0x1eb: {  	s25 =	sadd.s32 s1, s8;
	s26 =	simm.s32 $0xBC00  }
0x1ec: {  	[hbm4b:s25+s3] =	stream.linear.scatter [tilespmem:s26], [sflag:$0x6], $0x400, $0x38;
	[tilespmem:$0xE400] =	vst v63  }
0x1ed: {  	p0 =	seq.s32 s20, $0x31;
	s1 =	sadd.s32 s1, s9;
	s26 =	simm.s32 $0xC000  }
0x1ee: {  	[hbm4b:s1+s3] =	stream.linear.scatter [tilespmem:s26], [sflag:$0x6], $0x400, $0x38;
	[tilespmem:$0xE400] =	vst v63  }
0x1ef: {  	s1 =	simm.s32 @!p0 $0x5  }
0x1f0: {  	_ =	swait.ge @!p0 [sflag:s1], $0x400  }
0x1f1: {  	[sflag:s1] =	ssyncset.done @!p0 $0x0  }
0x1f2: {  	[sflag:s1] =	ssyncadd.s32 @!p0 $0xFFFFFC00  }
0x1f3: {  	_ =	swait.ge @!p0 [sflag:s1], $0x400  }
0x1f4: {  	[sflag:s1] =	ssyncset.done @!p0 $0x0  }
0x1f5: {  	[sflag:s1] =	ssyncadd.s32 @!p0 $0xFFFFFC00  }
0x1f6: {  	s25 =	simm.s32 $0x3;
	_ =	swait.ge @!p0 [sflag:s1], $0x400  }
0x1f7: {  	v8 =	vmov s25;
	s26 =	simm.s32 $0x1;
	[sflag:s1] =	ssyncset.done @!p0 $0x0  }
0x1f8: {  	s25 =	simm.s32 $0x2;
	v8 =	vand.u32 $0x1F, v8;
	v9 =	vmov s26;
	[sflag:s1] =	ssyncadd.s32 @!p0 $0xFFFFFC00  }
0x1f9: {  	s28 =	simm.s32 $0x0;
	v10 =	vmov s25;
	s26 =	sshll.u32 @!p0 s20, $0x9;
	v19 =	vbroadcast v8, $0x0;
	v9 =	vand.u32 $0x1D, v9;
	_ =	swait.ge @!p0 [sflag:s1], $0x400  }
0x1fa: {  	v8 =	vmov s28;
	s28 =	simm.s32 @!p0 $0x6400;
	s25 =	sand.u32 @!p0 $0x3FFFFE00, s26;
	v16 =	vbroadcast v9, $0x0;
	v9 =	vand.u32 $0x1E, v10;
	[sflag:s1] =	ssyncset.done @!p0 $0x0  }
0x1fb: {  	s26 =	simm.s32 @!p0 $0x80;
	v8 =	vand.u32 $0x1C, v8;
	v18 =	vbroadcast v9, $0x0;
	v9 =	vor.u32 v0, v19;
	[sflag:s1] =	ssyncadd.s32 @!p0 $0xFFFFFC00;
	s1 =	sadd.s32 @!p0 $0x200, s25  }
0x1fc: {  	v17 =	vbroadcast v8, $0x0;
	v8 =	vor.u32 v0, v16;
	[tilespmem:s28], [sflag:$0x1] =	stream.indirect.gather @!p0 [hbm4b:s4+s26], $0x20, s1, s26, $0xb8;
	[tilespmem:$0xE400] =	vst v63  }
0x1fd: {  	v10 =	vor.u32 v0, v18;
	_ =	swait.ge [sflag:s29], $0x1000  }
0x1fe: {  	v11 =	vor.u32 v0, v17;
	[sflag:s29] =	ssyncset.done $0x0  }
0x1ff: {  	[sflag:s29] =	ssyncadd.s32 $0xFFFFF000  }
0x200: {  	v9 =	vld.idx.msk [tilespmem:v9+s16+$0x0], $0xffff  }
0x201: {  	v8 =	vld.idx.msk [tilespmem:v8+s16+$0x0], $0xffff  }
0x202: {  	v10 =	vld.idx.msk [tilespmem:v10+s16+$0x0], $0xffff  }
0x203: {  	v12 =	vor.u32 v1, v19;
	v11 =	vld.idx.msk [tilespmem:v11+s16+$0x0], $0xffff  }
0x204: {  	v13 =	vor.u32 v1, v16  }
0x205: {  	v14 =	vor.u32 v1, v18;
	v9 =	vmul.f32 $5.656854150e+00, v9  }
0x206: {  	v15 =	vor.u32 v1, v17;
	s28 =	simm.s32 $0xC500;
	v8 =	vmul.f32 $5.656854150e+00, v8  }
0x207: {  	v10 =	vmul.f32 $5.656854150e+00, v10;
	[tilespmem:s28+$0x80] =	vst v9  }
0x208: {  	v9 =	vmul.f32 $5.656854150e+00, v11;
	[tilespmem:s28+$0xFFFFFF80] =	vst v8;
	v8 =	vld.idx.msk [tilespmem:v12+s16+$0x0], $0xffff  }
0x209: {  	[tilespmem:s28+$0x0] =	vst v10;
	v11 =	vld.idx.msk [tilespmem:v13+s16+$0x0], $0xffff  }
0x20a: {  	[tilespmem:s28+$0xFFFFFF00] =	vst v9;
	v9 =	vld.idx.msk [tilespmem:v14+s16+$0x0], $0xffff  }
0x20b: {  	v12 =	vor.u32 v2, v19;
	v10 =	vld.idx.msk [tilespmem:v15+s16+$0x0], $0xffff  }
0x20c: {  	v13 =	vor.u32 v2, v16  }
0x20d: {  	v14 =	vor.u32 v2, v18;
	v8 =	vmul.f32 $5.656854150e+00, v8  }
0x20e: {  	v15 =	vor.u32 v2, v17;
	v11 =	vmul.f32 $5.656854150e+00, v11  }
0x20f: {  	v9 =	vmul.f32 $5.656854150e+00, v9;
	[tilespmem:s28+$0x90] =	vst v8  }
0x210: {  	v10 =	vmul.f32 $5.656854150e+00, v10;
	[tilespmem:s28+$0xFFFFFF90] =	vst v11;
	v11 =	vld.idx.msk [tilespmem:v12+s16+$0x0], $0xffff  }
0x211: {  	v21 =	vor.u32 v3, v19;
	s26 =	simm.s32 $0x4;
	v12 =	vld.idx.msk [tilespmem:v13+s16+$0x0], $0xffff;
	[tilespmem:s28+$0x10] =	vst v9  }
0x212: {  	v23 =	vor.u32 v3, v16;
	v25 =	vor.u32 v3, v17;
	v20 =	vmov s26;
	s26 =	simm.s32 $0x5;
	[tilespmem:s28+$0xFFFFFF10] =	vst v10;
	v10 =	vld.idx.msk [tilespmem:v14+s16+$0x0], $0xffff  }
0x213: {  	v24 =	vor.u32 v3, v18;
	s1 =	simm.s32 $0x6;
	v8 =	vand.u32 $0x1C, v20;
	v9 =	vmov s26;
	s26 =	simm.s32 $0x7;
	v15 =	vld.idx.msk [tilespmem:v15+s16+$0x0], $0xffff  }
0x214: {  	v22 =	vmov s1;
	v8 =	vbroadcast v8, $0x0;
	v13 =	vmov s26  }
0x215: {  	v9 =	vand.u32 $0x1D, v9;
	v13 =	vand.u32 $0x1F, v13;
	v11 =	vmul.f32 $5.656854150e+00, v11  }
0x216: {  	v20 =	vor.u32 v0, v8;
	v14 =	vbroadcast v13, $0x0;
	v12 =	vmul.f32 $5.656854150e+00, v12  }
0x217: {  	v13 =	vbroadcast v9, $0x0;
	v9 =	vand.u32 $0x1E, v22;
	v10 =	vmul.f32 $5.656854150e+00, v10;
	[tilespmem:s28+$0xA0] =	vst v11  }
0x218: {  	v11 =	vbroadcast v9, $0x0;
	v9 =	vor.u32 v0, v14;
	v15 =	vmul.f32 $5.656854150e+00, v15;
	[tilespmem:s28+$0xFFFFFFA0] =	vst v12;
	v12 =	vld.idx.msk [tilespmem:v21+s16+$0x0], $0xffff  }
0x219: {  	v21 =	vor.u32 v0, v13;
	v22 =	vld.idx.msk [tilespmem:v23+s16+$0x0], $0xffff;
	[tilespmem:s28+$0x20] =	vst v10  }
0x21a: {  	s26 =	simm.s32 $0x8;
	v10 =	vor.u32 v0, v11;
	[tilespmem:s28+$0xFFFFFF20] =	vst v15;
	v15 =	vld.idx.msk [tilespmem:v24+s16+$0x0], $0xffff  }
0x21b: {  	v24 =	vmov s26;
	v23 =	vld.idx.msk [tilespmem:v25+s16+$0x0], $0xffff;
	v25 =	vor.u32 v4, v19  }
0x21c: {  	v26 =	vld.idx.msk [tilespmem:v20+s16+$0x0], $0xffff;
	v20 =	vand.u32 $0x1C, v24;
	v24 =	vor.u32 v4, v16  }
0x21d: {  	v27 =	vld.idx.msk [tilespmem:v9+s16+$0x0], $0xffff;
	v9 =	vbroadcast v20, $0x0;
	v20 =	vor.u32 v4, v18;
	v12 =	vmul.f32 $5.656854150e+00, v12  }
0x21e: {  	v28 =	vor.u32 v4, v17;
	v21 =	vld.idx.msk [tilespmem:v21+s16+$0x0], $0xffff;
	v22 =	vmul.f32 $5.656854150e+00, v22  }
0x21f: {  	v10 =	vld.idx.msk [tilespmem:v10+s16+$0x0], $0xffff;
	v29 =	vor.u32 v0, v9;
	v15 =	vmul.f32 $5.656854150e+00, v15;
	[tilespmem:s28+$0xB0] =	vst v12  }
0x220: {  	v30 =	vor.u32 v1, v8;
	v23 =	vmul.f32 $5.656854150e+00, v23;
	[tilespmem:s28+$0xFFFFFFB0] =	vst v22;
	v22 =	vld.idx.msk [tilespmem:v25+s16+$0x0], $0xffff  }
0x221: {  	v26 =	vmul.f32 $5.656854150e+00, v26;
	v12 =	vor.u32 v1, v14;
	v24 =	vld.idx.msk [tilespmem:v24+s16+$0x0], $0xffff;
	[tilespmem:s28+$0x30] =	vst v15  }
0x222: {  	s26 =	simm.s32 $0xC700;
	v25 =	vor.u32 v1, v13;
	v27 =	vmul.f32 $5.656854150e+00, v27;
	[tilespmem:s28+$0xFFFFFF30] =	vst v23;
	v23 =	vld.idx.msk [tilespmem:v20+s16+$0x0], $0xffff  }
0x223: {  	s1 =	simm.s32 $0x9;
	[tilespmem:s26+$0xFFFFFF00] =	vst v26;
	v15 =	vor.u32 v1, v11;
	v21 =	vmul.f32 $5.656854150e+00, v21;
	v28 =	vld.idx.msk [tilespmem:v28+s16+$0x0], $0xffff  }
0x224: {  	v31 =	vmov s1;
	v20 =	vld.idx.msk [tilespmem:v29+s16+$0x0], $0xffff;
	v29 =	vmul.f32 $5.656854150e+00, v10;
	[tilespmem:s26+$0x80] =	vst v27;
	v27 =	vor.u32 v5, v19  }
0x225: {  	v30 =	vld.idx.msk [tilespmem:v30+s16+$0x0], $0xffff;
	v10 =	vand.u32 $0x1D, v31;
	[tilespmem:s26+$0xFFFFFF80] =	vst v21;
	v21 =	vor.u32 v5, v16  }
0x226: {  	v12 =	vld.idx.msk [tilespmem:v12+s16+$0x0], $0xffff;
	v10 =	vbroadcast v10, $0x0;
	[tilespmem:s26+$0x0] =	vst v29;
	v29 =	vor.u32 v5, v18;
	v22 =	vmul.f32 $5.656854150e+00, v22  }
0x227: {  	v26 =	vor.u32 v5, v17;
	v25 =	vld.idx.msk [tilespmem:v25+s16+$0x0], $0xffff;
	v24 =	vmul.f32 $5.656854150e+00, v24  }
0x228: {  	v15 =	vld.idx.msk [tilespmem:v15+s16+$0x0], $0xffff;
	v31 =	vor.u32 v0, v10;
	v23 =	vmul.f32 $5.656854150e+00, v23;
	[tilespmem:s28+$0xC0] =	vst v22  }
0x229: {  	v22 =	vor.u32 v2, v14;
	v28 =	vmul.f32 $5.656854150e+00, v28;
	[tilespmem:s28+$0xFFFFFFC0] =	vst v24;
	v24 =	vld.idx.msk [tilespmem:v27+s16+$0x0], $0xffff  }
0x22a: {  	v27 =	vor.u32 v2, v13;
	[tilespmem:s28+$0x40] =	vst v23;
	v21 =	vld.idx.msk [tilespmem:v21+s16+$0x0], $0xffff  }
0x22b: {  	v23 =	vor.u32 v2, v11;
	v12 =	vmul.f32 $5.656854150e+00, v12;
	[tilespmem:s28+$0xFFFFFF40] =	vst v28;
	v28 =	vld.idx.msk [tilespmem:v29+s16+$0x0], $0xffff  }
0x22c: {  	s1 =	simm.s32 $0xA;
	v29 =	vor.u32 v2, v8;
	v25 =	vmul.f32 $5.656854150e+00, v25;
	v26 =	vld.idx.msk [tilespmem:v26+s16+$0x0], $0xffff  }
0x22d: {  	v50 =	vor.u32 v6, v19;
	v49 =	vmov s1;
	v31 =	vld.idx.msk [tilespmem:v31+s16+$0x0], $0xffff;
	v15 =	vmul.f32 $5.656854150e+00, v15;
	[tilespmem:s26+$0x90] =	vst v12  }
0x22e: {  	v30 =	vmul.f32 $5.656854150e+00, v30;
	v12 =	vand.u32 $0x1E, v49;
	[tilespmem:s26+$0xFFFFFF90] =	vst v25;
	v22 =	vld.idx.msk [tilespmem:v22+s16+$0x0], $0xffff;
	v25 =	vor.u32 v6, v16  }
0x22f: {  	v12 =	vbroadcast v12, $0x0;
	v27 =	vld.idx.msk [tilespmem:v27+s16+$0x0], $0xffff;
	[tilespmem:s26+$0x10] =	vst v15;
	v15 =	vor.u32 v6, v18;
	v24 =	vmul.f32 $5.656854150e+00, v24  }
0x230: {  	[tilespmem:s26+$0xFFFFFF10] =	vst v30;
	v30 =	vor.u32 v6, v17;
	v23 =	vld.idx.msk [tilespmem:v23+s16+$0x0], $0xffff;
	v21 =	vmul.f32 $5.656854150e+00, v21  }
0x231: {  	v51 =	vor.u32 v0, v12;
	v29 =	vld.idx.msk [tilespmem:v29+s16+$0x0], $0xffff;
	v28 =	vmul.f32 $5.656854150e+00, v28;
	[tilespmem:s28+$0xD0] =	vst v24  }
0x232: {  	s1 =	simm.s32 $0xB;
	v24 =	vor.u32 v3, v14;
	v26 =	vmul.f32 $5.656854150e+00, v26;
	[tilespmem:s28+$0xFFFFFFD0] =	vst v21;
	v21 =	vld.idx.msk [tilespmem:v50+s16+$0x0], $0xffff  }
0x233: {  	v52 =	vmov s1;
	v53 =	vor.u32 v3, v13;
	v25 =	vld.idx.msk [tilespmem:v25+s16+$0x0], $0xffff;
	[tilespmem:s28+$0x50] =	vst v28  }
0x234: {  	v54 =	vor.u32 v3, v11;
	v28 =	vand.u32 $0x1F, v52;
	v22 =	vmul.f32 $5.656854150e+00, v22;
	[tilespmem:s28+$0xFFFFFF50] =	vst v26;
	v26 =	vld.idx.msk [tilespmem:v15+s16+$0x0], $0xffff  }
0x235: {  	v15 =	vbroadcast v28, $0x0;
	v28 =	vor.u32 v3, v8;
	v27 =	vmul.f32 $5.656854150e+00, v27;
	v30 =	vld.idx.msk [tilespmem:v30+s16+$0x0], $0xffff  }
0x236: {  	v19 =	vor.u32 v7, v19;
	v32 =	vld.idx.msk [tilespmem:v51+s16+$0x0], $0xffff;
	v23 =	vmul.f32 $5.656854150e+00, v23;
	[tilespmem:s26+$0xA0] =	vst v22  }
0x237: {  	v22 =	vor.u32 v0, v15;
	v29 =	vmul.f32 $5.656854150e+00, v29;
	[tilespmem:s26+$0xFFFFFFA0] =	vst v27;
	v24 =	vld.idx.msk [tilespmem:v24+s16+$0x0], $0xffff  }
0x238: {  	v27 =	vld.idx.msk [tilespmem:v53+s16+$0x0], $0xffff;
	[tilespmem:s26+$0x20] =	vst v23;
	v23 =	vor.u32 v7, v16;
	v16 =	vmul.f32 $5.656854150e+00, v21  }
0x239: {  	v18 =	vor.u32 v7, v18;
	[tilespmem:s26+$0xFFFFFF20] =	vst v29;
	v21 =	vld.idx.msk [tilespmem:v54+s16+$0x0], $0xffff  }
0x23a: {  	s1 =	simm.s32 $0xC;
	v17 =	vor.u32 v7, v17;
	v25 =	vmul.f32 $5.656854150e+00, v25;
	v28 =	vld.idx.msk [tilespmem:v28+s16+$0x0], $0xffff;
	[tilespmem:s28+$0xE0] =	vst v16  }
0x23b: {  	v29 =	vor.u32 v4, v14;
	v16 =	vmul.f32 $5.656854150e+00, v26;
	v26 =	vmov s1;
	v19 =	vld.idx.msk [tilespmem:v19+s16+$0x0], $0xffff  }
0x23c: {  	v30 =	vmul.f32 $5.656854150e+00, v30;
	[tilespmem:s28+$0xFFFFFFE0] =	vst v25;
	v25 =	vand.u32 $0x1C, v26;
	v26 =	vor.u32 v4, v13;
	v22 =	vld.idx.msk [tilespmem:v22+s16+$0x0], $0xffff  }
0x23d: {  	[tilespmem:s28+$0x60] =	vst v16;
	v16 =	vbroadcast v25, $0x0;
	v25 =	vor.u32 v4, v11;
	v24 =	vmul.f32 $5.656854150e+00, v24;
	v23 =	vld.idx.msk [tilespmem:v23+s16+$0x0], $0xffff  }
0x23e: {  	[tilespmem:s28+$0xFFFFFF60] =	vst v30;
	v30 =	vor.u32 v4, v8;
	v27 =	vmul.f32 $5.656854150e+00, v27;
	v18 =	vld.idx.msk [tilespmem:v18+s16+$0x0], $0xffff  }
0x23f: {  	v55 =	vor.u32 v0, v16;
	v21 =	vmul.f32 $5.656854150e+00, v21;
	[tilespmem:s26+$0xB0] =	vst v24;
	v24 =	vld.idx.msk [tilespmem:v17+s16+$0x0], $0xffff  }
0x240: {  	v17 =	vor.u32 v1, v15;
	v28 =	vmul.f32 $5.656854150e+00, v28;
	[tilespmem:s26+$0xFFFFFFB0] =	vst v27;
	v27 =	vld.idx.msk [tilespmem:v29+s16+$0x0], $0xffff  }
0x241: {  	v29 =	vor.u32 v1, v10;
	v26 =	vld.idx.msk [tilespmem:v26+s16+$0x0], $0xffff;
	[tilespmem:s26+$0x30] =	vst v21;
	v19 =	vmul.f32 $5.656854150e+00, v19  }
0x242: {  	v21 =	vor.u32 v1, v12;
	v22 =	vmul.f32 $5.656854150e+00, v22;
	[tilespmem:s26+$0xFFFFFF30] =	vst v28;
	v25 =	vld.idx.msk [tilespmem:v25+s16+$0x0], $0xffff  }
0x243: {  	s30 =	simm.s32 $0xC900;
	v31 =	vmul.f32 $5.656854150e+00, v31;
	s1 =	simm.s32 $0xD;
	v28 =	vor.u32 v1, v9;
	v30 =	vld.idx.msk [tilespmem:v30+s16+$0x0], $0xffff;
	[tilespmem:s28+$0xF0] =	vst v19  }
0x244: {  	v56 =	vmov s1;
	v32 =	vmul.f32 $5.656854150e+00, v32;
	v19 =	vld.idx.msk [tilespmem:v55+s16+$0x0], $0xffff;
	[tilespmem:s30+$0x80] =	vst v22;
	v22 =	vor.u32 v5, v14  }
0x245: {  	v58 =	vor.u32 v5, v13;
	v20 =	vmul.f32 $5.656854150e+00, v20;
	[tilespmem:s30+$0xFFFFFF80] =	vst v31;
	v57 =	vand.u32 $0x1D, v56;
	v31 =	vld.idx.msk [tilespmem:v17+s16+$0x0], $0xffff  }
0x246: {  	v59 =	vor.u32 v5, v11;
	[tilespmem:s30+$0x0] =	vst v32;
	v17 =	vbroadcast v57, $0x0;
	v29 =	vld.idx.msk [tilespmem:v29+s16+$0x0], $0xffff;
	v27 =	vmul.f32 $5.656854150e+00, v27  }
0x247: {  	[tilespmem:s30+$0xFFFFFF00] =	vst v20;
	v20 =	vld.idx.msk [tilespmem:v21+s16+$0x0], $0xffff;
	v21 =	vor.u32 v5, v8;
	v26 =	vmul.f32 $5.656854150e+00, v26  }
0x248: {  	v33 =	vor.u32 v0, v17;
	v28 =	vld.idx.msk [tilespmem:v28+s16+$0x0], $0xffff;
	v25 =	vmul.f32 $5.656854150e+00, v25;
	[tilespmem:s26+$0xC0] =	vst v27  }
0x249: {  	v27 =	vor.u32 v2, v15;
	v30 =	vmul.f32 $5.656854150e+00, v30;
	[tilespmem:s26+$0xFFFFFFC0] =	vst v26;
	v26 =	vld.idx.msk [tilespmem:v22+s16+$0x0], $0xffff  }
0x24a: {  	v60 =	vor.u32 v2, v10;
	v22 =	vmul.f32 $5.656854150e+00, v23;
	v34 =	vld.idx.msk [tilespmem:v58+s16+$0x0], $0xffff;
	[tilespmem:s26+$0x40] =	vst v25  }
0x24b: {  	v61 =	vor.u32 v2, v12;
	v23 =	vmul.f32 $5.656854150e+00, v31;
	[tilespmem:s26+$0xFFFFFF40] =	vst v30;
	v32 =	vld.idx.msk [tilespmem:v59+s16+$0x0], $0xffff  }
0x24c: {  	v37 =	vor.u32 v6, v14;
	s1 =	simm.s32 $0xE;
	v31 =	vor.u32 v2, v9;
	v25 =	vmul.f32 $5.656854150e+00, v29;
	v21 =	vld.idx.msk [tilespmem:v21+s16+$0x0], $0xffff;
	[tilespmem:s28+$0xFFFFFFF0] =	vst v22  }
0x24d: {  	v29 =	vmov s1;
	v20 =	vmul.f32 $5.656854150e+00, v20;
	v22 =	vld.idx.msk [tilespmem:v33+s16+$0x0], $0xffff;
	[tilespmem:s30+$0x90] =	vst v23;
	v23 =	vmul.f32 $5.656854150e+00, v18  }
0x24e: {  	v18 =	vand.u32 $0x1E, v29;
	v30 =	vmul.f32 $5.656854150e+00, v28;
	[tilespmem:s30+$0xFFFFFF90] =	vst v25;
	v28 =	vor.u32 v6, v13;
	v29 =	vld.idx.msk [tilespmem:v27+s16+$0x0], $0xffff  }
0x24f: {  	v25 =	vor.u32 v6, v11;
	v18 =	vbroadcast v18, $0x0;
	v27 =	vld.idx.msk [tilespmem:v60+s16+$0x0], $0xffff;
	[tilespmem:s30+$0x10] =	vst v20;
	v62 =	vmul.f32 $5.656854150e+00, v26  }
0x250: {  	[tilespmem:s30+$0xFFFFFF10] =	vst v30;
	v30 =	vld.idx.msk [tilespmem:v61+s16+$0x0], $0xffff;
	v63 =	vmul.f32 $5.656854150e+00, v34;
	v26 =	vor.u32 v6, v8  }
0x251: {  	v33 =	vor.u32 v0, v18;
	v31 =	vld.idx.msk [tilespmem:v31+s16+$0x0], $0xffff;
	v34 =	vmul.f32 $5.656854150e+00, v32;
	[tilespmem:s26+$0xD0] =	vst v62  }
0x252: {  	s31 =	simm.s32 $0x10;
	s1 =	simm.s32 $0xF;
	v20 =	vmul.f32 $5.656854150e+00, v24;
	v24 =	vor.u32 v3, v15;
	v35 =	vmul.f32 $5.656854150e+00, v21;
	[tilespmem:s26+$0xFFFFFFD0] =	vst v63;
	v32 =	vld.idx.msk [tilespmem:v37+s16+$0x0], $0xffff  }
.LBB2_7:
0x253: {  	p1 =	slt.u32 s31, $0x1C;
	v21 =	vmov s1;
	v36 =	vor.u32 v3, v10;
	v28 =	vld.idx.msk [tilespmem:v28+s16+$0x0], $0xffff;
	[tilespmem:s26+$0x50] =	vst v34  }
0x254: {  	v34 =	vor.u32 v3, v12;
	v29 =	vmul.f32 $5.656854150e+00, v29;
	v21 =	vand.u32 $0x1F, v21;
	[tilespmem:s26+$0xFFFFFF50] =	vst v35;
	v25 =	vld.idx.msk [tilespmem:v25+s16+$0x0], $0xffff  }
0x255: {  	v35 =	vor.u32 v3, v9;
	v27 =	vmul.f32 $5.656854150e+00, v27;
	v21 =	vbroadcast v21, $0x0;
	v26 =	vld.idx.msk [tilespmem:v26+s16+$0x0], $0xffff;
	[tilespmem:s28+$0x70] =	vst v23  }
0x256: {  	v30 =	vmul.f32 $5.656854150e+00, v30;
	v23 =	vld.idx.msk [tilespmem:v33+s16+$0x0], $0xffff;
	[tilespmem:s30+$0xA0] =	vst v29;
	v29 =	vor.u32 v7, v14;
	v14 =	vmov v15  }
0x257: {  	v31 =	vmul.f32 $5.656854150e+00, v31;
	v33 =	vor.u32 v0, v21;
	[tilespmem:s30+$0xFFFFFFA0] =	vst v27;
	v24 =	vld.idx.msk [tilespmem:v24+s16+$0x0], $0xffff;
	v15 =	vmov v21  }
0x258: {  	v27 =	vor.u32 v7, v13;
	v13 =	vmovc v10;
	v10 =	vmov v17;
	v21 =	vld.idx.msk [tilespmem:v36+s16+$0x0], $0xffff;
	[tilespmem:s30+$0x20] =	vst v30;
	v30 =	vmul.f32 $5.656854150e+00, v32  }
0x259: {  	v28 =	vmul.f32 $5.656854150e+00, v28;
	[tilespmem:s30+$0xFFFFFF20] =	vst v31;
	v17 =	vld.idx.msk [tilespmem:v34+s16+$0x0], $0xffff;
	v31 =	vor.u32 v7, v11;
	v11 =	vmovc v12;
	v12 =	vmov v18  }
0x25a: {  	v32 =	vor.u32 v7, v8;
	v8 =	vmovc v9;
	v9 =	vmov v16;
	v25 =	vmul.f32 $5.656854150e+00, v25;
	v18 =	vld.idx.msk [tilespmem:v35+s16+$0x0], $0xffff;
	[tilespmem:s26+$0xE0] =	vst v30  }
0x25b: {  	v16 =	vmov s31;
	v30 =	vor.u32 v4, v14;
	v26 =	vmul.f32 $5.656854150e+00, v26;
	[tilespmem:s26+$0xFFFFFFE0] =	vst v28;
	v28 =	vld.idx.msk [tilespmem:v29+s16+$0x0], $0xffff  }
0x25c: {  	v16 =	vand.u32 $0x1C, v16;
	v29 =	vld.idx.msk [tilespmem:v33+s16+$0x0], $0xffff;
	v33 =	vor.u32 v4, v13;
	[tilespmem:s26+$0x60] =	vst v25  }
0x25d: {  	v16 =	vbroadcast v16, $0x0;
	v25 =	vor.u32 v4, v11;
	v24 =	vmul.f32 $5.656854150e+00, v24;
	[tilespmem:s26+$0xFFFFFF60] =	vst v26;
	v26 =	vld.idx.msk [tilespmem:v27+s16+$0x0], $0xffff  }
0x25e: {  	v27 =	vor.u32 v4, v8;
	v21 =	vmul.f32 $5.656854150e+00, v21;
	v31 =	vld.idx.msk [tilespmem:v31+s16+$0x0], $0xffff;
	[tilespmem:s28+$0xFFFFFF70] =	vst v20;
	s28 =	smov.u32 s26;
	s26 =	smov.u32 s30  }
0x25f: {  	v20 =	vor.u32 v0, v16;
	v17 =	vmul.f32 $5.656854150e+00, v17;
	[tilespmem:s30+$0xB0] =	vst v24;
	v24 =	vld.idx.msk [tilespmem:v32+s16+$0x0], $0xffff  }
0x260: {  	s1 =	sadd.s32 $0x1, s31;
	v32 =	vor.u32 v1, v15;
	v18 =	vmul.f32 $5.656854150e+00, v18;
	[tilespmem:s30+$0xFFFFFFB0] =	vst v21;
	v21 =	vld.idx.msk [tilespmem:v30+s16+$0x0], $0xffff  }
0x261: {  	v34 =	vor.u32 v1, v10;
	v30 =	vmov s1;
	v33 =	vld.idx.msk [tilespmem:v33+s16+$0x0], $0xffff;
	[tilespmem:s30+$0x30] =	vst v17;
	v17 =	vmul.f32 $5.656854150e+00, v28  }
0x262: {  	v28 =	vand.u32 $0x1D, v30;
	v30 =	vor.u32 v1, v12;
	v29 =	vmul.f32 $5.656854150e+00, v29;
	[tilespmem:s30+$0xFFFFFF30] =	vst v18;
	v18 =	vld.idx.msk [tilespmem:v25+s16+$0x0], $0xffff  }
0x263: {  	v22 =	vmul.f32 $5.656854150e+00, v22;
	v25 =	vor.u32 v1, v9;
	s30 =	sadd.s32 $0x200, s30;
	v26 =	vmul.f32 $5.656854150e+00, v26;
	v27 =	vld.idx.msk [tilespmem:v27+s16+$0x0], $0xffff;
	[tilespmem:s28+$0xF0] =	vst v17  }
0x264: {  	v36 =	vmul.f32 $5.656854150e+00, v23;
	v23 =	vmul.f32 $5.656854150e+00, v31;
	v35 =	vld.idx.msk [tilespmem:v20+s16+$0x0], $0xffff;
	[tilespmem:s30+$0x80] =	vst v29;
	v29 =	vor.u32 v5, v14  }
0x265: {  	v19 =	vmul.f32 $5.656854150e+00, v19;
	v31 =	vor.u32 v5, v13;
	v20 =	vmul.f32 $5.656854150e+00, v24;
	[tilespmem:s30+$0xFFFFFF80] =	vst v22;
	v22 =	vld.idx.msk [tilespmem:v32+s16+$0x0], $0xffff  }
0x266: {  	v17 =	vbroadcast v28, $0x0;
	v28 =	vor.u32 v5, v11;
	v21 =	vmul.f32 $5.656854150e+00, v21;
	v24 =	vld.idx.msk [tilespmem:v34+s16+$0x0], $0xffff;
	[tilespmem:s30+$0x0] =	vst v36  }
0x267: {  	v32 =	vor.u32 v5, v8;
	v37 =	vmul.f32 $5.656854150e+00, v33;
	[tilespmem:s30+$0xFFFFFF00] =	vst v19;
	v30 =	vld.idx.msk [tilespmem:v30+s16+$0x0], $0xffff  }
0x268: {  	v33 =	vor.u32 v0, v17;
	v18 =	vmul.f32 $5.656854150e+00, v18;
	v25 =	vld.idx.msk [tilespmem:v25+s16+$0x0], $0xffff;
	[tilespmem:s26+$0xC0] =	vst v21  }
0x269: {  	v21 =	vor.u32 v2, v15;
	v27 =	vmul.f32 $5.656854150e+00, v27;
	[tilespmem:s26+$0xFFFFFFC0] =	vst v37;
	v34 =	vld.idx.msk [tilespmem:v29+s16+$0x0], $0xffff  }
0x26a: {  	v36 =	vor.u32 v2, v10;
	v19 =	vmov v35;
	v31 =	vld.idx.msk [tilespmem:v31+s16+$0x0], $0xffff;
	[tilespmem:s26+$0x40] =	vst v18  }
0x26b: {  	v35 =	vor.u32 v2, v12;
	v18 =	vmul.f32 $5.656854150e+00, v22;
	[tilespmem:s26+$0xFFFFFF40] =	vst v27;
	v37 =	vld.idx.msk [tilespmem:v28+s16+$0x0], $0xffff  }
0x26c: {  	v38 =	vor.u32 v2, v9;
	s1 =	sadd.s32 $0x2, s31;
	v24 =	vmul.f32 $5.656854150e+00, v24;
	v32 =	vld.idx.msk [tilespmem:v32+s16+$0x0], $0xffff;
	[tilespmem:s28+$0xFFFFFFF0] =	vst v26  }
0x26d: {  	v39 =	vor.u32 v6, v14;
	v26 =	vmov s1;
	v30 =	vmul.f32 $5.656854150e+00, v30;
	v22 =	vld.idx.msk [tilespmem:v33+s16+$0x0], $0xffff;
	[tilespmem:s30+$0x90] =	vst v18  }
.Ltmp4:
0x26e: {  	v28 =	vor.u32 v6, v13;
	v18 =	vand.u32 $0x1E, v26;
	v26 =	vmul.f32 $5.656854150e+00, v25;
	[tilespmem:s30+$0xFFFFFF90] =	vst v24;
	v29 =	vld.idx.msk [tilespmem:v21+s16+$0x0], $0xffff;
	(pc) =	sbr.rel @p1 .LBB2_7-.Ltmp4, $4  }
0x26f: {  	v25 =	vor.u32 v6, v11;
	v18 =	vbroadcast v18, $0x0;
	v21 =	vmul.f32 $5.656854150e+00, v34;
	v27 =	vld.idx.msk [tilespmem:v36+s16+$0x0], $0xffff;
	[tilespmem:s30+$0x10] =	vst v30  }
0x270: {  	v36 =	vmul.f32 $5.656854150e+00, v31;
	[tilespmem:s30+$0xFFFFFF10] =	vst v26;
	v30 =	vld.idx.msk [tilespmem:v35+s16+$0x0], $0xffff;
	v26 =	vor.u32 v6, v8  }
0x271: {  	v33 =	vor.u32 v0, v18;
	v34 =	vmul.f32 $5.656854150e+00, v37;
	v31 =	vld.idx.msk [tilespmem:v38+s16+$0x0], $0xffff;
	[tilespmem:s26+$0xD0] =	vst v21  }
0x272: {  	s1 =	sadd.s32 $0x3, s31;
	s31 =	sadd.s32 $0x4, s31;
	v24 =	vor.u32 v3, v15;
	v35 =	vmul.f32 $5.656854150e+00, v32;
	[tilespmem:s26+$0xFFFFFFD0] =	vst v36;
	v32 =	vld.idx.msk [tilespmem:v39+s16+$0x0], $0xffff  }
0x273: {  	v21 =	vmov s1  }
0x274: {  	v21 =	vand.u32 $0x1F, v21  }
0x275: {  	v21 =	vbroadcast v21, $0x0;
	_ =	sdelay $0x1  }
0x276: {  	v36 =	vor.u32 v0, v21;
	_ =	sdelay $0x3  }
0x277: {  	[tilespmem:s26+$0x50] =	vst v34  }
0x278: {  	v29 =	vmul.f32 $5.656854150e+00, v29;
	[tilespmem:s28+$0x70] =	vst v23;
	v46 =	vld.idx.msk [tilespmem:v36+s16+$0x0], $0xffff  }
0x279: {  	[tilespmem:s26+$0xFFFFFF50] =	vst v35;
	v27 =	vmul.f32 $5.656854150e+00, v27  }
0x27a: {  	v23 =	vld.idx.msk [tilespmem:v33+s16+$0x0], $0xffff;
	v30 =	vmul.f32 $5.656854150e+00, v30;
	[tilespmem:s30+$0xA0] =	vst v29  }
0x27b: {  	v29 =	vmul.f32 $5.656854150e+00, v31;
	[tilespmem:s30+$0xFFFFFFA0] =	vst v27;
	v27 =	vor.u32 v1, v21  }
0x27c: {  	v28 =	vld.idx.msk [tilespmem:v28+s16+$0x0], $0xffff;
	v31 =	vor.u32 v1, v17;
	[tilespmem:s30+$0x20] =	vst v30;
	v30 =	vmul.f32 $5.656854150e+00, v32  }
0x27d: {  	v25 =	vld.idx.msk [tilespmem:v25+s16+$0x0], $0xffff;
	[tilespmem:s30+$0xFFFFFF20] =	vst v29;
	v29 =	vor.u32 v1, v18;
	v47 =	vmul.f32 $5.656854150e+00, v46  }
0x27e: {  	v22 =	vmul.f32 $5.656854150e+00, v22;
	s31 =	sadd.s32 $0x200, s30;
	v26 =	vld.idx.msk [tilespmem:v26+s16+$0x0], $0xffff;
	[tilespmem:s26+$0xE0] =	vst v30;
	v30 =	vor.u32 v1, v16  }
0x27f: {  	v23 =	vmul.f32 $5.656854150e+00, v23;
	[tilespmem:s31+$0x80] =	vst v47  }
0x280: {  	v48 =	vor.u32 v3, v10;
	v19 =	vmul.f32 $5.656854150e+00, v19;
	[tilespmem:s31+$0xFFFFFF80] =	vst v22;
	v22 =	vld.idx.msk [tilespmem:v27+s16+$0x0], $0xffff  }
0x281: {  	v28 =	vmul.f32 $5.656854150e+00, v28;
	[tilespmem:s31+$0x0] =	vst v23;
	v31 =	vld.idx.msk [tilespmem:v31+s16+$0x0], $0xffff;
	v27 =	vor.u32 v3, v12  }
0x282: {  	[tilespmem:s31+$0xFFFFFF00] =	vst v19;
	v25 =	vmul.f32 $5.656854150e+00, v25;
	v23 =	vor.u32 v3, v9;
	v19 =	vld.idx.msk [tilespmem:v29+s16+$0x0], $0xffff  }
0x283: {  	v26 =	vmul.f32 $5.656854150e+00, v26;
	[tilespmem:s26+$0xFFFFFFE0] =	vst v28;
	v29 =	vor.u32 v2, v21;
	v28 =	vld.idx.msk [tilespmem:v30+s16+$0x0], $0xffff  }
0x284: {  	v24 =	vld.idx.msk [tilespmem:v24+s16+$0x0], $0xffff;
	[tilespmem:s26+$0x60] =	vst v25;
	v25 =	vor.u32 v2, v17  }
0x285: {  	[tilespmem:s26+$0xFFFFFF60] =	vst v26;
	v26 =	vor.u32 v2, v18;
	v30 =	vld.idx.msk [tilespmem:v48+s16+$0x0], $0xffff;
	v22 =	vmul.f32 $5.656854150e+00, v22  }
0x286: {  	[tilespmem:s28+$0xFFFFFF70] =	vst v20;
	v20 =	vor.u32 v2, v16;
	v31 =	vmul.f32 $5.656854150e+00, v31;
	v27 =	vld.idx.msk [tilespmem:v27+s16+$0x0], $0xffff  }
0x287: {  	v14 =	vor.u32 v7, v14;
	v23 =	vld.idx.msk [tilespmem:v23+s16+$0x0], $0xffff;
	v19 =	vmul.f32 $5.656854150e+00, v19;
	[tilespmem:s31+$0x90] =	vst v22  }
0x288: {  	[tilespmem:s31+$0xFFFFFF90] =	vst v31;
	v28 =	vmul.f32 $5.656854150e+00, v28;
	v22 =	vor.u32 v4, v15;
	v29 =	vld.idx.msk [tilespmem:v29+s16+$0x0], $0xffff  }
0x289: {  	v24 =	vmul.f32 $5.656854150e+00, v24;
	v31 =	vor.u32 v4, v10;
	v25 =	vld.idx.msk [tilespmem:v25+s16+$0x0], $0xffff;
	[tilespmem:s31+$0x10] =	vst v19  }
0x28a: {  	v30 =	vmul.f32 $5.656854150e+00, v30;
	v19 =	vor.u32 v4, v12;
	[tilespmem:s31+$0xFFFFFF10] =	vst v28;
	v26 =	vld.idx.msk [tilespmem:v26+s16+$0x0], $0xffff  }
0x28b: {  	[tilespmem:s30+$0xB0] =	vst v24;
	v24 =	vor.u32 v3, v21;
	v20 =	vld.idx.msk [tilespmem:v20+s16+$0x0], $0xffff;
	v27 =	vmul.f32 $5.656854150e+00, v27  }
0x28c: {  	v14 =	vld.idx.msk [tilespmem:v14+s16+$0x0], $0xffff;
	v23 =	vmul.f32 $5.656854150e+00, v23;
	[tilespmem:s30+$0xFFFFFFB0] =	vst v30;
	v28 =	vor.u32 v3, v17  }
0x28d: {  	v22 =	vld.idx.msk [tilespmem:v22+s16+$0x0], $0xffff;
	[tilespmem:s30+$0x30] =	vst v27;
	v27 =	vor.u32 v3, v18;
	v29 =	vmul.f32 $5.656854150e+00, v29  }
0x28e: {  	[tilespmem:s30+$0xFFFFFF30] =	vst v23;
	v23 =	vor.u32 v3, v16;
	v30 =	vld.idx.msk [tilespmem:v31+s16+$0x0], $0xffff;
	v25 =	vmul.f32 $5.656854150e+00, v25  }
0x28f: {  	v13 =	vor.u32 v7, v13;
	v26 =	vmul.f32 $5.656854150e+00, v26;
	v19 =	vld.idx.msk [tilespmem:v19+s16+$0x0], $0xffff;
	[tilespmem:s31+$0xA0] =	vst v29  }
0x290: {  	v31 =	vor.u32 v4, v9;
	[tilespmem:s31+$0xFFFFFFA0] =	vst v25;
	v20 =	vmul.f32 $5.656854150e+00, v20;
	v24 =	vld.idx.msk [tilespmem:v24+s16+$0x0], $0xffff  }
0x291: {  	v14 =	vmul.f32 $5.656854150e+00, v14;
	v25 =	vor.u32 v5, v15;
	v28 =	vld.idx.msk [tilespmem:v28+s16+$0x0], $0xffff;
	[tilespmem:s31+$0x20] =	vst v26  }
0x292: {  	v26 =	vor.u32 v5, v10;
	[tilespmem:s31+$0xFFFFFF20] =	vst v20;
	v22 =	vmul.f32 $5.656854150e+00, v22;
	v20 =	vld.idx.msk [tilespmem:v27+s16+$0x0], $0xffff  }
0x293: {  	[tilespmem:s26+$0xF0] =	vst v14;
	v14 =	vmul.f32 $5.656854150e+00, v30;
	v23 =	vld.idx.msk [tilespmem:v23+s16+$0x0], $0xffff;
	v27 =	vor.u32 v4, v21  }
0x294: {  	v13 =	vld.idx.msk [tilespmem:v13+s16+$0x0], $0xffff;
	v19 =	vmul.f32 $5.656854150e+00, v19;
	[tilespmem:s30+$0xC0] =	vst v22;
	v22 =	vor.u32 v4, v17  }
0x295: {  	[tilespmem:s30+$0xFFFFFFC0] =	vst v14;
	v14 =	vor.u32 v4, v18;
	v29 =	vld.idx.msk [tilespmem:v31+s16+$0x0], $0xffff;
	v24 =	vmul.f32 $5.656854150e+00, v24  }
0x296: {  	v28 =	vmul.f32 $5.656854150e+00, v28;
	v25 =	vld.idx.msk [tilespmem:v25+s16+$0x0], $0xffff;
	[tilespmem:s30+$0x40] =	vst v19;
	v19 =	vor.u32 v4, v16  }
0x297: {  	v30 =	vor.u32 v5, v12;
	v26 =	vld.idx.msk [tilespmem:v26+s16+$0x0], $0xffff;
	v20 =	vmul.f32 $5.656854150e+00, v20;
	[tilespmem:s31+$0xB0] =	vst v24  }
0x298: {  	[tilespmem:s31+$0xFFFFFFB0] =	vst v28;
	v23 =	vmul.f32 $5.656854150e+00, v23;
	v24 =	vor.u32 v5, v9;
	v27 =	vld.idx.msk [tilespmem:v27+s16+$0x0], $0xffff  }
0x299: {  	v11 =	vor.u32 v7, v11;
	v13 =	vmul.f32 $5.656854150e+00, v13;
	v22 =	vld.idx.msk [tilespmem:v22+s16+$0x0], $0xffff;
	[tilespmem:s31+$0x30] =	vst v20  }
0x29a: {  	[tilespmem:s31+$0xFFFFFF30] =	vst v23;
	v28 =	vmul.f32 $5.656854150e+00, v29;
	v20 =	vor.u32 v6, v15;
	v14 =	vld.idx.msk [tilespmem:v14+s16+$0x0], $0xffff  }
0x29b: {  	[tilespmem:s26+$0xFFFFFFF0] =	vst v13;
	v23 =	vmul.f32 $5.656854150e+00, v25;
	v19 =	vld.idx.msk [tilespmem:v19+s16+$0x0], $0xffff;
	v25 =	vor.u32 v5, v21  }
0x29c: {  	v13 =	vmul.f32 $5.656854150e+00, v26;
	v26 =	vor.u32 v5, v17;
	[tilespmem:s30+$0xFFFFFF40] =	vst v28;
	v28 =	vld.idx.msk [tilespmem:v30+s16+$0x0], $0xffff  }
0x29d: {  	[tilespmem:s30+$0xD0] =	vst v23;
	v23 =	vor.u32 v5, v18;
	v24 =	vld.idx.msk [tilespmem:v24+s16+$0x0], $0xffff;
	v27 =	vmul.f32 $5.656854150e+00, v27  }
0x29e: {  	v11 =	vld.idx.msk [tilespmem:v11+s16+$0x0], $0xffff;
	[tilespmem:s30+$0xFFFFFFD0] =	vst v13;
	v13 =	vor.u32 v5, v16;
	v22 =	vmul.f32 $5.656854150e+00, v22  }
0x29f: {  	v29 =	vor.u32 v6, v10;
	v20 =	vld.idx.msk [tilespmem:v20+s16+$0x0], $0xffff;
	v14 =	vmul.f32 $5.656854150e+00, v14;
	[tilespmem:s31+$0xC0] =	vst v27  }
0x2a0: {  	v19 =	vmul.f32 $5.656854150e+00, v19;
	v27 =	vor.u32 v6, v12;
	[tilespmem:s31+$0xFFFFFFC0] =	vst v22;
	v22 =	vld.idx.msk [tilespmem:v25+s16+$0x0], $0xffff  }
0x2a1: {  	v28 =	vmul.f32 $5.656854150e+00, v28;
	v25 =	vor.u32 v6, v9;
	v26 =	vld.idx.msk [tilespmem:v26+s16+$0x0], $0xffff;
	[tilespmem:s31+$0x40] =	vst v14  }
0x2a2: {  	v8 =	vor.u32 v7, v8;
	[tilespmem:s31+$0xFFFFFF40] =	vst v19;
	v14 =	vmul.f32 $5.656854150e+00, v24;
	v19 =	vld.idx.msk [tilespmem:v23+s16+$0x0], $0xffff  }
0x2a3: {  	v11 =	vmul.f32 $5.656854150e+00, v11;
	[tilespmem:s30+$0x50] =	vst v28;
	v13 =	vld.idx.msk [tilespmem:v13+s16+$0x0], $0xffff;
	v23 =	vor.u32 v6, v21  }
0x2a4: {  	v24 =	vld.idx.msk [tilespmem:v29+s16+$0x0], $0xffff;
	[tilespmem:s30+$0xFFFFFF50] =	vst v14;
	v14 =	vmul.f32 $5.656854150e+00, v20;
	v20 =	vor.u32 v6, v17  }
0x2a5: {  	[tilespmem:s26+$0x70] =	vst v11;
	v11 =	vor.u32 v6, v18;
	v27 =	vld.idx.msk [tilespmem:v27+s16+$0x0], $0xffff;
	v22 =	vmul.f32 $5.656854150e+00, v22  }
0x2a6: {  	v25 =	vld.idx.msk [tilespmem:v25+s16+$0x0], $0xffff;
	[tilespmem:s30+$0xE0] =	vst v14;
	v14 =	vor.u32 v6, v16;
	v26 =	vmul.f32 $5.656854150e+00, v26  }
0x2a7: {  	v8 =	vld.idx.msk [tilespmem:v8+s16+$0x0], $0xffff;
	v15 =	vor.u32 v7, v15;
	v19 =	vmul.f32 $5.656854150e+00, v19;
	[tilespmem:s31+$0xD0] =	vst v22  }
0x2a8: {  	v10 =	vor.u32 v7, v10;
	v13 =	vmul.f32 $5.656854150e+00, v13;
	[tilespmem:s31+$0xFFFFFFD0] =	vst v26;
	v22 =	vld.idx.msk [tilespmem:v23+s16+$0x0], $0xffff  }
0x2a9: {  	v12 =	vor.u32 v7, v12;
	v23 =	vmul.f32 $5.656854150e+00, v24;
	v20 =	vld.idx.msk [tilespmem:v20+s16+$0x0], $0xffff;
	[tilespmem:s31+$0x50] =	vst v19  }
0x2aa: {  	v9 =	vor.u32 v7, v9;
	[tilespmem:s31+$0xFFFFFF50] =	vst v13;
	v19 =	vmul.f32 $5.656854150e+00, v27;
	v11 =	vld.idx.msk [tilespmem:v11+s16+$0x0], $0xffff  }
0x2ab: {  	v21 =	vor.u32 v7, v21;
	v13 =	vmul.f32 $5.656854150e+00, v25;
	[tilespmem:s30+$0xFFFFFFE0] =	vst v23;
	v14 =	vld.idx.msk [tilespmem:v14+s16+$0x0], $0xffff  }
0x2ac: {  	v8 =	vmul.f32 $5.656854150e+00, v8;
	v17 =	vor.u32 v7, v17;
	v15 =	vld.idx.msk [tilespmem:v15+s16+$0x0], $0xffff;
	[tilespmem:s30+$0x60] =	vst v19  }
0x2ad: {  	v18 =	vor.u32 v7, v18;
	v10 =	vld.idx.msk [tilespmem:v10+s16+$0x0], $0xffff;
	[tilespmem:s30+$0xFFFFFF60] =	vst v13;
	v13 =	vmul.f32 $5.656854150e+00, v22  }
0x2ae: {  	[tilespmem:s26+$0xFFFFFF70] =	vst v8;
	v16 =	vor.u32 v7, v16;
	v12 =	vld.idx.msk [tilespmem:v12+s16+$0x0], $0xffff;
	v8 =	vmul.f32 $5.656854150e+00, v20  }
0x2af: {  	v9 =	vld.idx.msk [tilespmem:v9+s16+$0x0], $0xffff;
	v11 =	vmul.f32 $5.656854150e+00, v11;
	[tilespmem:s31+$0xE0] =	vst v13  }
0x2b0: {  	v13 =	vmul.f32 $5.656854150e+00, v14;
	[tilespmem:s31+$0xFFFFFFE0] =	vst v8;
	v8 =	vld.idx.msk [tilespmem:v21+s16+$0x0], $0xffff  }
0x2b1: {  	v14 =	vmul.f32 $5.656854150e+00, v15;
	[tilespmem:s31+$0x60] =	vst v11;
	v11 =	vld.idx.msk [tilespmem:v17+s16+$0x0], $0xffff  }
0x2b2: {  	v10 =	vmul.f32 $5.656854150e+00, v10;
	[tilespmem:s31+$0xFFFFFF60] =	vst v13;
	v13 =	vld.idx.msk [tilespmem:v18+s16+$0x0], $0xffff  }
0x2b3: {  	[tilespmem:s30+$0xF0] =	vst v14;
	v12 =	vmul.f32 $5.656854150e+00, v12;
	v14 =	vld.idx.msk [tilespmem:v16+s16+$0x0], $0xffff  }
0x2b4: {  	v9 =	vmul.f32 $5.656854150e+00, v9;
	[tilespmem:s30+$0xFFFFFFF0] =	vst v10  }
0x2b5: {  	[tilespmem:s30+$0x70] =	vst v12;
	v8 =	vmul.f32 $5.656854150e+00, v8  }
0x2b6: {  	[tilespmem:s30+$0xFFFFFF70] =	vst v9;
	s30 =	sadd.s32 $0x2, s24;
	v9 =	vmul.f32 $5.656854150e+00, v11  }
0x2b7: {  	s24 =	sshll.u32 s30, $0x9;
	s1 =	sshll.u32 s30, $0x7;
	[tilespmem:s31+$0xF0] =	vst v8;
	v8 =	vmul.f32 $5.656854150e+00, v13  }
0x2b8: {  	s24 =	sand.u32 $0xFFF0000, s24;
	s1 =	sand.u32 $0x3F00, s1;
	v10 =	vmul.f32 $5.656854150e+00, v14;
	[tilespmem:s31+$0xFFFFFFF0] =	vst v9  }
0x2b9: {  	s1 =	sor.u32 s1, s24;
	[tilespmem:s31+$0x70] =	vst v8  }
0x2ba: {  	s24 =	sadd.s32 s2, s1;
	[tilespmem:s31+$0xFFFFFF70] =	vst v10;
	s31 =	simm.s32 $0xC400  }
0x2bb: {  	[hbm4b:s24+s3] =	stream.linear.scatter [tilespmem:s31], [sflag:$0x7], $0x400, $0x38;
	[tilespmem:$0xE400] =	vst v63  }
0x2bc: {  	s30 =	sadd.s32 s1, s7;
	s31 =	simm.s32 $0xC800  }
0x2bd: {  	[hbm4b:s30+s3] =	stream.linear.scatter [tilespmem:s31], [sflag:$0x7], $0x400, $0x38;
	[tilespmem:$0xE400] =	vst v63  }
0x2be: {  	s30 =	sadd.s32 s1, s8;
	s31 =	simm.s32 $0xCC00  }
0x2bf: {  	[hbm4b:s30+s3] =	stream.linear.scatter [tilespmem:s31], [sflag:$0x7], $0x400, $0x38;
	[tilespmem:$0xE400] =	vst v63  }
0x2c0: {  	s1 =	sadd.s32 s1, s9  }
0x2c1: {  	[hbm4b:s1+s3] =	stream.linear.scatter [tilespmem:s0], [sflag:$0x7], $0x400, $0x38;
	[tilespmem:$0xE400] =	vst v63  }
0x2c2: {  	s1 =	simm.s32 @!p0 $0x6  }
0x2c3: {  	_ =	swait.ge @!p0 [sflag:s1], $0x400  }
0x2c4: {  	[sflag:s1] =	ssyncset.done @!p0 $0x0  }
0x2c5: {  	[sflag:s1] =	ssyncadd.s32 @!p0 $0xFFFFFC00  }
0x2c6: {  	_ =	swait.ge @!p0 [sflag:s1], $0x400  }
0x2c7: {  	[sflag:s1] =	ssyncset.done @!p0 $0x0  }
0x2c8: {  	[sflag:s1] =	ssyncadd.s32 @!p0 $0xFFFFFC00  }
0x2c9: {  	s30 =	simm.s32 $0x3;
	_ =	swait.ge @!p0 [sflag:s1], $0x400  }
0x2ca: {  	s31 =	simm.s32 $0x1;
	v8 =	vmov s30;
	[sflag:s1] =	ssyncset.done @!p0 $0x0  }
0x2cb: {  	v9 =	vmov s31;
	s30 =	simm.s32 $0x2;
	v8 =	vand.u32 $0x1F, v8;
	[sflag:s1] =	ssyncadd.s32 @!p0 $0xFFFFFC00  }
0x2cc: {  	s31 =	simm.s32 $0x0;
	v9 =	vand.u32 $0x1D, v9;
	v10 =	vmov s30;
	v19 =	vbroadcast v8, $0x0;
	_ =	swait.ge @!p0 [sflag:s1], $0x400  }
0x2cd: {  	s24 =	simm.s32 @!p0 $0x80;
	v8 =	vmov s31;
	v16 =	vbroadcast v9, $0x0;
	v9 =	vand.u32 $0x1E, v10;
	[sflag:s1] =	ssyncset.done @!p0 $0x0  }
0x2ce: {  	v8 =	vand.u32 $0x1C, v8;
	v18 =	vbroadcast v9, $0x0;
	v9 =	vor.u32 v0, v19;
	[sflag:s1] =	ssyncadd.s32 @!p0 $0xFFFFFC00;
	s1 =	sadd.s32 @!p0 $0x280, s25;
	s25 =	simm.s32 @!p0 $0x7400  }
0x2cf: {  	v17 =	vbroadcast v8, $0x0;
	v8 =	vor.u32 v0, v16;
	[tilespmem:s25], [sflag:$0x2] =	stream.indirect.gather @!p0 [hbm4b:s4+s24], $0x20, s1, s24, $0xb8;
	[tilespmem:$0xE400] =	vst v63  }
0x2d0: {  	v10 =	vor.u32 v0, v18;
	_ =	swait.ge [sflag:s15], $0x1000  }
0x2d1: {  	v11 =	vor.u32 v0, v17;
	[sflag:s15] =	ssyncset.done $0x0  }
0x2d2: {  	[sflag:s15] =	ssyncadd.s32 $0xFFFFF000  }
0x2d3: {  	v9 =	vld.idx.msk [tilespmem:v9+s22+$0x0], $0xffff  }
0x2d4: {  	v8 =	vld.idx.msk [tilespmem:v8+s22+$0x0], $0xffff  }
0x2d5: {  	v10 =	vld.idx.msk [tilespmem:v10+s22+$0x0], $0xffff  }
0x2d6: {  	v12 =	vor.u32 v1, v19;
	v11 =	vld.idx.msk [tilespmem:v11+s22+$0x0], $0xffff  }
0x2d7: {  	v13 =	vor.u32 v1, v16  }
0x2d8: {  	v14 =	vor.u32 v1, v18;
	v9 =	vmul.f32 $5.656854150e+00, v9  }
0x2d9: {  	v15 =	vor.u32 v1, v17;
	s25 =	simm.s32 $0xD500;
	v8 =	vmul.f32 $5.656854150e+00, v8  }
0x2da: {  	v10 =	vmul.f32 $5.656854150e+00, v10;
	[tilespmem:s25+$0x80] =	vst v9  }
0x2db: {  	v9 =	vmul.f32 $5.656854150e+00, v11;
	[tilespmem:s25+$0xFFFFFF80] =	vst v8;
	v8 =	vld.idx.msk [tilespmem:v12+s22+$0x0], $0xffff  }
0x2dc: {  	[tilespmem:s25+$0x0] =	vst v10;
	v11 =	vld.idx.msk [tilespmem:v13+s22+$0x0], $0xffff  }
0x2dd: {  	[tilespmem:s25+$0xFFFFFF00] =	vst v9;
	v9 =	vld.idx.msk [tilespmem:v14+s22+$0x0], $0xffff  }
0x2de: {  	v12 =	vor.u32 v2, v19;
	v10 =	vld.idx.msk [tilespmem:v15+s22+$0x0], $0xffff  }
0x2df: {  	v13 =	vor.u32 v2, v16  }
0x2e0: {  	v14 =	vor.u32 v2, v18;
	v8 =	vmul.f32 $5.656854150e+00, v8  }
0x2e1: {  	v15 =	vor.u32 v2, v17;
	v11 =	vmul.f32 $5.656854150e+00, v11  }
0x2e2: {  	v9 =	vmul.f32 $5.656854150e+00, v9;
	[tilespmem:s25+$0x90] =	vst v8  }
0x2e3: {  	s30 =	simm.s32 $0x6;
	v10 =	vmul.f32 $5.656854150e+00, v10;
	[tilespmem:s25+$0xFFFFFF90] =	vst v11;
	v11 =	vld.idx.msk [tilespmem:v12+s22+$0x0], $0xffff  }
0x2e4: {  	v22 =	vmov s30;
	s24 =	simm.s32 $0x4;
	v12 =	vld.idx.msk [tilespmem:v13+s22+$0x0], $0xffff;
	[tilespmem:s25+$0x10] =	vst v9  }
0x2e5: {  	v21 =	vor.u32 v3, v19;
	v23 =	vor.u32 v3, v16;
	v20 =	vmov s24;
	[tilespmem:s25+$0xFFFFFF10] =	vst v10;
	v10 =	vld.idx.msk [tilespmem:v14+s22+$0x0], $0xffff  }
0x2e6: {  	s26 =	simm.s32 $0x5;
	s31 =	simm.s32 $0x7;
	v24 =	vor.u32 v3, v18;
	v25 =	vor.u32 v3, v17;
	v8 =	vand.u32 $0x1C, v20;
	v15 =	vld.idx.msk [tilespmem:v15+s22+$0x0], $0xffff  }
0x2e7: {  	v8 =	vbroadcast v8, $0x0;
	v9 =	vmov s26;
	v13 =	vmov s31  }
0x2e8: {  	v9 =	vand.u32 $0x1D, v9;
	v13 =	vand.u32 $0x1F, v13;
	v11 =	vmul.f32 $5.656854150e+00, v11  }
0x2e9: {  	v20 =	vor.u32 v0, v8;
	v14 =	vbroadcast v13, $0x0;
	v12 =	vmul.f32 $5.656854150e+00, v12  }
0x2ea: {  	v13 =	vbroadcast v9, $0x0;
	v9 =	vand.u32 $0x1E, v22;
	v10 =	vmul.f32 $5.656854150e+00, v10;
	[tilespmem:s25+$0xA0] =	vst v11  }
0x2eb: {  	v11 =	vbroadcast v9, $0x0;
	v9 =	vor.u32 v0, v14;
	v15 =	vmul.f32 $5.656854150e+00, v15;
	[tilespmem:s25+$0xFFFFFFA0] =	vst v12;
	v12 =	vld.idx.msk [tilespmem:v21+s22+$0x0], $0xffff  }
0x2ec: {  	v21 =	vor.u32 v0, v13;
	v22 =	vld.idx.msk [tilespmem:v23+s22+$0x0], $0xffff;
	[tilespmem:s25+$0x20] =	vst v10  }
0x2ed: {  	s24 =	simm.s32 $0x8;
	v10 =	vor.u32 v0, v11;
	[tilespmem:s25+$0xFFFFFF20] =	vst v15;
	v15 =	vld.idx.msk [tilespmem:v24+s22+$0x0], $0xffff  }
0x2ee: {  	v24 =	vmov s24;
	v23 =	vld.idx.msk [tilespmem:v25+s22+$0x0], $0xffff;
	v25 =	vor.u32 v4, v19  }
0x2ef: {  	v26 =	vld.idx.msk [tilespmem:v20+s22+$0x0], $0xffff;
	v20 =	vand.u32 $0x1C, v24;
	v24 =	vor.u32 v4, v16  }
0x2f0: {  	v27 =	vld.idx.msk [tilespmem:v9+s22+$0x0], $0xffff;
	v9 =	vbroadcast v20, $0x0;
	v20 =	vor.u32 v4, v18;
	v12 =	vmul.f32 $5.656854150e+00, v12  }
0x2f1: {  	v28 =	vor.u32 v4, v17;
	v21 =	vld.idx.msk [tilespmem:v21+s22+$0x0], $0xffff;
	v22 =	vmul.f32 $5.656854150e+00, v22  }
0x2f2: {  	v10 =	vld.idx.msk [tilespmem:v10+s22+$0x0], $0xffff;
	v29 =	vor.u32 v0, v9;
	v15 =	vmul.f32 $5.656854150e+00, v15;
	[tilespmem:s25+$0xB0] =	vst v12  }
0x2f3: {  	v30 =	vor.u32 v1, v8;
	v23 =	vmul.f32 $5.656854150e+00, v23;
	[tilespmem:s25+$0xFFFFFFB0] =	vst v22;
	v22 =	vld.idx.msk [tilespmem:v25+s22+$0x0], $0xffff  }
0x2f4: {  	v26 =	vmul.f32 $5.656854150e+00, v26;
	v12 =	vor.u32 v1, v14;
	v24 =	vld.idx.msk [tilespmem:v24+s22+$0x0], $0xffff;
	[tilespmem:s25+$0x30] =	vst v15  }
0x2f5: {  	s24 =	simm.s32 $0xD700;
	v25 =	vor.u32 v1, v13;
	v27 =	vmul.f32 $5.656854150e+00, v27;
	[tilespmem:s25+$0xFFFFFF30] =	vst v23;
	v23 =	vld.idx.msk [tilespmem:v20+s22+$0x0], $0xffff  }
0x2f6: {  	s26 =	simm.s32 $0x9;
	[tilespmem:s24+$0xFFFFFF00] =	vst v26;
	v15 =	vor.u32 v1, v11;
	v21 =	vmul.f32 $5.656854150e+00, v21;
	v28 =	vld.idx.msk [tilespmem:v28+s22+$0x0], $0xffff  }
0x2f7: {  	v31 =	vmov s26;
	v20 =	vld.idx.msk [tilespmem:v29+s22+$0x0], $0xffff;
	v29 =	vmul.f32 $5.656854150e+00, v10;
	[tilespmem:s24+$0x80] =	vst v27;
	v27 =	vor.u32 v5, v19  }
0x2f8: {  	v30 =	vld.idx.msk [tilespmem:v30+s22+$0x0], $0xffff;
	v10 =	vand.u32 $0x1D, v31;
	[tilespmem:s24+$0xFFFFFF80] =	vst v21;
	v21 =	vor.u32 v5, v16  }
0x2f9: {  	v12 =	vld.idx.msk [tilespmem:v12+s22+$0x0], $0xffff;
	v10 =	vbroadcast v10, $0x0;
	[tilespmem:s24+$0x0] =	vst v29;
	v29 =	vor.u32 v5, v18;
	v22 =	vmul.f32 $5.656854150e+00, v22  }
0x2fa: {  	v26 =	vor.u32 v5, v17;
	v25 =	vld.idx.msk [tilespmem:v25+s22+$0x0], $0xffff;
	v24 =	vmul.f32 $5.656854150e+00, v24  }
0x2fb: {  	v15 =	vld.idx.msk [tilespmem:v15+s22+$0x0], $0xffff;
	v31 =	vor.u32 v0, v10;
	v23 =	vmul.f32 $5.656854150e+00, v23;
	[tilespmem:s25+$0xC0] =	vst v22  }
0x2fc: {  	v22 =	vor.u32 v2, v14;
	v28 =	vmul.f32 $5.656854150e+00, v28;
	[tilespmem:s25+$0xFFFFFFC0] =	vst v24;
	v24 =	vld.idx.msk [tilespmem:v27+s22+$0x0], $0xffff  }
0x2fd: {  	v27 =	vor.u32 v2, v13;
	[tilespmem:s25+$0x40] =	vst v23;
	v21 =	vld.idx.msk [tilespmem:v21+s22+$0x0], $0xffff  }
0x2fe: {  	v23 =	vor.u32 v2, v11;
	v12 =	vmul.f32 $5.656854150e+00, v12;
	[tilespmem:s25+$0xFFFFFF40] =	vst v28;
	v28 =	vld.idx.msk [tilespmem:v29+s22+$0x0], $0xffff  }
0x2ff: {  	s30 =	simm.s32 $0xA;
	v29 =	vor.u32 v2, v8;
	v25 =	vmul.f32 $5.656854150e+00, v25;
	v26 =	vld.idx.msk [tilespmem:v26+s22+$0x0], $0xffff  }
0x300: {  	v49 =	vmov s30;
	v50 =	vor.u32 v6, v19;
	v31 =	vld.idx.msk [tilespmem:v31+s22+$0x0], $0xffff;
	v15 =	vmul.f32 $5.656854150e+00, v15;
	[tilespmem:s24+$0x90] =	vst v12  }
0x301: {  	v30 =	vmul.f32 $5.656854150e+00, v30;
	v12 =	vand.u32 $0x1E, v49;
	[tilespmem:s24+$0xFFFFFF90] =	vst v25;
	v22 =	vld.idx.msk [tilespmem:v22+s22+$0x0], $0xffff;
	v25 =	vor.u32 v6, v16  }
0x302: {  	v12 =	vbroadcast v12, $0x0;
	v27 =	vld.idx.msk [tilespmem:v27+s22+$0x0], $0xffff;
	[tilespmem:s24+$0x10] =	vst v15;
	v15 =	vor.u32 v6, v18;
	v24 =	vmul.f32 $5.656854150e+00, v24  }
0x303: {  	[tilespmem:s24+$0xFFFFFF10] =	vst v30;
	v30 =	vor.u32 v6, v17;
	v23 =	vld.idx.msk [tilespmem:v23+s22+$0x0], $0xffff;
	v21 =	vmul.f32 $5.656854150e+00, v21  }
0x304: {  	v51 =	vor.u32 v0, v12;
	v29 =	vld.idx.msk [tilespmem:v29+s22+$0x0], $0xffff;
	v28 =	vmul.f32 $5.656854150e+00, v28;
	[tilespmem:s25+$0xD0] =	vst v24  }
0x305: {  	s31 =	simm.s32 $0xB;
	v24 =	vor.u32 v3, v14;
	v26 =	vmul.f32 $5.656854150e+00, v26;
	[tilespmem:s25+$0xFFFFFFD0] =	vst v21;
	v21 =	vld.idx.msk [tilespmem:v50+s22+$0x0], $0xffff  }
0x306: {  	v52 =	vmov s31;
	v53 =	vor.u32 v3, v13;
	v25 =	vld.idx.msk [tilespmem:v25+s22+$0x0], $0xffff;
	[tilespmem:s25+$0x50] =	vst v28  }
0x307: {  	v54 =	vor.u32 v3, v11;
	v28 =	vand.u32 $0x1F, v52;
	v22 =	vmul.f32 $5.656854150e+00, v22;
	[tilespmem:s25+$0xFFFFFF50] =	vst v26;
	v26 =	vld.idx.msk [tilespmem:v15+s22+$0x0], $0xffff  }
0x308: {  	v15 =	vbroadcast v28, $0x0;
	v28 =	vor.u32 v3, v8;
	v27 =	vmul.f32 $5.656854150e+00, v27;
	v30 =	vld.idx.msk [tilespmem:v30+s22+$0x0], $0xffff  }
0x309: {  	v19 =	vor.u32 v7, v19;
	v32 =	vld.idx.msk [tilespmem:v51+s22+$0x0], $0xffff;
	v23 =	vmul.f32 $5.656854150e+00, v23;
	[tilespmem:s24+$0xA0] =	vst v22  }
0x30a: {  	v22 =	vor.u32 v0, v15;
	v29 =	vmul.f32 $5.656854150e+00, v29;
	[tilespmem:s24+$0xFFFFFFA0] =	vst v27;
	v24 =	vld.idx.msk [tilespmem:v24+s22+$0x0], $0xffff  }
0x30b: {  	v27 =	vld.idx.msk [tilespmem:v53+s22+$0x0], $0xffff;
	[tilespmem:s24+$0x20] =	vst v23;
	v23 =	vor.u32 v7, v16;
	v16 =	vmul.f32 $5.656854150e+00, v21  }
0x30c: {  	v18 =	vor.u32 v7, v18;
	[tilespmem:s24+$0xFFFFFF20] =	vst v29;
	v21 =	vld.idx.msk [tilespmem:v54+s22+$0x0], $0xffff  }
0x30d: {  	s26 =	simm.s32 $0xC;
	v17 =	vor.u32 v7, v17;
	v25 =	vmul.f32 $5.656854150e+00, v25;
	v28 =	vld.idx.msk [tilespmem:v28+s22+$0x0], $0xffff;
	[tilespmem:s25+$0xE0] =	vst v16  }
0x30e: {  	v29 =	vor.u32 v4, v14;
	v16 =	vmul.f32 $5.656854150e+00, v26;
	v26 =	vmov s26;
	v19 =	vld.idx.msk [tilespmem:v19+s22+$0x0], $0xffff  }
0x30f: {  	v30 =	vmul.f32 $5.656854150e+00, v30;
	[tilespmem:s25+$0xFFFFFFE0] =	vst v25;
	v25 =	vand.u32 $0x1C, v26;
	v26 =	vor.u32 v4, v13;
	v22 =	vld.idx.msk [tilespmem:v22+s22+$0x0], $0xffff  }
0x310: {  	[tilespmem:s25+$0x60] =	vst v16;
	v16 =	vbroadcast v25, $0x0;
	v25 =	vor.u32 v4, v11;
	v24 =	vmul.f32 $5.656854150e+00, v24;
	v23 =	vld.idx.msk [tilespmem:v23+s22+$0x0], $0xffff  }
0x311: {  	[tilespmem:s25+$0xFFFFFF60] =	vst v30;
	v30 =	vor.u32 v4, v8;
	v27 =	vmul.f32 $5.656854150e+00, v27;
	v18 =	vld.idx.msk [tilespmem:v18+s22+$0x0], $0xffff  }
0x312: {  	v55 =	vor.u32 v0, v16;
	v21 =	vmul.f32 $5.656854150e+00, v21;
	[tilespmem:s24+$0xB0] =	vst v24;
	v24 =	vld.idx.msk [tilespmem:v17+s22+$0x0], $0xffff  }
0x313: {  	v17 =	vor.u32 v1, v15;
	v28 =	vmul.f32 $5.656854150e+00, v28;
	[tilespmem:s24+$0xFFFFFFB0] =	vst v27;
	v27 =	vld.idx.msk [tilespmem:v29+s22+$0x0], $0xffff  }
0x314: {  	v29 =	vor.u32 v1, v10;
	v26 =	vld.idx.msk [tilespmem:v26+s22+$0x0], $0xffff;
	[tilespmem:s24+$0x30] =	vst v21;
	v19 =	vmul.f32 $5.656854150e+00, v19  }
0x315: {  	v21 =	vor.u32 v1, v12;
	v22 =	vmul.f32 $5.656854150e+00, v22;
	[tilespmem:s24+$0xFFFFFF30] =	vst v28;
	v25 =	vld.idx.msk [tilespmem:v25+s22+$0x0], $0xffff  }
0x316: {  	s30 =	simm.s32 $0xD;
	v31 =	vmul.f32 $5.656854150e+00, v31;
	s26 =	simm.s32 $0xD900;
	v28 =	vor.u32 v1, v9;
	v30 =	vld.idx.msk [tilespmem:v30+s22+$0x0], $0xffff;
	[tilespmem:s25+$0xF0] =	vst v19  }
0x317: {  	v56 =	vmov s30;
	v32 =	vmul.f32 $5.656854150e+00, v32;
	v19 =	vld.idx.msk [tilespmem:v55+s22+$0x0], $0xffff;
	[tilespmem:s26+$0x80] =	vst v22;
	v22 =	vor.u32 v5, v14  }
0x318: {  	v57 =	vand.u32 $0x1D, v56;
	v58 =	vor.u32 v5, v13;
	v20 =	vmul.f32 $5.656854150e+00, v20;
	[tilespmem:s26+$0xFFFFFF80] =	vst v31;
	v31 =	vld.idx.msk [tilespmem:v17+s22+$0x0], $0xffff  }
0x319: {  	v59 =	vor.u32 v5, v11;
	[tilespmem:s26+$0x0] =	vst v32;
	v17 =	vbroadcast v57, $0x0;
	v29 =	vld.idx.msk [tilespmem:v29+s22+$0x0], $0xffff;
	v27 =	vmul.f32 $5.656854150e+00, v27  }
0x31a: {  	[tilespmem:s26+$0xFFFFFF00] =	vst v20;
	v20 =	vld.idx.msk [tilespmem:v21+s22+$0x0], $0xffff;
	v21 =	vor.u32 v5, v8;
	v26 =	vmul.f32 $5.656854150e+00, v26  }
0x31b: {  	v33 =	vor.u32 v0, v17;
	v28 =	vld.idx.msk [tilespmem:v28+s22+$0x0], $0xffff;
	v25 =	vmul.f32 $5.656854150e+00, v25;
	[tilespmem:s24+$0xC0] =	vst v27  }
0x31c: {  	v27 =	vor.u32 v2, v15;
	v30 =	vmul.f32 $5.656854150e+00, v30;
	[tilespmem:s24+$0xFFFFFFC0] =	vst v26;
	v26 =	vld.idx.msk [tilespmem:v22+s22+$0x0], $0xffff  }
0x31d: {  	v60 =	vor.u32 v2, v10;
	v22 =	vmul.f32 $5.656854150e+00, v23;
	v34 =	vld.idx.msk [tilespmem:v58+s22+$0x0], $0xffff;
	[tilespmem:s24+$0x40] =	vst v25  }
0x31e: {  	v61 =	vor.u32 v2, v12;
	v23 =	vmul.f32 $5.656854150e+00, v31;
	[tilespmem:s24+$0xFFFFFF40] =	vst v30;
	v32 =	vld.idx.msk [tilespmem:v59+s22+$0x0], $0xffff  }
0x31f: {  	s31 =	simm.s32 $0xE;
	v37 =	vor.u32 v6, v14;
	v31 =	vor.u32 v2, v9;
	v25 =	vmul.f32 $5.656854150e+00, v29;
	v21 =	vld.idx.msk [tilespmem:v21+s22+$0x0], $0xffff;
	[tilespmem:s25+$0xFFFFFFF0] =	vst v22  }
0x320: {  	v29 =	vmov s31;
	v20 =	vmul.f32 $5.656854150e+00, v20;
	v22 =	vld.idx.msk [tilespmem:v33+s22+$0x0], $0xffff;
	[tilespmem:s26+$0x90] =	vst v23;
	v23 =	vmul.f32 $5.656854150e+00, v18  }
0x321: {  	v18 =	vand.u32 $0x1E, v29;
	v30 =	vmul.f32 $5.656854150e+00, v28;
	[tilespmem:s26+$0xFFFFFF90] =	vst v25;
	v28 =	vor.u32 v6, v13;
	v29 =	vld.idx.msk [tilespmem:v27+s22+$0x0], $0xffff  }
0x322: {  	v25 =	vor.u32 v6, v11;
	v18 =	vbroadcast v18, $0x0;
	v27 =	vld.idx.msk [tilespmem:v60+s22+$0x0], $0xffff;
	[tilespmem:s26+$0x10] =	vst v20;
	v62 =	vmul.f32 $5.656854150e+00, v26  }
0x323: {  	[tilespmem:s26+$0xFFFFFF10] =	vst v30;
	v30 =	vld.idx.msk [tilespmem:v61+s22+$0x0], $0xffff;
	v63 =	vmul.f32 $5.656854150e+00, v34;
	v26 =	vor.u32 v6, v8  }
0x324: {  	v33 =	vor.u32 v0, v18;
	v31 =	vld.idx.msk [tilespmem:v31+s22+$0x0], $0xffff;
	v34 =	vmul.f32 $5.656854150e+00, v32;
	[tilespmem:s24+$0xD0] =	vst v62  }
0x325: {  	s28 =	simm.s32 $0x10;
	s1 =	simm.s32 $0xF;
	v20 =	vmul.f32 $5.656854150e+00, v24;
	v24 =	vor.u32 v3, v15;
	v35 =	vmul.f32 $5.656854150e+00, v21;
	[tilespmem:s24+$0xFFFFFFD0] =	vst v63;
	v32 =	vld.idx.msk [tilespmem:v37+s22+$0x0], $0xffff  }
.LBB2_9:
0x326: {  	p1 =	slt.u32 s28, $0x1C;
	v21 =	vmov s1;
	v36 =	vor.u32 v3, v10;
	v28 =	vld.idx.msk [tilespmem:v28+s22+$0x0], $0xffff;
	[tilespmem:s24+$0x50] =	vst v34  }
0x327: {  	v34 =	vor.u32 v3, v12;
	v29 =	vmul.f32 $5.656854150e+00, v29;
	v21 =	vand.u32 $0x1F, v21;
	[tilespmem:s24+$0xFFFFFF50] =	vst v35;
	v25 =	vld.idx.msk [tilespmem:v25+s22+$0x0], $0xffff  }
0x328: {  	v35 =	vor.u32 v3, v9;
	v27 =	vmul.f32 $5.656854150e+00, v27;
	v21 =	vbroadcast v21, $0x0;
	v26 =	vld.idx.msk [tilespmem:v26+s22+$0x0], $0xffff;
	[tilespmem:s25+$0x70] =	vst v23  }
0x329: {  	v30 =	vmul.f32 $5.656854150e+00, v30;
	v23 =	vld.idx.msk [tilespmem:v33+s22+$0x0], $0xffff;
	[tilespmem:s26+$0xA0] =	vst v29;
	v29 =	vor.u32 v7, v14;
	v14 =	vmov v15  }
0x32a: {  	v31 =	vmul.f32 $5.656854150e+00, v31;
	v33 =	vor.u32 v0, v21;
	[tilespmem:s26+$0xFFFFFFA0] =	vst v27;
	v24 =	vld.idx.msk [tilespmem:v24+s22+$0x0], $0xffff;
	v15 =	vmov v21  }
0x32b: {  	v27 =	vor.u32 v7, v13;
	v13 =	vmovc v10;
	v10 =	vmov v17;
	v21 =	vld.idx.msk [tilespmem:v36+s22+$0x0], $0xffff;
	[tilespmem:s26+$0x20] =	vst v30;
	v30 =	vmul.f32 $5.656854150e+00, v32  }
0x32c: {  	v28 =	vmul.f32 $5.656854150e+00, v28;
	[tilespmem:s26+$0xFFFFFF20] =	vst v31;
	v17 =	vld.idx.msk [tilespmem:v34+s22+$0x0], $0xffff;
	v31 =	vor.u32 v7, v11;
	v11 =	vmovc v12;
	v12 =	vmov v18  }
0x32d: {  	v32 =	vor.u32 v7, v8;
	v8 =	vmovc v9;
	v9 =	vmov v16;
	v25 =	vmul.f32 $5.656854150e+00, v25;
	v18 =	vld.idx.msk [tilespmem:v35+s22+$0x0], $0xffff;
	[tilespmem:s24+$0xE0] =	vst v30  }
0x32e: {  	v16 =	vmov s28;
	v30 =	vor.u32 v4, v14;
	v26 =	vmul.f32 $5.656854150e+00, v26;
	[tilespmem:s24+$0xFFFFFFE0] =	vst v28;
	v28 =	vld.idx.msk [tilespmem:v29+s22+$0x0], $0xffff  }
0x32f: {  	v16 =	vand.u32 $0x1C, v16;
	v29 =	vld.idx.msk [tilespmem:v33+s22+$0x0], $0xffff;
	v33 =	vor.u32 v4, v13;
	[tilespmem:s24+$0x60] =	vst v25  }
0x330: {  	v16 =	vbroadcast v16, $0x0;
	v25 =	vor.u32 v4, v11;
	v24 =	vmul.f32 $5.656854150e+00, v24;
	[tilespmem:s24+$0xFFFFFF60] =	vst v26;
	v26 =	vld.idx.msk [tilespmem:v27+s22+$0x0], $0xffff  }
0x331: {  	v27 =	vor.u32 v4, v8;
	v21 =	vmul.f32 $5.656854150e+00, v21;
	v31 =	vld.idx.msk [tilespmem:v31+s22+$0x0], $0xffff;
	[tilespmem:s25+$0xFFFFFF70] =	vst v20;
	s25 =	smov.u32 s24;
	s24 =	smov.u32 s26  }
0x332: {  	v20 =	vor.u32 v0, v16;
	v17 =	vmul.f32 $5.656854150e+00, v17;
	[tilespmem:s26+$0xB0] =	vst v24;
	v24 =	vld.idx.msk [tilespmem:v32+s22+$0x0], $0xffff  }
0x333: {  	s1 =	sadd.s32 $0x1, s28;
	v32 =	vor.u32 v1, v15;
	v18 =	vmul.f32 $5.656854150e+00, v18;
	[tilespmem:s26+$0xFFFFFFB0] =	vst v21;
	v21 =	vld.idx.msk [tilespmem:v30+s22+$0x0], $0xffff  }
0x334: {  	v34 =	vor.u32 v1, v10;
	v30 =	vmov s1;
	v33 =	vld.idx.msk [tilespmem:v33+s22+$0x0], $0xffff;
	[tilespmem:s26+$0x30] =	vst v17;
	v17 =	vmul.f32 $5.656854150e+00, v28  }
0x335: {  	v28 =	vand.u32 $0x1D, v30;
	v30 =	vor.u32 v1, v12;
	v29 =	vmul.f32 $5.656854150e+00, v29;
	[tilespmem:s26+$0xFFFFFF30] =	vst v18;
	v18 =	vld.idx.msk [tilespmem:v25+s22+$0x0], $0xffff  }
0x336: {  	v22 =	vmul.f32 $5.656854150e+00, v22;
	v25 =	vor.u32 v1, v9;
	s26 =	sadd.s32 $0x200, s26;
	v26 =	vmul.f32 $5.656854150e+00, v26;
	v27 =	vld.idx.msk [tilespmem:v27+s22+$0x0], $0xffff;
	[tilespmem:s25+$0xF0] =	vst v17  }
0x337: {  	v36 =	vmul.f32 $5.656854150e+00, v23;
	v23 =	vmul.f32 $5.656854150e+00, v31;
	v35 =	vld.idx.msk [tilespmem:v20+s22+$0x0], $0xffff;
	[tilespmem:s26+$0x80] =	vst v29;
	v29 =	vor.u32 v5, v14  }
0x338: {  	v19 =	vmul.f32 $5.656854150e+00, v19;
	v31 =	vor.u32 v5, v13;
	v20 =	vmul.f32 $5.656854150e+00, v24;
	[tilespmem:s26+$0xFFFFFF80] =	vst v22;
	v22 =	vld.idx.msk [tilespmem:v32+s22+$0x0], $0xffff  }
0x339: {  	v17 =	vbroadcast v28, $0x0;
	v28 =	vor.u32 v5, v11;
	v21 =	vmul.f32 $5.656854150e+00, v21;
	v24 =	vld.idx.msk [tilespmem:v34+s22+$0x0], $0xffff;
	[tilespmem:s26+$0x0] =	vst v36  }
0x33a: {  	v32 =	vor.u32 v5, v8;
	v37 =	vmul.f32 $5.656854150e+00, v33;
	[tilespmem:s26+$0xFFFFFF00] =	vst v19;
	v30 =	vld.idx.msk [tilespmem:v30+s22+$0x0], $0xffff  }
0x33b: {  	v33 =	vor.u32 v0, v17;
	v18 =	vmul.f32 $5.656854150e+00, v18;
	v25 =	vld.idx.msk [tilespmem:v25+s22+$0x0], $0xffff;
	[tilespmem:s24+$0xC0] =	vst v21  }
0x33c: {  	v21 =	vor.u32 v2, v15;
	v27 =	vmul.f32 $5.656854150e+00, v27;
	[tilespmem:s24+$0xFFFFFFC0] =	vst v37;
	v34 =	vld.idx.msk [tilespmem:v29+s22+$0x0], $0xffff  }
0x33d: {  	v36 =	vor.u32 v2, v10;
	v19 =	vmov v35;
	v31 =	vld.idx.msk [tilespmem:v31+s22+$0x0], $0xffff;
	[tilespmem:s24+$0x40] =	vst v18  }
0x33e: {  	v35 =	vor.u32 v2, v12;
	v18 =	vmul.f32 $5.656854150e+00, v22;
	[tilespmem:s24+$0xFFFFFF40] =	vst v27;
	v37 =	vld.idx.msk [tilespmem:v28+s22+$0x0], $0xffff  }
0x33f: {  	v38 =	vor.u32 v2, v9;
	s1 =	sadd.s32 $0x2, s28;
	v24 =	vmul.f32 $5.656854150e+00, v24;
	v32 =	vld.idx.msk [tilespmem:v32+s22+$0x0], $0xffff;
	[tilespmem:s25+$0xFFFFFFF0] =	vst v26  }
0x340: {  	v39 =	vor.u32 v6, v14;
	v26 =	vmov s1;
	v30 =	vmul.f32 $5.656854150e+00, v30;
	v22 =	vld.idx.msk [tilespmem:v33+s22+$0x0], $0xffff;
	[tilespmem:s26+$0x90] =	vst v18  }
.Ltmp5:
0x341: {  	v28 =	vor.u32 v6, v13;
	v18 =	vand.u32 $0x1E, v26;
	v26 =	vmul.f32 $5.656854150e+00, v25;
	[tilespmem:s26+$0xFFFFFF90] =	vst v24;
	v29 =	vld.idx.msk [tilespmem:v21+s22+$0x0], $0xffff;
	(pc) =	sbr.rel @p1 .LBB2_9-.Ltmp5, $4  }
0x342: {  	v25 =	vor.u32 v6, v11;
	v18 =	vbroadcast v18, $0x0;
	v21 =	vmul.f32 $5.656854150e+00, v34;
	v27 =	vld.idx.msk [tilespmem:v36+s22+$0x0], $0xffff;
	[tilespmem:s26+$0x10] =	vst v30  }
0x343: {  	v36 =	vmul.f32 $5.656854150e+00, v31;
	[tilespmem:s26+$0xFFFFFF10] =	vst v26;
	v30 =	vld.idx.msk [tilespmem:v35+s22+$0x0], $0xffff;
	v26 =	vor.u32 v6, v8  }
0x344: {  	v33 =	vor.u32 v0, v18;
	v34 =	vmul.f32 $5.656854150e+00, v37;
	v31 =	vld.idx.msk [tilespmem:v38+s22+$0x0], $0xffff;
	[tilespmem:s24+$0xD0] =	vst v21  }
0x345: {  	s1 =	sadd.s32 $0x3, s28;
	s28 =	sadd.s32 $0x4, s28;
	v24 =	vor.u32 v3, v15;
	v35 =	vmul.f32 $5.656854150e+00, v32;
	[tilespmem:s24+$0xFFFFFFD0] =	vst v36;
	v32 =	vld.idx.msk [tilespmem:v39+s22+$0x0], $0xffff  }
0x346: {  	v21 =	vmov s1  }
0x347: {  	v21 =	vand.u32 $0x1F, v21  }
0x348: {  	v21 =	vbroadcast v21, $0x0;
	_ =	sdelay $0x1  }
0x349: {  	v36 =	vor.u32 v0, v21;
	_ =	sdelay $0x2  }
0x34a: {  	[tilespmem:s24+$0x50] =	vst v34  }
0x34b: {  	[tilespmem:s25+$0x70] =	vst v23  }
0x34c: {  	v29 =	vmul.f32 $5.656854150e+00, v29;
	[tilespmem:s25+$0xFFFFFF70] =	vst v20;
	v49 =	vld.idx.msk [tilespmem:v36+s22+$0x0], $0xffff  }
0x34d: {  	v54 =	vor.u32 v1, v17;
	v22 =	vmul.f32 $5.656854150e+00, v22;
	[tilespmem:s24+$0xFFFFFF50] =	vst v35  }
0x34e: {  	v50 =	vld.idx.msk [tilespmem:v33+s22+$0x0], $0xffff;
	v57 =	vor.u32 v1, v16;
	s28 =	sadd.s32 $0x200, s26;
	v19 =	vmul.f32 $5.656854150e+00, v19;
	[tilespmem:s26+$0xA0] =	vst v29  }
0x34f: {  	v27 =	vmul.f32 $5.656854150e+00, v27;
	[tilespmem:s28+$0xFFFFFF80] =	vst v22;
	v52 =	vor.u32 v1, v21  }
0x350: {  	v28 =	vld.idx.msk [tilespmem:v28+s22+$0x0], $0xffff;
	v30 =	vmul.f32 $5.656854150e+00, v30;
	[tilespmem:s28+$0xFFFFFF00] =	vst v19  }
0x351: {  	v55 =	vor.u32 v1, v18;
	v25 =	vld.idx.msk [tilespmem:v25+s22+$0x0], $0xffff;
	[tilespmem:s26+$0xFFFFFFA0] =	vst v27;
	v56 =	vmul.f32 $5.656854150e+00, v49  }
0x352: {  	v51 =	vmul.f32 $5.656854150e+00, v31;
	[tilespmem:s26+$0x20] =	vst v30;
	v31 =	vld.idx.msk [tilespmem:v54+s22+$0x0], $0xffff  }
0x353: {  	v60 =	vor.u32 v3, v12;
	v23 =	vmul.f32 $5.656854150e+00, v50;
	v63 =	vld.idx.msk [tilespmem:v57+s22+$0x0], $0xffff;
	[tilespmem:s28+$0x80] =	vst v56  }
0x354: {  	v61 =	vor.u32 v3, v9;
	v53 =	vmul.f32 $5.656854150e+00, v32;
	[tilespmem:s26+$0xFFFFFF20] =	vst v51;
	v59 =	vld.idx.msk [tilespmem:v52+s22+$0x0], $0xffff  }
0x355: {  	v34 =	vor.u32 v2, v17;
	v26 =	vld.idx.msk [tilespmem:v26+s22+$0x0], $0xffff;
	v28 =	vmul.f32 $5.656854150e+00, v28;
	[tilespmem:s28+$0x0] =	vst v23  }
0x356: {  	v37 =	vor.u32 v2, v16;
	[tilespmem:s24+$0xE0] =	vst v53;
	v25 =	vmul.f32 $5.656854150e+00, v25;
	v62 =	vld.idx.msk [tilespmem:v55+s22+$0x0], $0xffff  }
0x357: {  	v24 =	vld.idx.msk [tilespmem:v24+s22+$0x0], $0xffff;
	v33 =	vor.u32 v2, v21;
	[tilespmem:s24+$0xFFFFFFE0] =	vst v28;
	v31 =	vmul.f32 $5.656854150e+00, v31  }
0x358: {  	v58 =	vor.u32 v3, v10;
	v27 =	vld.idx.msk [tilespmem:v60+s22+$0x0], $0xffff;
	[tilespmem:s24+$0x60] =	vst v25;
	v28 =	vmul.f32 $5.656854150e+00, v63  }
0x359: {  	v23 =	vld.idx.msk [tilespmem:v61+s22+$0x0], $0xffff;
	v36 =	vor.u32 v2, v18;
	[tilespmem:s28+$0xFFFFFF90] =	vst v31;
	v22 =	vmul.f32 $5.656854150e+00, v59  }
0x35a: {  	v14 =	vor.u32 v7, v14;
	v26 =	vmul.f32 $5.656854150e+00, v26;
	[tilespmem:s28+$0xFFFFFF10] =	vst v28;
	v25 =	vld.idx.msk [tilespmem:v34+s22+$0x0], $0xffff  }
0x35b: {  	v13 =	vor.u32 v7, v13;
	v19 =	vmul.f32 $5.656854150e+00, v62;
	v20 =	vld.idx.msk [tilespmem:v37+s22+$0x0], $0xffff;
	[tilespmem:s28+$0x90] =	vst v22  }
0x35c: {  	v40 =	vor.u32 v4, v12;
	v24 =	vmul.f32 $5.656854150e+00, v24;
	[tilespmem:s24+$0xFFFFFF60] =	vst v26;
	v29 =	vld.idx.msk [tilespmem:v33+s22+$0x0], $0xffff  }
0x35d: {  	v42 =	vor.u32 v3, v17;
	v35 =	vld.idx.msk [tilespmem:v58+s22+$0x0], $0xffff;
	v27 =	vmul.f32 $5.656854150e+00, v27;
	[tilespmem:s28+$0x10] =	vst v19  }
0x35e: {  	v44 =	vor.u32 v3, v16;
	[tilespmem:s26+$0xB0] =	vst v24;
	v23 =	vmul.f32 $5.656854150e+00, v23;
	v26 =	vld.idx.msk [tilespmem:v36+s22+$0x0], $0xffff  }
0x35f: {  	v41 =	vor.u32 v3, v21;
	v14 =	vld.idx.msk [tilespmem:v14+s22+$0x0], $0xffff;
	[tilespmem:s26+$0x30] =	vst v27;
	v25 =	vmul.f32 $5.656854150e+00, v25  }
0x360: {  	v38 =	vor.u32 v4, v15;
	v13 =	vld.idx.msk [tilespmem:v13+s22+$0x0], $0xffff;
	[tilespmem:s26+$0xFFFFFF30] =	vst v23;
	v20 =	vmul.f32 $5.656854150e+00, v20  }
0x361: {  	v43 =	vor.u32 v3, v18;
	v19 =	vld.idx.msk [tilespmem:v40+s22+$0x0], $0xffff;
	[tilespmem:s28+$0xFFFFFFA0] =	vst v25;
	v29 =	vmul.f32 $5.656854150e+00, v29  }
0x362: {  	v39 =	vor.u32 v4, v10;
	v30 =	vmul.f32 $5.656854150e+00, v35;
	[tilespmem:s28+$0xFFFFFF20] =	vst v20;
	v28 =	vld.idx.msk [tilespmem:v42+s22+$0x0], $0xffff  }
0x363: {  	v11 =	vor.u32 v7, v11;
	v26 =	vmul.f32 $5.656854150e+00, v26;
	v23 =	vld.idx.msk [tilespmem:v44+s22+$0x0], $0xffff;
	[tilespmem:s28+$0xA0] =	vst v29  }
0x364: {  	v8 =	vor.u32 v7, v8;
	[tilespmem:s26+$0xFFFFFFB0] =	vst v30;
	v14 =	vmul.f32 $5.656854150e+00, v14;
	v24 =	vld.idx.msk [tilespmem:v41+s22+$0x0], $0xffff  }
0x365: {  	v45 =	vor.u32 v4, v9;
	v13 =	vmul.f32 $5.656854150e+00, v13;
	[tilespmem:s28+$0x20] =	vst v26;
	v22 =	vld.idx.msk [tilespmem:v38+s22+$0x0], $0xffff  }
0x366: {  	v54 =	vor.u32 v4, v16;
	[tilespmem:s24+$0xF0] =	vst v14;
	v19 =	vmul.f32 $5.656854150e+00, v19;
	v48 =	vld.idx.msk [tilespmem:v43+s22+$0x0], $0xffff  }
0x367: {  	v50 =	vor.u32 v4, v21;
	v30 =	vld.idx.msk [tilespmem:v39+s22+$0x0], $0xffff;
	[tilespmem:s24+$0xFFFFFFF0] =	vst v13;
	v28 =	vmul.f32 $5.656854150e+00, v28  }
0x368: {  	v11 =	vld.idx.msk [tilespmem:v11+s22+$0x0], $0xffff;
	v52 =	vor.u32 v4, v17;
	[tilespmem:s26+$0x40] =	vst v19;
	v23 =	vmul.f32 $5.656854150e+00, v23  }
0x369: {  	v53 =	vor.u32 v4, v18;
	v8 =	vld.idx.msk [tilespmem:v8+s22+$0x0], $0xffff;
	[tilespmem:s28+$0xFFFFFFB0] =	vst v28;
	v24 =	vmul.f32 $5.656854150e+00, v24  }
0x36a: {  	v47 =	vor.u32 v5, v10;
	v51 =	vld.idx.msk [tilespmem:v45+s22+$0x0], $0xffff;
	[tilespmem:s28+$0xFFFFFF30] =	vst v23;
	v22 =	vmul.f32 $5.656854150e+00, v22  }
0x36b: {  	v46 =	vor.u32 v5, v15;
	v20 =	vmul.f32 $5.656854150e+00, v48;
	v19 =	vld.idx.msk [tilespmem:v54+s22+$0x0], $0xffff;
	[tilespmem:s28+$0xB0] =	vst v24  }
0x36c: {  	v55 =	vor.u32 v5, v12;
	v49 =	vmul.f32 $5.656854150e+00, v30;
	[tilespmem:s26+$0xC0] =	vst v22;
	v27 =	vld.idx.msk [tilespmem:v50+s22+$0x0], $0xffff  }
0x36d: {  	v11 =	vmul.f32 $5.656854150e+00, v11;
	v56 =	vor.u32 v5, v9;
	v22 =	vld.idx.msk [tilespmem:v52+s22+$0x0], $0xffff;
	[tilespmem:s28+$0x30] =	vst v20  }
0x36e: {  	v8 =	vmul.f32 $5.656854150e+00, v8;
	[tilespmem:s26+$0xFFFFFFC0] =	vst v49;
	v33 =	vor.u32 v5, v16;
	v14 =	vld.idx.msk [tilespmem:v53+s22+$0x0], $0xffff  }
0x36f: {  	v60 =	vor.u32 v5, v21;
	[tilespmem:s24+$0x70] =	vst v11;
	v57 =	vmul.f32 $5.656854150e+00, v51;
	v26 =	vld.idx.msk [tilespmem:v47+s22+$0x0], $0xffff  }
0x370: {  	v63 =	vor.u32 v5, v17;
	[tilespmem:s24+$0xFFFFFF70] =	vst v8;
	v25 =	vld.idx.msk [tilespmem:v46+s22+$0x0], $0xffff;
	v19 =	vmul.f32 $5.656854150e+00, v19  }
0x371: {  	v32 =	vor.u32 v5, v18;
	[tilespmem:s26+$0xFFFFFF40] =	vst v57;
	v61 =	vld.idx.msk [tilespmem:v55+s22+$0x0], $0xffff;
	v27 =	vmul.f32 $5.656854150e+00, v27  }
0x372: {  	v34 =	vor.u32 v6, v10;
	v22 =	vmul.f32 $5.656854150e+00, v22;
	[tilespmem:s28+$0xFFFFFF40] =	vst v19;
	v24 =	vld.idx.msk [tilespmem:v56+s22+$0x0], $0xffff  }
0x373: {  	v58 =	vor.u32 v6, v15;
	v14 =	vmul.f32 $5.656854150e+00, v14;
	v13 =	vld.idx.msk [tilespmem:v33+s22+$0x0], $0xffff;
	[tilespmem:s28+$0xC0] =	vst v27  }
0x374: {  	v35 =	vor.u32 v6, v12;
	v62 =	vmul.f32 $5.656854150e+00, v26;
	[tilespmem:s28+$0xFFFFFFC0] =	vst v22;
	v36 =	vld.idx.msk [tilespmem:v60+s22+$0x0], $0xffff  }
0x375: {  	v37 =	vor.u32 v6, v9;
	v59 =	vmul.f32 $5.656854150e+00, v25;
	v26 =	vld.idx.msk [tilespmem:v63+s22+$0x0], $0xffff;
	[tilespmem:s28+$0x40] =	vst v14  }
0x376: {  	v45 =	vor.u32 v6, v16;
	v28 =	vmul.f32 $5.656854150e+00, v61;
	[tilespmem:s26+$0xFFFFFFD0] =	vst v62;
	v39 =	vld.idx.msk [tilespmem:v32+s22+$0x0], $0xffff  }
0x377: {  	v40 =	vor.u32 v6, v21;
	v41 =	vld.idx.msk [tilespmem:v34+s22+$0x0], $0xffff;
	[tilespmem:s26+$0xD0] =	vst v59;
	v38 =	vmul.f32 $5.656854150e+00, v24  }
0x378: {  	v43 =	vor.u32 v6, v17;
	[tilespmem:s26+$0x50] =	vst v28;
	v20 =	vld.idx.msk [tilespmem:v58+s22+$0x0], $0xffff;
	v13 =	vmul.f32 $5.656854150e+00, v13  }
0x379: {  	v44 =	vor.u32 v6, v18;
	[tilespmem:s26+$0xFFFFFF50] =	vst v38;
	v27 =	vld.idx.msk [tilespmem:v35+s22+$0x0], $0xffff;
	v22 =	vmul.f32 $5.656854150e+00, v36  }
0x37a: {  	v47 =	vor.u32 v7, v10;
	v26 =	vmul.f32 $5.656854150e+00, v26;
	[tilespmem:s28+$0xFFFFFF50] =	vst v13;
	v25 =	vld.idx.msk [tilespmem:v37+s22+$0x0], $0xffff  }
0x37b: {  	v46 =	vor.u32 v7, v15;
	v19 =	vmul.f32 $5.656854150e+00, v39;
	v14 =	vld.idx.msk [tilespmem:v45+s22+$0x0], $0xffff;
	[tilespmem:s28+$0xD0] =	vst v22  }
0x37c: {  	v49 =	vor.u32 v7, v12;
	v48 =	vmul.f32 $5.656854150e+00, v41;
	[tilespmem:s28+$0xFFFFFFD0] =	vst v26;
	v22 =	vld.idx.msk [tilespmem:v40+s22+$0x0], $0xffff  }
0x37d: {  	v50 =	vor.u32 v7, v9;
	v42 =	vmul.f32 $5.656854150e+00, v20;
	v20 =	vld.idx.msk [tilespmem:v43+s22+$0x0], $0xffff;
	[tilespmem:s28+$0x50] =	vst v19  }
0x37e: {  	[tilespmem:s26+$0xFFFFFFE0] =	vst v48;
	v56 =	vor.u32 v7, v16;
	v11 =	vld.idx.msk [tilespmem:v44+s22+$0x0], $0xffff;
	v51 =	vmul.f32 $5.656854150e+00, v27  }
0x37f: {  	v21 =	vor.u32 v7, v21;
	v10 =	vld.idx.msk [tilespmem:v47+s22+$0x0], $0xffff;
	[tilespmem:s26+$0xE0] =	vst v42;
	v52 =	vmul.f32 $5.656854150e+00, v25  }
0x380: {  	v53 =	vor.u32 v7, v17;
	v15 =	vld.idx.msk [tilespmem:v46+s22+$0x0], $0xffff;
	v57 =	vmul.f32 $5.656854150e+00, v14;
	[tilespmem:s26+$0x60] =	vst v51  }
0x381: {  	v55 =	vor.u32 v7, v18;
	[tilespmem:s26+$0xFFFFFF60] =	vst v52;
	v12 =	vld.idx.msk [tilespmem:v49+s22+$0x0], $0xffff;
	v54 =	vmul.f32 $5.656854150e+00, v22  }
0x382: {  	v8 =	vmul.f32 $5.656854150e+00, v20;
	[tilespmem:s28+$0xFFFFFF60] =	vst v57;
	v9 =	vld.idx.msk [tilespmem:v50+s22+$0x0], $0xffff  }
0x383: {  	v11 =	vmul.f32 $5.656854150e+00, v11;
	v61 =	vld.idx.msk [tilespmem:v56+s22+$0x0], $0xffff;
	[tilespmem:s28+$0xE0] =	vst v54  }
0x384: {  	v10 =	vmul.f32 $5.656854150e+00, v10;
	[tilespmem:s28+$0xFFFFFFE0] =	vst v8;
	v8 =	vld.idx.msk [tilespmem:v21+s22+$0x0], $0xffff  }
0x385: {  	v58 =	vmul.f32 $5.656854150e+00, v15;
	[tilespmem:s28+$0x60] =	vst v11;
	v59 =	vld.idx.msk [tilespmem:v53+s22+$0x0], $0xffff  }
0x386: {  	[tilespmem:s26+$0xFFFFFFF0] =	vst v10;
	v60 =	vld.idx.msk [tilespmem:v55+s22+$0x0], $0xffff;
	v12 =	vmul.f32 $5.656854150e+00, v12  }
0x387: {  	[tilespmem:s26+$0xF0] =	vst v58;
	v9 =	vmul.f32 $5.656854150e+00, v9  }
0x388: {  	v63 =	vmul.f32 $5.656854150e+00, v61;
	[tilespmem:s26+$0x70] =	vst v12  }
0x389: {  	[tilespmem:s26+$0xFFFFFF70] =	vst v9;
	s26 =	sadd.s32 s5, s21;
	v8 =	vmul.f32 $5.656854150e+00, v8  }
0x38a: {  	v62 =	vmul.f32 $5.656854150e+00, v59;
	[tilespmem:s28+$0xFFFFFF70] =	vst v63;
	s21 =	sshll.u32 s26, $0x9;
	s1 =	sshll.u32 s26, $0x7  }
0x38b: {  	s21 =	sand.u32 $0xFFF0000, s21;
	s1 =	sand.u32 $0x3F80, s1;
	[tilespmem:s28+$0xF0] =	vst v8;
	v8 =	vmul.f32 $5.656854150e+00, v60  }
0x38c: {  	[tilespmem:s28+$0xFFFFFFF0] =	vst v62;
	s1 =	sor.u32 s1, s21  }
0x38d: {  	s21 =	sadd.s32 s2, s1;
	[tilespmem:s28+$0x70] =	vst v8  }
0x38e: {  	[hbm4b:s21+s3] =	stream.linear.scatter [tilespmem:s6], [sflag:$0x8], $0x400, $0x38;
	[tilespmem:$0xE400] =	vst v63  }
0x38f: {  	s30 =	sadd.s32 s1, s7  }
0x390: {  	[hbm4b:s30+s3] =	stream.linear.scatter [tilespmem:s10], [sflag:$0x8], $0x400, $0x38;
	[tilespmem:$0xE400] =	vst v63  }
.Ltmp6:
0x391: {  	_ = 	snop;
	(pc) =	sbr.rel @p0 .LBB2_12-.Ltmp6, $4  }
0x392: {  	s31 =	sadd.s32 s1, s8  }
0x393: {  	[hbm4b:s31+s3] =	stream.linear.scatter [tilespmem:s11], [sflag:$0x8], $0x400, $0x38;
	[tilespmem:$0xE400] =	vst v63  }
0x394: {  	s1 =	sadd.s32 s1, s9  }
0x395: {  	[hbm4b:s1+s3] =	stream.linear.scatter [tilespmem:s18], [sflag:$0x8], $0x400, $0x38;
	[tilespmem:$0xE400] =	vst v63  }
0x396: {  	_ =	swait.ge [sflag:s19], $0x400  }
0x397: {  	[sflag:s19] =	ssyncset.done $0x0  }
0x398: {  	[sflag:s19] =	ssyncadd.s32 $0xFFFFFC00  }
0x399: {  	_ =	swait.ge [sflag:s19], $0x400  }
0x39a: {  	[sflag:s19] =	ssyncset.done $0x0  }
0x39b: {  	[sflag:s19] =	ssyncadd.s32 $0xFFFFFC00  }
0x39c: {  	_ =	swait.ge [sflag:s19], $0x400  }
0x39d: {  	[sflag:s19] =	ssyncset.done $0x0  }
.Ltmp7:
0x39e: {  	[sflag:s19] =	ssyncadd.s32 $0xFFFFFC00;
	(pc) =	sbr.rel .LBB2_2-.Ltmp7, $4  }
0x39f: {  	s1 =	sshll.u32 s20, $0x9;
	_ =	swait.ge [sflag:s19], $0x400  }
0x3a0: {  	s1 =	sand.u32 $0x3FFFFE00, s1;
	[sflag:s19] =	ssyncset.done $0x0  }
0x3a1: {  	s20 =	sadd.s32 $0x1, s20;
	s1 =	sadd.s32 $0x300, s1;
	[sflag:s19] =	ssyncadd.s32 $0xFFFFFC00  }
0x3a2: {  	[tilespmem:s16], [sflag:$0x3] =	stream.indirect.gather [hbm4b:s4+s12], $0x20, s1, s12, $0xb8;
	[tilespmem:$0xE400] =	vst v63  }
.LBB2_13:
0x3a3: {  	_ =	sfence.sel $0x180000  }
0x3a4: {  	[bflag:$0x0] =	sbarrier.arrive $0xFFFF  }
0x3a5: {  	_ =	strace $0x9000004A  }
0x3a6: {  	s0 =	stileid.u32;
	[bflag:$0x2] =	sbarrier.arrive $0xFFFF  }
0x3a7: {  	p0 =	sne.s32 s0, $0x0;
	s0 =	rddreg [dreg:$0x2]  }
0x3a8: {  	s0 =	sadd.s32 @!p0 $0x100000, s0  }
0x3a9: {  	[sflag:s0] =	ssyncadd.tile.s32 @!p0 $0x1;
	_ =	shalt  }
.Lfunc_end2:
_tile_overlayer_lowered:
.L_overlay_start_2:
0x3aa: {  	(tag) =	ssettag $0x2  }
0x3ab: {  	s0 =	rddreg [dreg:$0x0];
	s2 =	stileid.u32  }
0x3ac: {  	s1 =	rddreg [dreg:$0x1];
	p0 =	sne.s32 s2, $0x0  }
0x3ad: {  	s3 =	rddreg [dreg:$0x2];
	[bflag:$0x3] =	sbarrier.arrive $0xFFFF;
	s2 =	simm.s32 @!p0 $0x1C09  }
0x3ae: {  	[timem:s3], [sflag:s2] =	dma.local @!p0 [hbm:s0], s1  }
0x3af: {  	s0 =	simm.s32 @!p0 $0x9  }
0x3b0: {  	_ =	swait.ge @!p0 [sflag:s0], s1  }
0x3b1: {  	s1 =	ssub.s32 @!p0 $0x0, s1;
	[sflag:s0] =	ssyncset.done @!p0 $0x0  }
0x3b2: {  	[sflag:s0] =	ssyncadd.s32 @!p0 s1  }
0x3b3: {  	[bflag:$0x3] =	sbarrier.arrive $0xFFFF  }
0x3b4: {  	_ =	shalt  }

</sc_bundles>
